<compile_context>
chip_gen: v7x
topology: tpu7x:2x2x1
jax: 0.10.2.dev20260603
libtpu: 0.0.44.dev20260713+nightly
codegen_flags: <defaults>
</compile_context>

<pallas_src>
import functools

import jax
import jax.numpy as jnp
from jax import lax
from jax.experimental import pallas as pl
from jax.experimental.pallas import tpu as pltpu
from jax.experimental.pallas import tpu_sc as plsc

_N, _C = 20000, 80
_CP = 128
_BR = 5000
_G = _N // _BR

_NC, _NS, _L = 2, 16, 16
_NW = _NC * _NS
_NPAD = 20480
_ROWS_W = _NPAD // _NW
_GROUPS = _ROWS_W // _L
_CHUNK = 128
_NCHUNK = _ROWS_W // _CHUNK


def _tc_body(pred_ref, out_ref, lin_ref):
    i = pl.program_id(0)
    x = pred_ref[...]
    lin_ref[:, pl.ds(0, _C)] = x
    xb = x.astype(jnp.bfloat16)
    e = jnp.exp(-jnp.abs(xb))
    r = jnp.bfloat16(1.0) / (jnp.bfloat16(1.0) + e)
    sig = jnp.where(xb >= jnp.bfloat16(0.0), r, jnp.bfloat16(1.0) - r)
    sp = jnp.maximum(xb, jnp.bfloat16(0.0)) + jnp.log1p(e)
    dense_sum = jnp.sum((sp * sig * sig).astype(jnp.float32))

    @pl.when(i == 0)
    def _():
        out_ref[...] = jnp.zeros((1, 1), jnp.float32)

    out_ref[...] += jnp.reshape(dense_sum, (1, 1))


_mesh = plsc.VectorSubcoreMesh(core_axis_name="c", subcore_axis_name="s")


@functools.partial(
    pl.kernel,
    mesh=_mesh,
    out_type=jax.ShapeDtypeStruct((_NW, _L), jnp.float32),
    scratch_types=[
        pltpu.VMEM((_ROWS_W,), jnp.int32),
        pltpu.VMEM((_ROWS_W,), jnp.float32),
        pltpu.VMEM((_ROWS_W,), jnp.int32),
        pltpu.VMEM((_ROWS_W,), jnp.float32),
        pltpu.VMEM((_L,), jnp.float32),
        pltpu.SemaphoreType.DMA,
    ],
)
def _sc_corr(lin_hbm, lab_hbm, sc_hbm, out_hbm, lab_v, sc_v, idx_v, p_v,
             acc_v, sem):
    wid = lax.axis_index("s") * _NC + lax.axis_index("c")
    base = wid * _ROWS_W
    cbase = jnp.minimum(base, _N - _ROWS_W)
    pltpu.sync_copy(lab_hbm.at[pl.ds(cbase, _ROWS_W)], lab_v)
    pltpu.sync_copy(sc_hbm.at[pl.ds(cbase, _ROWS_W)], sc_v)

    lane = lax.iota(jnp.int32, _L)

    for g in range(_GROUPS):
        lab = lab_v[pl.ds(g * _L, _L)]
        labc = jnp.minimum(jnp.maximum(lab, 0), _C - 1)
        row = cbase + g * _L + lane
        idx_v[pl.ds(g * _L, _L)] = row * _CP + labc

    copies = [
        pltpu.async_copy(
            lin_hbm.at[idx_v.at[pl.ds(j * _CHUNK, _CHUNK)]],
            p_v.at[pl.ds(j * _CHUNK, _CHUNK)],
            sem,
        )
        for j in range(_NCHUNK)
    ]
    for c in copies:
        c.wait()

    acc = jnp.zeros((_L,), jnp.float32)
    for g in range(_GROUPS):
        lab = lab_v[pl.ds(g * _L, _L)]
        sc = sc_v[pl.ds(g * _L, _L)]
        p = p_v[pl.ds(g * _L, _L)]
        own = (cbase + g * _L + lane) >= base
        pos = (lab >= 0) & (lab < _C) & own
        e = jnp.exp(-jnp.abs(p))
        z = e / (e + 2.0)
        z2 = z * z
        l1p = 2.0 * z * (1.0 + z2 * (1.0 / 3.0 + z2 * (0.2 + z2 * (1.0 / 7.0 + z2 / 9.0))))
        sp = jnp.maximum(p, 0.0) + l1p
        r = 1.0 / (1.0 + e)
        sig = jnp.where(p >= 0.0, r, 1.0 - r)
        dense_at = sp * sig * sig
        dd = jnp.abs(sc - sig)
        corr = jnp.where(pos, (sp - sc * p) * dd * dd - dense_at, 0.0)
        acc = acc + corr

    acc_v[...] = acc
    pltpu.sync_copy(acc_v, out_hbm.at[wid])


def kernel(pred, label, score):
    dense, lin = pl.pallas_call(
        _tc_body,
        grid=(_G,),
        in_specs=[pl.BlockSpec((_BR, _C), lambda i: (i, 0))],
        out_specs=[
            pl.BlockSpec((1, 1), lambda i: (0, 0)),
            pl.BlockSpec((_BR, _CP), lambda i: (i, 0)),
        ],
        out_shape=[
            jax.ShapeDtypeStruct((1, 1), jnp.float32),
            jax.ShapeDtypeStruct((_N, _CP), jnp.float32),
        ],
    )(pred)

    corr = _sc_corr(lin.reshape(_N * _CP), label, score)
    return (dense[0, 0] + jnp.sum(corr)) / _N

# --- scband reference (transcript-rebuilt; emitter-appended) ---
"""Pipeline reference for scband-quality-focal-loss-35442070126871 (READ-ONLY COPY).

The authoritative reference and input builder live on the scoring server;
editing this copy changes nothing except your own understanding.
"""

import jax, jax.numpy as jnp
import numpy as np


def setup_inputs(seed: int = 0) -> dict:
    key = jax.random.key(seed)
    k1, k2, k3 = jax.random.split(key, 3)
    pred = jax.random.normal(k1, (20000, 80), dtype=jnp.float32)
    label = jax.random.randint(k2, (20000,), 0, 100, dtype=jnp.int32)
    score = jax.random.uniform(k3, (20000,), dtype=jnp.float32)
    return {"pred": pred, "label": label, "score": score}


def reference(pred, label, score):
    beta = 2.0
    loss_weight = 1.0
    # BCE-with-logits against zero label: softplus(x); modulated by sigmoid(x)^beta
    pred_sigmoid = jax.nn.sigmoid(pred)
    loss = jax.nn.softplus(pred) * jnp.power(pred_sigmoid, beta)
    N, C = pred.shape
    rows = jnp.arange(N)
    # positive samples: 0 <= label < C (labels >= C are background)
    pos_mask = (label >= 0) & (label < C)
    lab = jnp.clip(label, 0, C - 1)
    p = pred[rows, lab]
    sig_p = jax.nn.sigmoid(p)
    scale = jnp.abs(score - sig_p)
    # BCE-with-logits(p, score) = softplus(p) - score * p
    pos_loss = (jax.nn.softplus(p) - score * p) * jnp.power(scale, beta)
    cur = loss[rows, lab]
    loss = loss.at[rows, lab].set(jnp.where(pos_mask, pos_loss, cur))
    loss = loss.sum(axis=1)
    # reduction='mean'
    return loss_weight * jnp.mean(loss)

if __name__ == "__main__":
    import jax
    _d = setup_inputs()
    print(jax.jit(kernel)(*tuple(_d.values())))

</pallas_src>

<mosaic_0001>
#map = affine_map<(d0, d1) -> (0)>
#map1 = affine_map<(d0, d1) -> (0, 0)>
module attributes {stable_mosaic.version = 14 : i64} {
  func.func @_sc_corr(%arg0: i32, %arg1: i32, %arg2: memref<2560000xf32, #tpu.memory_space<hbm>>, %arg3: memref<20000xi32, #tpu.memory_space<hbm>>, %arg4: memref<20000xf32, #tpu.memory_space<hbm>>, %arg5: memref<32x16xf32, #tpu.memory_space<hbm>>, %arg6: memref<640xi32, #tpu.memory_space<vmem>>, %arg7: memref<640xf32, #tpu.memory_space<vmem>>, %arg8: memref<640xi32, #tpu.memory_space<vmem>>, %arg9: memref<640xf32, #tpu.memory_space<vmem>>, %arg10: memref<16xf32, #tpu.memory_space<vmem>>, %arg11: memref<!tpu.dma_semaphore, #tpu.memory_space<semaphore_mem>>) attributes {dimension_semantics = [#tpu.dimension_semantics<core_parallel>, #tpu.dimension_semantics<subcore_parallel>], iteration_bounds = array<i64: 2, 16>, scalar_prefetch = 0 : i64, scratch_operands = 6 : i64, tpu.core_type = #tpu.core_type<sc_vector_subcore>, window_params = [{transform_indices = #map}, {transform_indices = #map}, {transform_indices = #map}, {transform_indices = #map1}]} {
    %mul3A = arith.constant 2 : i32
    %mul3A_0 = arith.muli %arg1, %mul3A : i32
    %add3A = arith.addi %mul3A_0, %arg0 : i32
    %mul3A_1 = arith.constant 640 : i32
    %mul3A_2 = arith.muli %add3A, %mul3A_1 : i32
    %min3A = arith.constant 19360 : i32
    %min3A_3 = arith.minsi %mul3A_2, %min3A : i32
    "tpu.region"() ({
      %run_scoped3A = tpu.sem_alloc : memref<!tpu.dma_semaphore, #tpu.memory_space<semaphore_mem>>
      %dma_start3A_4294 = tpu.memref_slice %arg3[%min3A_3] : memref<20000xi32, #tpu.memory_space<hbm>> -> memref<640xi32, #tpu.memory_space<hbm>>
      %dma_start3A_4295 = tpu.memref_slice %arg3[%min3A_3] : memref<20000xi32, #tpu.memory_space<hbm>> -> memref<640xi32, #tpu.memory_space<hbm>>
      tpu.enqueue_dma source(%dma_start3A_4295 : memref<640xi32, #tpu.memory_space<hbm>>) target(%arg6 : memref<640xi32, #tpu.memory_space<vmem>>) target_semaphore(%run_scoped3A : memref<!tpu.dma_semaphore, #tpu.memory_space<semaphore_mem>>)
      %dma_wait3A_4296 = tpu.memref_slice %arg3[%min3A_3] : memref<20000xi32, #tpu.memory_space<hbm>> -> memref<640xi32, #tpu.memory_space<hbm>>
      %dma_wait3A_4297 = tpu.memref_slice %arg3[%min3A_3] : memref<20000xi32, #tpu.memory_space<hbm>> -> memref<640xi32, #tpu.memory_space<hbm>>
      tpu.wait_dma2 semaphore(%run_scoped3A : memref<!tpu.dma_semaphore, #tpu.memory_space<semaphore_mem>>) src(%dma_wait3A_4297 : memref<640xi32, #tpu.memory_space<hbm>>) dst(%arg6 : memref<640xi32, #tpu.memory_space<vmem>>)
      tpu.yield
    }) : () -> ()
    "tpu.region"() ({
      %run_scoped3A = tpu.sem_alloc : memref<!tpu.dma_semaphore, #tpu.memory_space<semaphore_mem>>
      %dma_start3A_4294 = tpu.memref_slice %arg4[%min3A_3] : memref<20000xf32, #tpu.memory_space<hbm>> -> memref<640xf32, #tpu.memory_space<hbm>>
      %dma_start3A_4295 = tpu.memref_slice %arg4[%min3A_3] : memref<20000xf32, #tpu.memory_space<hbm>> -> memref<640xf32, #tpu.memory_space<hbm>>
      tpu.enqueue_dma source(%dma_start3A_4295 : memref<640xf32, #tpu.memory_space<hbm>>) target(%arg7 : memref<640xf32, #tpu.memory_space<vmem>>) target_semaphore(%run_scoped3A : memref<!tpu.dma_semaphore, #tpu.memory_space<semaphore_mem>>)
      %dma_wait3A_4296 = tpu.memref_slice %arg4[%min3A_3] : memref<20000xf32, #tpu.memory_space<hbm>> -> memref<640xf32, #tpu.memory_space<hbm>>
      %dma_wait3A_4297 = tpu.memref_slice %arg4[%min3A_3] : memref<20000xf32, #tpu.memory_space<hbm>> -> memref<640xf32, #tpu.memory_space<hbm>>
      tpu.wait_dma2 semaphore(%run_scoped3A : memref<!tpu.dma_semaphore, #tpu.memory_space<semaphore_mem>>) src(%dma_wait3A_4297 : memref<640xf32, #tpu.memory_space<hbm>>) dst(%arg7 : memref<640xf32, #tpu.memory_space<vmem>>)
      tpu.yield
    }) : () -> ()
    %iota3A = tpu.iota {dimensions = array<i32: 0>} : vector<16xi32>
    %get3A = arith.constant 0 : index
    %get3A_4 = tpu.vector_load %arg6[%get3A] {strides = array<i32>} : memref<640xi32, #tpu.memory_space<vmem>>, vector<16xi32>,
    %get3A_5 = vector.shape_cast %get3A_4 : vector<16xi32> to vector<16xi32>
    %max3A = arith.constant 0 : i32
    %max3A_6 = vector.broadcast %max3A : i32 to vector<16xi32>
    %max3A_7 = arith.maxsi %get3A_5, %max3A_6 : vector<16xi32>
    %min3A_8 = arith.constant 79 : i32
    %min3A_9 = vector.broadcast %min3A_8 : i32 to vector<16xi32>
    %min3A_10 = arith.minsi %max3A_7, %min3A_9 : vector<16xi32>
    %add3A_11 = arith.constant 0 : i32
    %add3A_12 = arith.addi %min3A_3, %add3A_11 : i32
    %add3A_13 = vector.broadcast %add3A_12 : i32 to vector<16xi32>
    %add3A_14 = arith.addi %add3A_13, %iota3A : vector<16xi32>
    %mul3A_15 = arith.constant 128 : i32
    %mul3A_16 = vector.broadcast %mul3A_15 : i32 to vector<16xi32>
    %mul3A_17 = arith.muli %add3A_14, %mul3A_16 : vector<16xi32>
    %add3A_18 = arith.addi %mul3A_17, %min3A_10 : vector<16xi32>
    %swap3A = arith.constant 0 : index
    %swap3A_19 = tpu.vector_load %arg8[%swap3A] {strides = array<i32>} : memref<640xi32, #tpu.memory_space<vmem>>, vector<16xi32>,
    %swap3A_20 = vector.shape_cast %swap3A_19 : vector<16xi32> to vector<16xi32>
    %swap3A_21 = vector.shape_cast %add3A_18 : vector<16xi32> to vector<16xi32>
    tpu.vector_store %arg8[%swap3A], %swap3A_21 {strides = array<i32>} : memref<640xi32, #tpu.memory_space<vmem>>, vector<16xi32>,
    %get3A_22 = arith.constant 16 : index
    %get3A_23 = tpu.vector_load %arg6[%get3A_22] {strides = array<i32>} : memref<640xi32, #tpu.memory_space<vmem>>, vector<16xi32>,
    %get3A_24 = vector.shape_cast %get3A_23 : vector<16xi32> to vector<16xi32>
    %max3A_25 = arith.constant 0 : i32
    %max3A_26 = vector.broadcast %max3A_25 : i32 to vector<16xi32>
    %max3A_27 = arith.maxsi %get3A_24, %max3A_26 : vector<16xi32>
    %min3A_28 = arith.constant 79 : i32
    %min3A_29 = vector.broadcast %min3A_28 : i32 to vector<16xi32>
    %min3A_30 = arith.minsi %max3A_27, %min3A_29 : vector<16xi32>
    %add3A_31 = arith.constant 16 : i32
    %add3A_32 = arith.addi %min3A_3, %add3A_31 : i32
    %add3A_33 = vector.broadcast %add3A_32 : i32 to vector<16xi32>
    %add3A_34 = arith.addi %add3A_33, %iota3A : vector<16xi32>
    %mul3A_35 = arith.constant 128 : i32
    %mul3A_36 = vector.broadcast %mul3A_35 : i32 to vector<16xi32>
    %mul3A_37 = arith.muli %add3A_34, %mul3A_36 : vector<16xi32>
    %add3A_38 = arith.addi %mul3A_37, %min3A_30 : vector<16xi32>
    %swap3A_39 = arith.constant 16 : index
    %swap3A_40 = tpu.vector_load %arg8[%swap3A_39] {strides = array<i32>} : memref<640xi32, #tpu.memory_space<vmem>>, vector<16xi32>,
    %swap3A_41 = vector.shape_cast %swap3A_40 : vector<16xi32> to vector<16xi32>
    %swap3A_42 = vector.shape_cast %add3A_38 : vector<16xi32> to vector<16xi32>
    tpu.vector_store %arg8[%swap3A_39], %swap3A_42 {strides = array<i32>} : memref<640xi32, #tpu.memory_space<vmem>>, vector<16xi32>,
    %get3A_43 = arith.constant 32 : index
    %get3A_44 = tpu.vector_load %arg6[%get3A_43] {strides = array<i32>} : memref<640xi32, #tpu.memory_space<vmem>>, vector<16xi32>,
    %get3A_45 = vector.shape_cast %get3A_44 : vector<16xi32> to vector<16xi32>
    %max3A_46 = arith.constant 0 : i32
    %max3A_47 = vector.broadcast %max3A_46 : i32 to vector<16xi32>
    %max3A_48 = arith.maxsi %get3A_45, %max3A_47 : vector<16xi32>
    %min3A_49 = arith.constant 79 : i32
    %min3A_50 = vector.broadcast %min3A_49 : i32 to vector<16xi32>
    %min3A_51 = arith.minsi %max3A_48, %min3A_50 : vector<16xi32>
    %add3A_52 = arith.constant 32 : i32
    %add3A_53 = arith.addi %min3A_3, %add3A_52 : i32
    %add3A_54 = vector.broadcast %add3A_53 : i32 to vector<16xi32>
    %add3A_55 = arith.addi %add3A_54, %iota3A : vector<16xi32>
    %mul3A_56 = arith.constant 128 : i32
    %mul3A_57 = vector.broadcast %mul3A_56 : i32 to vector<16xi32>
    %mul3A_58 = arith.muli %add3A_55, %mul3A_57 : vector<16xi32>
    %add3A_59 = arith.addi %mul3A_58, %min3A_51 : vector<16xi32>
    %swap3A_60 = arith.constant 32 : index
    %swap3A_61 = tpu.vector_load %arg8[%swap3A_60] {strides = array<i32>} : memref<640xi32, #tpu.memory_space<vmem>>, vector<16xi32>,
    %swap3A_62 = vector.shape_cast %swap3A_61 : vector<16xi32> to vector<16xi32>
    %swap3A_63 = vector.shape_cast %add3A_59 : vector<16xi32> to vector<16xi32>
    tpu.vector_store %arg8[%swap3A_60], %swap3A_63 {strides = array<i32>} : memref<640xi32, #tpu.memory_space<vmem>>, vector<16xi32>,
    %get3A_64 = arith.constant 48 : index
    %get3A_65 = tpu.vector_load %arg6[%get3A_64] {strides = array<i32>} : memref<640xi32, #tpu.memory_space<vmem>>, vector<16xi32>,
    %get3A_66 = vector.shape_cast %get3A_65 : vector<16xi32> to vector<16xi32>
    %max3A_67 = arith.constant 0 : i32
    %max3A_68 = vector.broadcast %max3A_67 : i32 to vector<16xi32>
    %max3A_69 = arith.maxsi %get3A_66, %max3A_68 : vector<16xi32>
    %min3A_70 = arith.constant 79 : i32
    %min3A_71 = vector.broadcast %min3A_70 : i32 to vector<16xi32>
    %min3A_72 = arith.minsi %max3A_69, %min3A_71 : vector<16xi32>
    %add3A_73 = arith.constant 48 : i32
    %add3A_74 = arith.addi %min3A_3, %add3A_73 : i32
    %add3A_75 = vector.broadcast %add3A_74 : i32 to vector<16xi32>
    %add3A_76 = arith.addi %add3A_75, %iota3A : vector<16xi32>
    %mul3A_77 = arith.constant 128 : i32
    %mul3A_78 = vector.broadcast %mul3A_77 : i32 to vector<16xi32>
    %mul3A_79 = arith.muli %add3A_76, %mul3A_78 : vector<16xi32>
    %add3A_80 = arith.addi %mul3A_79, %min3A_72 : vector<16xi32>
    %swap3A_81 = arith.constant 48 : index
    %swap3A_82 = tpu.vector_load %arg8[%swap3A_81] {strides = array<i32>} : memref<640xi32, #tpu.memory_space<vmem>>, vector<16xi32>,
    %swap3A_83 = vector.shape_cast %swap3A_82 : vector<16xi32> to vector<16xi32>
    %swap3A_84 = vector.shape_cast %add3A_80 : vector<16xi32> to vector<16xi32>
    tpu.vector_store %arg8[%swap3A_81], %swap3A_84 {strides = array<i32>} : memref<640xi32, #tpu.memory_space<vmem>>, vector<16xi32>,
    %get3A_85 = arith.constant 64 : index
    %get3A_86 = tpu.vector_load %arg6[%get3A_85] {strides = array<i32>} : memref<640xi32, #tpu.memory_space<vmem>>, vector<16xi32>,
    %get3A_87 = vector.shape_cast %get3A_86 : vector<16xi32> to vector<16xi32>
    %max3A_88 = arith.constant 0 : i32
    %max3A_89 = vector.broadcast %max3A_88 : i32 to vector<16xi32>
    %max3A_90 = arith.maxsi %get3A_87, %max3A_89 : vector<16xi32>
    %min3A_91 = arith.constant 79 : i32
    %min3A_92 = vector.broadcast %min3A_91 : i32 to vector<16xi32>
    %min3A_93 = arith.minsi %max3A_90, %min3A_92 : vector<16xi32>
    %add3A_94 = arith.constant 64 : i32
    %add3A_95 = arith.addi %min3A_3, %add3A_94 : i32
    %add3A_96 = vector.broadcast %add3A_95 : i32 to vector<16xi32>
    %add3A_97 = arith.addi %add3A_96, %iota3A : vector<16xi32>
    %mul3A_98 = arith.constant 128 : i32
    %mul3A_99 = vector.broadcast %mul3A_98 : i32 to vector<16xi32>
    %mul3A_100 = arith.muli %add3A_97, %mul3A_99 : vector<16xi32>
    %add3A_101 = arith.addi %mul3A_100, %min3A_93 : vector<16xi32>
    %swap3A_102 = arith.constant 64 : index
    %swap3A_103 = tpu.vector_load %arg8[%swap3A_102] {strides = array<i32>} : memref<640xi32, #tpu.memory_space<vmem>>, vector<16xi32>,
    %swap3A_104 = vector.shape_cast %swap3A_103 : vector<16xi32> to vector<16xi32>
    %swap3A_105 = vector.shape_cast %add3A_101 : vector<16xi32> to vector<16xi32>
    tpu.vector_store %arg8[%swap3A_102], %swap3A_105 {strides = array<i32>} : memref<640xi32, #tpu.memory_space<vmem>>, vector<16xi32>,
    %get3A_106 = arith.constant 80 : index
    %get3A_107 = tpu.vector_load %arg6[%get3A_106] {strides = array<i32>} : memref<640xi32, #tpu.memory_space<vmem>>, vector<16xi32>,
    %get3A_108 = vector.shape_cast %get3A_107 : vector<16xi32> to vector<16xi32>
    %max3A_109 = arith.constant 0 : i32
    %max3A_110 = vector.broadcast %max3A_109 : i32 to vector<16xi32>
    %max3A_111 = arith.maxsi %get3A_108, %max3A_110 : vector<16xi32>
    %min3A_112 = arith.constant 79 : i32
    %min3A_113 = vector.broadcast %min3A_112 : i32 to vector<16xi32>
    %min3A_114 = arith.minsi %max3A_111, %min3A_113 : vector<16xi32>
    %add3A_115 = arith.constant 80 : i32
    %add3A_116 = arith.addi %min3A_3, %add3A_115 : i32
    %add3A_117 = vector.broadcast %add3A_116 : i32 to vector<16xi32>
    %add3A_118 = arith.addi %add3A_117, %iota3A : vector<16xi32>
    %mul3A_119 = arith.constant 128 : i32
    %mul3A_120 = vector.broadcast %mul3A_119 : i32 to vector<16xi32>
    %mul3A_121 = arith.muli %add3A_118, %mul3A_120 : vector<16xi32>
    %add3A_122 = arith.addi %mul3A_121, %min3A_114 : vector<16xi32>
    %swap3A_123 = arith.constant 80 : index
    %swap3A_124 = tpu.vector_load %arg8[%swap3A_123] {strides = array<i32>} : memref<640xi32, #tpu.memory_space<vmem>>, vector<16xi32>,
    %swap3A_125 = vector.shape_cast %swap3A_124 : vector<16xi32> to vector<16xi32>
    %swap3A_126 = vector.shape_cast %add3A_122 : vector<16xi32> to vector<16xi32>
    tpu.vector_store %arg8[%swap3A_123], %swap3A_126 {strides = array<i32>} : memref<640xi32, #tpu.memory_space<vmem>>, vector<16xi32>,
    %get3A_127 = arith.constant 96 : index
    %get3A_128 = tpu.vector_load %arg6[%get3A_127] {strides = array<i32>} : memref<640xi32, #tpu.memory_space<vmem>>, vector<16xi32>,
    %get3A_129 = vector.shape_cast %get3A_128 : vector<16xi32> to vector<16xi32>
    %max3A_130 = arith.constant 0 : i32
    %max3A_131 = vector.broadcast %max3A_130 : i32 to vector<16xi32>
    %max3A_132 = arith.maxsi %get3A_129, %max3A_131 : vector<16xi32>
    %min3A_133 = arith.constant 79 : i32
    %min3A_134 = vector.broadcast %min3A_133 : i32 to vector<16xi32>
    %min3A_135 = arith.minsi %max3A_132, %min3A_134 : vector<16xi32>
    %add3A_136 = arith.constant 96 : i32
    %add3A_137 = arith.addi %min3A_3, %add3A_136 : i32
    %add3A_138 = vector.broadcast %add3A_137 : i32 to vector<16xi32>
    %add3A_139 = arith.addi %add3A_138, %iota3A : vector<16xi32>
    %mul3A_140 = arith.constant 128 : i32
    %mul3A_141 = vector.broadcast %mul3A_140 : i32 to vector<16xi32>
    %mul3A_142 = arith.muli %add3A_139, %mul3A_141 : vector<16xi32>
    %add3A_143 = arith.addi %mul3A_142, %min3A_135 : vector<16xi32>
    %swap3A_144 = arith.constant 96 : index
    %swap3A_145 = tpu.vector_load %arg8[%swap3A_144] {strides = array<i32>} : memref<640xi32, #tpu.memory_space<vmem>>, vector<16xi32>,
    %swap3A_146 = vector.shape_cast %swap3A_145 : vector<16xi32> to vector<16xi32>
    %swap3A_147 = vector.shape_cast %add3A_143 : vector<16xi32> to vector<16xi32>
    tpu.vector_store %arg8[%swap3A_144], %swap3A_147 {strides = array<i32>} : memref<640xi32, #tpu.memory_space<vmem>>, vector<16xi32>,
    %get3A_148 = arith.constant 112 : index
    %get3A_149 = tpu.vector_load %arg6[%get3A_148] {strides = array<i32>} : memref<640xi32, #tpu.memory_space<vmem>>, vector<16xi32>,
    %get3A_150 = vector.shape_cast %get3A_149 : vector<16xi32> to vector<16xi32>
    %max3A_151 = arith.constant 0 : i32
    %max3A_152 = vector.broadcast %max3A_151 : i32 to vector<16xi32>
    %max3A_153 = arith.maxsi %get3A_150, %max3A_152 : vector<16xi32>
    %min3A_154 = arith.constant 79 : i32
    %min3A_155 = vector.broadcast %min3A_154 : i32 to vector<16xi32>
    %min3A_156 = arith.minsi %max3A_153, %min3A_155 : vector<16xi32>
    %add3A_157 = arith.constant 112 : i32
    %add3A_158 = arith.addi %min3A_3, %add3A_157 : i32
    %add3A_159 = vector.broadcast %add3A_158 : i32 to vector<16xi32>
    %add3A_160 = arith.addi %add3A_159, %iota3A : vector<16xi32>
    %mul3A_161 = arith.constant 128 : i32
    %mul3A_162 = vector.broadcast %mul3A_161 : i32 to vector<16xi32>
    %mul3A_163 = arith.muli %add3A_160, %mul3A_162 : vector<16xi32>
    %add3A_164 = arith.addi %mul3A_163, %min3A_156 : vector<16xi32>
    %swap3A_165 = arith.constant 112 : index
    %swap3A_166 = tpu.vector_load %arg8[%swap3A_165] {strides = array<i32>} : memref<640xi32, #tpu.memory_space<vmem>>, vector<16xi32>,
    %swap3A_167 = vector.shape_cast %swap3A_166 : vector<16xi32> to vector<16xi32>
    %swap3A_168 = vector.shape_cast %add3A_164 : vector<16xi32> to vector<16xi32>
    tpu.vector_store %arg8[%swap3A_165], %swap3A_168 {strides = array<i32>} : memref<640xi32, #tpu.memory_space<vmem>>, vector<16xi32>,
    %get3A_169 = arith.constant 128 : index
    %get3A_170 = tpu.vector_load %arg6[%get3A_169] {strides = array<i32>} : memref<640xi32, #tpu.memory_space<vmem>>, vector<16xi32>,
    %get3A_171 = vector.shape_cast %get3A_170 : vector<16xi32> to vector<16xi32>
    %max3A_172 = arith.constant 0 : i32
    %max3A_173 = vector.broadcast %max3A_172 : i32 to vector<16xi32>
    %max3A_174 = arith.maxsi %get3A_171, %max3A_173 : vector<16xi32>
    %min3A_175 = arith.constant 79 : i32
    %min3A_176 = vector.broadcast %min3A_175 : i32 to vector<16xi32>
    %min3A_177 = arith.minsi %max3A_174, %min3A_176 : vector<16xi32>
    %add3A_178 = arith.constant 128 : i32
    %add3A_179 = arith.addi %min3A_3, %add3A_178 : i32
    %add3A_180 = vector.broadcast %add3A_179 : i32 to vector<16xi32>
    %add3A_181 = arith.addi %add3A_180, %iota3A : vector<16xi32>
    %mul3A_182 = arith.constant 128 : i32
    %mul3A_183 = vector.broadcast %mul3A_182 : i32 to vector<16xi32>
    %mul3A_184 = arith.muli %add3A_181, %mul3A_183 : vector<16xi32>
    %add3A_185 = arith.addi %mul3A_184, %min3A_177 : vector<16xi32>
    %swap3A_186 = arith.constant 128 : index
    %swap3A_187 = tpu.vector_load %arg8[%swap3A_186] {strides = array<i32>} : memref<640xi32, #tpu.memory_space<vmem>>, vector<16xi32>,
    %swap3A_188 = vector.shape_cast %swap3A_187 : vector<16xi32> to vector<16xi32>
    %swap3A_189 = vector.shape_cast %add3A_185 : vector<16xi32> to vector<16xi32>
    tpu.vector_store %arg8[%swap3A_186], %swap3A_189 {strides = array<i32>} : memref<640xi32, #tpu.memory_space<vmem>>, vector<16xi32>,
    %get3A_190 = arith.constant 144 : index
    %get3A_191 = tpu.vector_load %arg6[%get3A_190] {strides = array<i32>} : memref<640xi32, #tpu.memory_space<vmem>>, vector<16xi32>,
    %get3A_192 = vector.shape_cast %get3A_191 : vector<16xi32> to vector<16xi32>
    %max3A_193 = arith.constant 0 : i32
    %max3A_194 = vector.broadcast %max3A_193 : i32 to vector<16xi32>
    %max3A_195 = arith.maxsi %get3A_192, %max3A_194 : vector<16xi32>
    %min3A_196 = arith.constant 79 : i32
    %min3A_197 = vector.broadcast %min3A_196 : i32 to vector<16xi32>
    %min3A_198 = arith.minsi %max3A_195, %min3A_197 : vector<16xi32>
    %add3A_199 = arith.constant 144 : i32
    %add3A_200 = arith.addi %min3A_3, %add3A_199 : i32
    %add3A_201 = vector.broadcast %add3A_200 : i32 to vector<16xi32>
    %add3A_202 = arith.addi %add3A_201, %iota3A : vector<16xi32>
    %mul3A_203 = arith.constant 128 : i32
    %mul3A_204 = vector.broadcast %mul3A_203 : i32 to vector<16xi32>
    %mul3A_205 = arith.muli %add3A_202, %mul3A_204 : vector<16xi32>
    %add3A_206 = arith.addi %mul3A_205, %min3A_198 : vector<16xi32>
    %swap3A_207 = arith.constant 144 : index
    %swap3A_208 = tpu.vector_load %arg8[%swap3A_207] {strides = array<i32>} : memref<640xi32, #tpu.memory_space<vmem>>, vector<16xi32>,
    %swap3A_209 = vector.shape_cast %swap3A_208 : vector<16xi32> to vector<16xi32>
    %swap3A_210 = vector.shape_cast %add3A_206 : vector<16xi32> to vector<16xi32>
    tpu.vector_store %arg8[%swap3A_207], %swap3A_210 {strides = array<i32>} : memref<640xi32, #tpu.memory_space<vmem>>, vector<16xi32>,
    %get3A_211 = arith.constant 160 : index
    %get3A_212 = tpu.vector_load %arg6[%get3A_211] {strides = array<i32>} : memref<640xi32, #tpu.memory_space<vmem>>, vector<16xi32>,
    %get3A_213 = vector.shape_cast %get3A_212 : vector<16xi32> to vector<16xi32>
    %max3A_214 = arith.constant 0 : i32
    %max3A_215 = vector.broadcast %max3A_214 : i32 to vector<16xi32>
    %max3A_216 = arith.maxsi %get3A_213, %max3A_215 : vector<16xi32>
    %min3A_217 = arith.constant 79 : i32
    %min3A_218 = vector.broadcast %min3A_217 : i32 to vector<16xi32>
    %min3A_219 = arith.minsi %max3A_216, %min3A_218 : vector<16xi32>
    %add3A_220 = arith.constant 160 : i32
    %add3A_221 = arith.addi %min3A_3, %add3A_220 : i32
    %add3A_222 = vector.broadcast %add3A_221 : i32 to vector<16xi32>
    %add3A_223 = arith.addi %add3A_222, %iota3A : vector<16xi32>
    %mul3A_224 = arith.constant 128 : i32
    %mul3A_225 = vector.broadcast %mul3A_224 : i32 to vector<16xi32>
    %mul3A_226 = arith.muli %add3A_223, %mul3A_225 : vector<16xi32>
    %add3A_227 = arith.addi %mul3A_226, %min3A_219 : vector<16xi32>
    %swap3A_228 = arith.constant 160 : index
    %swap3A_229 = tpu.vector_load %arg8[%swap3A_228] {strides = array<i32>} : memref<640xi32, #tpu.memory_space<vmem>>, vector<16xi32>,
    %swap3A_230 = vector.shape_cast %swap3A_229 : vector<16xi32> to vector<16xi32>
    %swap3A_231 = vector.shape_cast %add3A_227 : vector<16xi32> to vector<16xi32>
    tpu.vector_store %arg8[%swap3A_228], %swap3A_231 {strides = array<i32>} : memref<640xi32, #tpu.memory_space<vmem>>, vector<16xi32>,
    %get3A_232 = arith.constant 176 : index
    %get3A_233 = tpu.vector_load %arg6[%get3A_232] {strides = array<i32>} : memref<640xi32, #tpu.memory_space<vmem>>, vector<16xi32>,
    %get3A_234 = vector.shape_cast %get3A_233 : vector<16xi32> to vector<16xi32>
    %max3A_235 = arith.constant 0 : i32
    %max3A_236 = vector.broadcast %max3A_235 : i32 to vector<16xi32>
    %max3A_237 = arith.maxsi %get3A_234, %max3A_236 : vector<16xi32>
    %min3A_238 = arith.constant 79 : i32
    %min3A_239 = vector.broadcast %min3A_238 : i32 to vector<16xi32>
    %min3A_240 = arith.minsi %max3A_237, %min3A_239 : vector<16xi32>
    %add3A_241 = arith.constant 176 : i32
    %add3A_242 = arith.addi %min3A_3, %add3A_241 : i32
    %add3A_243 = vector.broadcast %add3A_242 : i32 to vector<16xi32>
    %add3A_244 = arith.addi %add3A_243, %iota3A : vector<16xi32>
    %mul3A_245 = arith.constant 128 : i32
    %mul3A_246 = vector.broadcast %mul3A_245 : i32 to vector<16xi32>
    %mul3A_247 = arith.muli %add3A_244, %mul3A_246 : vector<16xi32>
    %add3A_248 = arith.addi %mul3A_247, %min3A_240 : vector<16xi32>
    %swap3A_249 = arith.constant 176 : index
    %swap3A_250 = tpu.vector_load %arg8[%swap3A_249] {strides = array<i32>} : memref<640xi32, #tpu.memory_space<vmem>>, vector<16xi32>,
    %swap3A_251 = vector.shape_cast %swap3A_250 : vector<16xi32> to vector<16xi32>
    %swap3A_252 = vector.shape_cast %add3A_248 : vector<16xi32> to vector<16xi32>
    tpu.vector_store %arg8[%swap3A_249], %swap3A_252 {strides = array<i32>} : memref<640xi32, #tpu.memory_space<vmem>>, vector<16xi32>,
    %get3A_253 = arith.constant 192 : index
    %get3A_254 = tpu.vector_load %arg6[%get3A_253] {strides = array<i32>} : memref<640xi32, #tpu.memory_space<vmem>>, vector<16xi32>,
    %get3A_255 = vector.shape_cast %get3A_254 : vector<16xi32> to vector<16xi32>
    %max3A_256 = arith.constant 0 : i32
    %max3A_257 = vector.broadcast %max3A_256 : i32 to vector<16xi32>
    %max3A_258 = arith.maxsi %get3A_255, %max3A_257 : vector<16xi32>
    %min3A_259 = arith.constant 79 : i32
    %min3A_260 = vector.broadcast %min3A_259 : i32 to vector<16xi32>
    %min3A_261 = arith.minsi %max3A_258, %min3A_260 : vector<16xi32>
    %add3A_262 = arith.constant 192 : i32
    %add3A_263 = arith.addi %min3A_3, %add3A_262 : i32
    %add3A_264 = vector.broadcast %add3A_263 : i32 to vector<16xi32>
    %add3A_265 = arith.addi %add3A_264, %iota3A : vector<16xi32>
    %mul3A_266 = arith.constant 128 : i32
    %mul3A_267 = vector.broadcast %mul3A_266 : i32 to vector<16xi32>
    %mul3A_268 = arith.muli %add3A_265, %mul3A_267 : vector<16xi32>
    %add3A_269 = arith.addi %mul3A_268, %min3A_261 : vector<16xi32>
    %swap3A_270 = arith.constant 192 : index
    %swap3A_271 = tpu.vector_load %arg8[%swap3A_270] {strides = array<i32>} : memref<640xi32, #tpu.memory_space<vmem>>, vector<16xi32>,
    %swap3A_272 = vector.shape_cast %swap3A_271 : vector<16xi32> to vector<16xi32>
    %swap3A_273 = vector.shape_cast %add3A_269 : vector<16xi32> to vector<16xi32>
    tpu.vector_store %arg8[%swap3A_270], %swap3A_273 {strides = array<i32>} : memref<640xi32, #tpu.memory_space<vmem>>, vector<16xi32>,
    %get3A_274 = arith.constant 208 : index
    %get3A_275 = tpu.vector_load %arg6[%get3A_274] {strides = array<i32>} : memref<640xi32, #tpu.memory_space<vmem>>, vector<16xi32>,
    %get3A_276 = vector.shape_cast %get3A_275 : vector<16xi32> to vector<16xi32>
    %max3A_277 = arith.constant 0 : i32
    %max3A_278 = vector.broadcast %max3A_277 : i32 to vector<16xi32>
    %max3A_279 = arith.maxsi %get3A_276, %max3A_278 : vector<16xi32>
    %min3A_280 = arith.constant 79 : i32
    %min3A_281 = vector.broadcast %min3A_280 : i32 to vector<16xi32>
    %min3A_282 = arith.minsi %max3A_279, %min3A_281 : vector<16xi32>
    %add3A_283 = arith.constant 208 : i32
    %add3A_284 = arith.addi %min3A_3, %add3A_283 : i32
    %add3A_285 = vector.broadcast %add3A_284 : i32 to vector<16xi32>
    %add3A_286 = arith.addi %add3A_285, %iota3A : vector<16xi32>
    %mul3A_287 = arith.constant 128 : i32
    %mul3A_288 = vector.broadcast %mul3A_287 : i32 to vector<16xi32>
    %mul3A_289 = arith.muli %add3A_286, %mul3A_288 : vector<16xi32>
    %add3A_290 = arith.addi %mul3A_289, %min3A_282 : vector<16xi32>
    %swap3A_291 = arith.constant 208 : index
    %swap3A_292 = tpu.vector_load %arg8[%swap3A_291] {strides = array<i32>} : memref<640xi32, #tpu.memory_space<vmem>>, vector<16xi32>,
    %swap3A_293 = vector.shape_cast %swap3A_292 : vector<16xi32> to vector<16xi32>
    %swap3A_294 = vector.shape_cast %add3A_290 : vector<16xi32> to vector<16xi32>
    tpu.vector_store %arg8[%swap3A_291], %swap3A_294 {strides = array<i32>} : memref<640xi32, #tpu.memory_space<vmem>>, vector<16xi32>,
    %get3A_295 = arith.constant 224 : index
    %get3A_296 = tpu.vector_load %arg6[%get3A_295] {strides = array<i32>} : memref<640xi32, #tpu.memory_space<vmem>>, vector<16xi32>,
    %get3A_297 = vector.shape_cast %get3A_296 : vector<16xi32> to vector<16xi32>
    %max3A_298 = arith.constant 0 : i32
    %max3A_299 = vector.broadcast %max3A_298 : i32 to vector<16xi32>
    %max3A_300 = arith.maxsi %get3A_297, %max3A_299 : vector<16xi32>
    %min3A_301 = arith.constant 79 : i32
    %min3A_302 = vector.broadcast %min3A_301 : i32 to vector<16xi32>
    %min3A_303 = arith.minsi %max3A_300, %min3A_302 : vector<16xi32>
    %add3A_304 = arith.constant 224 : i32
    %add3A_305 = arith.addi %min3A_3, %add3A_304 : i32
    %add3A_306 = vector.broadcast %add3A_305 : i32 to vector<16xi32>
    %add3A_307 = arith.addi %add3A_306, %iota3A : vector<16xi32>
    %mul3A_308 = arith.constant 128 : i32
    %mul3A_309 = vector.broadcast %mul3A_308 : i32 to vector<16xi32>
    %mul3A_310 = arith.muli %add3A_307, %mul3A_309 : vector<16xi32>
    %add3A_311 = arith.addi %mul3A_310, %min3A_303 : vector<16xi32>
    %swap3A_312 = arith.constant 224 : index
    %swap3A_313 = tpu.vector_load %arg8[%swap3A_312] {strides = array<i32>} : memref<640xi32, #tpu.memory_space<vmem>>, vector<16xi32>,
    %swap3A_314 = vector.shape_cast %swap3A_313 : vector<16xi32> to vector<16xi32>
    %swap3A_315 = vector.shape_cast %add3A_311 : vector<16xi32> to vector<16xi32>
    tpu.vector_store %arg8[%swap3A_312], %swap3A_315 {strides = array<i32>} : memref<640xi32, #tpu.memory_space<vmem>>, vector<16xi32>,
    %get3A_316 = arith.constant 240 : index
    %get3A_317 = tpu.vector_load %arg6[%get3A_316] {strides = array<i32>} : memref<640xi32, #tpu.memory_space<vmem>>, vector<16xi32>,
    %get3A_318 = vector.shape_cast %get3A_317 : vector<16xi32> to vector<16xi32>
    %max3A_319 = arith.constant 0 : i32
    %max3A_320 = vector.broadcast %max3A_319 : i32 to vector<16xi32>
    %max3A_321 = arith.maxsi %get3A_318, %max3A_320 : vector<16xi32>
    %min3A_322 = arith.constant 79 : i32
    %min3A_323 = vector.broadcast %min3A_322 : i32 to vector<16xi32>
    %min3A_324 = arith.minsi %max3A_321, %min3A_323 : vector<16xi32>
    %add3A_325 = arith.constant 240 : i32
    %add3A_326 = arith.addi %min3A_3, %add3A_325 : i32
    %add3A_327 = vector.broadcast %add3A_326 : i32 to vector<16xi32>
    %add3A_328 = arith.addi %add3A_327, %iota3A : vector<16xi32>
    %mul3A_329 = arith.constant 128 : i32
    %mul3A_330 = vector.broadcast %mul3A_329 : i32 to vector<16xi32>
    %mul3A_331 = arith.muli %add3A_328, %mul3A_330 : vector<16xi32>
    %add3A_332 = arith.addi %mul3A_331, %min3A_324 : vector<16xi32>
    %swap3A_333 = arith.constant 240 : index
    %swap3A_334 = tpu.vector_load %arg8[%swap3A_333] {strides = array<i32>} : memref<640xi32, #tpu.memory_space<vmem>>, vector<16xi32>,
    %swap3A_335 = vector.shape_cast %swap3A_334 : vector<16xi32> to vector<16xi32>
    %swap3A_336 = vector.shape_cast %add3A_332 : vector<16xi32> to vector<16xi32>
    tpu.vector_store %arg8[%swap3A_333], %swap3A_336 {strides = array<i32>} : memref<640xi32, #tpu.memory_space<vmem>>, vector<16xi32>,
    %get3A_337 = arith.constant 256 : index
    %get3A_338 = tpu.vector_load %arg6[%get3A_337] {strides = array<i32>} : memref<640xi32, #tpu.memory_space<vmem>>, vector<16xi32>,
    %get3A_339 = vector.shape_cast %get3A_338 : vector<16xi32> to vector<16xi32>
    %max3A_340 = arith.constant 0 : i32
    %max3A_341 = vector.broadcast %max3A_340 : i32 to vector<16xi32>
    %max3A_342 = arith.maxsi %get3A_339, %max3A_341 : vector<16xi32>
    %min3A_343 = arith.constant 79 : i32
    %min3A_344 = vector.broadcast %min3A_343 : i32 to vector<16xi32>
    %min3A_345 = arith.minsi %max3A_342, %min3A_344 : vector<16xi32>
    %add3A_346 = arith.constant 256 : i32
    %add3A_347 = arith.addi %min3A_3, %add3A_346 : i32
    %add3A_348 = vector.broadcast %add3A_347 : i32 to vector<16xi32>
    %add3A_349 = arith.addi %add3A_348, %iota3A : vector<16xi32>
    %mul3A_350 = arith.constant 128 : i32
    %mul3A_351 = vector.broadcast %mul3A_350 : i32 to vector<16xi32>
    %mul3A_352 = arith.muli %add3A_349, %mul3A_351 : vector<16xi32>
    %add3A_353 = arith.addi %mul3A_352, %min3A_345 : vector<16xi32>
    %swap3A_354 = arith.constant 256 : index
    %swap3A_355 = tpu.vector_load %arg8[%swap3A_354] {strides = array<i32>} : memref<640xi32, #tpu.memory_space<vmem>>, vector<16xi32>,
    %swap3A_356 = vector.shape_cast %swap3A_355 : vector<16xi32> to vector<16xi32>
    %swap3A_357 = vector.shape_cast %add3A_353 : vector<16xi32> to vector<16xi32>
    tpu.vector_store %arg8[%swap3A_354], %swap3A_357 {strides = array<i32>} : memref<640xi32, #tpu.memory_space<vmem>>, vector<16xi32>,
    %get3A_358 = arith.constant 272 : index
    %get3A_359 = tpu.vector_load %arg6[%get3A_358] {strides = array<i32>} : memref<640xi32, #tpu.memory_space<vmem>>, vector<16xi32>,
    %get3A_360 = vector.shape_cast %get3A_359 : vector<16xi32> to vector<16xi32>
    %max3A_361 = arith.constant 0 : i32
    %max3A_362 = vector.broadcast %max3A_361 : i32 to vector<16xi32>
    %max3A_363 = arith.maxsi %get3A_360, %max3A_362 : vector<16xi32>
    %min3A_364 = arith.constant 79 : i32
    %min3A_365 = vector.broadcast %min3A_364 : i32 to vector<16xi32>
    %min3A_366 = arith.minsi %max3A_363, %min3A_365 : vector<16xi32>
    %add3A_367 = arith.constant 272 : i32
    %add3A_368 = arith.addi %min3A_3, %add3A_367 : i32
    %add3A_369 = vector.broadcast %add3A_368 : i32 to vector<16xi32>
    %add3A_370 = arith.addi %add3A_369, %iota3A : vector<16xi32>
    %mul3A_371 = arith.constant 128 : i32
    %mul3A_372 = vector.broadcast %mul3A_371 : i32 to vector<16xi32>
    %mul3A_373 = arith.muli %add3A_370, %mul3A_372 : vector<16xi32>
    %add3A_374 = arith.addi %mul3A_373, %min3A_366 : vector<16xi32>
    %swap3A_375 = arith.constant 272 : index
    %swap3A_376 = tpu.vector_load %arg8[%swap3A_375] {strides = array<i32>} : memref<640xi32, #tpu.memory_space<vmem>>, vector<16xi32>,
    %swap3A_377 = vector.shape_cast %swap3A_376 : vector<16xi32> to vector<16xi32>
    %swap3A_378 = vector.shape_cast %add3A_374 : vector<16xi32> to vector<16xi32>
    tpu.vector_store %arg8[%swap3A_375], %swap3A_378 {strides = array<i32>} : memref<640xi32, #tpu.memory_space<vmem>>, vector<16xi32>,
    %get3A_379 = arith.constant 288 : index
    %get3A_380 = tpu.vector_load %arg6[%get3A_379] {strides = array<i32>} : memref<640xi32, #tpu.memory_space<vmem>>, vector<16xi32>,
    %get3A_381 = vector.shape_cast %get3A_380 : vector<16xi32> to vector<16xi32>
    %max3A_382 = arith.constant 0 : i32
    %max3A_383 = vector.broadcast %max3A_382 : i32 to vector<16xi32>
    %max3A_384 = arith.maxsi %get3A_381, %max3A_383 : vector<16xi32>
    %min3A_385 = arith.constant 79 : i32
    %min3A_386 = vector.broadcast %min3A_385 : i32 to vector<16xi32>
    %min3A_387 = arith.minsi %max3A_384, %min3A_386 : vector<16xi32>
    %add3A_388 = arith.constant 288 : i32
    %add3A_389 = arith.addi %min3A_3, %add3A_388 : i32
    %add3A_390 = vector.broadcast %add3A_389 : i32 to vector<16xi32>
    %add3A_391 = arith.addi %add3A_390, %iota3A : vector<16xi32>
    %mul3A_392 = arith.constant 128 : i32
    %mul3A_393 = vector.broadcast %mul3A_392 : i32 to vector<16xi32>
    %mul3A_394 = arith.muli %add3A_391, %mul3A_393 : vector<16xi32>
    %add3A_395 = arith.addi %mul3A_394, %min3A_387 : vector<16xi32>
    %swap3A_396 = arith.constant 288 : index
    %swap3A_397 = tpu.vector_load %arg8[%swap3A_396] {strides = array<i32>} : memref<640xi32, #tpu.memory_space<vmem>>, vector<16xi32>,
    %swap3A_398 = vector.shape_cast %swap3A_397 : vector<16xi32> to vector<16xi32>
    %swap3A_399 = vector.shape_cast %add3A_395 : vector<16xi32> to vector<16xi32>
    tpu.vector_store %arg8[%swap3A_396], %swap3A_399 {strides = array<i32>} : memref<640xi32, #tpu.memory_space<vmem>>, vector<16xi32>,
    %get3A_400 = arith.constant 304 : index
    %get3A_401 = tpu.vector_load %arg6[%get3A_400] {strides = array<i32>} : memref<640xi32, #tpu.memory_space<vmem>>, vector<16xi32>,
    %get3A_402 = vector.shape_cast %get3A_401 : vector<16xi32> to vector<16xi32>
    %max3A_403 = arith.constant 0 : i32
    %max3A_404 = vector.broadcast %max3A_403 : i32 to vector<16xi32>
    %max3A_405 = arith.maxsi %get3A_402, %max3A_404 : vector<16xi32>
    %min3A_406 = arith.constant 79 : i32
    %min3A_407 = vector.broadcast %min3A_406 : i32 to vector<16xi32>
    %min3A_408 = arith.minsi %max3A_405, %min3A_407 : vector<16xi32>
    %add3A_409 = arith.constant 304 : i32
    %add3A_410 = arith.addi %min3A_3, %add3A_409 : i32
    %add3A_411 = vector.broadcast %add3A_410 : i32 to vector<16xi32>
    %add3A_412 = arith.addi %add3A_411, %iota3A : vector<16xi32>
    %mul3A_413 = arith.constant 128 : i32
    %mul3A_414 = vector.broadcast %mul3A_413 : i32 to vector<16xi32>
    %mul3A_415 = arith.muli %add3A_412, %mul3A_414 : vector<16xi32>
    %add3A_416 = arith.addi %mul3A_415, %min3A_408 : vector<16xi32>
    %swap3A_417 = arith.constant 304 : index
    %swap3A_418 = tpu.vector_load %arg8[%swap3A_417] {strides = array<i32>} : memref<640xi32, #tpu.memory_space<vmem>>, vector<16xi32>,
    %swap3A_419 = vector.shape_cast %swap3A_418 : vector<16xi32> to vector<16xi32>
    %swap3A_420 = vector.shape_cast %add3A_416 : vector<16xi32> to vector<16xi32>
    tpu.vector_store %arg8[%swap3A_417], %swap3A_420 {strides = array<i32>} : memref<640xi32, #tpu.memory_space<vmem>>, vector<16xi32>,
    %get3A_421 = arith.constant 320 : index
    %get3A_422 = tpu.vector_load %arg6[%get3A_421] {strides = array<i32>} : memref<640xi32, #tpu.memory_space<vmem>>, vector<16xi32>,
    %get3A_423 = vector.shape_cast %get3A_422 : vector<16xi32> to vector<16xi32>
    %max3A_424 = arith.constant 0 : i32
    %max3A_425 = vector.broadcast %max3A_424 : i32 to vector<16xi32>
    %max3A_426 = arith.maxsi %get3A_423, %max3A_425 : vector<16xi32>
    %min3A_427 = arith.constant 79 : i32
    %min3A_428 = vector.broadcast %min3A_427 : i32 to vector<16xi32>
    %min3A_429 = arith.minsi %max3A_426, %min3A_428 : vector<16xi32>
    %add3A_430 = arith.constant 320 : i32
    %add3A_431 = arith.addi %min3A_3, %add3A_430 : i32
    %add3A_432 = vector.broadcast %add3A_431 : i32 to vector<16xi32>
    %add3A_433 = arith.addi %add3A_432, %iota3A : vector<16xi32>
    %mul3A_434 = arith.constant 128 : i32
    %mul3A_435 = vector.broadcast %mul3A_434 : i32 to vector<16xi32>
    %mul3A_436 = arith.muli %add3A_433, %mul3A_435 : vector<16xi32>
    %add3A_437 = arith.addi %mul3A_436, %min3A_429 : vector<16xi32>
    %swap3A_438 = arith.constant 320 : index
    %swap3A_439 = tpu.vector_load %arg8[%swap3A_438] {strides = array<i32>} : memref<640xi32, #tpu.memory_space<vmem>>, vector<16xi32>,
    %swap3A_440 = vector.shape_cast %swap3A_439 : vector<16xi32> to vector<16xi32>
    %swap3A_441 = vector.shape_cast %add3A_437 : vector<16xi32> to vector<16xi32>
    tpu.vector_store %arg8[%swap3A_438], %swap3A_441 {strides = array<i32>} : memref<640xi32, #tpu.memory_space<vmem>>, vector<16xi32>,
    %get3A_442 = arith.constant 336 : index
    %get3A_443 = tpu.vector_load %arg6[%get3A_442] {strides = array<i32>} : memref<640xi32, #tpu.memory_space<vmem>>, vector<16xi32>,
    %get3A_444 = vector.shape_cast %get3A_443 : vector<16xi32> to vector<16xi32>
    %max3A_445 = arith.constant 0 : i32
    %max3A_446 = vector.broadcast %max3A_445 : i32 to vector<16xi32>
    %max3A_447 = arith.maxsi %get3A_444, %max3A_446 : vector<16xi32>
    %min3A_448 = arith.constant 79 : i32
    %min3A_449 = vector.broadcast %min3A_448 : i32 to vector<16xi32>
    %min3A_450 = arith.minsi %max3A_447, %min3A_449 : vector<16xi32>
    %add3A_451 = arith.constant 336 : i32
    %add3A_452 = arith.addi %min3A_3, %add3A_451 : i32
    %add3A_453 = vector.broadcast %add3A_452 : i32 to vector<16xi32>
    %add3A_454 = arith.addi %add3A_453, %iota3A : vector<16xi32>
    %mul3A_455 = arith.constant 128 : i32
    %mul3A_456 = vector.broadcast %mul3A_455 : i32 to vector<16xi32>
    %mul3A_457 = arith.muli %add3A_454, %mul3A_456 : vector<16xi32>
    %add3A_458 = arith.addi %mul3A_457, %min3A_450 : vector<16xi32>
    %swap3A_459 = arith.constant 336 : index
    %swap3A_460 = tpu.vector_load %arg8[%swap3A_459] {strides = array<i32>} : memref<640xi32, #tpu.memory_space<vmem>>, vector<16xi32>,
    %swap3A_461 = vector.shape_cast %swap3A_460 : vector<16xi32> to vector<16xi32>
    %swap3A_462 = vector.shape_cast %add3A_458 : vector<16xi32> to vector<16xi32>
    tpu.vector_store %arg8[%swap3A_459], %swap3A_462 {strides = array<i32>} : memref<640xi32, #tpu.memory_space<vmem>>, vector<16xi32>,
    %get3A_463 = arith.constant 352 : index
    %get3A_464 = tpu.vector_load %arg6[%get3A_463] {strides = array<i32>} : memref<640xi32, #tpu.memory_space<vmem>>, vector<16xi32>,
    %get3A_465 = vector.shape_cast %get3A_464 : vector<16xi32> to vector<16xi32>
    %max3A_466 = arith.constant 0 : i32
    %max3A_467 = vector.broadcast %max3A_466 : i32 to vector<16xi32>
    %max3A_468 = arith.maxsi %get3A_465, %max3A_467 : vector<16xi32>
    %min3A_469 = arith.constant 79 : i32
    %min3A_470 = vector.broadcast %min3A_469 : i32 to vector<16xi32>
    %min3A_471 = arith.minsi %max3A_468, %min3A_470 : vector<16xi32>
    %add3A_472 = arith.constant 352 : i32
    %add3A_473 = arith.addi %min3A_3, %add3A_472 : i32
    %add3A_474 = vector.broadcast %add3A_473 : i32 to vector<16xi32>
    %add3A_475 = arith.addi %add3A_474, %iota3A : vector<16xi32>
    %mul3A_476 = arith.constant 128 : i32
    %mul3A_477 = vector.broadcast %mul3A_476 : i32 to vector<16xi32>
    %mul3A_478 = arith.muli %add3A_475, %mul3A_477 : vector<16xi32>
    %add3A_479 = arith.addi %mul3A_478, %min3A_471 : vector<16xi32>
    %swap3A_480 = arith.constant 352 : index
    %swap3A_481 = tpu.vector_load %arg8[%swap3A_480] {strides = array<i32>} : memref<640xi32, #tpu.memory_space<vmem>>, vector<16xi32>,
    %swap3A_482 = vector.shape_cast %swap3A_481 : vector<16xi32> to vector<16xi32>
    %swap3A_483 = vector.shape_cast %add3A_479 : vector<16xi32> to vector<16xi32>
    tpu.vector_store %arg8[%swap3A_480], %swap3A_483 {strides = array<i32>} : memref<640xi32, #tpu.memory_space<vmem>>, vector<16xi32>,
    %get3A_484 = arith.constant 368 : index
    %get3A_485 = tpu.vector_load %arg6[%get3A_484] {strides = array<i32>} : memref<640xi32, #tpu.memory_space<vmem>>, vector<16xi32>,
    %get3A_486 = vector.shape_cast %get3A_485 : vector<16xi32> to vector<16xi32>
    %max3A_487 = arith.constant 0 : i32
    %max3A_488 = vector.broadcast %max3A_487 : i32 to vector<16xi32>
    %max3A_489 = arith.maxsi %get3A_486, %max3A_488 : vector<16xi32>
    %min3A_490 = arith.constant 79 : i32
    %min3A_491 = vector.broadcast %min3A_490 : i32 to vector<16xi32>
    %min3A_492 = arith.minsi %max3A_489, %min3A_491 : vector<16xi32>
    %add3A_493 = arith.constant 368 : i32
    %add3A_494 = arith.addi %min3A_3, %add3A_493 : i32
    %add3A_495 = vector.broadcast %add3A_494 : i32 to vector<16xi32>
    %add3A_496 = arith.addi %add3A_495, %iota3A : vector<16xi32>
    %mul3A_497 = arith.constant 128 : i32
    %mul3A_498 = vector.broadcast %mul3A_497 : i32 to vector<16xi32>
    %mul3A_499 = arith.muli %add3A_496, %mul3A_498 : vector<16xi32>
    %add3A_500 = arith.addi %mul3A_499, %min3A_492 : vector<16xi32>
    %swap3A_501 = arith.constant 368 : index
    %swap3A_502 = tpu.vector_load %arg8[%swap3A_501] {strides = array<i32>} : memref<640xi32, #tpu.memory_space<vmem>>, vector<16xi32>,
    %swap3A_503 = vector.shape_cast %swap3A_502 : vector<16xi32> to vector<16xi32>
    %swap3A_504 = vector.shape_cast %add3A_500 : vector<16xi32> to vector<16xi32>
    tpu.vector_store %arg8[%swap3A_501], %swap3A_504 {strides = array<i32>} : memref<640xi32, #tpu.memory_space<vmem>>, vector<16xi32>,
    %get3A_505 = arith.constant 384 : index
    %get3A_506 = tpu.vector_load %arg6[%get3A_505] {strides = array<i32>} : memref<640xi32, #tpu.memory_space<vmem>>, vector<16xi32>,
    %get3A_507 = vector.shape_cast %get3A_506 : vector<16xi32> to vector<16xi32>
    %max3A_508 = arith.constant 0 : i32
    %max3A_509 = vector.broadcast %max3A_508 : i32 to vector<16xi32>
    %max3A_510 = arith.maxsi %get3A_507, %max3A_509 : vector<16xi32>
    %min3A_511 = arith.constant 79 : i32
    %min3A_512 = vector.broadcast %min3A_511 : i32 to vector<16xi32>
    %min3A_513 = arith.minsi %max3A_510, %min3A_512 : vector<16xi32>
    %add3A_514 = arith.constant 384 : i32
    %add3A_515 = arith.addi %min3A_3, %add3A_514 : i32
    %add3A_516 = vector.broadcast %add3A_515 : i32 to vector<16xi32>
    %add3A_517 = arith.addi %add3A_516, %iota3A : vector<16xi32>
    %mul3A_518 = arith.constant 128 : i32
    %mul3A_519 = vector.broadcast %mul3A_518 : i32 to vector<16xi32>
    %mul3A_520 = arith.muli %add3A_517, %mul3A_519 : vector<16xi32>
    %add3A_521 = arith.addi %mul3A_520, %min3A_513 : vector<16xi32>
    %swap3A_522 = arith.constant 384 : index
    %swap3A_523 = tpu.vector_load %arg8[%swap3A_522] {strides = array<i32>} : memref<640xi32, #tpu.memory_space<vmem>>, vector<16xi32>,
    %swap3A_524 = vector.shape_cast %swap3A_523 : vector<16xi32> to vector<16xi32>
    %swap3A_525 = vector.shape_cast %add3A_521 : vector<16xi32> to vector<16xi32>
    tpu.vector_store %arg8[%swap3A_522], %swap3A_525 {strides = array<i32>} : memref<640xi32, #tpu.memory_space<vmem>>, vector<16xi32>,
    %get3A_526 = arith.constant 400 : index
    %get3A_527 = tpu.vector_load %arg6[%get3A_526] {strides = array<i32>} : memref<640xi32, #tpu.memory_space<vmem>>, vector<16xi32>,
    %get3A_528 = vector.shape_cast %get3A_527 : vector<16xi32> to vector<16xi32>
    %max3A_529 = arith.constant 0 : i32
    %max3A_530 = vector.broadcast %max3A_529 : i32 to vector<16xi32>
    %max3A_531 = arith.maxsi %get3A_528, %max3A_530 : vector<16xi32>
    %min3A_532 = arith.constant 79 : i32
    %min3A_533 = vector.broadcast %min3A_532 : i32 to vector<16xi32>
    %min3A_534 = arith.minsi %max3A_531, %min3A_533 : vector<16xi32>
    %add3A_535 = arith.constant 400 : i32
    %add3A_536 = arith.addi %min3A_3, %add3A_535 : i32
    %add3A_537 = vector.broadcast %add3A_536 : i32 to vector<16xi32>
    %add3A_538 = arith.addi %add3A_537, %iota3A : vector<16xi32>
    %mul3A_539 = arith.constant 128 : i32
    %mul3A_540 = vector.broadcast %mul3A_539 : i32 to vector<16xi32>
    %mul3A_541 = arith.muli %add3A_538, %mul3A_540 : vector<16xi32>
    %add3A_542 = arith.addi %mul3A_541, %min3A_534 : vector<16xi32>
    %swap3A_543 = arith.constant 400 : index
    %swap3A_544 = tpu.vector_load %arg8[%swap3A_543] {strides = array<i32>} : memref<640xi32, #tpu.memory_space<vmem>>, vector<16xi32>,
    %swap3A_545 = vector.shape_cast %swap3A_544 : vector<16xi32> to vector<16xi32>
    %swap3A_546 = vector.shape_cast %add3A_542 : vector<16xi32> to vector<16xi32>
    tpu.vector_store %arg8[%swap3A_543], %swap3A_546 {strides = array<i32>} : memref<640xi32, #tpu.memory_space<vmem>>, vector<16xi32>,
    %get3A_547 = arith.constant 416 : index
    %get3A_548 = tpu.vector_load %arg6[%get3A_547] {strides = array<i32>} : memref<640xi32, #tpu.memory_space<vmem>>, vector<16xi32>,
    %get3A_549 = vector.shape_cast %get3A_548 : vector<16xi32> to vector<16xi32>
    %max3A_550 = arith.constant 0 : i32
    %max3A_551 = vector.broadcast %max3A_550 : i32 to vector<16xi32>
    %max3A_552 = arith.maxsi %get3A_549, %max3A_551 : vector<16xi32>
    %min3A_553 = arith.constant 79 : i32
    %min3A_554 = vector.broadcast %min3A_553 : i32 to vector<16xi32>
    %min3A_555 = arith.minsi %max3A_552, %min3A_554 : vector<16xi32>
    %add3A_556 = arith.constant 416 : i32
    %add3A_557 = arith.addi %min3A_3, %add3A_556 : i32
    %add3A_558 = vector.broadcast %add3A_557 : i32 to vector<16xi32>
    %add3A_559 = arith.addi %add3A_558, %iota3A : vector<16xi32>
    %mul3A_560 = arith.constant 128 : i32
    %mul3A_561 = vector.broadcast %mul3A_560 : i32 to vector<16xi32>
    %mul3A_562 = arith.muli %add3A_559, %mul3A_561 : vector<16xi32>
    %add3A_563 = arith.addi %mul3A_562, %min3A_555 : vector<16xi32>
    %swap3A_564 = arith.constant 416 : index
    %swap3A_565 = tpu.vector_load %arg8[%swap3A_564] {strides = array<i32>} : memref<640xi32, #tpu.memory_space<vmem>>, vector<16xi32>,
    %swap3A_566 = vector.shape_cast %swap3A_565 : vector<16xi32> to vector<16xi32>
    %swap3A_567 = vector.shape_cast %add3A_563 : vector<16xi32> to vector<16xi32>
    tpu.vector_store %arg8[%swap3A_564], %swap3A_567 {strides = array<i32>} : memref<640xi32, #tpu.memory_space<vmem>>, vector<16xi32>,
    %get3A_568 = arith.constant 432 : index
    %get3A_569 = tpu.vector_load %arg6[%get3A_568] {strides = array<i32>} : memref<640xi32, #tpu.memory_space<vmem>>, vector<16xi32>,
    %get3A_570 = vector.shape_cast %get3A_569 : vector<16xi32> to vector<16xi32>
    %max3A_571 = arith.constant 0 : i32
    %max3A_572 = vector.broadcast %max3A_571 : i32 to vector<16xi32>
    %max3A_573 = arith.maxsi %get3A_570, %max3A_572 : vector<16xi32>
    %min3A_574 = arith.constant 79 : i32
    %min3A_575 = vector.broadcast %min3A_574 : i32 to vector<16xi32>
    %min3A_576 = arith.minsi %max3A_573, %min3A_575 : vector<16xi32>
    %add3A_577 = arith.constant 432 : i32
    %add3A_578 = arith.addi %min3A_3, %add3A_577 : i32
    %add3A_579 = vector.broadcast %add3A_578 : i32 to vector<16xi32>
    %add3A_580 = arith.addi %add3A_579, %iota3A : vector<16xi32>
    %mul3A_581 = arith.constant 128 : i32
    %mul3A_582 = vector.broadcast %mul3A_581 : i32 to vector<16xi32>
    %mul3A_583 = arith.muli %add3A_580, %mul3A_582 : vector<16xi32>
    %add3A_584 = arith.addi %mul3A_583, %min3A_576 : vector<16xi32>
    %swap3A_585 = arith.constant 432 : index
    %swap3A_586 = tpu.vector_load %arg8[%swap3A_585] {strides = array<i32>} : memref<640xi32, #tpu.memory_space<vmem>>, vector<16xi32>,
    %swap3A_587 = vector.shape_cast %swap3A_586 : vector<16xi32> to vector<16xi32>
    %swap3A_588 = vector.shape_cast %add3A_584 : vector<16xi32> to vector<16xi32>
    tpu.vector_store %arg8[%swap3A_585], %swap3A_588 {strides = array<i32>} : memref<640xi32, #tpu.memory_space<vmem>>, vector<16xi32>,
    %get3A_589 = arith.constant 448 : index
    %get3A_590 = tpu.vector_load %arg6[%get3A_589] {strides = array<i32>} : memref<640xi32, #tpu.memory_space<vmem>>, vector<16xi32>,
    %get3A_591 = vector.shape_cast %get3A_590 : vector<16xi32> to vector<16xi32>
    %max3A_592 = arith.constant 0 : i32
    %max3A_593 = vector.broadcast %max3A_592 : i32 to vector<16xi32>
    %max3A_594 = arith.maxsi %get3A_591, %max3A_593 : vector<16xi32>
    %min3A_595 = arith.constant 79 : i32
    %min3A_596 = vector.broadcast %min3A_595 : i32 to vector<16xi32>
    %min3A_597 = arith.minsi %max3A_594, %min3A_596 : vector<16xi32>
    %add3A_598 = arith.constant 448 : i32
    %add3A_599 = arith.addi %min3A_3, %add3A_598 : i32
    %add3A_600 = vector.broadcast %add3A_599 : i32 to vector<16xi32>
    %add3A_601 = arith.addi %add3A_600, %iota3A : vector<16xi32>
    %mul3A_602 = arith.constant 128 : i32
    %mul3A_603 = vector.broadcast %mul3A_602 : i32 to vector<16xi32>
    %mul3A_604 = arith.muli %add3A_601, %mul3A_603 : vector<16xi32>
    %add3A_605 = arith.addi %mul3A_604, %min3A_597 : vector<16xi32>
    %swap3A_606 = arith.constant 448 : index
    %swap3A_607 = tpu.vector_load %arg8[%swap3A_606] {strides = array<i32>} : memref<640xi32, #tpu.memory_space<vmem>>, vector<16xi32>,
    %swap3A_608 = vector.shape_cast %swap3A_607 : vector<16xi32> to vector<16xi32>
    %swap3A_609 = vector.shape_cast %add3A_605 : vector<16xi32> to vector<16xi32>
    tpu.vector_store %arg8[%swap3A_606], %swap3A_609 {strides = array<i32>} : memref<640xi32, #tpu.memory_space<vmem>>, vector<16xi32>,
    %get3A_610 = arith.constant 464 : index
    %get3A_611 = tpu.vector_load %arg6[%get3A_610] {strides = array<i32>} : memref<640xi32, #tpu.memory_space<vmem>>, vector<16xi32>,
    %get3A_612 = vector.shape_cast %get3A_611 : vector<16xi32> to vector<16xi32>
    %max3A_613 = arith.constant 0 : i32
    %max3A_614 = vector.broadcast %max3A_613 : i32 to vector<16xi32>
    %max3A_615 = arith.maxsi %get3A_612, %max3A_614 : vector<16xi32>
    %min3A_616 = arith.constant 79 : i32
    %min3A_617 = vector.broadcast %min3A_616 : i32 to vector<16xi32>
    %min3A_618 = arith.minsi %max3A_615, %min3A_617 : vector<16xi32>
    %add3A_619 = arith.constant 464 : i32
    %add3A_620 = arith.addi %min3A_3, %add3A_619 : i32
    %add3A_621 = vector.broadcast %add3A_620 : i32 to vector<16xi32>
    %add3A_622 = arith.addi %add3A_621, %iota3A : vector<16xi32>
    %mul3A_623 = arith.constant 128 : i32
    %mul3A_624 = vector.broadcast %mul3A_623 : i32 to vector<16xi32>
    %mul3A_625 = arith.muli %add3A_622, %mul3A_624 : vector<16xi32>
    %add3A_626 = arith.addi %mul3A_625, %min3A_618 : vector<16xi32>
    %swap3A_627 = arith.constant 464 : index
    %swap3A_628 = tpu.vector_load %arg8[%swap3A_627] {strides = array<i32>} : memref<640xi32, #tpu.memory_space<vmem>>, vector<16xi32>,
    %swap3A_629 = vector.shape_cast %swap3A_628 : vector<16xi32> to vector<16xi32>
    %swap3A_630 = vector.shape_cast %add3A_626 : vector<16xi32> to vector<16xi32>
    tpu.vector_store %arg8[%swap3A_627], %swap3A_630 {strides = array<i32>} : memref<640xi32, #tpu.memory_space<vmem>>, vector<16xi32>,
    %get3A_631 = arith.constant 480 : index
    %get3A_632 = tpu.vector_load %arg6[%get3A_631] {strides = array<i32>} : memref<640xi32, #tpu.memory_space<vmem>>, vector<16xi32>,
    %get3A_633 = vector.shape_cast %get3A_632 : vector<16xi32> to vector<16xi32>
    %max3A_634 = arith.constant 0 : i32
    %max3A_635 = vector.broadcast %max3A_634 : i32 to vector<16xi32>
    %max3A_636 = arith.maxsi %get3A_633, %max3A_635 : vector<16xi32>
    %min3A_637 = arith.constant 79 : i32
    %min3A_638 = vector.broadcast %min3A_637 : i32 to vector<16xi32>
    %min3A_639 = arith.minsi %max3A_636, %min3A_638 : vector<16xi32>
    %add3A_640 = arith.constant 480 : i32
    %add3A_641 = arith.addi %min3A_3, %add3A_640 : i32
    %add3A_642 = vector.broadcast %add3A_641 : i32 to vector<16xi32>
    %add3A_643 = arith.addi %add3A_642, %iota3A : vector<16xi32>
    %mul3A_644 = arith.constant 128 : i32
    %mul3A_645 = vector.broadcast %mul3A_644 : i32 to vector<16xi32>
    %mul3A_646 = arith.muli %add3A_643, %mul3A_645 : vector<16xi32>
    %add3A_647 = arith.addi %mul3A_646, %min3A_639 : vector<16xi32>
    %swap3A_648 = arith.constant 480 : index
    %swap3A_649 = tpu.vector_load %arg8[%swap3A_648] {strides = array<i32>} : memref<640xi32, #tpu.memory_space<vmem>>, vector<16xi32>,
    %swap3A_650 = vector.shape_cast %swap3A_649 : vector<16xi32> to vector<16xi32>
    %swap3A_651 = vector.shape_cast %add3A_647 : vector<16xi32> to vector<16xi32>
    tpu.vector_store %arg8[%swap3A_648], %swap3A_651 {strides = array<i32>} : memref<640xi32, #tpu.memory_space<vmem>>, vector<16xi32>,
    %get3A_652 = arith.constant 496 : index
    %get3A_653 = tpu.vector_load %arg6[%get3A_652] {strides = array<i32>} : memref<640xi32, #tpu.memory_space<vmem>>, vector<16xi32>,
    %get3A_654 = vector.shape_cast %get3A_653 : vector<16xi32> to vector<16xi32>
    %max3A_655 = arith.constant 0 : i32
    %max3A_656 = vector.broadcast %max3A_655 : i32 to vector<16xi32>
    %max3A_657 = arith.maxsi %get3A_654, %max3A_656 : vector<16xi32>
    %min3A_658 = arith.constant 79 : i32
    %min3A_659 = vector.broadcast %min3A_658 : i32 to vector<16xi32>
    %min3A_660 = arith.minsi %max3A_657, %min3A_659 : vector<16xi32>
    %add3A_661 = arith.constant 496 : i32
    %add3A_662 = arith.addi %min3A_3, %add3A_661 : i32
    %add3A_663 = vector.broadcast %add3A_662 : i32 to vector<16xi32>
    %add3A_664 = arith.addi %add3A_663, %iota3A : vector<16xi32>
    %mul3A_665 = arith.constant 128 : i32
    %mul3A_666 = vector.broadcast %mul3A_665 : i32 to vector<16xi32>
    %mul3A_667 = arith.muli %add3A_664, %mul3A_666 : vector<16xi32>
    %add3A_668 = arith.addi %mul3A_667, %min3A_660 : vector<16xi32>
    %swap3A_669 = arith.constant 496 : index
    %swap3A_670 = tpu.vector_load %arg8[%swap3A_669] {strides = array<i32>} : memref<640xi32, #tpu.memory_space<vmem>>, vector<16xi32>,
    %swap3A_671 = vector.shape_cast %swap3A_670 : vector<16xi32> to vector<16xi32>
    %swap3A_672 = vector.shape_cast %add3A_668 : vector<16xi32> to vector<16xi32>
    tpu.vector_store %arg8[%swap3A_669], %swap3A_672 {strides = array<i32>} : memref<640xi32, #tpu.memory_space<vmem>>, vector<16xi32>,
    %get3A_673 = arith.constant 512 : index
    %get3A_674 = tpu.vector_load %arg6[%get3A_673] {strides = array<i32>} : memref<640xi32, #tpu.memory_space<vmem>>, vector<16xi32>,
    %get3A_675 = vector.shape_cast %get3A_674 : vector<16xi32> to vector<16xi32>
    %max3A_676 = arith.constant 0 : i32
    %max3A_677 = vector.broadcast %max3A_676 : i32 to vector<16xi32>
    %max3A_678 = arith.maxsi %get3A_675, %max3A_677 : vector<16xi32>
    %min3A_679 = arith.constant 79 : i32
    %min3A_680 = vector.broadcast %min3A_679 : i32 to vector<16xi32>
    %min3A_681 = arith.minsi %max3A_678, %min3A_680 : vector<16xi32>
    %add3A_682 = arith.constant 512 : i32
    %add3A_683 = arith.addi %min3A_3, %add3A_682 : i32
    %add3A_684 = vector.broadcast %add3A_683 : i32 to vector<16xi32>
    %add3A_685 = arith.addi %add3A_684, %iota3A : vector<16xi32>
    %mul3A_686 = arith.constant 128 : i32
    %mul3A_687 = vector.broadcast %mul3A_686 : i32 to vector<16xi32>
    %mul3A_688 = arith.muli %add3A_685, %mul3A_687 : vector<16xi32>
    %add3A_689 = arith.addi %mul3A_688, %min3A_681 : vector<16xi32>
    %swap3A_690 = arith.constant 512 : index
    %swap3A_691 = tpu.vector_load %arg8[%swap3A_690] {strides = array<i32>} : memref<640xi32, #tpu.memory_space<vmem>>, vector<16xi32>,
    %swap3A_692 = vector.shape_cast %swap3A_691 : vector<16xi32> to vector<16xi32>
    %swap3A_693 = vector.shape_cast %add3A_689 : vector<16xi32> to vector<16xi32>
    tpu.vector_store %arg8[%swap3A_690], %swap3A_693 {strides = array<i32>} : memref<640xi32, #tpu.memory_space<vmem>>, vector<16xi32>,
    %get3A_694 = arith.constant 528 : index
    %get3A_695 = tpu.vector_load %arg6[%get3A_694] {strides = array<i32>} : memref<640xi32, #tpu.memory_space<vmem>>, vector<16xi32>,
    %get3A_696 = vector.shape_cast %get3A_695 : vector<16xi32> to vector<16xi32>
    %max3A_697 = arith.constant 0 : i32
    %max3A_698 = vector.broadcast %max3A_697 : i32 to vector<16xi32>
    %max3A_699 = arith.maxsi %get3A_696, %max3A_698 : vector<16xi32>
    %min3A_700 = arith.constant 79 : i32
    %min3A_701 = vector.broadcast %min3A_700 : i32 to vector<16xi32>
    %min3A_702 = arith.minsi %max3A_699, %min3A_701 : vector<16xi32>
    %add3A_703 = arith.constant 528 : i32
    %add3A_704 = arith.addi %min3A_3, %add3A_703 : i32
    %add3A_705 = vector.broadcast %add3A_704 : i32 to vector<16xi32>
    %add3A_706 = arith.addi %add3A_705, %iota3A : vector<16xi32>
    %mul3A_707 = arith.constant 128 : i32
    %mul3A_708 = vector.broadcast %mul3A_707 : i32 to vector<16xi32>
    %mul3A_709 = arith.muli %add3A_706, %mul3A_708 : vector<16xi32>
    %add3A_710 = arith.addi %mul3A_709, %min3A_702 : vector<16xi32>
    %swap3A_711 = arith.constant 528 : index
    %swap3A_712 = tpu.vector_load %arg8[%swap3A_711] {strides = array<i32>} : memref<640xi32, #tpu.memory_space<vmem>>, vector<16xi32>,
    %swap3A_713 = vector.shape_cast %swap3A_712 : vector<16xi32> to vector<16xi32>
    %swap3A_714 = vector.shape_cast %add3A_710 : vector<16xi32> to vector<16xi32>
    tpu.vector_store %arg8[%swap3A_711], %swap3A_714 {strides = array<i32>} : memref<640xi32, #tpu.memory_space<vmem>>, vector<16xi32>,
    %get3A_715 = arith.constant 544 : index
    %get3A_716 = tpu.vector_load %arg6[%get3A_715] {strides = array<i32>} : memref<640xi32, #tpu.memory_space<vmem>>, vector<16xi32>,
    %get3A_717 = vector.shape_cast %get3A_716 : vector<16xi32> to vector<16xi32>
    %max3A_718 = arith.constant 0 : i32
    %max3A_719 = vector.broadcast %max3A_718 : i32 to vector<16xi32>
    %max3A_720 = arith.maxsi %get3A_717, %max3A_719 : vector<16xi32>
    %min3A_721 = arith.constant 79 : i32
    %min3A_722 = vector.broadcast %min3A_721 : i32 to vector<16xi32>
    %min3A_723 = arith.minsi %max3A_720, %min3A_722 : vector<16xi32>
    %add3A_724 = arith.constant 544 : i32
    %add3A_725 = arith.addi %min3A_3, %add3A_724 : i32
    %add3A_726 = vector.broadcast %add3A_725 : i32 to vector<16xi32>
    %add3A_727 = arith.addi %add3A_726, %iota3A : vector<16xi32>
    %mul3A_728 = arith.constant 128 : i32
    %mul3A_729 = vector.broadcast %mul3A_728 : i32 to vector<16xi32>
    %mul3A_730 = arith.muli %add3A_727, %mul3A_729 : vector<16xi32>
    %add3A_731 = arith.addi %mul3A_730, %min3A_723 : vector<16xi32>
    %swap3A_732 = arith.constant 544 : index
    %swap3A_733 = tpu.vector_load %arg8[%swap3A_732] {strides = array<i32>} : memref<640xi32, #tpu.memory_space<vmem>>, vector<16xi32>,
    %swap3A_734 = vector.shape_cast %swap3A_733 : vector<16xi32> to vector<16xi32>
    %swap3A_735 = vector.shape_cast %add3A_731 : vector<16xi32> to vector<16xi32>
    tpu.vector_store %arg8[%swap3A_732], %swap3A_735 {strides = array<i32>} : memref<640xi32, #tpu.memory_space<vmem>>, vector<16xi32>,
    %get3A_736 = arith.constant 560 : index
    %get3A_737 = tpu.vector_load %arg6[%get3A_736] {strides = array<i32>} : memref<640xi32, #tpu.memory_space<vmem>>, vector<16xi32>,
    %get3A_738 = vector.shape_cast %get3A_737 : vector<16xi32> to vector<16xi32>
    %max3A_739 = arith.constant 0 : i32
    %max3A_740 = vector.broadcast %max3A_739 : i32 to vector<16xi32>
    %max3A_741 = arith.maxsi %get3A_738, %max3A_740 : vector<16xi32>
    %min3A_742 = arith.constant 79 : i32
    %min3A_743 = vector.broadcast %min3A_742 : i32 to vector<16xi32>
    %min3A_744 = arith.minsi %max3A_741, %min3A_743 : vector<16xi32>
    %add3A_745 = arith.constant 560 : i32
    %add3A_746 = arith.addi %min3A_3, %add3A_745 : i32
    %add3A_747 = vector.broadcast %add3A_746 : i32 to vector<16xi32>
    %add3A_748 = arith.addi %add3A_747, %iota3A : vector<16xi32>
    %mul3A_749 = arith.constant 128 : i32
    %mul3A_750 = vector.broadcast %mul3A_749 : i32 to vector<16xi32>
    %mul3A_751 = arith.muli %add3A_748, %mul3A_750 : vector<16xi32>
    %add3A_752 = arith.addi %mul3A_751, %min3A_744 : vector<16xi32>
    %swap3A_753 = arith.constant 560 : index
    %swap3A_754 = tpu.vector_load %arg8[%swap3A_753] {strides = array<i32>} : memref<640xi32, #tpu.memory_space<vmem>>, vector<16xi32>,
    %swap3A_755 = vector.shape_cast %swap3A_754 : vector<16xi32> to vector<16xi32>
    %swap3A_756 = vector.shape_cast %add3A_752 : vector<16xi32> to vector<16xi32>
    tpu.vector_store %arg8[%swap3A_753], %swap3A_756 {strides = array<i32>} : memref<640xi32, #tpu.memory_space<vmem>>, vector<16xi32>,
    %get3A_757 = arith.constant 576 : index
    %get3A_758 = tpu.vector_load %arg6[%get3A_757] {strides = array<i32>} : memref<640xi32, #tpu.memory_space<vmem>>, vector<16xi32>,
    %get3A_759 = vector.shape_cast %get3A_758 : vector<16xi32> to vector<16xi32>
    %max3A_760 = arith.constant 0 : i32
    %max3A_761 = vector.broadcast %max3A_760 : i32 to vector<16xi32>
    %max3A_762 = arith.maxsi %get3A_759, %max3A_761 : vector<16xi32>
    %min3A_763 = arith.constant 79 : i32
    %min3A_764 = vector.broadcast %min3A_763 : i32 to vector<16xi32>
    %min3A_765 = arith.minsi %max3A_762, %min3A_764 : vector<16xi32>
    %add3A_766 = arith.constant 576 : i32
    %add3A_767 = arith.addi %min3A_3, %add3A_766 : i32
    %add3A_768 = vector.broadcast %add3A_767 : i32 to vector<16xi32>
    %add3A_769 = arith.addi %add3A_768, %iota3A : vector<16xi32>
    %mul3A_770 = arith.constant 128 : i32
    %mul3A_771 = vector.broadcast %mul3A_770 : i32 to vector<16xi32>
    %mul3A_772 = arith.muli %add3A_769, %mul3A_771 : vector<16xi32>
    %add3A_773 = arith.addi %mul3A_772, %min3A_765 : vector<16xi32>
    %swap3A_774 = arith.constant 576 : index
    %swap3A_775 = tpu.vector_load %arg8[%swap3A_774] {strides = array<i32>} : memref<640xi32, #tpu.memory_space<vmem>>, vector<16xi32>,
    %swap3A_776 = vector.shape_cast %swap3A_775 : vector<16xi32> to vector<16xi32>
    %swap3A_777 = vector.shape_cast %add3A_773 : vector<16xi32> to vector<16xi32>
    tpu.vector_store %arg8[%swap3A_774], %swap3A_777 {strides = array<i32>} : memref<640xi32, #tpu.memory_space<vmem>>, vector<16xi32>,
    %get3A_778 = arith.constant 592 : index
    %get3A_779 = tpu.vector_load %arg6[%get3A_778] {strides = array<i32>} : memref<640xi32, #tpu.memory_space<vmem>>, vector<16xi32>,
    %get3A_780 = vector.shape_cast %get3A_779 : vector<16xi32> to vector<16xi32>
    %max3A_781 = arith.constant 0 : i32
    %max3A_782 = vector.broadcast %max3A_781 : i32 to vector<16xi32>
    %max3A_783 = arith.maxsi %get3A_780, %max3A_782 : vector<16xi32>
    %min3A_784 = arith.constant 79 : i32
    %min3A_785 = vector.broadcast %min3A_784 : i32 to vector<16xi32>
    %min3A_786 = arith.minsi %max3A_783, %min3A_785 : vector<16xi32>
    %add3A_787 = arith.constant 592 : i32
    %add3A_788 = arith.addi %min3A_3, %add3A_787 : i32
    %add3A_789 = vector.broadcast %add3A_788 : i32 to vector<16xi32>
    %add3A_790 = arith.addi %add3A_789, %iota3A : vector<16xi32>
    %mul3A_791 = arith.constant 128 : i32
    %mul3A_792 = vector.broadcast %mul3A_791 : i32 to vector<16xi32>
    %mul3A_793 = arith.muli %add3A_790, %mul3A_792 : vector<16xi32>
    %add3A_794 = arith.addi %mul3A_793, %min3A_786 : vector<16xi32>
    %swap3A_795 = arith.constant 592 : index
    %swap3A_796 = tpu.vector_load %arg8[%swap3A_795] {strides = array<i32>} : memref<640xi32, #tpu.memory_space<vmem>>, vector<16xi32>,
    %swap3A_797 = vector.shape_cast %swap3A_796 : vector<16xi32> to vector<16xi32>
    %swap3A_798 = vector.shape_cast %add3A_794 : vector<16xi32> to vector<16xi32>
    tpu.vector_store %arg8[%swap3A_795], %swap3A_798 {strides = array<i32>} : memref<640xi32, #tpu.memory_space<vmem>>, vector<16xi32>,
    %get3A_799 = arith.constant 608 : index
    %get3A_800 = tpu.vector_load %arg6[%get3A_799] {strides = array<i32>} : memref<640xi32, #tpu.memory_space<vmem>>, vector<16xi32>,
    %get3A_801 = vector.shape_cast %get3A_800 : vector<16xi32> to vector<16xi32>
    %max3A_802 = arith.constant 0 : i32
    %max3A_803 = vector.broadcast %max3A_802 : i32 to vector<16xi32>
    %max3A_804 = arith.maxsi %get3A_801, %max3A_803 : vector<16xi32>
    %min3A_805 = arith.constant 79 : i32
    %min3A_806 = vector.broadcast %min3A_805 : i32 to vector<16xi32>
    %min3A_807 = arith.minsi %max3A_804, %min3A_806 : vector<16xi32>
    %add3A_808 = arith.constant 608 : i32
    %add3A_809 = arith.addi %min3A_3, %add3A_808 : i32
    %add3A_810 = vector.broadcast %add3A_809 : i32 to vector<16xi32>
    %add3A_811 = arith.addi %add3A_810, %iota3A : vector<16xi32>
    %mul3A_812 = arith.constant 128 : i32
    %mul3A_813 = vector.broadcast %mul3A_812 : i32 to vector<16xi32>
    %mul3A_814 = arith.muli %add3A_811, %mul3A_813 : vector<16xi32>
    %add3A_815 = arith.addi %mul3A_814, %min3A_807 : vector<16xi32>
    %swap3A_816 = arith.constant 608 : index
    %swap3A_817 = tpu.vector_load %arg8[%swap3A_816] {strides = array<i32>} : memref<640xi32, #tpu.memory_space<vmem>>, vector<16xi32>,
    %swap3A_818 = vector.shape_cast %swap3A_817 : vector<16xi32> to vector<16xi32>
    %swap3A_819 = vector.shape_cast %add3A_815 : vector<16xi32> to vector<16xi32>
    tpu.vector_store %arg8[%swap3A_816], %swap3A_819 {strides = array<i32>} : memref<640xi32, #tpu.memory_space<vmem>>, vector<16xi32>,
    %get3A_820 = arith.constant 624 : index
    %get3A_821 = tpu.vector_load %arg6[%get3A_820] {strides = array<i32>} : memref<640xi32, #tpu.memory_space<vmem>>, vector<16xi32>,
    %get3A_822 = vector.shape_cast %get3A_821 : vector<16xi32> to vector<16xi32>
    %max3A_823 = arith.constant 0 : i32
    %max3A_824 = vector.broadcast %max3A_823 : i32 to vector<16xi32>
    %max3A_825 = arith.maxsi %get3A_822, %max3A_824 : vector<16xi32>
    %min3A_826 = arith.constant 79 : i32
    %min3A_827 = vector.broadcast %min3A_826 : i32 to vector<16xi32>
    %min3A_828 = arith.minsi %max3A_825, %min3A_827 : vector<16xi32>
    %add3A_829 = arith.constant 624 : i32
    %add3A_830 = arith.addi %min3A_3, %add3A_829 : i32
    %add3A_831 = vector.broadcast %add3A_830 : i32 to vector<16xi32>
    %add3A_832 = arith.addi %add3A_831, %iota3A : vector<16xi32>
    %mul3A_833 = arith.constant 128 : i32
    %mul3A_834 = vector.broadcast %mul3A_833 : i32 to vector<16xi32>
    %mul3A_835 = arith.muli %add3A_832, %mul3A_834 : vector<16xi32>
    %add3A_836 = arith.addi %mul3A_835, %min3A_828 : vector<16xi32>
    %swap3A_837 = arith.constant 624 : index
    %swap3A_838 = tpu.vector_load %arg8[%swap3A_837] {strides = array<i32>} : memref<640xi32, #tpu.memory_space<vmem>>, vector<16xi32>,
    %swap3A_839 = vector.shape_cast %swap3A_838 : vector<16xi32> to vector<16xi32>
    %swap3A_840 = vector.shape_cast %add3A_836 : vector<16xi32> to vector<16xi32>
    tpu.vector_store %arg8[%swap3A_837], %swap3A_840 {strides = array<i32>} : memref<640xi32, #tpu.memory_space<vmem>>, vector<16xi32>,
    %dma_start3A = arith.constant 0 : i32
    %dma_start3A_841 = tpu.memref_slice %arg9[%dma_start3A] : memref<640xf32, #tpu.memory_space<vmem>> -> memref<128xf32, #tpu.memory_space<vmem>>
    %dma_start3A_842 = arith.constant 0 : i32
    %dma_start3A_843 = tpu.memref_slice %arg8[%dma_start3A_842] : memref<640xi32, #tpu.memory_space<vmem>> -> memref<128xi32, #tpu.memory_space<vmem>>
    %dma_start3A_844 = arith.constant 0 : i32
    %dma_start3A_845 = tpu.memref_slice %arg2[%dma_start3A_844] : memref<2560000xf32, #tpu.memory_space<hbm>> -> memref<2560000xf32, #tpu.memory_space<hbm>>
    tpu.enqueue_indirect_dma source(%dma_start3A_845 : memref<2560000xf32, #tpu.memory_space<hbm>>) target(%dma_start3A_841 : memref<128xf32, #tpu.memory_space<vmem>>) offsets(%dma_start3A_843 : memref<128xi32, #tpu.memory_space<vmem>>) semaphore(%arg11 : memref<!tpu.dma_semaphore, #tpu.memory_space<semaphore_mem>>)
    %dma_start3A_846 = arith.constant 128 : i32
    %dma_start3A_847 = tpu.memref_slice %arg9[%dma_start3A_846] : memref<640xf32, #tpu.memory_space<vmem>> -> memref<128xf32, #tpu.memory_space<vmem>>
    %dma_start3A_848 = arith.constant 128 : i32
    %dma_start3A_849 = tpu.memref_slice %arg8[%dma_start3A_848] : memref<640xi32, #tpu.memory_space<vmem>> -> memref<128xi32, #tpu.memory_space<vmem>>
    %dma_start3A_850 = arith.constant 0 : i32
    %dma_start3A_851 = tpu.memref_slice %arg2[%dma_start3A_850] : memref<2560000xf32, #tpu.memory_space<hbm>> -> memref<2560000xf32, #tpu.memory_space<hbm>>
    tpu.enqueue_indirect_dma source(%dma_start3A_851 : memref<2560000xf32, #tpu.memory_space<hbm>>) target(%dma_start3A_847 : memref<128xf32, #tpu.memory_space<vmem>>) offsets(%dma_start3A_849 : memref<128xi32, #tpu.memory_space<vmem>>) semaphore(%arg11 : memref<!tpu.dma_semaphore, #tpu.memory_space<semaphore_mem>>)
    %dma_start3A_852 = arith.constant 256 : i32
    %dma_start3A_853 = tpu.memref_slice %arg9[%dma_start3A_852] : memref<640xf32, #tpu.memory_space<vmem>> -> memref<128xf32, #tpu.memory_space<vmem>>
    %dma_start3A_854 = arith.constant 256 : i32
    %dma_start3A_855 = tpu.memref_slice %arg8[%dma_start3A_854] : memref<640xi32, #tpu.memory_space<vmem>> -> memref<128xi32, #tpu.memory_space<vmem>>
    %dma_start3A_856 = arith.constant 0 : i32
    %dma_start3A_857 = tpu.memref_slice %arg2[%dma_start3A_856] : memref<2560000xf32, #tpu.memory_space<hbm>> -> memref<2560000xf32, #tpu.memory_space<hbm>>
    tpu.enqueue_indirect_dma source(%dma_start3A_857 : memref<2560000xf32, #tpu.memory_space<hbm>>) target(%dma_start3A_853 : memref<128xf32, #tpu.memory_space<vmem>>) offsets(%dma_start3A_855 : memref<128xi32, #tpu.memory_space<vmem>>) semaphore(%arg11 : memref<!tpu.dma_semaphore, #tpu.memory_space<semaphore_mem>>)
    %dma_start3A_858 = arith.constant 384 : i32
    %dma_start3A_859 = tpu.memref_slice %arg9[%dma_start3A_858] : memref<640xf32, #tpu.memory_space<vmem>> -> memref<128xf32, #tpu.memory_space<vmem>>
    %dma_start3A_860 = arith.constant 384 : i32
    %dma_start3A_861 = tpu.memref_slice %arg8[%dma_start3A_860] : memref<640xi32, #tpu.memory_space<vmem>> -> memref<128xi32, #tpu.memory_space<vmem>>
    %dma_start3A_862 = arith.constant 0 : i32
    %dma_start3A_863 = tpu.memref_slice %arg2[%dma_start3A_862] : memref<2560000xf32, #tpu.memory_space<hbm>> -> memref<2560000xf32, #tpu.memory_space<hbm>>
    tpu.enqueue_indirect_dma source(%dma_start3A_863 : memref<2560000xf32, #tpu.memory_space<hbm>>) target(%dma_start3A_859 : memref<128xf32, #tpu.memory_space<vmem>>) offsets(%dma_start3A_861 : memref<128xi32, #tpu.memory_space<vmem>>) semaphore(%arg11 : memref<!tpu.dma_semaphore, #tpu.memory_space<semaphore_mem>>)
    %dma_start3A_864 = arith.constant 512 : i32
    %dma_start3A_865 = tpu.memref_slice %arg9[%dma_start3A_864] : memref<640xf32, #tpu.memory_space<vmem>> -> memref<128xf32, #tpu.memory_space<vmem>>
    %dma_start3A_866 = arith.constant 512 : i32
    %dma_start3A_867 = tpu.memref_slice %arg8[%dma_start3A_866] : memref<640xi32, #tpu.memory_space<vmem>> -> memref<128xi32, #tpu.memory_space<vmem>>
    %dma_start3A_868 = arith.constant 0 : i32
    %dma_start3A_869 = tpu.memref_slice %arg2[%dma_start3A_868] : memref<2560000xf32, #tpu.memory_space<hbm>> -> memref<2560000xf32, #tpu.memory_space<hbm>>
    tpu.enqueue_indirect_dma source(%dma_start3A_869 : memref<2560000xf32, #tpu.memory_space<hbm>>) target(%dma_start3A_865 : memref<128xf32, #tpu.memory_space<vmem>>) offsets(%dma_start3A_867 : memref<128xi32, #tpu.memory_space<vmem>>) semaphore(%arg11 : memref<!tpu.dma_semaphore, #tpu.memory_space<semaphore_mem>>)
    %dma_wait3A = arith.constant 0 : i32
    %dma_wait3A_870 = tpu.memref_slice %arg9[%dma_wait3A] : memref<640xf32, #tpu.memory_space<vmem>> -> memref<128xf32, #tpu.memory_space<vmem>>
    %dma_wait3A_871 = arith.constant 0 : i32
    %dma_wait3A_872 = tpu.memref_slice %arg8[%dma_wait3A_871] : memref<640xi32, #tpu.memory_space<vmem>> -> memref<128xi32, #tpu.memory_space<vmem>>
    %dma_wait3A_873 = arith.constant 0 : i32
    %dma_wait3A_874 = tpu.memref_slice %arg2[%dma_wait3A_873] : memref<2560000xf32, #tpu.memory_space<hbm>> -> memref<2560000xf32, #tpu.memory_space<hbm>>
    tpu.wait_indirect_dma semaphore(%arg11 : memref<!tpu.dma_semaphore, #tpu.memory_space<semaphore_mem>>) src(%dma_wait3A_874 : memref<2560000xf32, #tpu.memory_space<hbm>>) dst(%dma_wait3A_870 : memref<128xf32, #tpu.memory_space<vmem>>)
    %dma_wait3A_875 = arith.constant 128 : i32
    %dma_wait3A_876 = tpu.memref_slice %arg9[%dma_wait3A_875] : memref<640xf32, #tpu.memory_space<vmem>> -> memref<128xf32, #tpu.memory_space<vmem>>
    %dma_wait3A_877 = arith.constant 128 : i32
    %dma_wait3A_878 = tpu.memref_slice %arg8[%dma_wait3A_877] : memref<640xi32, #tpu.memory_space<vmem>> -> memref<128xi32, #tpu.memory_space<vmem>>
    %dma_wait3A_879 = arith.constant 0 : i32
    %dma_wait3A_880 = tpu.memref_slice %arg2[%dma_wait3A_879] : memref<2560000xf32, #tpu.memory_space<hbm>> -> memref<2560000xf32, #tpu.memory_space<hbm>>
    tpu.wait_indirect_dma semaphore(%arg11 : memref<!tpu.dma_semaphore, #tpu.memory_space<semaphore_mem>>) src(%dma_wait3A_880 : memref<2560000xf32, #tpu.memory_space<hbm>>) dst(%dma_wait3A_876 : memref<128xf32, #tpu.memory_space<vmem>>)
    %dma_wait3A_881 = arith.constant 256 : i32
    %dma_wait3A_882 = tpu.memref_slice %arg9[%dma_wait3A_881] : memref<640xf32, #tpu.memory_space<vmem>> -> memref<128xf32, #tpu.memory_space<vmem>>
    %dma_wait3A_883 = arith.constant 256 : i32
    %dma_wait3A_884 = tpu.memref_slice %arg8[%dma_wait3A_883] : memref<640xi32, #tpu.memory_space<vmem>> -> memref<128xi32, #tpu.memory_space<vmem>>
    %dma_wait3A_885 = arith.constant 0 : i32
    %dma_wait3A_886 = tpu.memref_slice %arg2[%dma_wait3A_885] : memref<2560000xf32, #tpu.memory_space<hbm>> -> memref<2560000xf32, #tpu.memory_space<hbm>>
    tpu.wait_indirect_dma semaphore(%arg11 : memref<!tpu.dma_semaphore, #tpu.memory_space<semaphore_mem>>) src(%dma_wait3A_886 : memref<2560000xf32, #tpu.memory_space<hbm>>) dst(%dma_wait3A_882 : memref<128xf32, #tpu.memory_space<vmem>>)
    %dma_wait3A_887 = arith.constant 384 : i32
    %dma_wait3A_888 = tpu.memref_slice %arg9[%dma_wait3A_887] : memref<640xf32, #tpu.memory_space<vmem>> -> memref<128xf32, #tpu.memory_space<vmem>>
    %dma_wait3A_889 = arith.constant 384 : i32
    %dma_wait3A_890 = tpu.memref_slice %arg8[%dma_wait3A_889] : memref<640xi32, #tpu.memory_space<vmem>> -> memref<128xi32, #tpu.memory_space<vmem>>
    %dma_wait3A_891 = arith.constant 0 : i32
    %dma_wait3A_892 = tpu.memref_slice %arg2[%dma_wait3A_891] : memref<2560000xf32, #tpu.memory_space<hbm>> -> memref<2560000xf32, #tpu.memory_space<hbm>>
    tpu.wait_indirect_dma semaphore(%arg11 : memref<!tpu.dma_semaphore, #tpu.memory_space<semaphore_mem>>) src(%dma_wait3A_892 : memref<2560000xf32, #tpu.memory_space<hbm>>) dst(%dma_wait3A_888 : memref<128xf32, #tpu.memory_space<vmem>>)
    %dma_wait3A_893 = arith.constant 512 : i32
    %dma_wait3A_894 = tpu.memref_slice %arg9[%dma_wait3A_893] : memref<640xf32, #tpu.memory_space<vmem>> -> memref<128xf32, #tpu.memory_space<vmem>>
    %dma_wait3A_895 = arith.constant 512 : i32
    %dma_wait3A_896 = tpu.memref_slice %arg8[%dma_wait3A_895] : memref<640xi32, #tpu.memory_space<vmem>> -> memref<128xi32, #tpu.memory_space<vmem>>
    %dma_wait3A_897 = arith.constant 0 : i32
    %dma_wait3A_898 = tpu.memref_slice %arg2[%dma_wait3A_897] : memref<2560000xf32, #tpu.memory_space<hbm>> -> memref<2560000xf32, #tpu.memory_space<hbm>>
    tpu.wait_indirect_dma semaphore(%arg11 : memref<!tpu.dma_semaphore, #tpu.memory_space<semaphore_mem>>) src(%dma_wait3A_898 : memref<2560000xf32, #tpu.memory_space<hbm>>) dst(%dma_wait3A_894 : memref<128xf32, #tpu.memory_space<vmem>>)
    %broadcast_in_dim3A = arith.constant 0.000000e+00 : f32
    %broadcast_in_dim3A_899 = vector.broadcast %broadcast_in_dim3A : f32 to vector<16xf32>
    %get3A_900 = arith.constant 0 : index
    %get3A_901 = tpu.vector_load %arg6[%get3A_900] {strides = array<i32>} : memref<640xi32, #tpu.memory_space<vmem>>, vector<16xi32>,
    %get3A_902 = vector.shape_cast %get3A_901 : vector<16xi32> to vector<16xi32>
    %get3A_903 = arith.constant 0 : index
    %get3A_904 = tpu.vector_load %arg7[%get3A_903] {strides = array<i32>} : memref<640xf32, #tpu.memory_space<vmem>>, vector<16xf32>,
    %get3A_905 = vector.shape_cast %get3A_904 : vector<16xf32> to vector<16xf32>
    %get3A_906 = arith.constant 0 : index
    %get3A_907 = tpu.vector_load %arg9[%get3A_906] {strides = array<i32>} : memref<640xf32, #tpu.memory_space<vmem>>, vector<16xf32>,
    %get3A_908 = vector.shape_cast %get3A_907 : vector<16xf32> to vector<16xf32>
    %add3A_909 = arith.constant 0 : i32
    %add3A_910 = arith.addi %min3A_3, %add3A_909 : i32
    %add3A_911 = vector.broadcast %add3A_910 : i32 to vector<16xi32>
    %add3A_912 = arith.addi %add3A_911, %iota3A : vector<16xi32>
    %ge3A = vector.broadcast %mul3A_2 : i32 to vector<16xi32>
    %ge3A_913 = arith.cmpi sge, %add3A_912, %ge3A : vector<16xi32>
    %ge3A_914 = arith.constant 0 : i32
    %ge3A_915 = vector.broadcast %ge3A_914 : i32 to vector<16xi32>
    %ge3A_916 = arith.cmpi sge, %get3A_902, %ge3A_915 : vector<16xi32>
    %lt3A = arith.constant 80 : i32
    %lt3A_917 = vector.broadcast %lt3A : i32 to vector<16xi32>
    %lt3A_918 = arith.cmpi slt, %get3A_902, %lt3A_917 : vector<16xi32>
    %and3A = arith.andi %ge3A_916, %lt3A_918 : vector<16xi1>
    %and3A_919 = arith.andi %and3A, %ge3A_913 : vector<16xi1>
    %abs3A = math.absf %get3A_908 : vector<16xf32>
    %neg3A = arith.constant 0.000000e+00 : f32
    %neg3A_920 = vector.broadcast %neg3A : f32 to vector<16xf32>
    %neg3A_921 = arith.subf %neg3A_920, %abs3A : vector<16xf32>
    %exp3A = math.exp %neg3A_921 : vector<16xf32>
    %add3A_922 = arith.constant 2.000000e+00 : f32
    %add3A_923 = vector.broadcast %add3A_922 : f32 to vector<16xf32>
    %add3A_924 = arith.addf %exp3A, %add3A_923 : vector<16xf32>
    %div3A = arith.divf %exp3A, %add3A_924 : vector<16xf32>
    %mul3A_925 = arith.mulf %div3A, %div3A : vector<16xf32>
    %mul3A_926 = arith.constant 2.000000e+00 : f32
    %mul3A_927 = vector.broadcast %mul3A_926 : f32 to vector<16xf32>
    %mul3A_928 = arith.mulf %mul3A_927, %div3A : vector<16xf32>
    %div3A_929 = arith.constant 9.000000e+00 : f32
    %div3A_930 = vector.broadcast %div3A_929 : f32 to vector<16xf32>
    %div3A_931 = arith.divf %mul3A_925, %div3A_930 : vector<16xf32>
    %add3A_932 = arith.constant 0.142857149 : f32
    %add3A_933 = vector.broadcast %add3A_932 : f32 to vector<16xf32>
    %add3A_934 = arith.addf %add3A_933, %div3A_931 : vector<16xf32>
    %mul3A_935 = arith.mulf %mul3A_925, %add3A_934 : vector<16xf32>
    %add3A_936 = arith.constant 2.000000e-01 : f32
    %add3A_937 = vector.broadcast %add3A_936 : f32 to vector<16xf32>
    %add3A_938 = arith.addf %add3A_937, %mul3A_935 : vector<16xf32>
    %mul3A_939 = arith.mulf %mul3A_925, %add3A_938 : vector<16xf32>
    %add3A_940 = arith.constant 0.333333343 : f32
    %add3A_941 = vector.broadcast %add3A_940 : f32 to vector<16xf32>
    %add3A_942 = arith.addf %add3A_941, %mul3A_939 : vector<16xf32>
    %mul3A_943 = arith.mulf %mul3A_925, %add3A_942 : vector<16xf32>
    %add3A_944 = arith.constant 1.000000e+00 : f32
    %add3A_945 = vector.broadcast %add3A_944 : f32 to vector<16xf32>
    %add3A_946 = arith.addf %add3A_945, %mul3A_943 : vector<16xf32>
    %mul3A_947 = arith.mulf %mul3A_928, %add3A_946 : vector<16xf32>
    %max3A_948 = arith.constant 0.000000e+00 : f32
    %max3A_949 = vector.broadcast %max3A_948 : f32 to vector<16xf32>
    %max3A_950 = arith.maximumf %get3A_908, %max3A_949 : vector<16xf32>
    %add3A_951 = arith.addf %max3A_950, %mul3A_947 : vector<16xf32>
    %add3A_952 = arith.constant 1.000000e+00 : f32
    %add3A_953 = vector.broadcast %add3A_952 : f32 to vector<16xf32>
    %add3A_954 = arith.addf %add3A_953, %exp3A : vector<16xf32>
    %div3A_955 = arith.constant 1.000000e+00 : f32
    %div3A_956 = vector.broadcast %div3A_955 : f32 to vector<16xf32>
    %div3A_957 = arith.divf %div3A_956, %add3A_954 : vector<16xf32>
    %ge3A_958 = arith.constant 0.000000e+00 : f32
    %ge3A_959 = vector.broadcast %ge3A_958 : f32 to vector<16xf32>
    %ge3A_960 = arith.cmpf oge, %get3A_908, %ge3A_959 : vector<16xf32>
    %sub3A = arith.constant 1.000000e+00 : f32
    %sub3A_961 = vector.broadcast %sub3A : f32 to vector<16xf32>
    %sub3A_962 = arith.subf %sub3A_961, %div3A_957 : vector<16xf32>
    %select_n3A = arith.select %ge3A_960, %div3A_957, %sub3A_962 : vector<16xi1>, vector<16xf32>
    %mul3A_963 = arith.mulf %add3A_951, %select_n3A : vector<16xf32>
    %mul3A_964 = arith.mulf %mul3A_963, %select_n3A : vector<16xf32>
    %sub3A_965 = arith.subf %get3A_905, %select_n3A : vector<16xf32>
    %abs3A_966 = math.absf %sub3A_965 : vector<16xf32>
    %mul3A_967 = arith.mulf %get3A_905, %get3A_908 : vector<16xf32>
    %sub3A_968 = arith.subf %add3A_951, %mul3A_967 : vector<16xf32>
    %mul3A_969 = arith.mulf %sub3A_968, %abs3A_966 : vector<16xf32>
    %mul3A_970 = arith.mulf %mul3A_969, %abs3A_966 : vector<16xf32>
    %sub3A_971 = arith.subf %mul3A_970, %mul3A_964 : vector<16xf32>
    %jit3A = arith.constant 0.000000e+00 : f32
    %broadcast_in_dim3A_972 = vector.broadcast %jit3A : f32 to vector<16xf32>
    %select_n3A_973 = arith.select %and3A_919, %sub3A_971, %broadcast_in_dim3A_972 : vector<16xi1>, vector<16xf32>
    %add3A_974 = arith.addf %broadcast_in_dim3A_899, %select_n3A_973 : vector<16xf32>
    %get3A_975 = arith.constant 16 : index
    %get3A_976 = tpu.vector_load %arg6[%get3A_975] {strides = array<i32>} : memref<640xi32, #tpu.memory_space<vmem>>, vector<16xi32>,
    %get3A_977 = vector.shape_cast %get3A_976 : vector<16xi32> to vector<16xi32>
    %get3A_978 = arith.constant 16 : index
    %get3A_979 = tpu.vector_load %arg7[%get3A_978] {strides = array<i32>} : memref<640xf32, #tpu.memory_space<vmem>>, vector<16xf32>,
    %get3A_980 = vector.shape_cast %get3A_979 : vector<16xf32> to vector<16xf32>
    %get3A_981 = arith.constant 16 : index
    %get3A_982 = tpu.vector_load %arg9[%get3A_981] {strides = array<i32>} : memref<640xf32, #tpu.memory_space<vmem>>, vector<16xf32>,
    %get3A_983 = vector.shape_cast %get3A_982 : vector<16xf32> to vector<16xf32>
    %add3A_984 = arith.constant 16 : i32
    %add3A_985 = arith.addi %min3A_3, %add3A_984 : i32
    %add3A_986 = vector.broadcast %add3A_985 : i32 to vector<16xi32>
    %add3A_987 = arith.addi %add3A_986, %iota3A : vector<16xi32>
    %ge3A_988 = vector.broadcast %mul3A_2 : i32 to vector<16xi32>
    %ge3A_989 = arith.cmpi sge, %add3A_987, %ge3A_988 : vector<16xi32>
    %ge3A_990 = arith.constant 0 : i32
    %ge3A_991 = vector.broadcast %ge3A_990 : i32 to vector<16xi32>
    %ge3A_992 = arith.cmpi sge, %get3A_977, %ge3A_991 : vector<16xi32>
    %lt3A_993 = arith.constant 80 : i32
    %lt3A_994 = vector.broadcast %lt3A_993 : i32 to vector<16xi32>
    %lt3A_995 = arith.cmpi slt, %get3A_977, %lt3A_994 : vector<16xi32>
    %and3A_996 = arith.andi %ge3A_992, %lt3A_995 : vector<16xi1>
    %and3A_997 = arith.andi %and3A_996, %ge3A_989 : vector<16xi1>
    %abs3A_998 = math.absf %get3A_983 : vector<16xf32>
    %neg3A_999 = arith.constant 0.000000e+00 : f32
    %neg3A_1000 = vector.broadcast %neg3A_999 : f32 to vector<16xf32>
    %neg3A_1001 = arith.subf %neg3A_1000, %abs3A_998 : vector<16xf32>
    %exp3A_1002 = math.exp %neg3A_1001 : vector<16xf32>
    %add3A_1003 = arith.constant 2.000000e+00 : f32
    %add3A_1004 = vector.broadcast %add3A_1003 : f32 to vector<16xf32>
    %add3A_1005 = arith.addf %exp3A_1002, %add3A_1004 : vector<16xf32>
    %div3A_1006 = arith.divf %exp3A_1002, %add3A_1005 : vector<16xf32>
    %mul3A_1007 = arith.mulf %div3A_1006, %div3A_1006 : vector<16xf32>
    %mul3A_1008 = arith.constant 2.000000e+00 : f32
    %mul3A_1009 = vector.broadcast %mul3A_1008 : f32 to vector<16xf32>
    %mul3A_1010 = arith.mulf %mul3A_1009, %div3A_1006 : vector<16xf32>
    %div3A_1011 = arith.constant 9.000000e+00 : f32
    %div3A_1012 = vector.broadcast %div3A_1011 : f32 to vector<16xf32>
    %div3A_1013 = arith.divf %mul3A_1007, %div3A_1012 : vector<16xf32>
    %add3A_1014 = arith.constant 0.142857149 : f32
    %add3A_1015 = vector.broadcast %add3A_1014 : f32 to vector<16xf32>
    %add3A_1016 = arith.addf %add3A_1015, %div3A_1013 : vector<16xf32>
    %mul3A_1017 = arith.mulf %mul3A_1007, %add3A_1016 : vector<16xf32>
    %add3A_1018 = arith.constant 2.000000e-01 : f32
    %add3A_1019 = vector.broadcast %add3A_1018 : f32 to vector<16xf32>
    %add3A_1020 = arith.addf %add3A_1019, %mul3A_1017 : vector<16xf32>
    %mul3A_1021 = arith.mulf %mul3A_1007, %add3A_1020 : vector<16xf32>
    %add3A_1022 = arith.constant 0.333333343 : f32
    %add3A_1023 = vector.broadcast %add3A_1022 : f32 to vector<16xf32>
    %add3A_1024 = arith.addf %add3A_1023, %mul3A_1021 : vector<16xf32>
    %mul3A_1025 = arith.mulf %mul3A_1007, %add3A_1024 : vector<16xf32>
    %add3A_1026 = arith.constant 1.000000e+00 : f32
    %add3A_1027 = vector.broadcast %add3A_1026 : f32 to vector<16xf32>
    %add3A_1028 = arith.addf %add3A_1027, %mul3A_1025 : vector<16xf32>
    %mul3A_1029 = arith.mulf %mul3A_1010, %add3A_1028 : vector<16xf32>
    %max3A_1030 = arith.constant 0.000000e+00 : f32
    %max3A_1031 = vector.broadcast %max3A_1030 : f32 to vector<16xf32>
    %max3A_1032 = arith.maximumf %get3A_983, %max3A_1031 : vector<16xf32>
    %add3A_1033 = arith.addf %max3A_1032, %mul3A_1029 : vector<16xf32>
    %add3A_1034 = arith.constant 1.000000e+00 : f32
    %add3A_1035 = vector.broadcast %add3A_1034 : f32 to vector<16xf32>
    %add3A_1036 = arith.addf %add3A_1035, %exp3A_1002 : vector<16xf32>
    %div3A_1037 = arith.constant 1.000000e+00 : f32
    %div3A_1038 = vector.broadcast %div3A_1037 : f32 to vector<16xf32>
    %div3A_1039 = arith.divf %div3A_1038, %add3A_1036 : vector<16xf32>
    %ge3A_1040 = arith.constant 0.000000e+00 : f32
    %ge3A_1041 = vector.broadcast %ge3A_1040 : f32 to vector<16xf32>
    %ge3A_1042 = arith.cmpf oge, %get3A_983, %ge3A_1041 : vector<16xf32>
    %sub3A_1043 = arith.constant 1.000000e+00 : f32
    %sub3A_1044 = vector.broadcast %sub3A_1043 : f32 to vector<16xf32>
    %sub3A_1045 = arith.subf %sub3A_1044, %div3A_1039 : vector<16xf32>
    %select_n3A_1046 = arith.select %ge3A_1042, %div3A_1039, %sub3A_1045 : vector<16xi1>, vector<16xf32>
    %mul3A_1047 = arith.mulf %add3A_1033, %select_n3A_1046 : vector<16xf32>
    %mul3A_1048 = arith.mulf %mul3A_1047, %select_n3A_1046 : vector<16xf32>
    %sub3A_1049 = arith.subf %get3A_980, %select_n3A_1046 : vector<16xf32>
    %abs3A_1050 = math.absf %sub3A_1049 : vector<16xf32>
    %mul3A_1051 = arith.mulf %get3A_980, %get3A_983 : vector<16xf32>
    %sub3A_1052 = arith.subf %add3A_1033, %mul3A_1051 : vector<16xf32>
    %mul3A_1053 = arith.mulf %sub3A_1052, %abs3A_1050 : vector<16xf32>
    %mul3A_1054 = arith.mulf %mul3A_1053, %abs3A_1050 : vector<16xf32>
    %sub3A_1055 = arith.subf %mul3A_1054, %mul3A_1048 : vector<16xf32>
    %jit3A_1056 = arith.constant 0.000000e+00 : f32
    %broadcast_in_dim3A_1057 = vector.broadcast %jit3A_1056 : f32 to vector<16xf32>
    %select_n3A_1058 = arith.select %and3A_997, %sub3A_1055, %broadcast_in_dim3A_1057 : vector<16xi1>, vector<16xf32>
    %add3A_1059 = arith.addf %add3A_974, %select_n3A_1058 : vector<16xf32>
    %get3A_1060 = arith.constant 32 : index
    %get3A_1061 = tpu.vector_load %arg6[%get3A_1060] {strides = array<i32>} : memref<640xi32, #tpu.memory_space<vmem>>, vector<16xi32>,
    %get3A_1062 = vector.shape_cast %get3A_1061 : vector<16xi32> to vector<16xi32>
    %get3A_1063 = arith.constant 32 : index
    %get3A_1064 = tpu.vector_load %arg7[%get3A_1063] {strides = array<i32>} : memref<640xf32, #tpu.memory_space<vmem>>, vector<16xf32>,
    %get3A_1065 = vector.shape_cast %get3A_1064 : vector<16xf32> to vector<16xf32>
    %get3A_1066 = arith.constant 32 : index
    %get3A_1067 = tpu.vector_load %arg9[%get3A_1066] {strides = array<i32>} : memref<640xf32, #tpu.memory_space<vmem>>, vector<16xf32>,
    %get3A_1068 = vector.shape_cast %get3A_1067 : vector<16xf32> to vector<16xf32>
    %add3A_1069 = arith.constant 32 : i32
    %add3A_1070 = arith.addi %min3A_3, %add3A_1069 : i32
    %add3A_1071 = vector.broadcast %add3A_1070 : i32 to vector<16xi32>
    %add3A_1072 = arith.addi %add3A_1071, %iota3A : vector<16xi32>
    %ge3A_1073 = vector.broadcast %mul3A_2 : i32 to vector<16xi32>
    %ge3A_1074 = arith.cmpi sge, %add3A_1072, %ge3A_1073 : vector<16xi32>
    %ge3A_1075 = arith.constant 0 : i32
    %ge3A_1076 = vector.broadcast %ge3A_1075 : i32 to vector<16xi32>
    %ge3A_1077 = arith.cmpi sge, %get3A_1062, %ge3A_1076 : vector<16xi32>
    %lt3A_1078 = arith.constant 80 : i32
    %lt3A_1079 = vector.broadcast %lt3A_1078 : i32 to vector<16xi32>
    %lt3A_1080 = arith.cmpi slt, %get3A_1062, %lt3A_1079 : vector<16xi32>
    %and3A_1081 = arith.andi %ge3A_1077, %lt3A_1080 : vector<16xi1>
    %and3A_1082 = arith.andi %and3A_1081, %ge3A_1074 : vector<16xi1>
    %abs3A_1083 = math.absf %get3A_1068 : vector<16xf32>
    %neg3A_1084 = arith.constant 0.000000e+00 : f32
    %neg3A_1085 = vector.broadcast %neg3A_1084 : f32 to vector<16xf32>
    %neg3A_1086 = arith.subf %neg3A_1085, %abs3A_1083 : vector<16xf32>
    %exp3A_1087 = math.exp %neg3A_1086 : vector<16xf32>
    %add3A_1088 = arith.constant 2.000000e+00 : f32
    %add3A_1089 = vector.broadcast %add3A_1088 : f32 to vector<16xf32>
    %add3A_1090 = arith.addf %exp3A_1087, %add3A_1089 : vector<16xf32>
    %div3A_1091 = arith.divf %exp3A_1087, %add3A_1090 : vector<16xf32>
    %mul3A_1092 = arith.mulf %div3A_1091, %div3A_1091 : vector<16xf32>
    %mul3A_1093 = arith.constant 2.000000e+00 : f32
    %mul3A_1094 = vector.broadcast %mul3A_1093 : f32 to vector<16xf32>
    %mul3A_1095 = arith.mulf %mul3A_1094, %div3A_1091 : vector<16xf32>
    %div3A_1096 = arith.constant 9.000000e+00 : f32
    %div3A_1097 = vector.broadcast %div3A_1096 : f32 to vector<16xf32>
    %div3A_1098 = arith.divf %mul3A_1092, %div3A_1097 : vector<16xf32>
    %add3A_1099 = arith.constant 0.142857149 : f32
    %add3A_1100 = vector.broadcast %add3A_1099 : f32 to vector<16xf32>
    %add3A_1101 = arith.addf %add3A_1100, %div3A_1098 : vector<16xf32>
    %mul3A_1102 = arith.mulf %mul3A_1092, %add3A_1101 : vector<16xf32>
    %add3A_1103 = arith.constant 2.000000e-01 : f32
    %add3A_1104 = vector.broadcast %add3A_1103 : f32 to vector<16xf32>
    %add3A_1105 = arith.addf %add3A_1104, %mul3A_1102 : vector<16xf32>
    %mul3A_1106 = arith.mulf %mul3A_1092, %add3A_1105 : vector<16xf32>
    %add3A_1107 = arith.constant 0.333333343 : f32
    %add3A_1108 = vector.broadcast %add3A_1107 : f32 to vector<16xf32>
    %add3A_1109 = arith.addf %add3A_1108, %mul3A_1106 : vector<16xf32>
    %mul3A_1110 = arith.mulf %mul3A_1092, %add3A_1109 : vector<16xf32>
    %add3A_1111 = arith.constant 1.000000e+00 : f32
    %add3A_1112 = vector.broadcast %add3A_1111 : f32 to vector<16xf32>
    %add3A_1113 = arith.addf %add3A_1112, %mul3A_1110 : vector<16xf32>
    %mul3A_1114 = arith.mulf %mul3A_1095, %add3A_1113 : vector<16xf32>
    %max3A_1115 = arith.constant 0.000000e+00 : f32
    %max3A_1116 = vector.broadcast %max3A_1115 : f32 to vector<16xf32>
    %max3A_1117 = arith.maximumf %get3A_1068, %max3A_1116 : vector<16xf32>
    %add3A_1118 = arith.addf %max3A_1117, %mul3A_1114 : vector<16xf32>
    %add3A_1119 = arith.constant 1.000000e+00 : f32
    %add3A_1120 = vector.broadcast %add3A_1119 : f32 to vector<16xf32>
    %add3A_1121 = arith.addf %add3A_1120, %exp3A_1087 : vector<16xf32>
    %div3A_1122 = arith.constant 1.000000e+00 : f32
    %div3A_1123 = vector.broadcast %div3A_1122 : f32 to vector<16xf32>
    %div3A_1124 = arith.divf %div3A_1123, %add3A_1121 : vector<16xf32>
    %ge3A_1125 = arith.constant 0.000000e+00 : f32
    %ge3A_1126 = vector.broadcast %ge3A_1125 : f32 to vector<16xf32>
    %ge3A_1127 = arith.cmpf oge, %get3A_1068, %ge3A_1126 : vector<16xf32>
    %sub3A_1128 = arith.constant 1.000000e+00 : f32
    %sub3A_1129 = vector.broadcast %sub3A_1128 : f32 to vector<16xf32>
    %sub3A_1130 = arith.subf %sub3A_1129, %div3A_1124 : vector<16xf32>
    %select_n3A_1131 = arith.select %ge3A_1127, %div3A_1124, %sub3A_1130 : vector<16xi1>, vector<16xf32>
    %mul3A_1132 = arith.mulf %add3A_1118, %select_n3A_1131 : vector<16xf32>
    %mul3A_1133 = arith.mulf %mul3A_1132, %select_n3A_1131 : vector<16xf32>
    %sub3A_1134 = arith.subf %get3A_1065, %select_n3A_1131 : vector<16xf32>
    %abs3A_1135 = math.absf %sub3A_1134 : vector<16xf32>
    %mul3A_1136 = arith.mulf %get3A_1065, %get3A_1068 : vector<16xf32>
    %sub3A_1137 = arith.subf %add3A_1118, %mul3A_1136 : vector<16xf32>
    %mul3A_1138 = arith.mulf %sub3A_1137, %abs3A_1135 : vector<16xf32>
    %mul3A_1139 = arith.mulf %mul3A_1138, %abs3A_1135 : vector<16xf32>
    %sub3A_1140 = arith.subf %mul3A_1139, %mul3A_1133 : vector<16xf32>
    %jit3A_1141 = arith.constant 0.000000e+00 : f32
    %broadcast_in_dim3A_1142 = vector.broadcast %jit3A_1141 : f32 to vector<16xf32>
    %select_n3A_1143 = arith.select %and3A_1082, %sub3A_1140, %broadcast_in_dim3A_1142 : vector<16xi1>, vector<16xf32>
    %add3A_1144 = arith.addf %add3A_1059, %select_n3A_1143 : vector<16xf32>
    %get3A_1145 = arith.constant 48 : index
    %get3A_1146 = tpu.vector_load %arg6[%get3A_1145] {strides = array<i32>} : memref<640xi32, #tpu.memory_space<vmem>>, vector<16xi32>,
    %get3A_1147 = vector.shape_cast %get3A_1146 : vector<16xi32> to vector<16xi32>
    %get3A_1148 = arith.constant 48 : index
    %get3A_1149 = tpu.vector_load %arg7[%get3A_1148] {strides = array<i32>} : memref<640xf32, #tpu.memory_space<vmem>>, vector<16xf32>,
    %get3A_1150 = vector.shape_cast %get3A_1149 : vector<16xf32> to vector<16xf32>
    %get3A_1151 = arith.constant 48 : index
    %get3A_1152 = tpu.vector_load %arg9[%get3A_1151] {strides = array<i32>} : memref<640xf32, #tpu.memory_space<vmem>>, vector<16xf32>,
    %get3A_1153 = vector.shape_cast %get3A_1152 : vector<16xf32> to vector<16xf32>
    %add3A_1154 = arith.constant 48 : i32
    %add3A_1155 = arith.addi %min3A_3, %add3A_1154 : i32
    %add3A_1156 = vector.broadcast %add3A_1155 : i32 to vector<16xi32>
    %add3A_1157 = arith.addi %add3A_1156, %iota3A : vector<16xi32>
    %ge3A_1158 = vector.broadcast %mul3A_2 : i32 to vector<16xi32>
    %ge3A_1159 = arith.cmpi sge, %add3A_1157, %ge3A_1158 : vector<16xi32>
    %ge3A_1160 = arith.constant 0 : i32
    %ge3A_1161 = vector.broadcast %ge3A_1160 : i32 to vector<16xi32>
    %ge3A_1162 = arith.cmpi sge, %get3A_1147, %ge3A_1161 : vector<16xi32>
    %lt3A_1163 = arith.constant 80 : i32
    %lt3A_1164 = vector.broadcast %lt3A_1163 : i32 to vector<16xi32>
    %lt3A_1165 = arith.cmpi slt, %get3A_1147, %lt3A_1164 : vector<16xi32>
    %and3A_1166 = arith.andi %ge3A_1162, %lt3A_1165 : vector<16xi1>
    %and3A_1167 = arith.andi %and3A_1166, %ge3A_1159 : vector<16xi1>
    %abs3A_1168 = math.absf %get3A_1153 : vector<16xf32>
    %neg3A_1169 = arith.constant 0.000000e+00 : f32
    %neg3A_1170 = vector.broadcast %neg3A_1169 : f32 to vector<16xf32>
    %neg3A_1171 = arith.subf %neg3A_1170, %abs3A_1168 : vector<16xf32>
    %exp3A_1172 = math.exp %neg3A_1171 : vector<16xf32>
    %add3A_1173 = arith.constant 2.000000e+00 : f32
    %add3A_1174 = vector.broadcast %add3A_1173 : f32 to vector<16xf32>
    %add3A_1175 = arith.addf %exp3A_1172, %add3A_1174 : vector<16xf32>
    %div3A_1176 = arith.divf %exp3A_1172, %add3A_1175 : vector<16xf32>
    %mul3A_1177 = arith.mulf %div3A_1176, %div3A_1176 : vector<16xf32>
    %mul3A_1178 = arith.constant 2.000000e+00 : f32
    %mul3A_1179 = vector.broadcast %mul3A_1178 : f32 to vector<16xf32>
    %mul3A_1180 = arith.mulf %mul3A_1179, %div3A_1176 : vector<16xf32>
    %div3A_1181 = arith.constant 9.000000e+00 : f32
    %div3A_1182 = vector.broadcast %div3A_1181 : f32 to vector<16xf32>
    %div3A_1183 = arith.divf %mul3A_1177, %div3A_1182 : vector<16xf32>
    %add3A_1184 = arith.constant 0.142857149 : f32
    %add3A_1185 = vector.broadcast %add3A_1184 : f32 to vector<16xf32>
    %add3A_1186 = arith.addf %add3A_1185, %div3A_1183 : vector<16xf32>
    %mul3A_1187 = arith.mulf %mul3A_1177, %add3A_1186 : vector<16xf32>
    %add3A_1188 = arith.constant 2.000000e-01 : f32
    %add3A_1189 = vector.broadcast %add3A_1188 : f32 to vector<16xf32>
    %add3A_1190 = arith.addf %add3A_1189, %mul3A_1187 : vector<16xf32>
    %mul3A_1191 = arith.mulf %mul3A_1177, %add3A_1190 : vector<16xf32>
    %add3A_1192 = arith.constant 0.333333343 : f32
    %add3A_1193 = vector.broadcast %add3A_1192 : f32 to vector<16xf32>
    %add3A_1194 = arith.addf %add3A_1193, %mul3A_1191 : vector<16xf32>
    %mul3A_1195 = arith.mulf %mul3A_1177, %add3A_1194 : vector<16xf32>
    %add3A_1196 = arith.constant 1.000000e+00 : f32
    %add3A_1197 = vector.broadcast %add3A_1196 : f32 to vector<16xf32>
    %add3A_1198 = arith.addf %add3A_1197, %mul3A_1195 : vector<16xf32>
    %mul3A_1199 = arith.mulf %mul3A_1180, %add3A_1198 : vector<16xf32>
    %max3A_1200 = arith.constant 0.000000e+00 : f32
    %max3A_1201 = vector.broadcast %max3A_1200 : f32 to vector<16xf32>
    %max3A_1202 = arith.maximumf %get3A_1153, %max3A_1201 : vector<16xf32>
    %add3A_1203 = arith.addf %max3A_1202, %mul3A_1199 : vector<16xf32>
    %add3A_1204 = arith.constant 1.000000e+00 : f32
    %add3A_1205 = vector.broadcast %add3A_1204 : f32 to vector<16xf32>
    %add3A_1206 = arith.addf %add3A_1205, %exp3A_1172 : vector<16xf32>
    %div3A_1207 = arith.constant 1.000000e+00 : f32
    %div3A_1208 = vector.broadcast %div3A_1207 : f32 to vector<16xf32>
    %div3A_1209 = arith.divf %div3A_1208, %add3A_1206 : vector<16xf32>
    %ge3A_1210 = arith.constant 0.000000e+00 : f32
    %ge3A_1211 = vector.broadcast %ge3A_1210 : f32 to vector<16xf32>
    %ge3A_1212 = arith.cmpf oge, %get3A_1153, %ge3A_1211 : vector<16xf32>
    %sub3A_1213 = arith.constant 1.000000e+00 : f32
    %sub3A_1214 = vector.broadcast %sub3A_1213 : f32 to vector<16xf32>
    %sub3A_1215 = arith.subf %sub3A_1214, %div3A_1209 : vector<16xf32>
    %select_n3A_1216 = arith.select %ge3A_1212, %div3A_1209, %sub3A_1215 : vector<16xi1>, vector<16xf32>
    %mul3A_1217 = arith.mulf %add3A_1203, %select_n3A_1216 : vector<16xf32>
    %mul3A_1218 = arith.mulf %mul3A_1217, %select_n3A_1216 : vector<16xf32>
    %sub3A_1219 = arith.subf %get3A_1150, %select_n3A_1216 : vector<16xf32>
    %abs3A_1220 = math.absf %sub3A_1219 : vector<16xf32>
    %mul3A_1221 = arith.mulf %get3A_1150, %get3A_1153 : vector<16xf32>
    %sub3A_1222 = arith.subf %add3A_1203, %mul3A_1221 : vector<16xf32>
    %mul3A_1223 = arith.mulf %sub3A_1222, %abs3A_1220 : vector<16xf32>
    %mul3A_1224 = arith.mulf %mul3A_1223, %abs3A_1220 : vector<16xf32>
    %sub3A_1225 = arith.subf %mul3A_1224, %mul3A_1218 : vector<16xf32>
    %jit3A_1226 = arith.constant 0.000000e+00 : f32
    %broadcast_in_dim3A_1227 = vector.broadcast %jit3A_1226 : f32 to vector<16xf32>
    %select_n3A_1228 = arith.select %and3A_1167, %sub3A_1225, %broadcast_in_dim3A_1227 : vector<16xi1>, vector<16xf32>
    %add3A_1229 = arith.addf %add3A_1144, %select_n3A_1228 : vector<16xf32>
    %get3A_1230 = arith.constant 64 : index
    %get3A_1231 = tpu.vector_load %arg6[%get3A_1230] {strides = array<i32>} : memref<640xi32, #tpu.memory_space<vmem>>, vector<16xi32>,
    %get3A_1232 = vector.shape_cast %get3A_1231 : vector<16xi32> to vector<16xi32>
    %get3A_1233 = arith.constant 64 : index
    %get3A_1234 = tpu.vector_load %arg7[%get3A_1233] {strides = array<i32>} : memref<640xf32, #tpu.memory_space<vmem>>, vector<16xf32>,
    %get3A_1235 = vector.shape_cast %get3A_1234 : vector<16xf32> to vector<16xf32>
    %get3A_1236 = arith.constant 64 : index
    %get3A_1237 = tpu.vector_load %arg9[%get3A_1236] {strides = array<i32>} : memref<640xf32, #tpu.memory_space<vmem>>, vector<16xf32>,
    %get3A_1238 = vector.shape_cast %get3A_1237 : vector<16xf32> to vector<16xf32>
    %add3A_1239 = arith.constant 64 : i32
    %add3A_1240 = arith.addi %min3A_3, %add3A_1239 : i32
    %add3A_1241 = vector.broadcast %add3A_1240 : i32 to vector<16xi32>
    %add3A_1242 = arith.addi %add3A_1241, %iota3A : vector<16xi32>
    %ge3A_1243 = vector.broadcast %mul3A_2 : i32 to vector<16xi32>
    %ge3A_1244 = arith.cmpi sge, %add3A_1242, %ge3A_1243 : vector<16xi32>
    %ge3A_1245 = arith.constant 0 : i32
    %ge3A_1246 = vector.broadcast %ge3A_1245 : i32 to vector<16xi32>
    %ge3A_1247 = arith.cmpi sge, %get3A_1232, %ge3A_1246 : vector<16xi32>
    %lt3A_1248 = arith.constant 80 : i32
    %lt3A_1249 = vector.broadcast %lt3A_1248 : i32 to vector<16xi32>
    %lt3A_1250 = arith.cmpi slt, %get3A_1232, %lt3A_1249 : vector<16xi32>
    %and3A_1251 = arith.andi %ge3A_1247, %lt3A_1250 : vector<16xi1>
    %and3A_1252 = arith.andi %and3A_1251, %ge3A_1244 : vector<16xi1>
    %abs3A_1253 = math.absf %get3A_1238 : vector<16xf32>
    %neg3A_1254 = arith.constant 0.000000e+00 : f32
    %neg3A_1255 = vector.broadcast %neg3A_1254 : f32 to vector<16xf32>
    %neg3A_1256 = arith.subf %neg3A_1255, %abs3A_1253 : vector<16xf32>
    %exp3A_1257 = math.exp %neg3A_1256 : vector<16xf32>
    %add3A_1258 = arith.constant 2.000000e+00 : f32
    %add3A_1259 = vector.broadcast %add3A_1258 : f32 to vector<16xf32>
    %add3A_1260 = arith.addf %exp3A_1257, %add3A_1259 : vector<16xf32>
    %div3A_1261 = arith.divf %exp3A_1257, %add3A_1260 : vector<16xf32>
    %mul3A_1262 = arith.mulf %div3A_1261, %div3A_1261 : vector<16xf32>
    %mul3A_1263 = arith.constant 2.000000e+00 : f32
    %mul3A_1264 = vector.broadcast %mul3A_1263 : f32 to vector<16xf32>
    %mul3A_1265 = arith.mulf %mul3A_1264, %div3A_1261 : vector<16xf32>
    %div3A_1266 = arith.constant 9.000000e+00 : f32
    %div3A_1267 = vector.broadcast %div3A_1266 : f32 to vector<16xf32>
    %div3A_1268 = arith.divf %mul3A_1262, %div3A_1267 : vector<16xf32>
    %add3A_1269 = arith.constant 0.142857149 : f32
    %add3A_1270 = vector.broadcast %add3A_1269 : f32 to vector<16xf32>
    %add3A_1271 = arith.addf %add3A_1270, %div3A_1268 : vector<16xf32>
    %mul3A_1272 = arith.mulf %mul3A_1262, %add3A_1271 : vector<16xf32>
    %add3A_1273 = arith.constant 2.000000e-01 : f32
    %add3A_1274 = vector.broadcast %add3A_1273 : f32 to vector<16xf32>
    %add3A_1275 = arith.addf %add3A_1274, %mul3A_1272 : vector<16xf32>
    %mul3A_1276 = arith.mulf %mul3A_1262, %add3A_1275 : vector<16xf32>
    %add3A_1277 = arith.constant 0.333333343 : f32
    %add3A_1278 = vector.broadcast %add3A_1277 : f32 to vector<16xf32>
    %add3A_1279 = arith.addf %add3A_1278, %mul3A_1276 : vector<16xf32>
    %mul3A_1280 = arith.mulf %mul3A_1262, %add3A_1279 : vector<16xf32>
    %add3A_1281 = arith.constant 1.000000e+00 : f32
    %add3A_1282 = vector.broadcast %add3A_1281 : f32 to vector<16xf32>
    %add3A_1283 = arith.addf %add3A_1282, %mul3A_1280 : vector<16xf32>
    %mul3A_1284 = arith.mulf %mul3A_1265, %add3A_1283 : vector<16xf32>
    %max3A_1285 = arith.constant 0.000000e+00 : f32
    %max3A_1286 = vector.broadcast %max3A_1285 : f32 to vector<16xf32>
    %max3A_1287 = arith.maximumf %get3A_1238, %max3A_1286 : vector<16xf32>
    %add3A_1288 = arith.addf %max3A_1287, %mul3A_1284 : vector<16xf32>
    %add3A_1289 = arith.constant 1.000000e+00 : f32
    %add3A_1290 = vector.broadcast %add3A_1289 : f32 to vector<16xf32>
    %add3A_1291 = arith.addf %add3A_1290, %exp3A_1257 : vector<16xf32>
    %div3A_1292 = arith.constant 1.000000e+00 : f32
    %div3A_1293 = vector.broadcast %div3A_1292 : f32 to vector<16xf32>
    %div3A_1294 = arith.divf %div3A_1293, %add3A_1291 : vector<16xf32>
    %ge3A_1295 = arith.constant 0.000000e+00 : f32
    %ge3A_1296 = vector.broadcast %ge3A_1295 : f32 to vector<16xf32>
    %ge3A_1297 = arith.cmpf oge, %get3A_1238, %ge3A_1296 : vector<16xf32>
    %sub3A_1298 = arith.constant 1.000000e+00 : f32
    %sub3A_1299 = vector.broadcast %sub3A_1298 : f32 to vector<16xf32>
    %sub3A_1300 = arith.subf %sub3A_1299, %div3A_1294 : vector<16xf32>
    %select_n3A_1301 = arith.select %ge3A_1297, %div3A_1294, %sub3A_1300 : vector<16xi1>, vector<16xf32>
    %mul3A_1302 = arith.mulf %add3A_1288, %select_n3A_1301 : vector<16xf32>
    %mul3A_1303 = arith.mulf %mul3A_1302, %select_n3A_1301 : vector<16xf32>
    %sub3A_1304 = arith.subf %get3A_1235, %select_n3A_1301 : vector<16xf32>
    %abs3A_1305 = math.absf %sub3A_1304 : vector<16xf32>
    %mul3A_1306 = arith.mulf %get3A_1235, %get3A_1238 : vector<16xf32>
    %sub3A_1307 = arith.subf %add3A_1288, %mul3A_1306 : vector<16xf32>
    %mul3A_1308 = arith.mulf %sub3A_1307, %abs3A_1305 : vector<16xf32>
    %mul3A_1309 = arith.mulf %mul3A_1308, %abs3A_1305 : vector<16xf32>
    %sub3A_1310 = arith.subf %mul3A_1309, %mul3A_1303 : vector<16xf32>
    %jit3A_1311 = arith.constant 0.000000e+00 : f32
    %broadcast_in_dim3A_1312 = vector.broadcast %jit3A_1311 : f32 to vector<16xf32>
    %select_n3A_1313 = arith.select %and3A_1252, %sub3A_1310, %broadcast_in_dim3A_1312 : vector<16xi1>, vector<16xf32>
    %add3A_1314 = arith.addf %add3A_1229, %select_n3A_1313 : vector<16xf32>
    %get3A_1315 = arith.constant 80 : index
    %get3A_1316 = tpu.vector_load %arg6[%get3A_1315] {strides = array<i32>} : memref<640xi32, #tpu.memory_space<vmem>>, vector<16xi32>,
    %get3A_1317 = vector.shape_cast %get3A_1316 : vector<16xi32> to vector<16xi32>
    %get3A_1318 = arith.constant 80 : index
    %get3A_1319 = tpu.vector_load %arg7[%get3A_1318] {strides = array<i32>} : memref<640xf32, #tpu.memory_space<vmem>>, vector<16xf32>,
    %get3A_1320 = vector.shape_cast %get3A_1319 : vector<16xf32> to vector<16xf32>
    %get3A_1321 = arith.constant 80 : index
    %get3A_1322 = tpu.vector_load %arg9[%get3A_1321] {strides = array<i32>} : memref<640xf32, #tpu.memory_space<vmem>>, vector<16xf32>,
    %get3A_1323 = vector.shape_cast %get3A_1322 : vector<16xf32> to vector<16xf32>
    %add3A_1324 = arith.constant 80 : i32
    %add3A_1325 = arith.addi %min3A_3, %add3A_1324 : i32
    %add3A_1326 = vector.broadcast %add3A_1325 : i32 to vector<16xi32>
    %add3A_1327 = arith.addi %add3A_1326, %iota3A : vector<16xi32>
    %ge3A_1328 = vector.broadcast %mul3A_2 : i32 to vector<16xi32>
    %ge3A_1329 = arith.cmpi sge, %add3A_1327, %ge3A_1328 : vector<16xi32>
    %ge3A_1330 = arith.constant 0 : i32
    %ge3A_1331 = vector.broadcast %ge3A_1330 : i32 to vector<16xi32>
    %ge3A_1332 = arith.cmpi sge, %get3A_1317, %ge3A_1331 : vector<16xi32>
    %lt3A_1333 = arith.constant 80 : i32
    %lt3A_1334 = vector.broadcast %lt3A_1333 : i32 to vector<16xi32>
    %lt3A_1335 = arith.cmpi slt, %get3A_1317, %lt3A_1334 : vector<16xi32>
    %and3A_1336 = arith.andi %ge3A_1332, %lt3A_1335 : vector<16xi1>
    %and3A_1337 = arith.andi %and3A_1336, %ge3A_1329 : vector<16xi1>
    %abs3A_1338 = math.absf %get3A_1323 : vector<16xf32>
    %neg3A_1339 = arith.constant 0.000000e+00 : f32
    %neg3A_1340 = vector.broadcast %neg3A_1339 : f32 to vector<16xf32>
    %neg3A_1341 = arith.subf %neg3A_1340, %abs3A_1338 : vector<16xf32>
    %exp3A_1342 = math.exp %neg3A_1341 : vector<16xf32>
    %add3A_1343 = arith.constant 2.000000e+00 : f32
    %add3A_1344 = vector.broadcast %add3A_1343 : f32 to vector<16xf32>
    %add3A_1345 = arith.addf %exp3A_1342, %add3A_1344 : vector<16xf32>
    %div3A_1346 = arith.divf %exp3A_1342, %add3A_1345 : vector<16xf32>
    %mul3A_1347 = arith.mulf %div3A_1346, %div3A_1346 : vector<16xf32>
    %mul3A_1348 = arith.constant 2.000000e+00 : f32
    %mul3A_1349 = vector.broadcast %mul3A_1348 : f32 to vector<16xf32>
    %mul3A_1350 = arith.mulf %mul3A_1349, %div3A_1346 : vector<16xf32>
    %div3A_1351 = arith.constant 9.000000e+00 : f32
    %div3A_1352 = vector.broadcast %div3A_1351 : f32 to vector<16xf32>
    %div3A_1353 = arith.divf %mul3A_1347, %div3A_1352 : vector<16xf32>
    %add3A_1354 = arith.constant 0.142857149 : f32
    %add3A_1355 = vector.broadcast %add3A_1354 : f32 to vector<16xf32>
    %add3A_1356 = arith.addf %add3A_1355, %div3A_1353 : vector<16xf32>
    %mul3A_1357 = arith.mulf %mul3A_1347, %add3A_1356 : vector<16xf32>
    %add3A_1358 = arith.constant 2.000000e-01 : f32
    %add3A_1359 = vector.broadcast %add3A_1358 : f32 to vector<16xf32>
    %add3A_1360 = arith.addf %add3A_1359, %mul3A_1357 : vector<16xf32>
    %mul3A_1361 = arith.mulf %mul3A_1347, %add3A_1360 : vector<16xf32>
    %add3A_1362 = arith.constant 0.333333343 : f32
    %add3A_1363 = vector.broadcast %add3A_1362 : f32 to vector<16xf32>
    %add3A_1364 = arith.addf %add3A_1363, %mul3A_1361 : vector<16xf32>
    %mul3A_1365 = arith.mulf %mul3A_1347, %add3A_1364 : vector<16xf32>
    %add3A_1366 = arith.constant 1.000000e+00 : f32
    %add3A_1367 = vector.broadcast %add3A_1366 : f32 to vector<16xf32>
    %add3A_1368 = arith.addf %add3A_1367, %mul3A_1365 : vector<16xf32>
    %mul3A_1369 = arith.mulf %mul3A_1350, %add3A_1368 : vector<16xf32>
    %max3A_1370 = arith.constant 0.000000e+00 : f32
    %max3A_1371 = vector.broadcast %max3A_1370 : f32 to vector<16xf32>
    %max3A_1372 = arith.maximumf %get3A_1323, %max3A_1371 : vector<16xf32>
    %add3A_1373 = arith.addf %max3A_1372, %mul3A_1369 : vector<16xf32>
    %add3A_1374 = arith.constant 1.000000e+00 : f32
    %add3A_1375 = vector.broadcast %add3A_1374 : f32 to vector<16xf32>
    %add3A_1376 = arith.addf %add3A_1375, %exp3A_1342 : vector<16xf32>
    %div3A_1377 = arith.constant 1.000000e+00 : f32
    %div3A_1378 = vector.broadcast %div3A_1377 : f32 to vector<16xf32>
    %div3A_1379 = arith.divf %div3A_1378, %add3A_1376 : vector<16xf32>
    %ge3A_1380 = arith.constant 0.000000e+00 : f32
    %ge3A_1381 = vector.broadcast %ge3A_1380 : f32 to vector<16xf32>
    %ge3A_1382 = arith.cmpf oge, %get3A_1323, %ge3A_1381 : vector<16xf32>
    %sub3A_1383 = arith.constant 1.000000e+00 : f32
    %sub3A_1384 = vector.broadcast %sub3A_1383 : f32 to vector<16xf32>
    %sub3A_1385 = arith.subf %sub3A_1384, %div3A_1379 : vector<16xf32>
    %select_n3A_1386 = arith.select %ge3A_1382, %div3A_1379, %sub3A_1385 : vector<16xi1>, vector<16xf32>
    %mul3A_1387 = arith.mulf %add3A_1373, %select_n3A_1386 : vector<16xf32>
    %mul3A_1388 = arith.mulf %mul3A_1387, %select_n3A_1386 : vector<16xf32>
    %sub3A_1389 = arith.subf %get3A_1320, %select_n3A_1386 : vector<16xf32>
    %abs3A_1390 = math.absf %sub3A_1389 : vector<16xf32>
    %mul3A_1391 = arith.mulf %get3A_1320, %get3A_1323 : vector<16xf32>
    %sub3A_1392 = arith.subf %add3A_1373, %mul3A_1391 : vector<16xf32>
    %mul3A_1393 = arith.mulf %sub3A_1392, %abs3A_1390 : vector<16xf32>
    %mul3A_1394 = arith.mulf %mul3A_1393, %abs3A_1390 : vector<16xf32>
    %sub3A_1395 = arith.subf %mul3A_1394, %mul3A_1388 : vector<16xf32>
    %jit3A_1396 = arith.constant 0.000000e+00 : f32
    %broadcast_in_dim3A_1397 = vector.broadcast %jit3A_1396 : f32 to vector<16xf32>
    %select_n3A_1398 = arith.select %and3A_1337, %sub3A_1395, %broadcast_in_dim3A_1397 : vector<16xi1>, vector<16xf32>
    %add3A_1399 = arith.addf %add3A_1314, %select_n3A_1398 : vector<16xf32>
    %get3A_1400 = arith.constant 96 : index
    %get3A_1401 = tpu.vector_load %arg6[%get3A_1400] {strides = array<i32>} : memref<640xi32, #tpu.memory_space<vmem>>, vector<16xi32>,
    %get3A_1402 = vector.shape_cast %get3A_1401 : vector<16xi32> to vector<16xi32>
    %get3A_1403 = arith.constant 96 : index
    %get3A_1404 = tpu.vector_load %arg7[%get3A_1403] {strides = array<i32>} : memref<640xf32, #tpu.memory_space<vmem>>, vector<16xf32>,
    %get3A_1405 = vector.shape_cast %get3A_1404 : vector<16xf32> to vector<16xf32>
    %get3A_1406 = arith.constant 96 : index
    %get3A_1407 = tpu.vector_load %arg9[%get3A_1406] {strides = array<i32>} : memref<640xf32, #tpu.memory_space<vmem>>, vector<16xf32>,
    %get3A_1408 = vector.shape_cast %get3A_1407 : vector<16xf32> to vector<16xf32>
    %add3A_1409 = arith.constant 96 : i32
    %add3A_1410 = arith.addi %min3A_3, %add3A_1409 : i32
    %add3A_1411 = vector.broadcast %add3A_1410 : i32 to vector<16xi32>
    %add3A_1412 = arith.addi %add3A_1411, %iota3A : vector<16xi32>
    %ge3A_1413 = vector.broadcast %mul3A_2 : i32 to vector<16xi32>
    %ge3A_1414 = arith.cmpi sge, %add3A_1412, %ge3A_1413 : vector<16xi32>
    %ge3A_1415 = arith.constant 0 : i32
    %ge3A_1416 = vector.broadcast %ge3A_1415 : i32 to vector<16xi32>
    %ge3A_1417 = arith.cmpi sge, %get3A_1402, %ge3A_1416 : vector<16xi32>
    %lt3A_1418 = arith.constant 80 : i32
    %lt3A_1419 = vector.broadcast %lt3A_1418 : i32 to vector<16xi32>
    %lt3A_1420 = arith.cmpi slt, %get3A_1402, %lt3A_1419 : vector<16xi32>
    %and3A_1421 = arith.andi %ge3A_1417, %lt3A_1420 : vector<16xi1>
    %and3A_1422 = arith.andi %and3A_1421, %ge3A_1414 : vector<16xi1>
    %abs3A_1423 = math.absf %get3A_1408 : vector<16xf32>
    %neg3A_1424 = arith.constant 0.000000e+00 : f32
    %neg3A_1425 = vector.broadcast %neg3A_1424 : f32 to vector<16xf32>
    %neg3A_1426 = arith.subf %neg3A_1425, %abs3A_1423 : vector<16xf32>
    %exp3A_1427 = math.exp %neg3A_1426 : vector<16xf32>
    %add3A_1428 = arith.constant 2.000000e+00 : f32
    %add3A_1429 = vector.broadcast %add3A_1428 : f32 to vector<16xf32>
    %add3A_1430 = arith.addf %exp3A_1427, %add3A_1429 : vector<16xf32>
    %div3A_1431 = arith.divf %exp3A_1427, %add3A_1430 : vector<16xf32>
    %mul3A_1432 = arith.mulf %div3A_1431, %div3A_1431 : vector<16xf32>
    %mul3A_1433 = arith.constant 2.000000e+00 : f32
    %mul3A_1434 = vector.broadcast %mul3A_1433 : f32 to vector<16xf32>
    %mul3A_1435 = arith.mulf %mul3A_1434, %div3A_1431 : vector<16xf32>
    %div3A_1436 = arith.constant 9.000000e+00 : f32
    %div3A_1437 = vector.broadcast %div3A_1436 : f32 to vector<16xf32>
    %div3A_1438 = arith.divf %mul3A_1432, %div3A_1437 : vector<16xf32>
    %add3A_1439 = arith.constant 0.142857149 : f32
    %add3A_1440 = vector.broadcast %add3A_1439 : f32 to vector<16xf32>
    %add3A_1441 = arith.addf %add3A_1440, %div3A_1438 : vector<16xf32>
    %mul3A_1442 = arith.mulf %mul3A_1432, %add3A_1441 : vector<16xf32>
    %add3A_1443 = arith.constant 2.000000e-01 : f32
    %add3A_1444 = vector.broadcast %add3A_1443 : f32 to vector<16xf32>
    %add3A_1445 = arith.addf %add3A_1444, %mul3A_1442 : vector<16xf32>
    %mul3A_1446 = arith.mulf %mul3A_1432, %add3A_1445 : vector<16xf32>
    %add3A_1447 = arith.constant 0.333333343 : f32
    %add3A_1448 = vector.broadcast %add3A_1447 : f32 to vector<16xf32>
    %add3A_1449 = arith.addf %add3A_1448, %mul3A_1446 : vector<16xf32>
    %mul3A_1450 = arith.mulf %mul3A_1432, %add3A_1449 : vector<16xf32>
    %add3A_1451 = arith.constant 1.000000e+00 : f32
    %add3A_1452 = vector.broadcast %add3A_1451 : f32 to vector<16xf32>
    %add3A_1453 = arith.addf %add3A_1452, %mul3A_1450 : vector<16xf32>
    %mul3A_1454 = arith.mulf %mul3A_1435, %add3A_1453 : vector<16xf32>
    %max3A_1455 = arith.constant 0.000000e+00 : f32
    %max3A_1456 = vector.broadcast %max3A_1455 : f32 to vector<16xf32>
    %max3A_1457 = arith.maximumf %get3A_1408, %max3A_1456 : vector<16xf32>
    %add3A_1458 = arith.addf %max3A_1457, %mul3A_1454 : vector<16xf32>
    %add3A_1459 = arith.constant 1.000000e+00 : f32
    %add3A_1460 = vector.broadcast %add3A_1459 : f32 to vector<16xf32>
    %add3A_1461 = arith.addf %add3A_1460, %exp3A_1427 : vector<16xf32>
    %div3A_1462 = arith.constant 1.000000e+00 : f32
    %div3A_1463 = vector.broadcast %div3A_1462 : f32 to vector<16xf32>
    %div3A_1464 = arith.divf %div3A_1463, %add3A_1461 : vector<16xf32>
    %ge3A_1465 = arith.constant 0.000000e+00 : f32
    %ge3A_1466 = vector.broadcast %ge3A_1465 : f32 to vector<16xf32>
    %ge3A_1467 = arith.cmpf oge, %get3A_1408, %ge3A_1466 : vector<16xf32>
    %sub3A_1468 = arith.constant 1.000000e+00 : f32
    %sub3A_1469 = vector.broadcast %sub3A_1468 : f32 to vector<16xf32>
    %sub3A_1470 = arith.subf %sub3A_1469, %div3A_1464 : vector<16xf32>
    %select_n3A_1471 = arith.select %ge3A_1467, %div3A_1464, %sub3A_1470 : vector<16xi1>, vector<16xf32>
    %mul3A_1472 = arith.mulf %add3A_1458, %select_n3A_1471 : vector<16xf32>
    %mul3A_1473 = arith.mulf %mul3A_1472, %select_n3A_1471 : vector<16xf32>
    %sub3A_1474 = arith.subf %get3A_1405, %select_n3A_1471 : vector<16xf32>
    %abs3A_1475 = math.absf %sub3A_1474 : vector<16xf32>
    %mul3A_1476 = arith.mulf %get3A_1405, %get3A_1408 : vector<16xf32>
    %sub3A_1477 = arith.subf %add3A_1458, %mul3A_1476 : vector<16xf32>
    %mul3A_1478 = arith.mulf %sub3A_1477, %abs3A_1475 : vector<16xf32>
    %mul3A_1479 = arith.mulf %mul3A_1478, %abs3A_1475 : vector<16xf32>
    %sub3A_1480 = arith.subf %mul3A_1479, %mul3A_1473 : vector<16xf32>
    %jit3A_1481 = arith.constant 0.000000e+00 : f32
    %broadcast_in_dim3A_1482 = vector.broadcast %jit3A_1481 : f32 to vector<16xf32>
    %select_n3A_1483 = arith.select %and3A_1422, %sub3A_1480, %broadcast_in_dim3A_1482 : vector<16xi1>, vector<16xf32>
    %add3A_1484 = arith.addf %add3A_1399, %select_n3A_1483 : vector<16xf32>
    %get3A_1485 = arith.constant 112 : index
    %get3A_1486 = tpu.vector_load %arg6[%get3A_1485] {strides = array<i32>} : memref<640xi32, #tpu.memory_space<vmem>>, vector<16xi32>,
    %get3A_1487 = vector.shape_cast %get3A_1486 : vector<16xi32> to vector<16xi32>
    %get3A_1488 = arith.constant 112 : index
    %get3A_1489 = tpu.vector_load %arg7[%get3A_1488] {strides = array<i32>} : memref<640xf32, #tpu.memory_space<vmem>>, vector<16xf32>,
    %get3A_1490 = vector.shape_cast %get3A_1489 : vector<16xf32> to vector<16xf32>
    %get3A_1491 = arith.constant 112 : index
    %get3A_1492 = tpu.vector_load %arg9[%get3A_1491] {strides = array<i32>} : memref<640xf32, #tpu.memory_space<vmem>>, vector<16xf32>,
    %get3A_1493 = vector.shape_cast %get3A_1492 : vector<16xf32> to vector<16xf32>
    %add3A_1494 = arith.constant 112 : i32
    %add3A_1495 = arith.addi %min3A_3, %add3A_1494 : i32
    %add3A_1496 = vector.broadcast %add3A_1495 : i32 to vector<16xi32>
    %add3A_1497 = arith.addi %add3A_1496, %iota3A : vector<16xi32>
    %ge3A_1498 = vector.broadcast %mul3A_2 : i32 to vector<16xi32>
    %ge3A_1499 = arith.cmpi sge, %add3A_1497, %ge3A_1498 : vector<16xi32>
    %ge3A_1500 = arith.constant 0 : i32
    %ge3A_1501 = vector.broadcast %ge3A_1500 : i32 to vector<16xi32>
    %ge3A_1502 = arith.cmpi sge, %get3A_1487, %ge3A_1501 : vector<16xi32>
    %lt3A_1503 = arith.constant 80 : i32
    %lt3A_1504 = vector.broadcast %lt3A_1503 : i32 to vector<16xi32>
    %lt3A_1505 = arith.cmpi slt, %get3A_1487, %lt3A_1504 : vector<16xi32>
    %and3A_1506 = arith.andi %ge3A_1502, %lt3A_1505 : vector<16xi1>
    %and3A_1507 = arith.andi %and3A_1506, %ge3A_1499 : vector<16xi1>
    %abs3A_1508 = math.absf %get3A_1493 : vector<16xf32>
    %neg3A_1509 = arith.constant 0.000000e+00 : f32
    %neg3A_1510 = vector.broadcast %neg3A_1509 : f32 to vector<16xf32>
    %neg3A_1511 = arith.subf %neg3A_1510, %abs3A_1508 : vector<16xf32>
    %exp3A_1512 = math.exp %neg3A_1511 : vector<16xf32>
    %add3A_1513 = arith.constant 2.000000e+00 : f32
    %add3A_1514 = vector.broadcast %add3A_1513 : f32 to vector<16xf32>
    %add3A_1515 = arith.addf %exp3A_1512, %add3A_1514 : vector<16xf32>
    %div3A_1516 = arith.divf %exp3A_1512, %add3A_1515 : vector<16xf32>
    %mul3A_1517 = arith.mulf %div3A_1516, %div3A_1516 : vector<16xf32>
    %mul3A_1518 = arith.constant 2.000000e+00 : f32
    %mul3A_1519 = vector.broadcast %mul3A_1518 : f32 to vector<16xf32>
    %mul3A_1520 = arith.mulf %mul3A_1519, %div3A_1516 : vector<16xf32>
    %div3A_1521 = arith.constant 9.000000e+00 : f32
    %div3A_1522 = vector.broadcast %div3A_1521 : f32 to vector<16xf32>
    %div3A_1523 = arith.divf %mul3A_1517, %div3A_1522 : vector<16xf32>
    %add3A_1524 = arith.constant 0.142857149 : f32
    %add3A_1525 = vector.broadcast %add3A_1524 : f32 to vector<16xf32>
    %add3A_1526 = arith.addf %add3A_1525, %div3A_1523 : vector<16xf32>
    %mul3A_1527 = arith.mulf %mul3A_1517, %add3A_1526 : vector<16xf32>
    %add3A_1528 = arith.constant 2.000000e-01 : f32
    %add3A_1529 = vector.broadcast %add3A_1528 : f32 to vector<16xf32>
    %add3A_1530 = arith.addf %add3A_1529, %mul3A_1527 : vector<16xf32>
    %mul3A_1531 = arith.mulf %mul3A_1517, %add3A_1530 : vector<16xf32>
    %add3A_1532 = arith.constant 0.333333343 : f32
    %add3A_1533 = vector.broadcast %add3A_1532 : f32 to vector<16xf32>
    %add3A_1534 = arith.addf %add3A_1533, %mul3A_1531 : vector<16xf32>
    %mul3A_1535 = arith.mulf %mul3A_1517, %add3A_1534 : vector<16xf32>
    %add3A_1536 = arith.constant 1.000000e+00 : f32
    %add3A_1537 = vector.broadcast %add3A_1536 : f32 to vector<16xf32>
    %add3A_1538 = arith.addf %add3A_1537, %mul3A_1535 : vector<16xf32>
    %mul3A_1539 = arith.mulf %mul3A_1520, %add3A_1538 : vector<16xf32>
    %max3A_1540 = arith.constant 0.000000e+00 : f32
    %max3A_1541 = vector.broadcast %max3A_1540 : f32 to vector<16xf32>
    %max3A_1542 = arith.maximumf %get3A_1493, %max3A_1541 : vector<16xf32>
    %add3A_1543 = arith.addf %max3A_1542, %mul3A_1539 : vector<16xf32>
    %add3A_1544 = arith.constant 1.000000e+00 : f32
    %add3A_1545 = vector.broadcast %add3A_1544 : f32 to vector<16xf32>
    %add3A_1546 = arith.addf %add3A_1545, %exp3A_1512 : vector<16xf32>
    %div3A_1547 = arith.constant 1.000000e+00 : f32
    %div3A_1548 = vector.broadcast %div3A_1547 : f32 to vector<16xf32>
    %div3A_1549 = arith.divf %div3A_1548, %add3A_1546 : vector<16xf32>
    %ge3A_1550 = arith.constant 0.000000e+00 : f32
    %ge3A_1551 = vector.broadcast %ge3A_1550 : f32 to vector<16xf32>
    %ge3A_1552 = arith.cmpf oge, %get3A_1493, %ge3A_1551 : vector<16xf32>
    %sub3A_1553 = arith.constant 1.000000e+00 : f32
    %sub3A_1554 = vector.broadcast %sub3A_1553 : f32 to vector<16xf32>
    %sub3A_1555 = arith.subf %sub3A_1554, %div3A_1549 : vector<16xf32>
    %select_n3A_1556 = arith.select %ge3A_1552, %div3A_1549, %sub3A_1555 : vector<16xi1>, vector<16xf32>
    %mul3A_1557 = arith.mulf %add3A_1543, %select_n3A_1556 : vector<16xf32>
    %mul3A_1558 = arith.mulf %mul3A_1557, %select_n3A_1556 : vector<16xf32>
    %sub3A_1559 = arith.subf %get3A_1490, %select_n3A_1556 : vector<16xf32>
    %abs3A_1560 = math.absf %sub3A_1559 : vector<16xf32>
    %mul3A_1561 = arith.mulf %get3A_1490, %get3A_1493 : vector<16xf32>
    %sub3A_1562 = arith.subf %add3A_1543, %mul3A_1561 : vector<16xf32>
    %mul3A_1563 = arith.mulf %sub3A_1562, %abs3A_1560 : vector<16xf32>
    %mul3A_1564 = arith.mulf %mul3A_1563, %abs3A_1560 : vector<16xf32>
    %sub3A_1565 = arith.subf %mul3A_1564, %mul3A_1558 : vector<16xf32>
    %jit3A_1566 = arith.constant 0.000000e+00 : f32
    %broadcast_in_dim3A_1567 = vector.broadcast %jit3A_1566 : f32 to vector<16xf32>
    %select_n3A_1568 = arith.select %and3A_1507, %sub3A_1565, %broadcast_in_dim3A_1567 : vector<16xi1>, vector<16xf32>
    %add3A_1569 = arith.addf %add3A_1484, %select_n3A_1568 : vector<16xf32>
    %get3A_1570 = arith.constant 128 : index
    %get3A_1571 = tpu.vector_load %arg6[%get3A_1570] {strides = array<i32>} : memref<640xi32, #tpu.memory_space<vmem>>, vector<16xi32>,
    %get3A_1572 = vector.shape_cast %get3A_1571 : vector<16xi32> to vector<16xi32>
    %get3A_1573 = arith.constant 128 : index
    %get3A_1574 = tpu.vector_load %arg7[%get3A_1573] {strides = array<i32>} : memref<640xf32, #tpu.memory_space<vmem>>, vector<16xf32>,
    %get3A_1575 = vector.shape_cast %get3A_1574 : vector<16xf32> to vector<16xf32>
    %get3A_1576 = arith.constant 128 : index
    %get3A_1577 = tpu.vector_load %arg9[%get3A_1576] {strides = array<i32>} : memref<640xf32, #tpu.memory_space<vmem>>, vector<16xf32>,
    %get3A_1578 = vector.shape_cast %get3A_1577 : vector<16xf32> to vector<16xf32>
    %add3A_1579 = arith.constant 128 : i32
    %add3A_1580 = arith.addi %min3A_3, %add3A_1579 : i32
    %add3A_1581 = vector.broadcast %add3A_1580 : i32 to vector<16xi32>
    %add3A_1582 = arith.addi %add3A_1581, %iota3A : vector<16xi32>
    %ge3A_1583 = vector.broadcast %mul3A_2 : i32 to vector<16xi32>
    %ge3A_1584 = arith.cmpi sge, %add3A_1582, %ge3A_1583 : vector<16xi32>
    %ge3A_1585 = arith.constant 0 : i32
    %ge3A_1586 = vector.broadcast %ge3A_1585 : i32 to vector<16xi32>
    %ge3A_1587 = arith.cmpi sge, %get3A_1572, %ge3A_1586 : vector<16xi32>
    %lt3A_1588 = arith.constant 80 : i32
    %lt3A_1589 = vector.broadcast %lt3A_1588 : i32 to vector<16xi32>
    %lt3A_1590 = arith.cmpi slt, %get3A_1572, %lt3A_1589 : vector<16xi32>
    %and3A_1591 = arith.andi %ge3A_1587, %lt3A_1590 : vector<16xi1>
    %and3A_1592 = arith.andi %and3A_1591, %ge3A_1584 : vector<16xi1>
    %abs3A_1593 = math.absf %get3A_1578 : vector<16xf32>
    %neg3A_1594 = arith.constant 0.000000e+00 : f32
    %neg3A_1595 = vector.broadcast %neg3A_1594 : f32 to vector<16xf32>
    %neg3A_1596 = arith.subf %neg3A_1595, %abs3A_1593 : vector<16xf32>
    %exp3A_1597 = math.exp %neg3A_1596 : vector<16xf32>
    %add3A_1598 = arith.constant 2.000000e+00 : f32
    %add3A_1599 = vector.broadcast %add3A_1598 : f32 to vector<16xf32>
    %add3A_1600 = arith.addf %exp3A_1597, %add3A_1599 : vector<16xf32>
    %div3A_1601 = arith.divf %exp3A_1597, %add3A_1600 : vector<16xf32>
    %mul3A_1602 = arith.mulf %div3A_1601, %div3A_1601 : vector<16xf32>
    %mul3A_1603 = arith.constant 2.000000e+00 : f32
    %mul3A_1604 = vector.broadcast %mul3A_1603 : f32 to vector<16xf32>
    %mul3A_1605 = arith.mulf %mul3A_1604, %div3A_1601 : vector<16xf32>
    %div3A_1606 = arith.constant 9.000000e+00 : f32
    %div3A_1607 = vector.broadcast %div3A_1606 : f32 to vector<16xf32>
    %div3A_1608 = arith.divf %mul3A_1602, %div3A_1607 : vector<16xf32>
    %add3A_1609 = arith.constant 0.142857149 : f32
    %add3A_1610 = vector.broadcast %add3A_1609 : f32 to vector<16xf32>
    %add3A_1611 = arith.addf %add3A_1610, %div3A_1608 : vector<16xf32>
    %mul3A_1612 = arith.mulf %mul3A_1602, %add3A_1611 : vector<16xf32>
    %add3A_1613 = arith.constant 2.000000e-01 : f32
    %add3A_1614 = vector.broadcast %add3A_1613 : f32 to vector<16xf32>
    %add3A_1615 = arith.addf %add3A_1614, %mul3A_1612 : vector<16xf32>
    %mul3A_1616 = arith.mulf %mul3A_1602, %add3A_1615 : vector<16xf32>
    %add3A_1617 = arith.constant 0.333333343 : f32
    %add3A_1618 = vector.broadcast %add3A_1617 : f32 to vector<16xf32>
    %add3A_1619 = arith.addf %add3A_1618, %mul3A_1616 : vector<16xf32>
    %mul3A_1620 = arith.mulf %mul3A_1602, %add3A_1619 : vector<16xf32>
    %add3A_1621 = arith.constant 1.000000e+00 : f32
    %add3A_1622 = vector.broadcast %add3A_1621 : f32 to vector<16xf32>
    %add3A_1623 = arith.addf %add3A_1622, %mul3A_1620 : vector<16xf32>
    %mul3A_1624 = arith.mulf %mul3A_1605, %add3A_1623 : vector<16xf32>
    %max3A_1625 = arith.constant 0.000000e+00 : f32
    %max3A_1626 = vector.broadcast %max3A_1625 : f32 to vector<16xf32>
    %max3A_1627 = arith.maximumf %get3A_1578, %max3A_1626 : vector<16xf32>
    %add3A_1628 = arith.addf %max3A_1627, %mul3A_1624 : vector<16xf32>
    %add3A_1629 = arith.constant 1.000000e+00 : f32
    %add3A_1630 = vector.broadcast %add3A_1629 : f32 to vector<16xf32>
    %add3A_1631 = arith.addf %add3A_1630, %exp3A_1597 : vector<16xf32>
    %div3A_1632 = arith.constant 1.000000e+00 : f32
    %div3A_1633 = vector.broadcast %div3A_1632 : f32 to vector<16xf32>
    %div3A_1634 = arith.divf %div3A_1633, %add3A_1631 : vector<16xf32>
    %ge3A_1635 = arith.constant 0.000000e+00 : f32
    %ge3A_1636 = vector.broadcast %ge3A_1635 : f32 to vector<16xf32>
    %ge3A_1637 = arith.cmpf oge, %get3A_1578, %ge3A_1636 : vector<16xf32>
    %sub3A_1638 = arith.constant 1.000000e+00 : f32
    %sub3A_1639 = vector.broadcast %sub3A_1638 : f32 to vector<16xf32>
    %sub3A_1640 = arith.subf %sub3A_1639, %div3A_1634 : vector<16xf32>
    %select_n3A_1641 = arith.select %ge3A_1637, %div3A_1634, %sub3A_1640 : vector<16xi1>, vector<16xf32>
    %mul3A_1642 = arith.mulf %add3A_1628, %select_n3A_1641 : vector<16xf32>
    %mul3A_1643 = arith.mulf %mul3A_1642, %select_n3A_1641 : vector<16xf32>
    %sub3A_1644 = arith.subf %get3A_1575, %select_n3A_1641 : vector<16xf32>
    %abs3A_1645 = math.absf %sub3A_1644 : vector<16xf32>
    %mul3A_1646 = arith.mulf %get3A_1575, %get3A_1578 : vector<16xf32>
    %sub3A_1647 = arith.subf %add3A_1628, %mul3A_1646 : vector<16xf32>
    %mul3A_1648 = arith.mulf %sub3A_1647, %abs3A_1645 : vector<16xf32>
    %mul3A_1649 = arith.mulf %mul3A_1648, %abs3A_1645 : vector<16xf32>
    %sub3A_1650 = arith.subf %mul3A_1649, %mul3A_1643 : vector<16xf32>
    %jit3A_1651 = arith.constant 0.000000e+00 : f32
    %broadcast_in_dim3A_1652 = vector.broadcast %jit3A_1651 : f32 to vector<16xf32>
    %select_n3A_1653 = arith.select %and3A_1592, %sub3A_1650, %broadcast_in_dim3A_1652 : vector<16xi1>, vector<16xf32>
    %add3A_1654 = arith.addf %add3A_1569, %select_n3A_1653 : vector<16xf32>
    %get3A_1655 = arith.constant 144 : index
    %get3A_1656 = tpu.vector_load %arg6[%get3A_1655] {strides = array<i32>} : memref<640xi32, #tpu.memory_space<vmem>>, vector<16xi32>,
    %get3A_1657 = vector.shape_cast %get3A_1656 : vector<16xi32> to vector<16xi32>
    %get3A_1658 = arith.constant 144 : index
    %get3A_1659 = tpu.vector_load %arg7[%get3A_1658] {strides = array<i32>} : memref<640xf32, #tpu.memory_space<vmem>>, vector<16xf32>,
    %get3A_1660 = vector.shape_cast %get3A_1659 : vector<16xf32> to vector<16xf32>
    %get3A_1661 = arith.constant 144 : index
    %get3A_1662 = tpu.vector_load %arg9[%get3A_1661] {strides = array<i32>} : memref<640xf32, #tpu.memory_space<vmem>>, vector<16xf32>,
    %get3A_1663 = vector.shape_cast %get3A_1662 : vector<16xf32> to vector<16xf32>
    %add3A_1664 = arith.constant 144 : i32
    %add3A_1665 = arith.addi %min3A_3, %add3A_1664 : i32
    %add3A_1666 = vector.broadcast %add3A_1665 : i32 to vector<16xi32>
    %add3A_1667 = arith.addi %add3A_1666, %iota3A : vector<16xi32>
    %ge3A_1668 = vector.broadcast %mul3A_2 : i32 to vector<16xi32>
    %ge3A_1669 = arith.cmpi sge, %add3A_1667, %ge3A_1668 : vector<16xi32>
    %ge3A_1670 = arith.constant 0 : i32
    %ge3A_1671 = vector.broadcast %ge3A_1670 : i32 to vector<16xi32>
    %ge3A_1672 = arith.cmpi sge, %get3A_1657, %ge3A_1671 : vector<16xi32>
    %lt3A_1673 = arith.constant 80 : i32
    %lt3A_1674 = vector.broadcast %lt3A_1673 : i32 to vector<16xi32>
    %lt3A_1675 = arith.cmpi slt, %get3A_1657, %lt3A_1674 : vector<16xi32>
    %and3A_1676 = arith.andi %ge3A_1672, %lt3A_1675 : vector<16xi1>
    %and3A_1677 = arith.andi %and3A_1676, %ge3A_1669 : vector<16xi1>
    %abs3A_1678 = math.absf %get3A_1663 : vector<16xf32>
    %neg3A_1679 = arith.constant 0.000000e+00 : f32
    %neg3A_1680 = vector.broadcast %neg3A_1679 : f32 to vector<16xf32>
    %neg3A_1681 = arith.subf %neg3A_1680, %abs3A_1678 : vector<16xf32>
    %exp3A_1682 = math.exp %neg3A_1681 : vector<16xf32>
    %add3A_1683 = arith.constant 2.000000e+00 : f32
    %add3A_1684 = vector.broadcast %add3A_1683 : f32 to vector<16xf32>
    %add3A_1685 = arith.addf %exp3A_1682, %add3A_1684 : vector<16xf32>
    %div3A_1686 = arith.divf %exp3A_1682, %add3A_1685 : vector<16xf32>
    %mul3A_1687 = arith.mulf %div3A_1686, %div3A_1686 : vector<16xf32>
    %mul3A_1688 = arith.constant 2.000000e+00 : f32
    %mul3A_1689 = vector.broadcast %mul3A_1688 : f32 to vector<16xf32>
    %mul3A_1690 = arith.mulf %mul3A_1689, %div3A_1686 : vector<16xf32>
    %div3A_1691 = arith.constant 9.000000e+00 : f32
    %div3A_1692 = vector.broadcast %div3A_1691 : f32 to vector<16xf32>
    %div3A_1693 = arith.divf %mul3A_1687, %div3A_1692 : vector<16xf32>
    %add3A_1694 = arith.constant 0.142857149 : f32
    %add3A_1695 = vector.broadcast %add3A_1694 : f32 to vector<16xf32>
    %add3A_1696 = arith.addf %add3A_1695, %div3A_1693 : vector<16xf32>
    %mul3A_1697 = arith.mulf %mul3A_1687, %add3A_1696 : vector<16xf32>
    %add3A_1698 = arith.constant 2.000000e-01 : f32
    %add3A_1699 = vector.broadcast %add3A_1698 : f32 to vector<16xf32>
    %add3A_1700 = arith.addf %add3A_1699, %mul3A_1697 : vector<16xf32>
    %mul3A_1701 = arith.mulf %mul3A_1687, %add3A_1700 : vector<16xf32>
    %add3A_1702 = arith.constant 0.333333343 : f32
    %add3A_1703 = vector.broadcast %add3A_1702 : f32 to vector<16xf32>
    %add3A_1704 = arith.addf %add3A_1703, %mul3A_1701 : vector<16xf32>
    %mul3A_1705 = arith.mulf %mul3A_1687, %add3A_1704 : vector<16xf32>
    %add3A_1706 = arith.constant 1.000000e+00 : f32
    %add3A_1707 = vector.broadcast %add3A_1706 : f32 to vector<16xf32>
    %add3A_1708 = arith.addf %add3A_1707, %mul3A_1705 : vector<16xf32>
    %mul3A_1709 = arith.mulf %mul3A_1690, %add3A_1708 : vector<16xf32>
    %max3A_1710 = arith.constant 0.000000e+00 : f32
    %max3A_1711 = vector.broadcast %max3A_1710 : f32 to vector<16xf32>
    %max3A_1712 = arith.maximumf %get3A_1663, %max3A_1711 : vector<16xf32>
    %add3A_1713 = arith.addf %max3A_1712, %mul3A_1709 : vector<16xf32>
    %add3A_1714 = arith.constant 1.000000e+00 : f32
    %add3A_1715 = vector.broadcast %add3A_1714 : f32 to vector<16xf32>
    %add3A_1716 = arith.addf %add3A_1715, %exp3A_1682 : vector<16xf32>
    %div3A_1717 = arith.constant 1.000000e+00 : f32
    %div3A_1718 = vector.broadcast %div3A_1717 : f32 to vector<16xf32>
    %div3A_1719 = arith.divf %div3A_1718, %add3A_1716 : vector<16xf32>
    %ge3A_1720 = arith.constant 0.000000e+00 : f32
    %ge3A_1721 = vector.broadcast %ge3A_1720 : f32 to vector<16xf32>
    %ge3A_1722 = arith.cmpf oge, %get3A_1663, %ge3A_1721 : vector<16xf32>
    %sub3A_1723 = arith.constant 1.000000e+00 : f32
    %sub3A_1724 = vector.broadcast %sub3A_1723 : f32 to vector<16xf32>
    %sub3A_1725 = arith.subf %sub3A_1724, %div3A_1719 : vector<16xf32>
    %select_n3A_1726 = arith.select %ge3A_1722, %div3A_1719, %sub3A_1725 : vector<16xi1>, vector<16xf32>
    %mul3A_1727 = arith.mulf %add3A_1713, %select_n3A_1726 : vector<16xf32>
    %mul3A_1728 = arith.mulf %mul3A_1727, %select_n3A_1726 : vector<16xf32>
    %sub3A_1729 = arith.subf %get3A_1660, %select_n3A_1726 : vector<16xf32>
    %abs3A_1730 = math.absf %sub3A_1729 : vector<16xf32>
    %mul3A_1731 = arith.mulf %get3A_1660, %get3A_1663 : vector<16xf32>
    %sub3A_1732 = arith.subf %add3A_1713, %mul3A_1731 : vector<16xf32>
    %mul3A_1733 = arith.mulf %sub3A_1732, %abs3A_1730 : vector<16xf32>
    %mul3A_1734 = arith.mulf %mul3A_1733, %abs3A_1730 : vector<16xf32>
    %sub3A_1735 = arith.subf %mul3A_1734, %mul3A_1728 : vector<16xf32>
    %jit3A_1736 = arith.constant 0.000000e+00 : f32
    %broadcast_in_dim3A_1737 = vector.broadcast %jit3A_1736 : f32 to vector<16xf32>
    %select_n3A_1738 = arith.select %and3A_1677, %sub3A_1735, %broadcast_in_dim3A_1737 : vector<16xi1>, vector<16xf32>
    %add3A_1739 = arith.addf %add3A_1654, %select_n3A_1738 : vector<16xf32>
    %get3A_1740 = arith.constant 160 : index
    %get3A_1741 = tpu.vector_load %arg6[%get3A_1740] {strides = array<i32>} : memref<640xi32, #tpu.memory_space<vmem>>, vector<16xi32>,
    %get3A_1742 = vector.shape_cast %get3A_1741 : vector<16xi32> to vector<16xi32>
    %get3A_1743 = arith.constant 160 : index
    %get3A_1744 = tpu.vector_load %arg7[%get3A_1743] {strides = array<i32>} : memref<640xf32, #tpu.memory_space<vmem>>, vector<16xf32>,
    %get3A_1745 = vector.shape_cast %get3A_1744 : vector<16xf32> to vector<16xf32>
    %get3A_1746 = arith.constant 160 : index
    %get3A_1747 = tpu.vector_load %arg9[%get3A_1746] {strides = array<i32>} : memref<640xf32, #tpu.memory_space<vmem>>, vector<16xf32>,
    %get3A_1748 = vector.shape_cast %get3A_1747 : vector<16xf32> to vector<16xf32>
    %add3A_1749 = arith.constant 160 : i32
    %add3A_1750 = arith.addi %min3A_3, %add3A_1749 : i32
    %add3A_1751 = vector.broadcast %add3A_1750 : i32 to vector<16xi32>
    %add3A_1752 = arith.addi %add3A_1751, %iota3A : vector<16xi32>
    %ge3A_1753 = vector.broadcast %mul3A_2 : i32 to vector<16xi32>
    %ge3A_1754 = arith.cmpi sge, %add3A_1752, %ge3A_1753 : vector<16xi32>
    %ge3A_1755 = arith.constant 0 : i32
    %ge3A_1756 = vector.broadcast %ge3A_1755 : i32 to vector<16xi32>
    %ge3A_1757 = arith.cmpi sge, %get3A_1742, %ge3A_1756 : vector<16xi32>
    %lt3A_1758 = arith.constant 80 : i32
    %lt3A_1759 = vector.broadcast %lt3A_1758 : i32 to vector<16xi32>
    %lt3A_1760 = arith.cmpi slt, %get3A_1742, %lt3A_1759 : vector<16xi32>
    %and3A_1761 = arith.andi %ge3A_1757, %lt3A_1760 : vector<16xi1>
    %and3A_1762 = arith.andi %and3A_1761, %ge3A_1754 : vector<16xi1>
    %abs3A_1763 = math.absf %get3A_1748 : vector<16xf32>
    %neg3A_1764 = arith.constant 0.000000e+00 : f32
    %neg3A_1765 = vector.broadcast %neg3A_1764 : f32 to vector<16xf32>
    %neg3A_1766 = arith.subf %neg3A_1765, %abs3A_1763 : vector<16xf32>
    %exp3A_1767 = math.exp %neg3A_1766 : vector<16xf32>
    %add3A_1768 = arith.constant 2.000000e+00 : f32
    %add3A_1769 = vector.broadcast %add3A_1768 : f32 to vector<16xf32>
    %add3A_1770 = arith.addf %exp3A_1767, %add3A_1769 : vector<16xf32>
    %div3A_1771 = arith.divf %exp3A_1767, %add3A_1770 : vector<16xf32>
    %mul3A_1772 = arith.mulf %div3A_1771, %div3A_1771 : vector<16xf32>
    %mul3A_1773 = arith.constant 2.000000e+00 : f32
    %mul3A_1774 = vector.broadcast %mul3A_1773 : f32 to vector<16xf32>
    %mul3A_1775 = arith.mulf %mul3A_1774, %div3A_1771 : vector<16xf32>
    %div3A_1776 = arith.constant 9.000000e+00 : f32
    %div3A_1777 = vector.broadcast %div3A_1776 : f32 to vector<16xf32>
    %div3A_1778 = arith.divf %mul3A_1772, %div3A_1777 : vector<16xf32>
    %add3A_1779 = arith.constant 0.142857149 : f32
    %add3A_1780 = vector.broadcast %add3A_1779 : f32 to vector<16xf32>
    %add3A_1781 = arith.addf %add3A_1780, %div3A_1778 : vector<16xf32>
    %mul3A_1782 = arith.mulf %mul3A_1772, %add3A_1781 : vector<16xf32>
    %add3A_1783 = arith.constant 2.000000e-01 : f32
    %add3A_1784 = vector.broadcast %add3A_1783 : f32 to vector<16xf32>
    %add3A_1785 = arith.addf %add3A_1784, %mul3A_1782 : vector<16xf32>
    %mul3A_1786 = arith.mulf %mul3A_1772, %add3A_1785 : vector<16xf32>
    %add3A_1787 = arith.constant 0.333333343 : f32
    %add3A_1788 = vector.broadcast %add3A_1787 : f32 to vector<16xf32>
    %add3A_1789 = arith.addf %add3A_1788, %mul3A_1786 : vector<16xf32>
    %mul3A_1790 = arith.mulf %mul3A_1772, %add3A_1789 : vector<16xf32>
    %add3A_1791 = arith.constant 1.000000e+00 : f32
    %add3A_1792 = vector.broadcast %add3A_1791 : f32 to vector<16xf32>
    %add3A_1793 = arith.addf %add3A_1792, %mul3A_1790 : vector<16xf32>
    %mul3A_1794 = arith.mulf %mul3A_1775, %add3A_1793 : vector<16xf32>
    %max3A_1795 = arith.constant 0.000000e+00 : f32
    %max3A_1796 = vector.broadcast %max3A_1795 : f32 to vector<16xf32>
    %max3A_1797 = arith.maximumf %get3A_1748, %max3A_1796 : vector<16xf32>
    %add3A_1798 = arith.addf %max3A_1797, %mul3A_1794 : vector<16xf32>
    %add3A_1799 = arith.constant 1.000000e+00 : f32
    %add3A_1800 = vector.broadcast %add3A_1799 : f32 to vector<16xf32>
    %add3A_1801 = arith.addf %add3A_1800, %exp3A_1767 : vector<16xf32>
    %div3A_1802 = arith.constant 1.000000e+00 : f32
    %div3A_1803 = vector.broadcast %div3A_1802 : f32 to vector<16xf32>
    %div3A_1804 = arith.divf %div3A_1803, %add3A_1801 : vector<16xf32>
    %ge3A_1805 = arith.constant 0.000000e+00 : f32
    %ge3A_1806 = vector.broadcast %ge3A_1805 : f32 to vector<16xf32>
    %ge3A_1807 = arith.cmpf oge, %get3A_1748, %ge3A_1806 : vector<16xf32>
    %sub3A_1808 = arith.constant 1.000000e+00 : f32
    %sub3A_1809 = vector.broadcast %sub3A_1808 : f32 to vector<16xf32>
    %sub3A_1810 = arith.subf %sub3A_1809, %div3A_1804 : vector<16xf32>
    %select_n3A_1811 = arith.select %ge3A_1807, %div3A_1804, %sub3A_1810 : vector<16xi1>, vector<16xf32>
    %mul3A_1812 = arith.mulf %add3A_1798, %select_n3A_1811 : vector<16xf32>
    %mul3A_1813 = arith.mulf %mul3A_1812, %select_n3A_1811 : vector<16xf32>
    %sub3A_1814 = arith.subf %get3A_1745, %select_n3A_1811 : vector<16xf32>
    %abs3A_1815 = math.absf %sub3A_1814 : vector<16xf32>
    %mul3A_1816 = arith.mulf %get3A_1745, %get3A_1748 : vector<16xf32>
    %sub3A_1817 = arith.subf %add3A_1798, %mul3A_1816 : vector<16xf32>
    %mul3A_1818 = arith.mulf %sub3A_1817, %abs3A_1815 : vector<16xf32>
    %mul3A_1819 = arith.mulf %mul3A_1818, %abs3A_1815 : vector<16xf32>
    %sub3A_1820 = arith.subf %mul3A_1819, %mul3A_1813 : vector<16xf32>
    %jit3A_1821 = arith.constant 0.000000e+00 : f32
    %broadcast_in_dim3A_1822 = vector.broadcast %jit3A_1821 : f32 to vector<16xf32>
    %select_n3A_1823 = arith.select %and3A_1762, %sub3A_1820, %broadcast_in_dim3A_1822 : vector<16xi1>, vector<16xf32>
    %add3A_1824 = arith.addf %add3A_1739, %select_n3A_1823 : vector<16xf32>
    %get3A_1825 = arith.constant 176 : index
    %get3A_1826 = tpu.vector_load %arg6[%get3A_1825] {strides = array<i32>} : memref<640xi32, #tpu.memory_space<vmem>>, vector<16xi32>,
    %get3A_1827 = vector.shape_cast %get3A_1826 : vector<16xi32> to vector<16xi32>
    %get3A_1828 = arith.constant 176 : index
    %get3A_1829 = tpu.vector_load %arg7[%get3A_1828] {strides = array<i32>} : memref<640xf32, #tpu.memory_space<vmem>>, vector<16xf32>,
    %get3A_1830 = vector.shape_cast %get3A_1829 : vector<16xf32> to vector<16xf32>
    %get3A_1831 = arith.constant 176 : index
    %get3A_1832 = tpu.vector_load %arg9[%get3A_1831] {strides = array<i32>} : memref<640xf32, #tpu.memory_space<vmem>>, vector<16xf32>,
    %get3A_1833 = vector.shape_cast %get3A_1832 : vector<16xf32> to vector<16xf32>
    %add3A_1834 = arith.constant 176 : i32
    %add3A_1835 = arith.addi %min3A_3, %add3A_1834 : i32
    %add3A_1836 = vector.broadcast %add3A_1835 : i32 to vector<16xi32>
    %add3A_1837 = arith.addi %add3A_1836, %iota3A : vector<16xi32>
    %ge3A_1838 = vector.broadcast %mul3A_2 : i32 to vector<16xi32>
    %ge3A_1839 = arith.cmpi sge, %add3A_1837, %ge3A_1838 : vector<16xi32>
    %ge3A_1840 = arith.constant 0 : i32
    %ge3A_1841 = vector.broadcast %ge3A_1840 : i32 to vector<16xi32>
    %ge3A_1842 = arith.cmpi sge, %get3A_1827, %ge3A_1841 : vector<16xi32>
    %lt3A_1843 = arith.constant 80 : i32
    %lt3A_1844 = vector.broadcast %lt3A_1843 : i32 to vector<16xi32>
    %lt3A_1845 = arith.cmpi slt, %get3A_1827, %lt3A_1844 : vector<16xi32>
    %and3A_1846 = arith.andi %ge3A_1842, %lt3A_1845 : vector<16xi1>
    %and3A_1847 = arith.andi %and3A_1846, %ge3A_1839 : vector<16xi1>
    %abs3A_1848 = math.absf %get3A_1833 : vector<16xf32>
    %neg3A_1849 = arith.constant 0.000000e+00 : f32
    %neg3A_1850 = vector.broadcast %neg3A_1849 : f32 to vector<16xf32>
    %neg3A_1851 = arith.subf %neg3A_1850, %abs3A_1848 : vector<16xf32>
    %exp3A_1852 = math.exp %neg3A_1851 : vector<16xf32>
    %add3A_1853 = arith.constant 2.000000e+00 : f32
    %add3A_1854 = vector.broadcast %add3A_1853 : f32 to vector<16xf32>
    %add3A_1855 = arith.addf %exp3A_1852, %add3A_1854 : vector<16xf32>
    %div3A_1856 = arith.divf %exp3A_1852, %add3A_1855 : vector<16xf32>
    %mul3A_1857 = arith.mulf %div3A_1856, %div3A_1856 : vector<16xf32>
    %mul3A_1858 = arith.constant 2.000000e+00 : f32
    %mul3A_1859 = vector.broadcast %mul3A_1858 : f32 to vector<16xf32>
    %mul3A_1860 = arith.mulf %mul3A_1859, %div3A_1856 : vector<16xf32>
    %div3A_1861 = arith.constant 9.000000e+00 : f32
    %div3A_1862 = vector.broadcast %div3A_1861 : f32 to vector<16xf32>
    %div3A_1863 = arith.divf %mul3A_1857, %div3A_1862 : vector<16xf32>
    %add3A_1864 = arith.constant 0.142857149 : f32
    %add3A_1865 = vector.broadcast %add3A_1864 : f32 to vector<16xf32>
    %add3A_1866 = arith.addf %add3A_1865, %div3A_1863 : vector<16xf32>
    %mul3A_1867 = arith.mulf %mul3A_1857, %add3A_1866 : vector<16xf32>
    %add3A_1868 = arith.constant 2.000000e-01 : f32
    %add3A_1869 = vector.broadcast %add3A_1868 : f32 to vector<16xf32>
    %add3A_1870 = arith.addf %add3A_1869, %mul3A_1867 : vector<16xf32>
    %mul3A_1871 = arith.mulf %mul3A_1857, %add3A_1870 : vector<16xf32>
    %add3A_1872 = arith.constant 0.333333343 : f32
    %add3A_1873 = vector.broadcast %add3A_1872 : f32 to vector<16xf32>
    %add3A_1874 = arith.addf %add3A_1873, %mul3A_1871 : vector<16xf32>
    %mul3A_1875 = arith.mulf %mul3A_1857, %add3A_1874 : vector<16xf32>
    %add3A_1876 = arith.constant 1.000000e+00 : f32
    %add3A_1877 = vector.broadcast %add3A_1876 : f32 to vector<16xf32>
    %add3A_1878 = arith.addf %add3A_1877, %mul3A_1875 : vector<16xf32>
    %mul3A_1879 = arith.mulf %mul3A_1860, %add3A_1878 : vector<16xf32>
    %max3A_1880 = arith.constant 0.000000e+00 : f32
    %max3A_1881 = vector.broadcast %max3A_1880 : f32 to vector<16xf32>
    %max3A_1882 = arith.maximumf %get3A_1833, %max3A_1881 : vector<16xf32>
    %add3A_1883 = arith.addf %max3A_1882, %mul3A_1879 : vector<16xf32>
    %add3A_1884 = arith.constant 1.000000e+00 : f32
    %add3A_1885 = vector.broadcast %add3A_1884 : f32 to vector<16xf32>
    %add3A_1886 = arith.addf %add3A_1885, %exp3A_1852 : vector<16xf32>
    %div3A_1887 = arith.constant 1.000000e+00 : f32
    %div3A_1888 = vector.broadcast %div3A_1887 : f32 to vector<16xf32>
    %div3A_1889 = arith.divf %div3A_1888, %add3A_1886 : vector<16xf32>
    %ge3A_1890 = arith.constant 0.000000e+00 : f32
    %ge3A_1891 = vector.broadcast %ge3A_1890 : f32 to vector<16xf32>
    %ge3A_1892 = arith.cmpf oge, %get3A_1833, %ge3A_1891 : vector<16xf32>
    %sub3A_1893 = arith.constant 1.000000e+00 : f32
    %sub3A_1894 = vector.broadcast %sub3A_1893 : f32 to vector<16xf32>
    %sub3A_1895 = arith.subf %sub3A_1894, %div3A_1889 : vector<16xf32>
    %select_n3A_1896 = arith.select %ge3A_1892, %div3A_1889, %sub3A_1895 : vector<16xi1>, vector<16xf32>
    %mul3A_1897 = arith.mulf %add3A_1883, %select_n3A_1896 : vector<16xf32>
    %mul3A_1898 = arith.mulf %mul3A_1897, %select_n3A_1896 : vector<16xf32>
    %sub3A_1899 = arith.subf %get3A_1830, %select_n3A_1896 : vector<16xf32>
    %abs3A_1900 = math.absf %sub3A_1899 : vector<16xf32>
    %mul3A_1901 = arith.mulf %get3A_1830, %get3A_1833 : vector<16xf32>
    %sub3A_1902 = arith.subf %add3A_1883, %mul3A_1901 : vector<16xf32>
    %mul3A_1903 = arith.mulf %sub3A_1902, %abs3A_1900 : vector<16xf32>
    %mul3A_1904 = arith.mulf %mul3A_1903, %abs3A_1900 : vector<16xf32>
    %sub3A_1905 = arith.subf %mul3A_1904, %mul3A_1898 : vector<16xf32>
    %jit3A_1906 = arith.constant 0.000000e+00 : f32
    %broadcast_in_dim3A_1907 = vector.broadcast %jit3A_1906 : f32 to vector<16xf32>
    %select_n3A_1908 = arith.select %and3A_1847, %sub3A_1905, %broadcast_in_dim3A_1907 : vector<16xi1>, vector<16xf32>
    %add3A_1909 = arith.addf %add3A_1824, %select_n3A_1908 : vector<16xf32>
    %get3A_1910 = arith.constant 192 : index
    %get3A_1911 = tpu.vector_load %arg6[%get3A_1910] {strides = array<i32>} : memref<640xi32, #tpu.memory_space<vmem>>, vector<16xi32>,
    %get3A_1912 = vector.shape_cast %get3A_1911 : vector<16xi32> to vector<16xi32>
    %get3A_1913 = arith.constant 192 : index
    %get3A_1914 = tpu.vector_load %arg7[%get3A_1913] {strides = array<i32>} : memref<640xf32, #tpu.memory_space<vmem>>, vector<16xf32>,
    %get3A_1915 = vector.shape_cast %get3A_1914 : vector<16xf32> to vector<16xf32>
    %get3A_1916 = arith.constant 192 : index
    %get3A_1917 = tpu.vector_load %arg9[%get3A_1916] {strides = array<i32>} : memref<640xf32, #tpu.memory_space<vmem>>, vector<16xf32>,
    %get3A_1918 = vector.shape_cast %get3A_1917 : vector<16xf32> to vector<16xf32>
    %add3A_1919 = arith.constant 192 : i32
    %add3A_1920 = arith.addi %min3A_3, %add3A_1919 : i32
    %add3A_1921 = vector.broadcast %add3A_1920 : i32 to vector<16xi32>
    %add3A_1922 = arith.addi %add3A_1921, %iota3A : vector<16xi32>
    %ge3A_1923 = vector.broadcast %mul3A_2 : i32 to vector<16xi32>
    %ge3A_1924 = arith.cmpi sge, %add3A_1922, %ge3A_1923 : vector<16xi32>
    %ge3A_1925 = arith.constant 0 : i32
    %ge3A_1926 = vector.broadcast %ge3A_1925 : i32 to vector<16xi32>
    %ge3A_1927 = arith.cmpi sge, %get3A_1912, %ge3A_1926 : vector<16xi32>
    %lt3A_1928 = arith.constant 80 : i32
    %lt3A_1929 = vector.broadcast %lt3A_1928 : i32 to vector<16xi32>
    %lt3A_1930 = arith.cmpi slt, %get3A_1912, %lt3A_1929 : vector<16xi32>
    %and3A_1931 = arith.andi %ge3A_1927, %lt3A_1930 : vector<16xi1>
    %and3A_1932 = arith.andi %and3A_1931, %ge3A_1924 : vector<16xi1>
    %abs3A_1933 = math.absf %get3A_1918 : vector<16xf32>
    %neg3A_1934 = arith.constant 0.000000e+00 : f32
    %neg3A_1935 = vector.broadcast %neg3A_1934 : f32 to vector<16xf32>
    %neg3A_1936 = arith.subf %neg3A_1935, %abs3A_1933 : vector<16xf32>
    %exp3A_1937 = math.exp %neg3A_1936 : vector<16xf32>
    %add3A_1938 = arith.constant 2.000000e+00 : f32
    %add3A_1939 = vector.broadcast %add3A_1938 : f32 to vector<16xf32>
    %add3A_1940 = arith.addf %exp3A_1937, %add3A_1939 : vector<16xf32>
    %div3A_1941 = arith.divf %exp3A_1937, %add3A_1940 : vector<16xf32>
    %mul3A_1942 = arith.mulf %div3A_1941, %div3A_1941 : vector<16xf32>
    %mul3A_1943 = arith.constant 2.000000e+00 : f32
    %mul3A_1944 = vector.broadcast %mul3A_1943 : f32 to vector<16xf32>
    %mul3A_1945 = arith.mulf %mul3A_1944, %div3A_1941 : vector<16xf32>
    %div3A_1946 = arith.constant 9.000000e+00 : f32
    %div3A_1947 = vector.broadcast %div3A_1946 : f32 to vector<16xf32>
    %div3A_1948 = arith.divf %mul3A_1942, %div3A_1947 : vector<16xf32>
    %add3A_1949 = arith.constant 0.142857149 : f32
    %add3A_1950 = vector.broadcast %add3A_1949 : f32 to vector<16xf32>
    %add3A_1951 = arith.addf %add3A_1950, %div3A_1948 : vector<16xf32>
    %mul3A_1952 = arith.mulf %mul3A_1942, %add3A_1951 : vector<16xf32>
    %add3A_1953 = arith.constant 2.000000e-01 : f32
    %add3A_1954 = vector.broadcast %add3A_1953 : f32 to vector<16xf32>
    %add3A_1955 = arith.addf %add3A_1954, %mul3A_1952 : vector<16xf32>
    %mul3A_1956 = arith.mulf %mul3A_1942, %add3A_1955 : vector<16xf32>
    %add3A_1957 = arith.constant 0.333333343 : f32
    %add3A_1958 = vector.broadcast %add3A_1957 : f32 to vector<16xf32>
    %add3A_1959 = arith.addf %add3A_1958, %mul3A_1956 : vector<16xf32>
    %mul3A_1960 = arith.mulf %mul3A_1942, %add3A_1959 : vector<16xf32>
    %add3A_1961 = arith.constant 1.000000e+00 : f32
    %add3A_1962 = vector.broadcast %add3A_1961 : f32 to vector<16xf32>
    %add3A_1963 = arith.addf %add3A_1962, %mul3A_1960 : vector<16xf32>
    %mul3A_1964 = arith.mulf %mul3A_1945, %add3A_1963 : vector<16xf32>
    %max3A_1965 = arith.constant 0.000000e+00 : f32
    %max3A_1966 = vector.broadcast %max3A_1965 : f32 to vector<16xf32>
    %max3A_1967 = arith.maximumf %get3A_1918, %max3A_1966 : vector<16xf32>
    %add3A_1968 = arith.addf %max3A_1967, %mul3A_1964 : vector<16xf32>
    %add3A_1969 = arith.constant 1.000000e+00 : f32
    %add3A_1970 = vector.broadcast %add3A_1969 : f32 to vector<16xf32>
    %add3A_1971 = arith.addf %add3A_1970, %exp3A_1937 : vector<16xf32>
    %div3A_1972 = arith.constant 1.000000e+00 : f32
    %div3A_1973 = vector.broadcast %div3A_1972 : f32 to vector<16xf32>
    %div3A_1974 = arith.divf %div3A_1973, %add3A_1971 : vector<16xf32>
    %ge3A_1975 = arith.constant 0.000000e+00 : f32
    %ge3A_1976 = vector.broadcast %ge3A_1975 : f32 to vector<16xf32>
    %ge3A_1977 = arith.cmpf oge, %get3A_1918, %ge3A_1976 : vector<16xf32>
    %sub3A_1978 = arith.constant 1.000000e+00 : f32
    %sub3A_1979 = vector.broadcast %sub3A_1978 : f32 to vector<16xf32>
    %sub3A_1980 = arith.subf %sub3A_1979, %div3A_1974 : vector<16xf32>
    %select_n3A_1981 = arith.select %ge3A_1977, %div3A_1974, %sub3A_1980 : vector<16xi1>, vector<16xf32>
    %mul3A_1982 = arith.mulf %add3A_1968, %select_n3A_1981 : vector<16xf32>
    %mul3A_1983 = arith.mulf %mul3A_1982, %select_n3A_1981 : vector<16xf32>
    %sub3A_1984 = arith.subf %get3A_1915, %select_n3A_1981 : vector<16xf32>
    %abs3A_1985 = math.absf %sub3A_1984 : vector<16xf32>
    %mul3A_1986 = arith.mulf %get3A_1915, %get3A_1918 : vector<16xf32>
    %sub3A_1987 = arith.subf %add3A_1968, %mul3A_1986 : vector<16xf32>
    %mul3A_1988 = arith.mulf %sub3A_1987, %abs3A_1985 : vector<16xf32>
    %mul3A_1989 = arith.mulf %mul3A_1988, %abs3A_1985 : vector<16xf32>
    %sub3A_1990 = arith.subf %mul3A_1989, %mul3A_1983 : vector<16xf32>
    %jit3A_1991 = arith.constant 0.000000e+00 : f32
    %broadcast_in_dim3A_1992 = vector.broadcast %jit3A_1991 : f32 to vector<16xf32>
    %select_n3A_1993 = arith.select %and3A_1932, %sub3A_1990, %broadcast_in_dim3A_1992 : vector<16xi1>, vector<16xf32>
    %add3A_1994 = arith.addf %add3A_1909, %select_n3A_1993 : vector<16xf32>
    %get3A_1995 = arith.constant 208 : index
    %get3A_1996 = tpu.vector_load %arg6[%get3A_1995] {strides = array<i32>} : memref<640xi32, #tpu.memory_space<vmem>>, vector<16xi32>,
    %get3A_1997 = vector.shape_cast %get3A_1996 : vector<16xi32> to vector<16xi32>
    %get3A_1998 = arith.constant 208 : index
    %get3A_1999 = tpu.vector_load %arg7[%get3A_1998] {strides = array<i32>} : memref<640xf32, #tpu.memory_space<vmem>>, vector<16xf32>,
    %get3A_2000 = vector.shape_cast %get3A_1999 : vector<16xf32> to vector<16xf32>
    %get3A_2001 = arith.constant 208 : index
    %get3A_2002 = tpu.vector_load %arg9[%get3A_2001] {strides = array<i32>} : memref<640xf32, #tpu.memory_space<vmem>>, vector<16xf32>,
    %get3A_2003 = vector.shape_cast %get3A_2002 : vector<16xf32> to vector<16xf32>
    %add3A_2004 = arith.constant 208 : i32
    %add3A_2005 = arith.addi %min3A_3, %add3A_2004 : i32
    %add3A_2006 = vector.broadcast %add3A_2005 : i32 to vector<16xi32>
    %add3A_2007 = arith.addi %add3A_2006, %iota3A : vector<16xi32>
    %ge3A_2008 = vector.broadcast %mul3A_2 : i32 to vector<16xi32>
    %ge3A_2009 = arith.cmpi sge, %add3A_2007, %ge3A_2008 : vector<16xi32>
    %ge3A_2010 = arith.constant 0 : i32
    %ge3A_2011 = vector.broadcast %ge3A_2010 : i32 to vector<16xi32>
    %ge3A_2012 = arith.cmpi sge, %get3A_1997, %ge3A_2011 : vector<16xi32>
    %lt3A_2013 = arith.constant 80 : i32
    %lt3A_2014 = vector.broadcast %lt3A_2013 : i32 to vector<16xi32>
    %lt3A_2015 = arith.cmpi slt, %get3A_1997, %lt3A_2014 : vector<16xi32>
    %and3A_2016 = arith.andi %ge3A_2012, %lt3A_2015 : vector<16xi1>
    %and3A_2017 = arith.andi %and3A_2016, %ge3A_2009 : vector<16xi1>
    %abs3A_2018 = math.absf %get3A_2003 : vector<16xf32>
    %neg3A_2019 = arith.constant 0.000000e+00 : f32
    %neg3A_2020 = vector.broadcast %neg3A_2019 : f32 to vector<16xf32>
    %neg3A_2021 = arith.subf %neg3A_2020, %abs3A_2018 : vector<16xf32>
    %exp3A_2022 = math.exp %neg3A_2021 : vector<16xf32>
    %add3A_2023 = arith.constant 2.000000e+00 : f32
    %add3A_2024 = vector.broadcast %add3A_2023 : f32 to vector<16xf32>
    %add3A_2025 = arith.addf %exp3A_2022, %add3A_2024 : vector<16xf32>
    %div3A_2026 = arith.divf %exp3A_2022, %add3A_2025 : vector<16xf32>
    %mul3A_2027 = arith.mulf %div3A_2026, %div3A_2026 : vector<16xf32>
    %mul3A_2028 = arith.constant 2.000000e+00 : f32
    %mul3A_2029 = vector.broadcast %mul3A_2028 : f32 to vector<16xf32>
    %mul3A_2030 = arith.mulf %mul3A_2029, %div3A_2026 : vector<16xf32>
    %div3A_2031 = arith.constant 9.000000e+00 : f32
    %div3A_2032 = vector.broadcast %div3A_2031 : f32 to vector<16xf32>
    %div3A_2033 = arith.divf %mul3A_2027, %div3A_2032 : vector<16xf32>
    %add3A_2034 = arith.constant 0.142857149 : f32
    %add3A_2035 = vector.broadcast %add3A_2034 : f32 to vector<16xf32>
    %add3A_2036 = arith.addf %add3A_2035, %div3A_2033 : vector<16xf32>
    %mul3A_2037 = arith.mulf %mul3A_2027, %add3A_2036 : vector<16xf32>
    %add3A_2038 = arith.constant 2.000000e-01 : f32
    %add3A_2039 = vector.broadcast %add3A_2038 : f32 to vector<16xf32>
    %add3A_2040 = arith.addf %add3A_2039, %mul3A_2037 : vector<16xf32>
    %mul3A_2041 = arith.mulf %mul3A_2027, %add3A_2040 : vector<16xf32>
    %add3A_2042 = arith.constant 0.333333343 : f32
    %add3A_2043 = vector.broadcast %add3A_2042 : f32 to vector<16xf32>
    %add3A_2044 = arith.addf %add3A_2043, %mul3A_2041 : vector<16xf32>
    %mul3A_2045 = arith.mulf %mul3A_2027, %add3A_2044 : vector<16xf32>
    %add3A_2046 = arith.constant 1.000000e+00 : f32
    %add3A_2047 = vector.broadcast %add3A_2046 : f32 to vector<16xf32>
    %add3A_2048 = arith.addf %add3A_2047, %mul3A_2045 : vector<16xf32>
    %mul3A_2049 = arith.mulf %mul3A_2030, %add3A_2048 : vector<16xf32>
    %max3A_2050 = arith.constant 0.000000e+00 : f32
    %max3A_2051 = vector.broadcast %max3A_2050 : f32 to vector<16xf32>
    %max3A_2052 = arith.maximumf %get3A_2003, %max3A_2051 : vector<16xf32>
    %add3A_2053 = arith.addf %max3A_2052, %mul3A_2049 : vector<16xf32>
    %add3A_2054 = arith.constant 1.000000e+00 : f32
    %add3A_2055 = vector.broadcast %add3A_2054 : f32 to vector<16xf32>
    %add3A_2056 = arith.addf %add3A_2055, %exp3A_2022 : vector<16xf32>
    %div3A_2057 = arith.constant 1.000000e+00 : f32
    %div3A_2058 = vector.broadcast %div3A_2057 : f32 to vector<16xf32>
    %div3A_2059 = arith.divf %div3A_2058, %add3A_2056 : vector<16xf32>
    %ge3A_2060 = arith.constant 0.000000e+00 : f32
    %ge3A_2061 = vector.broadcast %ge3A_2060 : f32 to vector<16xf32>
    %ge3A_2062 = arith.cmpf oge, %get3A_2003, %ge3A_2061 : vector<16xf32>
    %sub3A_2063 = arith.constant 1.000000e+00 : f32
    %sub3A_2064 = vector.broadcast %sub3A_2063 : f32 to vector<16xf32>
    %sub3A_2065 = arith.subf %sub3A_2064, %div3A_2059 : vector<16xf32>
    %select_n3A_2066 = arith.select %ge3A_2062, %div3A_2059, %sub3A_2065 : vector<16xi1>, vector<16xf32>
    %mul3A_2067 = arith.mulf %add3A_2053, %select_n3A_2066 : vector<16xf32>
    %mul3A_2068 = arith.mulf %mul3A_2067, %select_n3A_2066 : vector<16xf32>
    %sub3A_2069 = arith.subf %get3A_2000, %select_n3A_2066 : vector<16xf32>
    %abs3A_2070 = math.absf %sub3A_2069 : vector<16xf32>
    %mul3A_2071 = arith.mulf %get3A_2000, %get3A_2003 : vector<16xf32>
    %sub3A_2072 = arith.subf %add3A_2053, %mul3A_2071 : vector<16xf32>
    %mul3A_2073 = arith.mulf %sub3A_2072, %abs3A_2070 : vector<16xf32>
    %mul3A_2074 = arith.mulf %mul3A_2073, %abs3A_2070 : vector<16xf32>
    %sub3A_2075 = arith.subf %mul3A_2074, %mul3A_2068 : vector<16xf32>
    %jit3A_2076 = arith.constant 0.000000e+00 : f32
    %broadcast_in_dim3A_2077 = vector.broadcast %jit3A_2076 : f32 to vector<16xf32>
    %select_n3A_2078 = arith.select %and3A_2017, %sub3A_2075, %broadcast_in_dim3A_2077 : vector<16xi1>, vector<16xf32>
    %add3A_2079 = arith.addf %add3A_1994, %select_n3A_2078 : vector<16xf32>
    %get3A_2080 = arith.constant 224 : index
    %get3A_2081 = tpu.vector_load %arg6[%get3A_2080] {strides = array<i32>} : memref<640xi32, #tpu.memory_space<vmem>>, vector<16xi32>,
    %get3A_2082 = vector.shape_cast %get3A_2081 : vector<16xi32> to vector<16xi32>
    %get3A_2083 = arith.constant 224 : index
    %get3A_2084 = tpu.vector_load %arg7[%get3A_2083] {strides = array<i32>} : memref<640xf32, #tpu.memory_space<vmem>>, vector<16xf32>,
    %get3A_2085 = vector.shape_cast %get3A_2084 : vector<16xf32> to vector<16xf32>
    %get3A_2086 = arith.constant 224 : index
    %get3A_2087 = tpu.vector_load %arg9[%get3A_2086] {strides = array<i32>} : memref<640xf32, #tpu.memory_space<vmem>>, vector<16xf32>,
    %get3A_2088 = vector.shape_cast %get3A_2087 : vector<16xf32> to vector<16xf32>
    %add3A_2089 = arith.constant 224 : i32
    %add3A_2090 = arith.addi %min3A_3, %add3A_2089 : i32
    %add3A_2091 = vector.broadcast %add3A_2090 : i32 to vector<16xi32>
    %add3A_2092 = arith.addi %add3A_2091, %iota3A : vector<16xi32>
    %ge3A_2093 = vector.broadcast %mul3A_2 : i32 to vector<16xi32>
    %ge3A_2094 = arith.cmpi sge, %add3A_2092, %ge3A_2093 : vector<16xi32>
    %ge3A_2095 = arith.constant 0 : i32
    %ge3A_2096 = vector.broadcast %ge3A_2095 : i32 to vector<16xi32>
    %ge3A_2097 = arith.cmpi sge, %get3A_2082, %ge3A_2096 : vector<16xi32>
    %lt3A_2098 = arith.constant 80 : i32
    %lt3A_2099 = vector.broadcast %lt3A_2098 : i32 to vector<16xi32>
    %lt3A_2100 = arith.cmpi slt, %get3A_2082, %lt3A_2099 : vector<16xi32>
    %and3A_2101 = arith.andi %ge3A_2097, %lt3A_2100 : vector<16xi1>
    %and3A_2102 = arith.andi %and3A_2101, %ge3A_2094 : vector<16xi1>
    %abs3A_2103 = math.absf %get3A_2088 : vector<16xf32>
    %neg3A_2104 = arith.constant 0.000000e+00 : f32
    %neg3A_2105 = vector.broadcast %neg3A_2104 : f32 to vector<16xf32>
    %neg3A_2106 = arith.subf %neg3A_2105, %abs3A_2103 : vector<16xf32>
    %exp3A_2107 = math.exp %neg3A_2106 : vector<16xf32>
    %add3A_2108 = arith.constant 2.000000e+00 : f32
    %add3A_2109 = vector.broadcast %add3A_2108 : f32 to vector<16xf32>
    %add3A_2110 = arith.addf %exp3A_2107, %add3A_2109 : vector<16xf32>
    %div3A_2111 = arith.divf %exp3A_2107, %add3A_2110 : vector<16xf32>
    %mul3A_2112 = arith.mulf %div3A_2111, %div3A_2111 : vector<16xf32>
    %mul3A_2113 = arith.constant 2.000000e+00 : f32
    %mul3A_2114 = vector.broadcast %mul3A_2113 : f32 to vector<16xf32>
    %mul3A_2115 = arith.mulf %mul3A_2114, %div3A_2111 : vector<16xf32>
    %div3A_2116 = arith.constant 9.000000e+00 : f32
    %div3A_2117 = vector.broadcast %div3A_2116 : f32 to vector<16xf32>
    %div3A_2118 = arith.divf %mul3A_2112, %div3A_2117 : vector<16xf32>
    %add3A_2119 = arith.constant 0.142857149 : f32
    %add3A_2120 = vector.broadcast %add3A_2119 : f32 to vector<16xf32>
    %add3A_2121 = arith.addf %add3A_2120, %div3A_2118 : vector<16xf32>
    %mul3A_2122 = arith.mulf %mul3A_2112, %add3A_2121 : vector<16xf32>
    %add3A_2123 = arith.constant 2.000000e-01 : f32
    %add3A_2124 = vector.broadcast %add3A_2123 : f32 to vector<16xf32>
    %add3A_2125 = arith.addf %add3A_2124, %mul3A_2122 : vector<16xf32>
    %mul3A_2126 = arith.mulf %mul3A_2112, %add3A_2125 : vector<16xf32>
    %add3A_2127 = arith.constant 0.333333343 : f32
    %add3A_2128 = vector.broadcast %add3A_2127 : f32 to vector<16xf32>
    %add3A_2129 = arith.addf %add3A_2128, %mul3A_2126 : vector<16xf32>
    %mul3A_2130 = arith.mulf %mul3A_2112, %add3A_2129 : vector<16xf32>
    %add3A_2131 = arith.constant 1.000000e+00 : f32
    %add3A_2132 = vector.broadcast %add3A_2131 : f32 to vector<16xf32>
    %add3A_2133 = arith.addf %add3A_2132, %mul3A_2130 : vector<16xf32>
    %mul3A_2134 = arith.mulf %mul3A_2115, %add3A_2133 : vector<16xf32>
    %max3A_2135 = arith.constant 0.000000e+00 : f32
    %max3A_2136 = vector.broadcast %max3A_2135 : f32 to vector<16xf32>
    %max3A_2137 = arith.maximumf %get3A_2088, %max3A_2136 : vector<16xf32>
    %add3A_2138 = arith.addf %max3A_2137, %mul3A_2134 : vector<16xf32>
    %add3A_2139 = arith.constant 1.000000e+00 : f32
    %add3A_2140 = vector.broadcast %add3A_2139 : f32 to vector<16xf32>
    %add3A_2141 = arith.addf %add3A_2140, %exp3A_2107 : vector<16xf32>
    %div3A_2142 = arith.constant 1.000000e+00 : f32
    %div3A_2143 = vector.broadcast %div3A_2142 : f32 to vector<16xf32>
    %div3A_2144 = arith.divf %div3A_2143, %add3A_2141 : vector<16xf32>
    %ge3A_2145 = arith.constant 0.000000e+00 : f32
    %ge3A_2146 = vector.broadcast %ge3A_2145 : f32 to vector<16xf32>
    %ge3A_2147 = arith.cmpf oge, %get3A_2088, %ge3A_2146 : vector<16xf32>
    %sub3A_2148 = arith.constant 1.000000e+00 : f32
    %sub3A_2149 = vector.broadcast %sub3A_2148 : f32 to vector<16xf32>
    %sub3A_2150 = arith.subf %sub3A_2149, %div3A_2144 : vector<16xf32>
    %select_n3A_2151 = arith.select %ge3A_2147, %div3A_2144, %sub3A_2150 : vector<16xi1>, vector<16xf32>
    %mul3A_2152 = arith.mulf %add3A_2138, %select_n3A_2151 : vector<16xf32>
    %mul3A_2153 = arith.mulf %mul3A_2152, %select_n3A_2151 : vector<16xf32>
    %sub3A_2154 = arith.subf %get3A_2085, %select_n3A_2151 : vector<16xf32>
    %abs3A_2155 = math.absf %sub3A_2154 : vector<16xf32>
    %mul3A_2156 = arith.mulf %get3A_2085, %get3A_2088 : vector<16xf32>
    %sub3A_2157 = arith.subf %add3A_2138, %mul3A_2156 : vector<16xf32>
    %mul3A_2158 = arith.mulf %sub3A_2157, %abs3A_2155 : vector<16xf32>
    %mul3A_2159 = arith.mulf %mul3A_2158, %abs3A_2155 : vector<16xf32>
    %sub3A_2160 = arith.subf %mul3A_2159, %mul3A_2153 : vector<16xf32>
    %jit3A_2161 = arith.constant 0.000000e+00 : f32
    %broadcast_in_dim3A_2162 = vector.broadcast %jit3A_2161 : f32 to vector<16xf32>
    %select_n3A_2163 = arith.select %and3A_2102, %sub3A_2160, %broadcast_in_dim3A_2162 : vector<16xi1>, vector<16xf32>
    %add3A_2164 = arith.addf %add3A_2079, %select_n3A_2163 : vector<16xf32>
    %get3A_2165 = arith.constant 240 : index
    %get3A_2166 = tpu.vector_load %arg6[%get3A_2165] {strides = array<i32>} : memref<640xi32, #tpu.memory_space<vmem>>, vector<16xi32>,
    %get3A_2167 = vector.shape_cast %get3A_2166 : vector<16xi32> to vector<16xi32>
    %get3A_2168 = arith.constant 240 : index
    %get3A_2169 = tpu.vector_load %arg7[%get3A_2168] {strides = array<i32>} : memref<640xf32, #tpu.memory_space<vmem>>, vector<16xf32>,
    %get3A_2170 = vector.shape_cast %get3A_2169 : vector<16xf32> to vector<16xf32>
    %get3A_2171 = arith.constant 240 : index
    %get3A_2172 = tpu.vector_load %arg9[%get3A_2171] {strides = array<i32>} : memref<640xf32, #tpu.memory_space<vmem>>, vector<16xf32>,
    %get3A_2173 = vector.shape_cast %get3A_2172 : vector<16xf32> to vector<16xf32>
    %add3A_2174 = arith.constant 240 : i32
    %add3A_2175 = arith.addi %min3A_3, %add3A_2174 : i32
    %add3A_2176 = vector.broadcast %add3A_2175 : i32 to vector<16xi32>
    %add3A_2177 = arith.addi %add3A_2176, %iota3A : vector<16xi32>
    %ge3A_2178 = vector.broadcast %mul3A_2 : i32 to vector<16xi32>
    %ge3A_2179 = arith.cmpi sge, %add3A_2177, %ge3A_2178 : vector<16xi32>
    %ge3A_2180 = arith.constant 0 : i32
    %ge3A_2181 = vector.broadcast %ge3A_2180 : i32 to vector<16xi32>
    %ge3A_2182 = arith.cmpi sge, %get3A_2167, %ge3A_2181 : vector<16xi32>
    %lt3A_2183 = arith.constant 80 : i32
    %lt3A_2184 = vector.broadcast %lt3A_2183 : i32 to vector<16xi32>
    %lt3A_2185 = arith.cmpi slt, %get3A_2167, %lt3A_2184 : vector<16xi32>
    %and3A_2186 = arith.andi %ge3A_2182, %lt3A_2185 : vector<16xi1>
    %and3A_2187 = arith.andi %and3A_2186, %ge3A_2179 : vector<16xi1>
    %abs3A_2188 = math.absf %get3A_2173 : vector<16xf32>
    %neg3A_2189 = arith.constant 0.000000e+00 : f32
    %neg3A_2190 = vector.broadcast %neg3A_2189 : f32 to vector<16xf32>
    %neg3A_2191 = arith.subf %neg3A_2190, %abs3A_2188 : vector<16xf32>
    %exp3A_2192 = math.exp %neg3A_2191 : vector<16xf32>
    %add3A_2193 = arith.constant 2.000000e+00 : f32
    %add3A_2194 = vector.broadcast %add3A_2193 : f32 to vector<16xf32>
    %add3A_2195 = arith.addf %exp3A_2192, %add3A_2194 : vector<16xf32>
    %div3A_2196 = arith.divf %exp3A_2192, %add3A_2195 : vector<16xf32>
    %mul3A_2197 = arith.mulf %div3A_2196, %div3A_2196 : vector<16xf32>
    %mul3A_2198 = arith.constant 2.000000e+00 : f32
    %mul3A_2199 = vector.broadcast %mul3A_2198 : f32 to vector<16xf32>
    %mul3A_2200 = arith.mulf %mul3A_2199, %div3A_2196 : vector<16xf32>
    %div3A_2201 = arith.constant 9.000000e+00 : f32
    %div3A_2202 = vector.broadcast %div3A_2201 : f32 to vector<16xf32>
    %div3A_2203 = arith.divf %mul3A_2197, %div3A_2202 : vector<16xf32>
    %add3A_2204 = arith.constant 0.142857149 : f32
    %add3A_2205 = vector.broadcast %add3A_2204 : f32 to vector<16xf32>
    %add3A_2206 = arith.addf %add3A_2205, %div3A_2203 : vector<16xf32>
    %mul3A_2207 = arith.mulf %mul3A_2197, %add3A_2206 : vector<16xf32>
    %add3A_2208 = arith.constant 2.000000e-01 : f32
    %add3A_2209 = vector.broadcast %add3A_2208 : f32 to vector<16xf32>
    %add3A_2210 = arith.addf %add3A_2209, %mul3A_2207 : vector<16xf32>
    %mul3A_2211 = arith.mulf %mul3A_2197, %add3A_2210 : vector<16xf32>
    %add3A_2212 = arith.constant 0.333333343 : f32
    %add3A_2213 = vector.broadcast %add3A_2212 : f32 to vector<16xf32>
    %add3A_2214 = arith.addf %add3A_2213, %mul3A_2211 : vector<16xf32>
    %mul3A_2215 = arith.mulf %mul3A_2197, %add3A_2214 : vector<16xf32>
    %add3A_2216 = arith.constant 1.000000e+00 : f32
    %add3A_2217 = vector.broadcast %add3A_2216 : f32 to vector<16xf32>
    %add3A_2218 = arith.addf %add3A_2217, %mul3A_2215 : vector<16xf32>
    %mul3A_2219 = arith.mulf %mul3A_2200, %add3A_2218 : vector<16xf32>
    %max3A_2220 = arith.constant 0.000000e+00 : f32
    %max3A_2221 = vector.broadcast %max3A_2220 : f32 to vector<16xf32>
    %max3A_2222 = arith.maximumf %get3A_2173, %max3A_2221 : vector<16xf32>
    %add3A_2223 = arith.addf %max3A_2222, %mul3A_2219 : vector<16xf32>
    %add3A_2224 = arith.constant 1.000000e+00 : f32
    %add3A_2225 = vector.broadcast %add3A_2224 : f32 to vector<16xf32>
    %add3A_2226 = arith.addf %add3A_2225, %exp3A_2192 : vector<16xf32>
    %div3A_2227 = arith.constant 1.000000e+00 : f32
    %div3A_2228 = vector.broadcast %div3A_2227 : f32 to vector<16xf32>
    %div3A_2229 = arith.divf %div3A_2228, %add3A_2226 : vector<16xf32>
    %ge3A_2230 = arith.constant 0.000000e+00 : f32
    %ge3A_2231 = vector.broadcast %ge3A_2230 : f32 to vector<16xf32>
    %ge3A_2232 = arith.cmpf oge, %get3A_2173, %ge3A_2231 : vector<16xf32>
    %sub3A_2233 = arith.constant 1.000000e+00 : f32
    %sub3A_2234 = vector.broadcast %sub3A_2233 : f32 to vector<16xf32>
    %sub3A_2235 = arith.subf %sub3A_2234, %div3A_2229 : vector<16xf32>
    %select_n3A_2236 = arith.select %ge3A_2232, %div3A_2229, %sub3A_2235 : vector<16xi1>, vector<16xf32>
    %mul3A_2237 = arith.mulf %add3A_2223, %select_n3A_2236 : vector<16xf32>
    %mul3A_2238 = arith.mulf %mul3A_2237, %select_n3A_2236 : vector<16xf32>
    %sub3A_2239 = arith.subf %get3A_2170, %select_n3A_2236 : vector<16xf32>
    %abs3A_2240 = math.absf %sub3A_2239 : vector<16xf32>
    %mul3A_2241 = arith.mulf %get3A_2170, %get3A_2173 : vector<16xf32>
    %sub3A_2242 = arith.subf %add3A_2223, %mul3A_2241 : vector<16xf32>
    %mul3A_2243 = arith.mulf %sub3A_2242, %abs3A_2240 : vector<16xf32>
    %mul3A_2244 = arith.mulf %mul3A_2243, %abs3A_2240 : vector<16xf32>
    %sub3A_2245 = arith.subf %mul3A_2244, %mul3A_2238 : vector<16xf32>
    %jit3A_2246 = arith.constant 0.000000e+00 : f32
    %broadcast_in_dim3A_2247 = vector.broadcast %jit3A_2246 : f32 to vector<16xf32>
    %select_n3A_2248 = arith.select %and3A_2187, %sub3A_2245, %broadcast_in_dim3A_2247 : vector<16xi1>, vector<16xf32>
    %add3A_2249 = arith.addf %add3A_2164, %select_n3A_2248 : vector<16xf32>
    %get3A_2250 = arith.constant 256 : index
    %get3A_2251 = tpu.vector_load %arg6[%get3A_2250] {strides = array<i32>} : memref<640xi32, #tpu.memory_space<vmem>>, vector<16xi32>,
    %get3A_2252 = vector.shape_cast %get3A_2251 : vector<16xi32> to vector<16xi32>
    %get3A_2253 = arith.constant 256 : index
    %get3A_2254 = tpu.vector_load %arg7[%get3A_2253] {strides = array<i32>} : memref<640xf32, #tpu.memory_space<vmem>>, vector<16xf32>,
    %get3A_2255 = vector.shape_cast %get3A_2254 : vector<16xf32> to vector<16xf32>
    %get3A_2256 = arith.constant 256 : index
    %get3A_2257 = tpu.vector_load %arg9[%get3A_2256] {strides = array<i32>} : memref<640xf32, #tpu.memory_space<vmem>>, vector<16xf32>,
    %get3A_2258 = vector.shape_cast %get3A_2257 : vector<16xf32> to vector<16xf32>
    %add3A_2259 = arith.constant 256 : i32
    %add3A_2260 = arith.addi %min3A_3, %add3A_2259 : i32
    %add3A_2261 = vector.broadcast %add3A_2260 : i32 to vector<16xi32>
    %add3A_2262 = arith.addi %add3A_2261, %iota3A : vector<16xi32>
    %ge3A_2263 = vector.broadcast %mul3A_2 : i32 to vector<16xi32>
    %ge3A_2264 = arith.cmpi sge, %add3A_2262, %ge3A_2263 : vector<16xi32>
    %ge3A_2265 = arith.constant 0 : i32
    %ge3A_2266 = vector.broadcast %ge3A_2265 : i32 to vector<16xi32>
    %ge3A_2267 = arith.cmpi sge, %get3A_2252, %ge3A_2266 : vector<16xi32>
    %lt3A_2268 = arith.constant 80 : i32
    %lt3A_2269 = vector.broadcast %lt3A_2268 : i32 to vector<16xi32>
    %lt3A_2270 = arith.cmpi slt, %get3A_2252, %lt3A_2269 : vector<16xi32>
    %and3A_2271 = arith.andi %ge3A_2267, %lt3A_2270 : vector<16xi1>
    %and3A_2272 = arith.andi %and3A_2271, %ge3A_2264 : vector<16xi1>
    %abs3A_2273 = math.absf %get3A_2258 : vector<16xf32>
    %neg3A_2274 = arith.constant 0.000000e+00 : f32
    %neg3A_2275 = vector.broadcast %neg3A_2274 : f32 to vector<16xf32>
    %neg3A_2276 = arith.subf %neg3A_2275, %abs3A_2273 : vector<16xf32>
    %exp3A_2277 = math.exp %neg3A_2276 : vector<16xf32>
    %add3A_2278 = arith.constant 2.000000e+00 : f32
    %add3A_2279 = vector.broadcast %add3A_2278 : f32 to vector<16xf32>
    %add3A_2280 = arith.addf %exp3A_2277, %add3A_2279 : vector<16xf32>
    %div3A_2281 = arith.divf %exp3A_2277, %add3A_2280 : vector<16xf32>
    %mul3A_2282 = arith.mulf %div3A_2281, %div3A_2281 : vector<16xf32>
    %mul3A_2283 = arith.constant 2.000000e+00 : f32
    %mul3A_2284 = vector.broadcast %mul3A_2283 : f32 to vector<16xf32>
    %mul3A_2285 = arith.mulf %mul3A_2284, %div3A_2281 : vector<16xf32>
    %div3A_2286 = arith.constant 9.000000e+00 : f32
    %div3A_2287 = vector.broadcast %div3A_2286 : f32 to vector<16xf32>
    %div3A_2288 = arith.divf %mul3A_2282, %div3A_2287 : vector<16xf32>
    %add3A_2289 = arith.constant 0.142857149 : f32
    %add3A_2290 = vector.broadcast %add3A_2289 : f32 to vector<16xf32>
    %add3A_2291 = arith.addf %add3A_2290, %div3A_2288 : vector<16xf32>
    %mul3A_2292 = arith.mulf %mul3A_2282, %add3A_2291 : vector<16xf32>
    %add3A_2293 = arith.constant 2.000000e-01 : f32
    %add3A_2294 = vector.broadcast %add3A_2293 : f32 to vector<16xf32>
    %add3A_2295 = arith.addf %add3A_2294, %mul3A_2292 : vector<16xf32>
    %mul3A_2296 = arith.mulf %mul3A_2282, %add3A_2295 : vector<16xf32>
    %add3A_2297 = arith.constant 0.333333343 : f32
    %add3A_2298 = vector.broadcast %add3A_2297 : f32 to vector<16xf32>
    %add3A_2299 = arith.addf %add3A_2298, %mul3A_2296 : vector<16xf32>
    %mul3A_2300 = arith.mulf %mul3A_2282, %add3A_2299 : vector<16xf32>
    %add3A_2301 = arith.constant 1.000000e+00 : f32
    %add3A_2302 = vector.broadcast %add3A_2301 : f32 to vector<16xf32>
    %add3A_2303 = arith.addf %add3A_2302, %mul3A_2300 : vector<16xf32>
    %mul3A_2304 = arith.mulf %mul3A_2285, %add3A_2303 : vector<16xf32>
    %max3A_2305 = arith.constant 0.000000e+00 : f32
    %max3A_2306 = vector.broadcast %max3A_2305 : f32 to vector<16xf32>
    %max3A_2307 = arith.maximumf %get3A_2258, %max3A_2306 : vector<16xf32>
    %add3A_2308 = arith.addf %max3A_2307, %mul3A_2304 : vector<16xf32>
    %add3A_2309 = arith.constant 1.000000e+00 : f32
    %add3A_2310 = vector.broadcast %add3A_2309 : f32 to vector<16xf32>
    %add3A_2311 = arith.addf %add3A_2310, %exp3A_2277 : vector<16xf32>
    %div3A_2312 = arith.constant 1.000000e+00 : f32
    %div3A_2313 = vector.broadcast %div3A_2312 : f32 to vector<16xf32>
    %div3A_2314 = arith.divf %div3A_2313, %add3A_2311 : vector<16xf32>
    %ge3A_2315 = arith.constant 0.000000e+00 : f32
    %ge3A_2316 = vector.broadcast %ge3A_2315 : f32 to vector<16xf32>
    %ge3A_2317 = arith.cmpf oge, %get3A_2258, %ge3A_2316 : vector<16xf32>
    %sub3A_2318 = arith.constant 1.000000e+00 : f32
    %sub3A_2319 = vector.broadcast %sub3A_2318 : f32 to vector<16xf32>
    %sub3A_2320 = arith.subf %sub3A_2319, %div3A_2314 : vector<16xf32>
    %select_n3A_2321 = arith.select %ge3A_2317, %div3A_2314, %sub3A_2320 : vector<16xi1>, vector<16xf32>
    %mul3A_2322 = arith.mulf %add3A_2308, %select_n3A_2321 : vector<16xf32>
    %mul3A_2323 = arith.mulf %mul3A_2322, %select_n3A_2321 : vector<16xf32>
    %sub3A_2324 = arith.subf %get3A_2255, %select_n3A_2321 : vector<16xf32>
    %abs3A_2325 = math.absf %sub3A_2324 : vector<16xf32>
    %mul3A_2326 = arith.mulf %get3A_2255, %get3A_2258 : vector<16xf32>
    %sub3A_2327 = arith.subf %add3A_2308, %mul3A_2326 : vector<16xf32>
    %mul3A_2328 = arith.mulf %sub3A_2327, %abs3A_2325 : vector<16xf32>
    %mul3A_2329 = arith.mulf %mul3A_2328, %abs3A_2325 : vector<16xf32>
    %sub3A_2330 = arith.subf %mul3A_2329, %mul3A_2323 : vector<16xf32>
    %jit3A_2331 = arith.constant 0.000000e+00 : f32
    %broadcast_in_dim3A_2332 = vector.broadcast %jit3A_2331 : f32 to vector<16xf32>
    %select_n3A_2333 = arith.select %and3A_2272, %sub3A_2330, %broadcast_in_dim3A_2332 : vector<16xi1>, vector<16xf32>
    %add3A_2334 = arith.addf %add3A_2249, %select_n3A_2333 : vector<16xf32>
    %get3A_2335 = arith.constant 272 : index
    %get3A_2336 = tpu.vector_load %arg6[%get3A_2335] {strides = array<i32>} : memref<640xi32, #tpu.memory_space<vmem>>, vector<16xi32>,
    %get3A_2337 = vector.shape_cast %get3A_2336 : vector<16xi32> to vector<16xi32>
    %get3A_2338 = arith.constant 272 : index
    %get3A_2339 = tpu.vector_load %arg7[%get3A_2338] {strides = array<i32>} : memref<640xf32, #tpu.memory_space<vmem>>, vector<16xf32>,
    %get3A_2340 = vector.shape_cast %get3A_2339 : vector<16xf32> to vector<16xf32>
    %get3A_2341 = arith.constant 272 : index
    %get3A_2342 = tpu.vector_load %arg9[%get3A_2341] {strides = array<i32>} : memref<640xf32, #tpu.memory_space<vmem>>, vector<16xf32>,
    %get3A_2343 = vector.shape_cast %get3A_2342 : vector<16xf32> to vector<16xf32>
    %add3A_2344 = arith.constant 272 : i32
    %add3A_2345 = arith.addi %min3A_3, %add3A_2344 : i32
    %add3A_2346 = vector.broadcast %add3A_2345 : i32 to vector<16xi32>
    %add3A_2347 = arith.addi %add3A_2346, %iota3A : vector<16xi32>
    %ge3A_2348 = vector.broadcast %mul3A_2 : i32 to vector<16xi32>
    %ge3A_2349 = arith.cmpi sge, %add3A_2347, %ge3A_2348 : vector<16xi32>
    %ge3A_2350 = arith.constant 0 : i32
    %ge3A_2351 = vector.broadcast %ge3A_2350 : i32 to vector<16xi32>
    %ge3A_2352 = arith.cmpi sge, %get3A_2337, %ge3A_2351 : vector<16xi32>
    %lt3A_2353 = arith.constant 80 : i32
    %lt3A_2354 = vector.broadcast %lt3A_2353 : i32 to vector<16xi32>
    %lt3A_2355 = arith.cmpi slt, %get3A_2337, %lt3A_2354 : vector<16xi32>
    %and3A_2356 = arith.andi %ge3A_2352, %lt3A_2355 : vector<16xi1>
    %and3A_2357 = arith.andi %and3A_2356, %ge3A_2349 : vector<16xi1>
    %abs3A_2358 = math.absf %get3A_2343 : vector<16xf32>
    %neg3A_2359 = arith.constant 0.000000e+00 : f32
    %neg3A_2360 = vector.broadcast %neg3A_2359 : f32 to vector<16xf32>
    %neg3A_2361 = arith.subf %neg3A_2360, %abs3A_2358 : vector<16xf32>
    %exp3A_2362 = math.exp %neg3A_2361 : vector<16xf32>
    %add3A_2363 = arith.constant 2.000000e+00 : f32
    %add3A_2364 = vector.broadcast %add3A_2363 : f32 to vector<16xf32>
    %add3A_2365 = arith.addf %exp3A_2362, %add3A_2364 : vector<16xf32>
    %div3A_2366 = arith.divf %exp3A_2362, %add3A_2365 : vector<16xf32>
    %mul3A_2367 = arith.mulf %div3A_2366, %div3A_2366 : vector<16xf32>
    %mul3A_2368 = arith.constant 2.000000e+00 : f32
    %mul3A_2369 = vector.broadcast %mul3A_2368 : f32 to vector<16xf32>
    %mul3A_2370 = arith.mulf %mul3A_2369, %div3A_2366 : vector<16xf32>
    %div3A_2371 = arith.constant 9.000000e+00 : f32
    %div3A_2372 = vector.broadcast %div3A_2371 : f32 to vector<16xf32>
    %div3A_2373 = arith.divf %mul3A_2367, %div3A_2372 : vector<16xf32>
    %add3A_2374 = arith.constant 0.142857149 : f32
    %add3A_2375 = vector.broadcast %add3A_2374 : f32 to vector<16xf32>
    %add3A_2376 = arith.addf %add3A_2375, %div3A_2373 : vector<16xf32>
    %mul3A_2377 = arith.mulf %mul3A_2367, %add3A_2376 : vector<16xf32>
    %add3A_2378 = arith.constant 2.000000e-01 : f32
    %add3A_2379 = vector.broadcast %add3A_2378 : f32 to vector<16xf32>
    %add3A_2380 = arith.addf %add3A_2379, %mul3A_2377 : vector<16xf32>
    %mul3A_2381 = arith.mulf %mul3A_2367, %add3A_2380 : vector<16xf32>
    %add3A_2382 = arith.constant 0.333333343 : f32
    %add3A_2383 = vector.broadcast %add3A_2382 : f32 to vector<16xf32>
    %add3A_2384 = arith.addf %add3A_2383, %mul3A_2381 : vector<16xf32>
    %mul3A_2385 = arith.mulf %mul3A_2367, %add3A_2384 : vector<16xf32>
    %add3A_2386 = arith.constant 1.000000e+00 : f32
    %add3A_2387 = vector.broadcast %add3A_2386 : f32 to vector<16xf32>
    %add3A_2388 = arith.addf %add3A_2387, %mul3A_2385 : vector<16xf32>
    %mul3A_2389 = arith.mulf %mul3A_2370, %add3A_2388 : vector<16xf32>
    %max3A_2390 = arith.constant 0.000000e+00 : f32
    %max3A_2391 = vector.broadcast %max3A_2390 : f32 to vector<16xf32>
    %max3A_2392 = arith.maximumf %get3A_2343, %max3A_2391 : vector<16xf32>
    %add3A_2393 = arith.addf %max3A_2392, %mul3A_2389 : vector<16xf32>
    %add3A_2394 = arith.constant 1.000000e+00 : f32
    %add3A_2395 = vector.broadcast %add3A_2394 : f32 to vector<16xf32>
    %add3A_2396 = arith.addf %add3A_2395, %exp3A_2362 : vector<16xf32>
    %div3A_2397 = arith.constant 1.000000e+00 : f32
    %div3A_2398 = vector.broadcast %div3A_2397 : f32 to vector<16xf32>
    %div3A_2399 = arith.divf %div3A_2398, %add3A_2396 : vector<16xf32>
    %ge3A_2400 = arith.constant 0.000000e+00 : f32
    %ge3A_2401 = vector.broadcast %ge3A_2400 : f32 to vector<16xf32>
    %ge3A_2402 = arith.cmpf oge, %get3A_2343, %ge3A_2401 : vector<16xf32>
    %sub3A_2403 = arith.constant 1.000000e+00 : f32
    %sub3A_2404 = vector.broadcast %sub3A_2403 : f32 to vector<16xf32>
    %sub3A_2405 = arith.subf %sub3A_2404, %div3A_2399 : vector<16xf32>
    %select_n3A_2406 = arith.select %ge3A_2402, %div3A_2399, %sub3A_2405 : vector<16xi1>, vector<16xf32>
    %mul3A_2407 = arith.mulf %add3A_2393, %select_n3A_2406 : vector<16xf32>
    %mul3A_2408 = arith.mulf %mul3A_2407, %select_n3A_2406 : vector<16xf32>
    %sub3A_2409 = arith.subf %get3A_2340, %select_n3A_2406 : vector<16xf32>
    %abs3A_2410 = math.absf %sub3A_2409 : vector<16xf32>
    %mul3A_2411 = arith.mulf %get3A_2340, %get3A_2343 : vector<16xf32>
    %sub3A_2412 = arith.subf %add3A_2393, %mul3A_2411 : vector<16xf32>
    %mul3A_2413 = arith.mulf %sub3A_2412, %abs3A_2410 : vector<16xf32>
    %mul3A_2414 = arith.mulf %mul3A_2413, %abs3A_2410 : vector<16xf32>
    %sub3A_2415 = arith.subf %mul3A_2414, %mul3A_2408 : vector<16xf32>
    %jit3A_2416 = arith.constant 0.000000e+00 : f32
    %broadcast_in_dim3A_2417 = vector.broadcast %jit3A_2416 : f32 to vector<16xf32>
    %select_n3A_2418 = arith.select %and3A_2357, %sub3A_2415, %broadcast_in_dim3A_2417 : vector<16xi1>, vector<16xf32>
    %add3A_2419 = arith.addf %add3A_2334, %select_n3A_2418 : vector<16xf32>
    %get3A_2420 = arith.constant 288 : index
    %get3A_2421 = tpu.vector_load %arg6[%get3A_2420] {strides = array<i32>} : memref<640xi32, #tpu.memory_space<vmem>>, vector<16xi32>,
    %get3A_2422 = vector.shape_cast %get3A_2421 : vector<16xi32> to vector<16xi32>
    %get3A_2423 = arith.constant 288 : index
    %get3A_2424 = tpu.vector_load %arg7[%get3A_2423] {strides = array<i32>} : memref<640xf32, #tpu.memory_space<vmem>>, vector<16xf32>,
    %get3A_2425 = vector.shape_cast %get3A_2424 : vector<16xf32> to vector<16xf32>
    %get3A_2426 = arith.constant 288 : index
    %get3A_2427 = tpu.vector_load %arg9[%get3A_2426] {strides = array<i32>} : memref<640xf32, #tpu.memory_space<vmem>>, vector<16xf32>,
    %get3A_2428 = vector.shape_cast %get3A_2427 : vector<16xf32> to vector<16xf32>
    %add3A_2429 = arith.constant 288 : i32
    %add3A_2430 = arith.addi %min3A_3, %add3A_2429 : i32
    %add3A_2431 = vector.broadcast %add3A_2430 : i32 to vector<16xi32>
    %add3A_2432 = arith.addi %add3A_2431, %iota3A : vector<16xi32>
    %ge3A_2433 = vector.broadcast %mul3A_2 : i32 to vector<16xi32>
    %ge3A_2434 = arith.cmpi sge, %add3A_2432, %ge3A_2433 : vector<16xi32>
    %ge3A_2435 = arith.constant 0 : i32
    %ge3A_2436 = vector.broadcast %ge3A_2435 : i32 to vector<16xi32>
    %ge3A_2437 = arith.cmpi sge, %get3A_2422, %ge3A_2436 : vector<16xi32>
    %lt3A_2438 = arith.constant 80 : i32
    %lt3A_2439 = vector.broadcast %lt3A_2438 : i32 to vector<16xi32>
    %lt3A_2440 = arith.cmpi slt, %get3A_2422, %lt3A_2439 : vector<16xi32>
    %and3A_2441 = arith.andi %ge3A_2437, %lt3A_2440 : vector<16xi1>
    %and3A_2442 = arith.andi %and3A_2441, %ge3A_2434 : vector<16xi1>
    %abs3A_2443 = math.absf %get3A_2428 : vector<16xf32>
    %neg3A_2444 = arith.constant 0.000000e+00 : f32
    %neg3A_2445 = vector.broadcast %neg3A_2444 : f32 to vector<16xf32>
    %neg3A_2446 = arith.subf %neg3A_2445, %abs3A_2443 : vector<16xf32>
    %exp3A_2447 = math.exp %neg3A_2446 : vector<16xf32>
    %add3A_2448 = arith.constant 2.000000e+00 : f32
    %add3A_2449 = vector.broadcast %add3A_2448 : f32 to vector<16xf32>
    %add3A_2450 = arith.addf %exp3A_2447, %add3A_2449 : vector<16xf32>
    %div3A_2451 = arith.divf %exp3A_2447, %add3A_2450 : vector<16xf32>
    %mul3A_2452 = arith.mulf %div3A_2451, %div3A_2451 : vector<16xf32>
    %mul3A_2453 = arith.constant 2.000000e+00 : f32
    %mul3A_2454 = vector.broadcast %mul3A_2453 : f32 to vector<16xf32>
    %mul3A_2455 = arith.mulf %mul3A_2454, %div3A_2451 : vector<16xf32>
    %div3A_2456 = arith.constant 9.000000e+00 : f32
    %div3A_2457 = vector.broadcast %div3A_2456 : f32 to vector<16xf32>
    %div3A_2458 = arith.divf %mul3A_2452, %div3A_2457 : vector<16xf32>
    %add3A_2459 = arith.constant 0.142857149 : f32
    %add3A_2460 = vector.broadcast %add3A_2459 : f32 to vector<16xf32>
    %add3A_2461 = arith.addf %add3A_2460, %div3A_2458 : vector<16xf32>
    %mul3A_2462 = arith.mulf %mul3A_2452, %add3A_2461 : vector<16xf32>
    %add3A_2463 = arith.constant 2.000000e-01 : f32
    %add3A_2464 = vector.broadcast %add3A_2463 : f32 to vector<16xf32>
    %add3A_2465 = arith.addf %add3A_2464, %mul3A_2462 : vector<16xf32>
    %mul3A_2466 = arith.mulf %mul3A_2452, %add3A_2465 : vector<16xf32>
    %add3A_2467 = arith.constant 0.333333343 : f32
    %add3A_2468 = vector.broadcast %add3A_2467 : f32 to vector<16xf32>
    %add3A_2469 = arith.addf %add3A_2468, %mul3A_2466 : vector<16xf32>
    %mul3A_2470 = arith.mulf %mul3A_2452, %add3A_2469 : vector<16xf32>
    %add3A_2471 = arith.constant 1.000000e+00 : f32
    %add3A_2472 = vector.broadcast %add3A_2471 : f32 to vector<16xf32>
    %add3A_2473 = arith.addf %add3A_2472, %mul3A_2470 : vector<16xf32>
    %mul3A_2474 = arith.mulf %mul3A_2455, %add3A_2473 : vector<16xf32>
    %max3A_2475 = arith.constant 0.000000e+00 : f32
    %max3A_2476 = vector.broadcast %max3A_2475 : f32 to vector<16xf32>
    %max3A_2477 = arith.maximumf %get3A_2428, %max3A_2476 : vector<16xf32>
    %add3A_2478 = arith.addf %max3A_2477, %mul3A_2474 : vector<16xf32>
    %add3A_2479 = arith.constant 1.000000e+00 : f32
    %add3A_2480 = vector.broadcast %add3A_2479 : f32 to vector<16xf32>
    %add3A_2481 = arith.addf %add3A_2480, %exp3A_2447 : vector<16xf32>
    %div3A_2482 = arith.constant 1.000000e+00 : f32
    %div3A_2483 = vector.broadcast %div3A_2482 : f32 to vector<16xf32>
    %div3A_2484 = arith.divf %div3A_2483, %add3A_2481 : vector<16xf32>
    %ge3A_2485 = arith.constant 0.000000e+00 : f32
    %ge3A_2486 = vector.broadcast %ge3A_2485 : f32 to vector<16xf32>
    %ge3A_2487 = arith.cmpf oge, %get3A_2428, %ge3A_2486 : vector<16xf32>
    %sub3A_2488 = arith.constant 1.000000e+00 : f32
    %sub3A_2489 = vector.broadcast %sub3A_2488 : f32 to vector<16xf32>
    %sub3A_2490 = arith.subf %sub3A_2489, %div3A_2484 : vector<16xf32>
    %select_n3A_2491 = arith.select %ge3A_2487, %div3A_2484, %sub3A_2490 : vector<16xi1>, vector<16xf32>
    %mul3A_2492 = arith.mulf %add3A_2478, %select_n3A_2491 : vector<16xf32>
    %mul3A_2493 = arith.mulf %mul3A_2492, %select_n3A_2491 : vector<16xf32>
    %sub3A_2494 = arith.subf %get3A_2425, %select_n3A_2491 : vector<16xf32>
    %abs3A_2495 = math.absf %sub3A_2494 : vector<16xf32>
    %mul3A_2496 = arith.mulf %get3A_2425, %get3A_2428 : vector<16xf32>
    %sub3A_2497 = arith.subf %add3A_2478, %mul3A_2496 : vector<16xf32>
    %mul3A_2498 = arith.mulf %sub3A_2497, %abs3A_2495 : vector<16xf32>
    %mul3A_2499 = arith.mulf %mul3A_2498, %abs3A_2495 : vector<16xf32>
    %sub3A_2500 = arith.subf %mul3A_2499, %mul3A_2493 : vector<16xf32>
    %jit3A_2501 = arith.constant 0.000000e+00 : f32
    %broadcast_in_dim3A_2502 = vector.broadcast %jit3A_2501 : f32 to vector<16xf32>
    %select_n3A_2503 = arith.select %and3A_2442, %sub3A_2500, %broadcast_in_dim3A_2502 : vector<16xi1>, vector<16xf32>
    %add3A_2504 = arith.addf %add3A_2419, %select_n3A_2503 : vector<16xf32>
    %get3A_2505 = arith.constant 304 : index
    %get3A_2506 = tpu.vector_load %arg6[%get3A_2505] {strides = array<i32>} : memref<640xi32, #tpu.memory_space<vmem>>, vector<16xi32>,
    %get3A_2507 = vector.shape_cast %get3A_2506 : vector<16xi32> to vector<16xi32>
    %get3A_2508 = arith.constant 304 : index
    %get3A_2509 = tpu.vector_load %arg7[%get3A_2508] {strides = array<i32>} : memref<640xf32, #tpu.memory_space<vmem>>, vector<16xf32>,
    %get3A_2510 = vector.shape_cast %get3A_2509 : vector<16xf32> to vector<16xf32>
    %get3A_2511 = arith.constant 304 : index
    %get3A_2512 = tpu.vector_load %arg9[%get3A_2511] {strides = array<i32>} : memref<640xf32, #tpu.memory_space<vmem>>, vector<16xf32>,
    %get3A_2513 = vector.shape_cast %get3A_2512 : vector<16xf32> to vector<16xf32>
    %add3A_2514 = arith.constant 304 : i32
    %add3A_2515 = arith.addi %min3A_3, %add3A_2514 : i32
    %add3A_2516 = vector.broadcast %add3A_2515 : i32 to vector<16xi32>
    %add3A_2517 = arith.addi %add3A_2516, %iota3A : vector<16xi32>
    %ge3A_2518 = vector.broadcast %mul3A_2 : i32 to vector<16xi32>
    %ge3A_2519 = arith.cmpi sge, %add3A_2517, %ge3A_2518 : vector<16xi32>
    %ge3A_2520 = arith.constant 0 : i32
    %ge3A_2521 = vector.broadcast %ge3A_2520 : i32 to vector<16xi32>
    %ge3A_2522 = arith.cmpi sge, %get3A_2507, %ge3A_2521 : vector<16xi32>
    %lt3A_2523 = arith.constant 80 : i32
    %lt3A_2524 = vector.broadcast %lt3A_2523 : i32 to vector<16xi32>
    %lt3A_2525 = arith.cmpi slt, %get3A_2507, %lt3A_2524 : vector<16xi32>
    %and3A_2526 = arith.andi %ge3A_2522, %lt3A_2525 : vector<16xi1>
    %and3A_2527 = arith.andi %and3A_2526, %ge3A_2519 : vector<16xi1>
    %abs3A_2528 = math.absf %get3A_2513 : vector<16xf32>
    %neg3A_2529 = arith.constant 0.000000e+00 : f32
    %neg3A_2530 = vector.broadcast %neg3A_2529 : f32 to vector<16xf32>
    %neg3A_2531 = arith.subf %neg3A_2530, %abs3A_2528 : vector<16xf32>
    %exp3A_2532 = math.exp %neg3A_2531 : vector<16xf32>
    %add3A_2533 = arith.constant 2.000000e+00 : f32
    %add3A_2534 = vector.broadcast %add3A_2533 : f32 to vector<16xf32>
    %add3A_2535 = arith.addf %exp3A_2532, %add3A_2534 : vector<16xf32>
    %div3A_2536 = arith.divf %exp3A_2532, %add3A_2535 : vector<16xf32>
    %mul3A_2537 = arith.mulf %div3A_2536, %div3A_2536 : vector<16xf32>
    %mul3A_2538 = arith.constant 2.000000e+00 : f32
    %mul3A_2539 = vector.broadcast %mul3A_2538 : f32 to vector<16xf32>
    %mul3A_2540 = arith.mulf %mul3A_2539, %div3A_2536 : vector<16xf32>
    %div3A_2541 = arith.constant 9.000000e+00 : f32
    %div3A_2542 = vector.broadcast %div3A_2541 : f32 to vector<16xf32>
    %div3A_2543 = arith.divf %mul3A_2537, %div3A_2542 : vector<16xf32>
    %add3A_2544 = arith.constant 0.142857149 : f32
    %add3A_2545 = vector.broadcast %add3A_2544 : f32 to vector<16xf32>
    %add3A_2546 = arith.addf %add3A_2545, %div3A_2543 : vector<16xf32>
    %mul3A_2547 = arith.mulf %mul3A_2537, %add3A_2546 : vector<16xf32>
    %add3A_2548 = arith.constant 2.000000e-01 : f32
    %add3A_2549 = vector.broadcast %add3A_2548 : f32 to vector<16xf32>
    %add3A_2550 = arith.addf %add3A_2549, %mul3A_2547 : vector<16xf32>
    %mul3A_2551 = arith.mulf %mul3A_2537, %add3A_2550 : vector<16xf32>
    %add3A_2552 = arith.constant 0.333333343 : f32
    %add3A_2553 = vector.broadcast %add3A_2552 : f32 to vector<16xf32>
    %add3A_2554 = arith.addf %add3A_2553, %mul3A_2551 : vector<16xf32>
    %mul3A_2555 = arith.mulf %mul3A_2537, %add3A_2554 : vector<16xf32>
    %add3A_2556 = arith.constant 1.000000e+00 : f32
    %add3A_2557 = vector.broadcast %add3A_2556 : f32 to vector<16xf32>
    %add3A_2558 = arith.addf %add3A_2557, %mul3A_2555 : vector<16xf32>
    %mul3A_2559 = arith.mulf %mul3A_2540, %add3A_2558 : vector<16xf32>
    %max3A_2560 = arith.constant 0.000000e+00 : f32
    %max3A_2561 = vector.broadcast %max3A_2560 : f32 to vector<16xf32>
    %max3A_2562 = arith.maximumf %get3A_2513, %max3A_2561 : vector<16xf32>
    %add3A_2563 = arith.addf %max3A_2562, %mul3A_2559 : vector<16xf32>
    %add3A_2564 = arith.constant 1.000000e+00 : f32
    %add3A_2565 = vector.broadcast %add3A_2564 : f32 to vector<16xf32>
    %add3A_2566 = arith.addf %add3A_2565, %exp3A_2532 : vector<16xf32>
    %div3A_2567 = arith.constant 1.000000e+00 : f32
    %div3A_2568 = vector.broadcast %div3A_2567 : f32 to vector<16xf32>
    %div3A_2569 = arith.divf %div3A_2568, %add3A_2566 : vector<16xf32>
    %ge3A_2570 = arith.constant 0.000000e+00 : f32
    %ge3A_2571 = vector.broadcast %ge3A_2570 : f32 to vector<16xf32>
    %ge3A_2572 = arith.cmpf oge, %get3A_2513, %ge3A_2571 : vector<16xf32>
    %sub3A_2573 = arith.constant 1.000000e+00 : f32
    %sub3A_2574 = vector.broadcast %sub3A_2573 : f32 to vector<16xf32>
    %sub3A_2575 = arith.subf %sub3A_2574, %div3A_2569 : vector<16xf32>
    %select_n3A_2576 = arith.select %ge3A_2572, %div3A_2569, %sub3A_2575 : vector<16xi1>, vector<16xf32>
    %mul3A_2577 = arith.mulf %add3A_2563, %select_n3A_2576 : vector<16xf32>
    %mul3A_2578 = arith.mulf %mul3A_2577, %select_n3A_2576 : vector<16xf32>
    %sub3A_2579 = arith.subf %get3A_2510, %select_n3A_2576 : vector<16xf32>
    %abs3A_2580 = math.absf %sub3A_2579 : vector<16xf32>
    %mul3A_2581 = arith.mulf %get3A_2510, %get3A_2513 : vector<16xf32>
    %sub3A_2582 = arith.subf %add3A_2563, %mul3A_2581 : vector<16xf32>
    %mul3A_2583 = arith.mulf %sub3A_2582, %abs3A_2580 : vector<16xf32>
    %mul3A_2584 = arith.mulf %mul3A_2583, %abs3A_2580 : vector<16xf32>
    %sub3A_2585 = arith.subf %mul3A_2584, %mul3A_2578 : vector<16xf32>
    %jit3A_2586 = arith.constant 0.000000e+00 : f32
    %broadcast_in_dim3A_2587 = vector.broadcast %jit3A_2586 : f32 to vector<16xf32>
    %select_n3A_2588 = arith.select %and3A_2527, %sub3A_2585, %broadcast_in_dim3A_2587 : vector<16xi1>, vector<16xf32>
    %add3A_2589 = arith.addf %add3A_2504, %select_n3A_2588 : vector<16xf32>
    %get3A_2590 = arith.constant 320 : index
    %get3A_2591 = tpu.vector_load %arg6[%get3A_2590] {strides = array<i32>} : memref<640xi32, #tpu.memory_space<vmem>>, vector<16xi32>,
    %get3A_2592 = vector.shape_cast %get3A_2591 : vector<16xi32> to vector<16xi32>
    %get3A_2593 = arith.constant 320 : index
    %get3A_2594 = tpu.vector_load %arg7[%get3A_2593] {strides = array<i32>} : memref<640xf32, #tpu.memory_space<vmem>>, vector<16xf32>,
    %get3A_2595 = vector.shape_cast %get3A_2594 : vector<16xf32> to vector<16xf32>
    %get3A_2596 = arith.constant 320 : index
    %get3A_2597 = tpu.vector_load %arg9[%get3A_2596] {strides = array<i32>} : memref<640xf32, #tpu.memory_space<vmem>>, vector<16xf32>,
    %get3A_2598 = vector.shape_cast %get3A_2597 : vector<16xf32> to vector<16xf32>
    %add3A_2599 = arith.constant 320 : i32
    %add3A_2600 = arith.addi %min3A_3, %add3A_2599 : i32
    %add3A_2601 = vector.broadcast %add3A_2600 : i32 to vector<16xi32>
    %add3A_2602 = arith.addi %add3A_2601, %iota3A : vector<16xi32>
    %ge3A_2603 = vector.broadcast %mul3A_2 : i32 to vector<16xi32>
    %ge3A_2604 = arith.cmpi sge, %add3A_2602, %ge3A_2603 : vector<16xi32>
    %ge3A_2605 = arith.constant 0 : i32
    %ge3A_2606 = vector.broadcast %ge3A_2605 : i32 to vector<16xi32>
    %ge3A_2607 = arith.cmpi sge, %get3A_2592, %ge3A_2606 : vector<16xi32>
    %lt3A_2608 = arith.constant 80 : i32
    %lt3A_2609 = vector.broadcast %lt3A_2608 : i32 to vector<16xi32>
    %lt3A_2610 = arith.cmpi slt, %get3A_2592, %lt3A_2609 : vector<16xi32>
    %and3A_2611 = arith.andi %ge3A_2607, %lt3A_2610 : vector<16xi1>
    %and3A_2612 = arith.andi %and3A_2611, %ge3A_2604 : vector<16xi1>
    %abs3A_2613 = math.absf %get3A_2598 : vector<16xf32>
    %neg3A_2614 = arith.constant 0.000000e+00 : f32
    %neg3A_2615 = vector.broadcast %neg3A_2614 : f32 to vector<16xf32>
    %neg3A_2616 = arith.subf %neg3A_2615, %abs3A_2613 : vector<16xf32>
    %exp3A_2617 = math.exp %neg3A_2616 : vector<16xf32>
    %add3A_2618 = arith.constant 2.000000e+00 : f32
    %add3A_2619 = vector.broadcast %add3A_2618 : f32 to vector<16xf32>
    %add3A_2620 = arith.addf %exp3A_2617, %add3A_2619 : vector<16xf32>
    %div3A_2621 = arith.divf %exp3A_2617, %add3A_2620 : vector<16xf32>
    %mul3A_2622 = arith.mulf %div3A_2621, %div3A_2621 : vector<16xf32>
    %mul3A_2623 = arith.constant 2.000000e+00 : f32
    %mul3A_2624 = vector.broadcast %mul3A_2623 : f32 to vector<16xf32>
    %mul3A_2625 = arith.mulf %mul3A_2624, %div3A_2621 : vector<16xf32>
    %div3A_2626 = arith.constant 9.000000e+00 : f32
    %div3A_2627 = vector.broadcast %div3A_2626 : f32 to vector<16xf32>
    %div3A_2628 = arith.divf %mul3A_2622, %div3A_2627 : vector<16xf32>
    %add3A_2629 = arith.constant 0.142857149 : f32
    %add3A_2630 = vector.broadcast %add3A_2629 : f32 to vector<16xf32>
    %add3A_2631 = arith.addf %add3A_2630, %div3A_2628 : vector<16xf32>
    %mul3A_2632 = arith.mulf %mul3A_2622, %add3A_2631 : vector<16xf32>
    %add3A_2633 = arith.constant 2.000000e-01 : f32
    %add3A_2634 = vector.broadcast %add3A_2633 : f32 to vector<16xf32>
    %add3A_2635 = arith.addf %add3A_2634, %mul3A_2632 : vector<16xf32>
    %mul3A_2636 = arith.mulf %mul3A_2622, %add3A_2635 : vector<16xf32>
    %add3A_2637 = arith.constant 0.333333343 : f32
    %add3A_2638 = vector.broadcast %add3A_2637 : f32 to vector<16xf32>
    %add3A_2639 = arith.addf %add3A_2638, %mul3A_2636 : vector<16xf32>
    %mul3A_2640 = arith.mulf %mul3A_2622, %add3A_2639 : vector<16xf32>
    %add3A_2641 = arith.constant 1.000000e+00 : f32
    %add3A_2642 = vector.broadcast %add3A_2641 : f32 to vector<16xf32>
    %add3A_2643 = arith.addf %add3A_2642, %mul3A_2640 : vector<16xf32>
    %mul3A_2644 = arith.mulf %mul3A_2625, %add3A_2643 : vector<16xf32>
    %max3A_2645 = arith.constant 0.000000e+00 : f32
    %max3A_2646 = vector.broadcast %max3A_2645 : f32 to vector<16xf32>
    %max3A_2647 = arith.maximumf %get3A_2598, %max3A_2646 : vector<16xf32>
    %add3A_2648 = arith.addf %max3A_2647, %mul3A_2644 : vector<16xf32>
    %add3A_2649 = arith.constant 1.000000e+00 : f32
    %add3A_2650 = vector.broadcast %add3A_2649 : f32 to vector<16xf32>
    %add3A_2651 = arith.addf %add3A_2650, %exp3A_2617 : vector<16xf32>
    %div3A_2652 = arith.constant 1.000000e+00 : f32
    %div3A_2653 = vector.broadcast %div3A_2652 : f32 to vector<16xf32>
    %div3A_2654 = arith.divf %div3A_2653, %add3A_2651 : vector<16xf32>
    %ge3A_2655 = arith.constant 0.000000e+00 : f32
    %ge3A_2656 = vector.broadcast %ge3A_2655 : f32 to vector<16xf32>
    %ge3A_2657 = arith.cmpf oge, %get3A_2598, %ge3A_2656 : vector<16xf32>
    %sub3A_2658 = arith.constant 1.000000e+00 : f32
    %sub3A_2659 = vector.broadcast %sub3A_2658 : f32 to vector<16xf32>
    %sub3A_2660 = arith.subf %sub3A_2659, %div3A_2654 : vector<16xf32>
    %select_n3A_2661 = arith.select %ge3A_2657, %div3A_2654, %sub3A_2660 : vector<16xi1>, vector<16xf32>
    %mul3A_2662 = arith.mulf %add3A_2648, %select_n3A_2661 : vector<16xf32>
    %mul3A_2663 = arith.mulf %mul3A_2662, %select_n3A_2661 : vector<16xf32>
    %sub3A_2664 = arith.subf %get3A_2595, %select_n3A_2661 : vector<16xf32>
    %abs3A_2665 = math.absf %sub3A_2664 : vector<16xf32>
    %mul3A_2666 = arith.mulf %get3A_2595, %get3A_2598 : vector<16xf32>
    %sub3A_2667 = arith.subf %add3A_2648, %mul3A_2666 : vector<16xf32>
    %mul3A_2668 = arith.mulf %sub3A_2667, %abs3A_2665 : vector<16xf32>
    %mul3A_2669 = arith.mulf %mul3A_2668, %abs3A_2665 : vector<16xf32>
    %sub3A_2670 = arith.subf %mul3A_2669, %mul3A_2663 : vector<16xf32>
    %jit3A_2671 = arith.constant 0.000000e+00 : f32
    %broadcast_in_dim3A_2672 = vector.broadcast %jit3A_2671 : f32 to vector<16xf32>
    %select_n3A_2673 = arith.select %and3A_2612, %sub3A_2670, %broadcast_in_dim3A_2672 : vector<16xi1>, vector<16xf32>
    %add3A_2674 = arith.addf %add3A_2589, %select_n3A_2673 : vector<16xf32>
    %get3A_2675 = arith.constant 336 : index
    %get3A_2676 = tpu.vector_load %arg6[%get3A_2675] {strides = array<i32>} : memref<640xi32, #tpu.memory_space<vmem>>, vector<16xi32>,
    %get3A_2677 = vector.shape_cast %get3A_2676 : vector<16xi32> to vector<16xi32>
    %get3A_2678 = arith.constant 336 : index
    %get3A_2679 = tpu.vector_load %arg7[%get3A_2678] {strides = array<i32>} : memref<640xf32, #tpu.memory_space<vmem>>, vector<16xf32>,
    %get3A_2680 = vector.shape_cast %get3A_2679 : vector<16xf32> to vector<16xf32>
    %get3A_2681 = arith.constant 336 : index
    %get3A_2682 = tpu.vector_load %arg9[%get3A_2681] {strides = array<i32>} : memref<640xf32, #tpu.memory_space<vmem>>, vector<16xf32>,
    %get3A_2683 = vector.shape_cast %get3A_2682 : vector<16xf32> to vector<16xf32>
    %add3A_2684 = arith.constant 336 : i32
    %add3A_2685 = arith.addi %min3A_3, %add3A_2684 : i32
    %add3A_2686 = vector.broadcast %add3A_2685 : i32 to vector<16xi32>
    %add3A_2687 = arith.addi %add3A_2686, %iota3A : vector<16xi32>
    %ge3A_2688 = vector.broadcast %mul3A_2 : i32 to vector<16xi32>
    %ge3A_2689 = arith.cmpi sge, %add3A_2687, %ge3A_2688 : vector<16xi32>
    %ge3A_2690 = arith.constant 0 : i32
    %ge3A_2691 = vector.broadcast %ge3A_2690 : i32 to vector<16xi32>
    %ge3A_2692 = arith.cmpi sge, %get3A_2677, %ge3A_2691 : vector<16xi32>
    %lt3A_2693 = arith.constant 80 : i32
    %lt3A_2694 = vector.broadcast %lt3A_2693 : i32 to vector<16xi32>
    %lt3A_2695 = arith.cmpi slt, %get3A_2677, %lt3A_2694 : vector<16xi32>
    %and3A_2696 = arith.andi %ge3A_2692, %lt3A_2695 : vector<16xi1>
    %and3A_2697 = arith.andi %and3A_2696, %ge3A_2689 : vector<16xi1>
    %abs3A_2698 = math.absf %get3A_2683 : vector<16xf32>
    %neg3A_2699 = arith.constant 0.000000e+00 : f32
    %neg3A_2700 = vector.broadcast %neg3A_2699 : f32 to vector<16xf32>
    %neg3A_2701 = arith.subf %neg3A_2700, %abs3A_2698 : vector<16xf32>
    %exp3A_2702 = math.exp %neg3A_2701 : vector<16xf32>
    %add3A_2703 = arith.constant 2.000000e+00 : f32
    %add3A_2704 = vector.broadcast %add3A_2703 : f32 to vector<16xf32>
    %add3A_2705 = arith.addf %exp3A_2702, %add3A_2704 : vector<16xf32>
    %div3A_2706 = arith.divf %exp3A_2702, %add3A_2705 : vector<16xf32>
    %mul3A_2707 = arith.mulf %div3A_2706, %div3A_2706 : vector<16xf32>
    %mul3A_2708 = arith.constant 2.000000e+00 : f32
    %mul3A_2709 = vector.broadcast %mul3A_2708 : f32 to vector<16xf32>
    %mul3A_2710 = arith.mulf %mul3A_2709, %div3A_2706 : vector<16xf32>
    %div3A_2711 = arith.constant 9.000000e+00 : f32
    %div3A_2712 = vector.broadcast %div3A_2711 : f32 to vector<16xf32>
    %div3A_2713 = arith.divf %mul3A_2707, %div3A_2712 : vector<16xf32>
    %add3A_2714 = arith.constant 0.142857149 : f32
    %add3A_2715 = vector.broadcast %add3A_2714 : f32 to vector<16xf32>
    %add3A_2716 = arith.addf %add3A_2715, %div3A_2713 : vector<16xf32>
    %mul3A_2717 = arith.mulf %mul3A_2707, %add3A_2716 : vector<16xf32>
    %add3A_2718 = arith.constant 2.000000e-01 : f32
    %add3A_2719 = vector.broadcast %add3A_2718 : f32 to vector<16xf32>
    %add3A_2720 = arith.addf %add3A_2719, %mul3A_2717 : vector<16xf32>
    %mul3A_2721 = arith.mulf %mul3A_2707, %add3A_2720 : vector<16xf32>
    %add3A_2722 = arith.constant 0.333333343 : f32
    %add3A_2723 = vector.broadcast %add3A_2722 : f32 to vector<16xf32>
    %add3A_2724 = arith.addf %add3A_2723, %mul3A_2721 : vector<16xf32>
    %mul3A_2725 = arith.mulf %mul3A_2707, %add3A_2724 : vector<16xf32>
    %add3A_2726 = arith.constant 1.000000e+00 : f32
    %add3A_2727 = vector.broadcast %add3A_2726 : f32 to vector<16xf32>
    %add3A_2728 = arith.addf %add3A_2727, %mul3A_2725 : vector<16xf32>
    %mul3A_2729 = arith.mulf %mul3A_2710, %add3A_2728 : vector<16xf32>
    %max3A_2730 = arith.constant 0.000000e+00 : f32
    %max3A_2731 = vector.broadcast %max3A_2730 : f32 to vector<16xf32>
    %max3A_2732 = arith.maximumf %get3A_2683, %max3A_2731 : vector<16xf32>
    %add3A_2733 = arith.addf %max3A_2732, %mul3A_2729 : vector<16xf32>
    %add3A_2734 = arith.constant 1.000000e+00 : f32
    %add3A_2735 = vector.broadcast %add3A_2734 : f32 to vector<16xf32>
    %add3A_2736 = arith.addf %add3A_2735, %exp3A_2702 : vector<16xf32>
    %div3A_2737 = arith.constant 1.000000e+00 : f32
    %div3A_2738 = vector.broadcast %div3A_2737 : f32 to vector<16xf32>
    %div3A_2739 = arith.divf %div3A_2738, %add3A_2736 : vector<16xf32>
    %ge3A_2740 = arith.constant 0.000000e+00 : f32
    %ge3A_2741 = vector.broadcast %ge3A_2740 : f32 to vector<16xf32>
    %ge3A_2742 = arith.cmpf oge, %get3A_2683, %ge3A_2741 : vector<16xf32>
    %sub3A_2743 = arith.constant 1.000000e+00 : f32
    %sub3A_2744 = vector.broadcast %sub3A_2743 : f32 to vector<16xf32>
    %sub3A_2745 = arith.subf %sub3A_2744, %div3A_2739 : vector<16xf32>
    %select_n3A_2746 = arith.select %ge3A_2742, %div3A_2739, %sub3A_2745 : vector<16xi1>, vector<16xf32>
    %mul3A_2747 = arith.mulf %add3A_2733, %select_n3A_2746 : vector<16xf32>
    %mul3A_2748 = arith.mulf %mul3A_2747, %select_n3A_2746 : vector<16xf32>
    %sub3A_2749 = arith.subf %get3A_2680, %select_n3A_2746 : vector<16xf32>
    %abs3A_2750 = math.absf %sub3A_2749 : vector<16xf32>
    %mul3A_2751 = arith.mulf %get3A_2680, %get3A_2683 : vector<16xf32>
    %sub3A_2752 = arith.subf %add3A_2733, %mul3A_2751 : vector<16xf32>
    %mul3A_2753 = arith.mulf %sub3A_2752, %abs3A_2750 : vector<16xf32>
    %mul3A_2754 = arith.mulf %mul3A_2753, %abs3A_2750 : vector<16xf32>
    %sub3A_2755 = arith.subf %mul3A_2754, %mul3A_2748 : vector<16xf32>
    %jit3A_2756 = arith.constant 0.000000e+00 : f32
    %broadcast_in_dim3A_2757 = vector.broadcast %jit3A_2756 : f32 to vector<16xf32>
    %select_n3A_2758 = arith.select %and3A_2697, %sub3A_2755, %broadcast_in_dim3A_2757 : vector<16xi1>, vector<16xf32>
    %add3A_2759 = arith.addf %add3A_2674, %select_n3A_2758 : vector<16xf32>
    %get3A_2760 = arith.constant 352 : index
    %get3A_2761 = tpu.vector_load %arg6[%get3A_2760] {strides = array<i32>} : memref<640xi32, #tpu.memory_space<vmem>>, vector<16xi32>,
    %get3A_2762 = vector.shape_cast %get3A_2761 : vector<16xi32> to vector<16xi32>
    %get3A_2763 = arith.constant 352 : index
    %get3A_2764 = tpu.vector_load %arg7[%get3A_2763] {strides = array<i32>} : memref<640xf32, #tpu.memory_space<vmem>>, vector<16xf32>,
    %get3A_2765 = vector.shape_cast %get3A_2764 : vector<16xf32> to vector<16xf32>
    %get3A_2766 = arith.constant 352 : index
    %get3A_2767 = tpu.vector_load %arg9[%get3A_2766] {strides = array<i32>} : memref<640xf32, #tpu.memory_space<vmem>>, vector<16xf32>,
    %get3A_2768 = vector.shape_cast %get3A_2767 : vector<16xf32> to vector<16xf32>
    %add3A_2769 = arith.constant 352 : i32
    %add3A_2770 = arith.addi %min3A_3, %add3A_2769 : i32
    %add3A_2771 = vector.broadcast %add3A_2770 : i32 to vector<16xi32>
    %add3A_2772 = arith.addi %add3A_2771, %iota3A : vector<16xi32>
    %ge3A_2773 = vector.broadcast %mul3A_2 : i32 to vector<16xi32>
    %ge3A_2774 = arith.cmpi sge, %add3A_2772, %ge3A_2773 : vector<16xi32>
    %ge3A_2775 = arith.constant 0 : i32
    %ge3A_2776 = vector.broadcast %ge3A_2775 : i32 to vector<16xi32>
    %ge3A_2777 = arith.cmpi sge, %get3A_2762, %ge3A_2776 : vector<16xi32>
    %lt3A_2778 = arith.constant 80 : i32
    %lt3A_2779 = vector.broadcast %lt3A_2778 : i32 to vector<16xi32>
    %lt3A_2780 = arith.cmpi slt, %get3A_2762, %lt3A_2779 : vector<16xi32>
    %and3A_2781 = arith.andi %ge3A_2777, %lt3A_2780 : vector<16xi1>
    %and3A_2782 = arith.andi %and3A_2781, %ge3A_2774 : vector<16xi1>
    %abs3A_2783 = math.absf %get3A_2768 : vector<16xf32>
    %neg3A_2784 = arith.constant 0.000000e+00 : f32
    %neg3A_2785 = vector.broadcast %neg3A_2784 : f32 to vector<16xf32>
    %neg3A_2786 = arith.subf %neg3A_2785, %abs3A_2783 : vector<16xf32>
    %exp3A_2787 = math.exp %neg3A_2786 : vector<16xf32>
    %add3A_2788 = arith.constant 2.000000e+00 : f32
    %add3A_2789 = vector.broadcast %add3A_2788 : f32 to vector<16xf32>
    %add3A_2790 = arith.addf %exp3A_2787, %add3A_2789 : vector<16xf32>
    %div3A_2791 = arith.divf %exp3A_2787, %add3A_2790 : vector<16xf32>
    %mul3A_2792 = arith.mulf %div3A_2791, %div3A_2791 : vector<16xf32>
    %mul3A_2793 = arith.constant 2.000000e+00 : f32
    %mul3A_2794 = vector.broadcast %mul3A_2793 : f32 to vector<16xf32>
    %mul3A_2795 = arith.mulf %mul3A_2794, %div3A_2791 : vector<16xf32>
    %div3A_2796 = arith.constant 9.000000e+00 : f32
    %div3A_2797 = vector.broadcast %div3A_2796 : f32 to vector<16xf32>
    %div3A_2798 = arith.divf %mul3A_2792, %div3A_2797 : vector<16xf32>
    %add3A_2799 = arith.constant 0.142857149 : f32
    %add3A_2800 = vector.broadcast %add3A_2799 : f32 to vector<16xf32>
    %add3A_2801 = arith.addf %add3A_2800, %div3A_2798 : vector<16xf32>
    %mul3A_2802 = arith.mulf %mul3A_2792, %add3A_2801 : vector<16xf32>
    %add3A_2803 = arith.constant 2.000000e-01 : f32
    %add3A_2804 = vector.broadcast %add3A_2803 : f32 to vector<16xf32>
    %add3A_2805 = arith.addf %add3A_2804, %mul3A_2802 : vector<16xf32>
    %mul3A_2806 = arith.mulf %mul3A_2792, %add3A_2805 : vector<16xf32>
    %add3A_2807 = arith.constant 0.333333343 : f32
    %add3A_2808 = vector.broadcast %add3A_2807 : f32 to vector<16xf32>
    %add3A_2809 = arith.addf %add3A_2808, %mul3A_2806 : vector<16xf32>
    %mul3A_2810 = arith.mulf %mul3A_2792, %add3A_2809 : vector<16xf32>
    %add3A_2811 = arith.constant 1.000000e+00 : f32
    %add3A_2812 = vector.broadcast %add3A_2811 : f32 to vector<16xf32>
    %add3A_2813 = arith.addf %add3A_2812, %mul3A_2810 : vector<16xf32>
    %mul3A_2814 = arith.mulf %mul3A_2795, %add3A_2813 : vector<16xf32>
    %max3A_2815 = arith.constant 0.000000e+00 : f32
    %max3A_2816 = vector.broadcast %max3A_2815 : f32 to vector<16xf32>
    %max3A_2817 = arith.maximumf %get3A_2768, %max3A_2816 : vector<16xf32>
    %add3A_2818 = arith.addf %max3A_2817, %mul3A_2814 : vector<16xf32>
    %add3A_2819 = arith.constant 1.000000e+00 : f32
    %add3A_2820 = vector.broadcast %add3A_2819 : f32 to vector<16xf32>
    %add3A_2821 = arith.addf %add3A_2820, %exp3A_2787 : vector<16xf32>
    %div3A_2822 = arith.constant 1.000000e+00 : f32
    %div3A_2823 = vector.broadcast %div3A_2822 : f32 to vector<16xf32>
    %div3A_2824 = arith.divf %div3A_2823, %add3A_2821 : vector<16xf32>
    %ge3A_2825 = arith.constant 0.000000e+00 : f32
    %ge3A_2826 = vector.broadcast %ge3A_2825 : f32 to vector<16xf32>
    %ge3A_2827 = arith.cmpf oge, %get3A_2768, %ge3A_2826 : vector<16xf32>
    %sub3A_2828 = arith.constant 1.000000e+00 : f32
    %sub3A_2829 = vector.broadcast %sub3A_2828 : f32 to vector<16xf32>
    %sub3A_2830 = arith.subf %sub3A_2829, %div3A_2824 : vector<16xf32>
    %select_n3A_2831 = arith.select %ge3A_2827, %div3A_2824, %sub3A_2830 : vector<16xi1>, vector<16xf32>
    %mul3A_2832 = arith.mulf %add3A_2818, %select_n3A_2831 : vector<16xf32>
    %mul3A_2833 = arith.mulf %mul3A_2832, %select_n3A_2831 : vector<16xf32>
    %sub3A_2834 = arith.subf %get3A_2765, %select_n3A_2831 : vector<16xf32>
    %abs3A_2835 = math.absf %sub3A_2834 : vector<16xf32>
    %mul3A_2836 = arith.mulf %get3A_2765, %get3A_2768 : vector<16xf32>
    %sub3A_2837 = arith.subf %add3A_2818, %mul3A_2836 : vector<16xf32>
    %mul3A_2838 = arith.mulf %sub3A_2837, %abs3A_2835 : vector<16xf32>
    %mul3A_2839 = arith.mulf %mul3A_2838, %abs3A_2835 : vector<16xf32>
    %sub3A_2840 = arith.subf %mul3A_2839, %mul3A_2833 : vector<16xf32>
    %jit3A_2841 = arith.constant 0.000000e+00 : f32
    %broadcast_in_dim3A_2842 = vector.broadcast %jit3A_2841 : f32 to vector<16xf32>
    %select_n3A_2843 = arith.select %and3A_2782, %sub3A_2840, %broadcast_in_dim3A_2842 : vector<16xi1>, vector<16xf32>
    %add3A_2844 = arith.addf %add3A_2759, %select_n3A_2843 : vector<16xf32>
    %get3A_2845 = arith.constant 368 : index
    %get3A_2846 = tpu.vector_load %arg6[%get3A_2845] {strides = array<i32>} : memref<640xi32, #tpu.memory_space<vmem>>, vector<16xi32>,
    %get3A_2847 = vector.shape_cast %get3A_2846 : vector<16xi32> to vector<16xi32>
    %get3A_2848 = arith.constant 368 : index
    %get3A_2849 = tpu.vector_load %arg7[%get3A_2848] {strides = array<i32>} : memref<640xf32, #tpu.memory_space<vmem>>, vector<16xf32>,
    %get3A_2850 = vector.shape_cast %get3A_2849 : vector<16xf32> to vector<16xf32>
    %get3A_2851 = arith.constant 368 : index
    %get3A_2852 = tpu.vector_load %arg9[%get3A_2851] {strides = array<i32>} : memref<640xf32, #tpu.memory_space<vmem>>, vector<16xf32>,
    %get3A_2853 = vector.shape_cast %get3A_2852 : vector<16xf32> to vector<16xf32>
    %add3A_2854 = arith.constant 368 : i32
    %add3A_2855 = arith.addi %min3A_3, %add3A_2854 : i32
    %add3A_2856 = vector.broadcast %add3A_2855 : i32 to vector<16xi32>
    %add3A_2857 = arith.addi %add3A_2856, %iota3A : vector<16xi32>
    %ge3A_2858 = vector.broadcast %mul3A_2 : i32 to vector<16xi32>
    %ge3A_2859 = arith.cmpi sge, %add3A_2857, %ge3A_2858 : vector<16xi32>
    %ge3A_2860 = arith.constant 0 : i32
    %ge3A_2861 = vector.broadcast %ge3A_2860 : i32 to vector<16xi32>
    %ge3A_2862 = arith.cmpi sge, %get3A_2847, %ge3A_2861 : vector<16xi32>
    %lt3A_2863 = arith.constant 80 : i32
    %lt3A_2864 = vector.broadcast %lt3A_2863 : i32 to vector<16xi32>
    %lt3A_2865 = arith.cmpi slt, %get3A_2847, %lt3A_2864 : vector<16xi32>
    %and3A_2866 = arith.andi %ge3A_2862, %lt3A_2865 : vector<16xi1>
    %and3A_2867 = arith.andi %and3A_2866, %ge3A_2859 : vector<16xi1>
    %abs3A_2868 = math.absf %get3A_2853 : vector<16xf32>
    %neg3A_2869 = arith.constant 0.000000e+00 : f32
    %neg3A_2870 = vector.broadcast %neg3A_2869 : f32 to vector<16xf32>
    %neg3A_2871 = arith.subf %neg3A_2870, %abs3A_2868 : vector<16xf32>
    %exp3A_2872 = math.exp %neg3A_2871 : vector<16xf32>
    %add3A_2873 = arith.constant 2.000000e+00 : f32
    %add3A_2874 = vector.broadcast %add3A_2873 : f32 to vector<16xf32>
    %add3A_2875 = arith.addf %exp3A_2872, %add3A_2874 : vector<16xf32>
    %div3A_2876 = arith.divf %exp3A_2872, %add3A_2875 : vector<16xf32>
    %mul3A_2877 = arith.mulf %div3A_2876, %div3A_2876 : vector<16xf32>
    %mul3A_2878 = arith.constant 2.000000e+00 : f32
    %mul3A_2879 = vector.broadcast %mul3A_2878 : f32 to vector<16xf32>
    %mul3A_2880 = arith.mulf %mul3A_2879, %div3A_2876 : vector<16xf32>
    %div3A_2881 = arith.constant 9.000000e+00 : f32
    %div3A_2882 = vector.broadcast %div3A_2881 : f32 to vector<16xf32>
    %div3A_2883 = arith.divf %mul3A_2877, %div3A_2882 : vector<16xf32>
    %add3A_2884 = arith.constant 0.142857149 : f32
    %add3A_2885 = vector.broadcast %add3A_2884 : f32 to vector<16xf32>
    %add3A_2886 = arith.addf %add3A_2885, %div3A_2883 : vector<16xf32>
    %mul3A_2887 = arith.mulf %mul3A_2877, %add3A_2886 : vector<16xf32>
    %add3A_2888 = arith.constant 2.000000e-01 : f32
    %add3A_2889 = vector.broadcast %add3A_2888 : f32 to vector<16xf32>
    %add3A_2890 = arith.addf %add3A_2889, %mul3A_2887 : vector<16xf32>
    %mul3A_2891 = arith.mulf %mul3A_2877, %add3A_2890 : vector<16xf32>
    %add3A_2892 = arith.constant 0.333333343 : f32
    %add3A_2893 = vector.broadcast %add3A_2892 : f32 to vector<16xf32>
    %add3A_2894 = arith.addf %add3A_2893, %mul3A_2891 : vector<16xf32>
    %mul3A_2895 = arith.mulf %mul3A_2877, %add3A_2894 : vector<16xf32>
    %add3A_2896 = arith.constant 1.000000e+00 : f32
    %add3A_2897 = vector.broadcast %add3A_2896 : f32 to vector<16xf32>
    %add3A_2898 = arith.addf %add3A_2897, %mul3A_2895 : vector<16xf32>
    %mul3A_2899 = arith.mulf %mul3A_2880, %add3A_2898 : vector<16xf32>
    %max3A_2900 = arith.constant 0.000000e+00 : f32
    %max3A_2901 = vector.broadcast %max3A_2900 : f32 to vector<16xf32>
    %max3A_2902 = arith.maximumf %get3A_2853, %max3A_2901 : vector<16xf32>
    %add3A_2903 = arith.addf %max3A_2902, %mul3A_2899 : vector<16xf32>
    %add3A_2904 = arith.constant 1.000000e+00 : f32
    %add3A_2905 = vector.broadcast %add3A_2904 : f32 to vector<16xf32>
    %add3A_2906 = arith.addf %add3A_2905, %exp3A_2872 : vector<16xf32>
    %div3A_2907 = arith.constant 1.000000e+00 : f32
    %div3A_2908 = vector.broadcast %div3A_2907 : f32 to vector<16xf32>
    %div3A_2909 = arith.divf %div3A_2908, %add3A_2906 : vector<16xf32>
    %ge3A_2910 = arith.constant 0.000000e+00 : f32
    %ge3A_2911 = vector.broadcast %ge3A_2910 : f32 to vector<16xf32>
    %ge3A_2912 = arith.cmpf oge, %get3A_2853, %ge3A_2911 : vector<16xf32>
    %sub3A_2913 = arith.constant 1.000000e+00 : f32
    %sub3A_2914 = vector.broadcast %sub3A_2913 : f32 to vector<16xf32>
    %sub3A_2915 = arith.subf %sub3A_2914, %div3A_2909 : vector<16xf32>
    %select_n3A_2916 = arith.select %ge3A_2912, %div3A_2909, %sub3A_2915 : vector<16xi1>, vector<16xf32>
    %mul3A_2917 = arith.mulf %add3A_2903, %select_n3A_2916 : vector<16xf32>
    %mul3A_2918 = arith.mulf %mul3A_2917, %select_n3A_2916 : vector<16xf32>
    %sub3A_2919 = arith.subf %get3A_2850, %select_n3A_2916 : vector<16xf32>
    %abs3A_2920 = math.absf %sub3A_2919 : vector<16xf32>
    %mul3A_2921 = arith.mulf %get3A_2850, %get3A_2853 : vector<16xf32>
    %sub3A_2922 = arith.subf %add3A_2903, %mul3A_2921 : vector<16xf32>
    %mul3A_2923 = arith.mulf %sub3A_2922, %abs3A_2920 : vector<16xf32>
    %mul3A_2924 = arith.mulf %mul3A_2923, %abs3A_2920 : vector<16xf32>
    %sub3A_2925 = arith.subf %mul3A_2924, %mul3A_2918 : vector<16xf32>
    %jit3A_2926 = arith.constant 0.000000e+00 : f32
    %broadcast_in_dim3A_2927 = vector.broadcast %jit3A_2926 : f32 to vector<16xf32>
    %select_n3A_2928 = arith.select %and3A_2867, %sub3A_2925, %broadcast_in_dim3A_2927 : vector<16xi1>, vector<16xf32>
    %add3A_2929 = arith.addf %add3A_2844, %select_n3A_2928 : vector<16xf32>
    %get3A_2930 = arith.constant 384 : index
    %get3A_2931 = tpu.vector_load %arg6[%get3A_2930] {strides = array<i32>} : memref<640xi32, #tpu.memory_space<vmem>>, vector<16xi32>,
    %get3A_2932 = vector.shape_cast %get3A_2931 : vector<16xi32> to vector<16xi32>
    %get3A_2933 = arith.constant 384 : index
    %get3A_2934 = tpu.vector_load %arg7[%get3A_2933] {strides = array<i32>} : memref<640xf32, #tpu.memory_space<vmem>>, vector<16xf32>,
    %get3A_2935 = vector.shape_cast %get3A_2934 : vector<16xf32> to vector<16xf32>
    %get3A_2936 = arith.constant 384 : index
    %get3A_2937 = tpu.vector_load %arg9[%get3A_2936] {strides = array<i32>} : memref<640xf32, #tpu.memory_space<vmem>>, vector<16xf32>,
    %get3A_2938 = vector.shape_cast %get3A_2937 : vector<16xf32> to vector<16xf32>
    %add3A_2939 = arith.constant 384 : i32
    %add3A_2940 = arith.addi %min3A_3, %add3A_2939 : i32
    %add3A_2941 = vector.broadcast %add3A_2940 : i32 to vector<16xi32>
    %add3A_2942 = arith.addi %add3A_2941, %iota3A : vector<16xi32>
    %ge3A_2943 = vector.broadcast %mul3A_2 : i32 to vector<16xi32>
    %ge3A_2944 = arith.cmpi sge, %add3A_2942, %ge3A_2943 : vector<16xi32>
    %ge3A_2945 = arith.constant 0 : i32
    %ge3A_2946 = vector.broadcast %ge3A_2945 : i32 to vector<16xi32>
    %ge3A_2947 = arith.cmpi sge, %get3A_2932, %ge3A_2946 : vector<16xi32>
    %lt3A_2948 = arith.constant 80 : i32
    %lt3A_2949 = vector.broadcast %lt3A_2948 : i32 to vector<16xi32>
    %lt3A_2950 = arith.cmpi slt, %get3A_2932, %lt3A_2949 : vector<16xi32>
    %and3A_2951 = arith.andi %ge3A_2947, %lt3A_2950 : vector<16xi1>
    %and3A_2952 = arith.andi %and3A_2951, %ge3A_2944 : vector<16xi1>
    %abs3A_2953 = math.absf %get3A_2938 : vector<16xf32>
    %neg3A_2954 = arith.constant 0.000000e+00 : f32
    %neg3A_2955 = vector.broadcast %neg3A_2954 : f32 to vector<16xf32>
    %neg3A_2956 = arith.subf %neg3A_2955, %abs3A_2953 : vector<16xf32>
    %exp3A_2957 = math.exp %neg3A_2956 : vector<16xf32>
    %add3A_2958 = arith.constant 2.000000e+00 : f32
    %add3A_2959 = vector.broadcast %add3A_2958 : f32 to vector<16xf32>
    %add3A_2960 = arith.addf %exp3A_2957, %add3A_2959 : vector<16xf32>
    %div3A_2961 = arith.divf %exp3A_2957, %add3A_2960 : vector<16xf32>
    %mul3A_2962 = arith.mulf %div3A_2961, %div3A_2961 : vector<16xf32>
    %mul3A_2963 = arith.constant 2.000000e+00 : f32
    %mul3A_2964 = vector.broadcast %mul3A_2963 : f32 to vector<16xf32>
    %mul3A_2965 = arith.mulf %mul3A_2964, %div3A_2961 : vector<16xf32>
    %div3A_2966 = arith.constant 9.000000e+00 : f32
    %div3A_2967 = vector.broadcast %div3A_2966 : f32 to vector<16xf32>
    %div3A_2968 = arith.divf %mul3A_2962, %div3A_2967 : vector<16xf32>
    %add3A_2969 = arith.constant 0.142857149 : f32
    %add3A_2970 = vector.broadcast %add3A_2969 : f32 to vector<16xf32>
    %add3A_2971 = arith.addf %add3A_2970, %div3A_2968 : vector<16xf32>
    %mul3A_2972 = arith.mulf %mul3A_2962, %add3A_2971 : vector<16xf32>
    %add3A_2973 = arith.constant 2.000000e-01 : f32
    %add3A_2974 = vector.broadcast %add3A_2973 : f32 to vector<16xf32>
    %add3A_2975 = arith.addf %add3A_2974, %mul3A_2972 : vector<16xf32>
    %mul3A_2976 = arith.mulf %mul3A_2962, %add3A_2975 : vector<16xf32>
    %add3A_2977 = arith.constant 0.333333343 : f32
    %add3A_2978 = vector.broadcast %add3A_2977 : f32 to vector<16xf32>
    %add3A_2979 = arith.addf %add3A_2978, %mul3A_2976 : vector<16xf32>
    %mul3A_2980 = arith.mulf %mul3A_2962, %add3A_2979 : vector<16xf32>
    %add3A_2981 = arith.constant 1.000000e+00 : f32
    %add3A_2982 = vector.broadcast %add3A_2981 : f32 to vector<16xf32>
    %add3A_2983 = arith.addf %add3A_2982, %mul3A_2980 : vector<16xf32>
    %mul3A_2984 = arith.mulf %mul3A_2965, %add3A_2983 : vector<16xf32>
    %max3A_2985 = arith.constant 0.000000e+00 : f32
    %max3A_2986 = vector.broadcast %max3A_2985 : f32 to vector<16xf32>
    %max3A_2987 = arith.maximumf %get3A_2938, %max3A_2986 : vector<16xf32>
    %add3A_2988 = arith.addf %max3A_2987, %mul3A_2984 : vector<16xf32>
    %add3A_2989 = arith.constant 1.000000e+00 : f32
    %add3A_2990 = vector.broadcast %add3A_2989 : f32 to vector<16xf32>
    %add3A_2991 = arith.addf %add3A_2990, %exp3A_2957 : vector<16xf32>
    %div3A_2992 = arith.constant 1.000000e+00 : f32
    %div3A_2993 = vector.broadcast %div3A_2992 : f32 to vector<16xf32>
    %div3A_2994 = arith.divf %div3A_2993, %add3A_2991 : vector<16xf32>
    %ge3A_2995 = arith.constant 0.000000e+00 : f32
    %ge3A_2996 = vector.broadcast %ge3A_2995 : f32 to vector<16xf32>
    %ge3A_2997 = arith.cmpf oge, %get3A_2938, %ge3A_2996 : vector<16xf32>
    %sub3A_2998 = arith.constant 1.000000e+00 : f32
    %sub3A_2999 = vector.broadcast %sub3A_2998 : f32 to vector<16xf32>
    %sub3A_3000 = arith.subf %sub3A_2999, %div3A_2994 : vector<16xf32>
    %select_n3A_3001 = arith.select %ge3A_2997, %div3A_2994, %sub3A_3000 : vector<16xi1>, vector<16xf32>
    %mul3A_3002 = arith.mulf %add3A_2988, %select_n3A_3001 : vector<16xf32>
    %mul3A_3003 = arith.mulf %mul3A_3002, %select_n3A_3001 : vector<16xf32>
    %sub3A_3004 = arith.subf %get3A_2935, %select_n3A_3001 : vector<16xf32>
    %abs3A_3005 = math.absf %sub3A_3004 : vector<16xf32>
    %mul3A_3006 = arith.mulf %get3A_2935, %get3A_2938 : vector<16xf32>
    %sub3A_3007 = arith.subf %add3A_2988, %mul3A_3006 : vector<16xf32>
    %mul3A_3008 = arith.mulf %sub3A_3007, %abs3A_3005 : vector<16xf32>
    %mul3A_3009 = arith.mulf %mul3A_3008, %abs3A_3005 : vector<16xf32>
    %sub3A_3010 = arith.subf %mul3A_3009, %mul3A_3003 : vector<16xf32>
    %jit3A_3011 = arith.constant 0.000000e+00 : f32
    %broadcast_in_dim3A_3012 = vector.broadcast %jit3A_3011 : f32 to vector<16xf32>
    %select_n3A_3013 = arith.select %and3A_2952, %sub3A_3010, %broadcast_in_dim3A_3012 : vector<16xi1>, vector<16xf32>
    %add3A_3014 = arith.addf %add3A_2929, %select_n3A_3013 : vector<16xf32>
    %get3A_3015 = arith.constant 400 : index
    %get3A_3016 = tpu.vector_load %arg6[%get3A_3015] {strides = array<i32>} : memref<640xi32, #tpu.memory_space<vmem>>, vector<16xi32>,
    %get3A_3017 = vector.shape_cast %get3A_3016 : vector<16xi32> to vector<16xi32>
    %get3A_3018 = arith.constant 400 : index
    %get3A_3019 = tpu.vector_load %arg7[%get3A_3018] {strides = array<i32>} : memref<640xf32, #tpu.memory_space<vmem>>, vector<16xf32>,
    %get3A_3020 = vector.shape_cast %get3A_3019 : vector<16xf32> to vector<16xf32>
    %get3A_3021 = arith.constant 400 : index
    %get3A_3022 = tpu.vector_load %arg9[%get3A_3021] {strides = array<i32>} : memref<640xf32, #tpu.memory_space<vmem>>, vector<16xf32>,
    %get3A_3023 = vector.shape_cast %get3A_3022 : vector<16xf32> to vector<16xf32>
    %add3A_3024 = arith.constant 400 : i32
    %add3A_3025 = arith.addi %min3A_3, %add3A_3024 : i32
    %add3A_3026 = vector.broadcast %add3A_3025 : i32 to vector<16xi32>
    %add3A_3027 = arith.addi %add3A_3026, %iota3A : vector<16xi32>
    %ge3A_3028 = vector.broadcast %mul3A_2 : i32 to vector<16xi32>
    %ge3A_3029 = arith.cmpi sge, %add3A_3027, %ge3A_3028 : vector<16xi32>
    %ge3A_3030 = arith.constant 0 : i32
    %ge3A_3031 = vector.broadcast %ge3A_3030 : i32 to vector<16xi32>
    %ge3A_3032 = arith.cmpi sge, %get3A_3017, %ge3A_3031 : vector<16xi32>
    %lt3A_3033 = arith.constant 80 : i32
    %lt3A_3034 = vector.broadcast %lt3A_3033 : i32 to vector<16xi32>
    %lt3A_3035 = arith.cmpi slt, %get3A_3017, %lt3A_3034 : vector<16xi32>
    %and3A_3036 = arith.andi %ge3A_3032, %lt3A_3035 : vector<16xi1>
    %and3A_3037 = arith.andi %and3A_3036, %ge3A_3029 : vector<16xi1>
    %abs3A_3038 = math.absf %get3A_3023 : vector<16xf32>
    %neg3A_3039 = arith.constant 0.000000e+00 : f32
    %neg3A_3040 = vector.broadcast %neg3A_3039 : f32 to vector<16xf32>
    %neg3A_3041 = arith.subf %neg3A_3040, %abs3A_3038 : vector<16xf32>
    %exp3A_3042 = math.exp %neg3A_3041 : vector<16xf32>
    %add3A_3043 = arith.constant 2.000000e+00 : f32
    %add3A_3044 = vector.broadcast %add3A_3043 : f32 to vector<16xf32>
    %add3A_3045 = arith.addf %exp3A_3042, %add3A_3044 : vector<16xf32>
    %div3A_3046 = arith.divf %exp3A_3042, %add3A_3045 : vector<16xf32>
    %mul3A_3047 = arith.mulf %div3A_3046, %div3A_3046 : vector<16xf32>
    %mul3A_3048 = arith.constant 2.000000e+00 : f32
    %mul3A_3049 = vector.broadcast %mul3A_3048 : f32 to vector<16xf32>
    %mul3A_3050 = arith.mulf %mul3A_3049, %div3A_3046 : vector<16xf32>
    %div3A_3051 = arith.constant 9.000000e+00 : f32
    %div3A_3052 = vector.broadcast %div3A_3051 : f32 to vector<16xf32>
    %div3A_3053 = arith.divf %mul3A_3047, %div3A_3052 : vector<16xf32>
    %add3A_3054 = arith.constant 0.142857149 : f32
    %add3A_3055 = vector.broadcast %add3A_3054 : f32 to vector<16xf32>
    %add3A_3056 = arith.addf %add3A_3055, %div3A_3053 : vector<16xf32>
    %mul3A_3057 = arith.mulf %mul3A_3047, %add3A_3056 : vector<16xf32>
    %add3A_3058 = arith.constant 2.000000e-01 : f32
    %add3A_3059 = vector.broadcast %add3A_3058 : f32 to vector<16xf32>
    %add3A_3060 = arith.addf %add3A_3059, %mul3A_3057 : vector<16xf32>
    %mul3A_3061 = arith.mulf %mul3A_3047, %add3A_3060 : vector<16xf32>
    %add3A_3062 = arith.constant 0.333333343 : f32
    %add3A_3063 = vector.broadcast %add3A_3062 : f32 to vector<16xf32>
    %add3A_3064 = arith.addf %add3A_3063, %mul3A_3061 : vector<16xf32>
    %mul3A_3065 = arith.mulf %mul3A_3047, %add3A_3064 : vector<16xf32>
    %add3A_3066 = arith.constant 1.000000e+00 : f32
    %add3A_3067 = vector.broadcast %add3A_3066 : f32 to vector<16xf32>
    %add3A_3068 = arith.addf %add3A_3067, %mul3A_3065 : vector<16xf32>
    %mul3A_3069 = arith.mulf %mul3A_3050, %add3A_3068 : vector<16xf32>
    %max3A_3070 = arith.constant 0.000000e+00 : f32
    %max3A_3071 = vector.broadcast %max3A_3070 : f32 to vector<16xf32>
    %max3A_3072 = arith.maximumf %get3A_3023, %max3A_3071 : vector<16xf32>
    %add3A_3073 = arith.addf %max3A_3072, %mul3A_3069 : vector<16xf32>
    %add3A_3074 = arith.constant 1.000000e+00 : f32
    %add3A_3075 = vector.broadcast %add3A_3074 : f32 to vector<16xf32>
    %add3A_3076 = arith.addf %add3A_3075, %exp3A_3042 : vector<16xf32>
    %div3A_3077 = arith.constant 1.000000e+00 : f32
    %div3A_3078 = vector.broadcast %div3A_3077 : f32 to vector<16xf32>
    %div3A_3079 = arith.divf %div3A_3078, %add3A_3076 : vector<16xf32>
    %ge3A_3080 = arith.constant 0.000000e+00 : f32
    %ge3A_3081 = vector.broadcast %ge3A_3080 : f32 to vector<16xf32>
    %ge3A_3082 = arith.cmpf oge, %get3A_3023, %ge3A_3081 : vector<16xf32>
    %sub3A_3083 = arith.constant 1.000000e+00 : f32
    %sub3A_3084 = vector.broadcast %sub3A_3083 : f32 to vector<16xf32>
    %sub3A_3085 = arith.subf %sub3A_3084, %div3A_3079 : vector<16xf32>
    %select_n3A_3086 = arith.select %ge3A_3082, %div3A_3079, %sub3A_3085 : vector<16xi1>, vector<16xf32>
    %mul3A_3087 = arith.mulf %add3A_3073, %select_n3A_3086 : vector<16xf32>
    %mul3A_3088 = arith.mulf %mul3A_3087, %select_n3A_3086 : vector<16xf32>
    %sub3A_3089 = arith.subf %get3A_3020, %select_n3A_3086 : vector<16xf32>
    %abs3A_3090 = math.absf %sub3A_3089 : vector<16xf32>
    %mul3A_3091 = arith.mulf %get3A_3020, %get3A_3023 : vector<16xf32>
    %sub3A_3092 = arith.subf %add3A_3073, %mul3A_3091 : vector<16xf32>
    %mul3A_3093 = arith.mulf %sub3A_3092, %abs3A_3090 : vector<16xf32>
    %mul3A_3094 = arith.mulf %mul3A_3093, %abs3A_3090 : vector<16xf32>
    %sub3A_3095 = arith.subf %mul3A_3094, %mul3A_3088 : vector<16xf32>
    %jit3A_3096 = arith.constant 0.000000e+00 : f32
    %broadcast_in_dim3A_3097 = vector.broadcast %jit3A_3096 : f32 to vector<16xf32>
    %select_n3A_3098 = arith.select %and3A_3037, %sub3A_3095, %broadcast_in_dim3A_3097 : vector<16xi1>, vector<16xf32>
    %add3A_3099 = arith.addf %add3A_3014, %select_n3A_3098 : vector<16xf32>
    %get3A_3100 = arith.constant 416 : index
    %get3A_3101 = tpu.vector_load %arg6[%get3A_3100] {strides = array<i32>} : memref<640xi32, #tpu.memory_space<vmem>>, vector<16xi32>,
    %get3A_3102 = vector.shape_cast %get3A_3101 : vector<16xi32> to vector<16xi32>
    %get3A_3103 = arith.constant 416 : index
    %get3A_3104 = tpu.vector_load %arg7[%get3A_3103] {strides = array<i32>} : memref<640xf32, #tpu.memory_space<vmem>>, vector<16xf32>,
    %get3A_3105 = vector.shape_cast %get3A_3104 : vector<16xf32> to vector<16xf32>
    %get3A_3106 = arith.constant 416 : index
    %get3A_3107 = tpu.vector_load %arg9[%get3A_3106] {strides = array<i32>} : memref<640xf32, #tpu.memory_space<vmem>>, vector<16xf32>,
    %get3A_3108 = vector.shape_cast %get3A_3107 : vector<16xf32> to vector<16xf32>
    %add3A_3109 = arith.constant 416 : i32
    %add3A_3110 = arith.addi %min3A_3, %add3A_3109 : i32
    %add3A_3111 = vector.broadcast %add3A_3110 : i32 to vector<16xi32>
    %add3A_3112 = arith.addi %add3A_3111, %iota3A : vector<16xi32>
    %ge3A_3113 = vector.broadcast %mul3A_2 : i32 to vector<16xi32>
    %ge3A_3114 = arith.cmpi sge, %add3A_3112, %ge3A_3113 : vector<16xi32>
    %ge3A_3115 = arith.constant 0 : i32
    %ge3A_3116 = vector.broadcast %ge3A_3115 : i32 to vector<16xi32>
    %ge3A_3117 = arith.cmpi sge, %get3A_3102, %ge3A_3116 : vector<16xi32>
    %lt3A_3118 = arith.constant 80 : i32
    %lt3A_3119 = vector.broadcast %lt3A_3118 : i32 to vector<16xi32>
    %lt3A_3120 = arith.cmpi slt, %get3A_3102, %lt3A_3119 : vector<16xi32>
    %and3A_3121 = arith.andi %ge3A_3117, %lt3A_3120 : vector<16xi1>
    %and3A_3122 = arith.andi %and3A_3121, %ge3A_3114 : vector<16xi1>
    %abs3A_3123 = math.absf %get3A_3108 : vector<16xf32>
    %neg3A_3124 = arith.constant 0.000000e+00 : f32
    %neg3A_3125 = vector.broadcast %neg3A_3124 : f32 to vector<16xf32>
    %neg3A_3126 = arith.subf %neg3A_3125, %abs3A_3123 : vector<16xf32>
    %exp3A_3127 = math.exp %neg3A_3126 : vector<16xf32>
    %add3A_3128 = arith.constant 2.000000e+00 : f32
    %add3A_3129 = vector.broadcast %add3A_3128 : f32 to vector<16xf32>
    %add3A_3130 = arith.addf %exp3A_3127, %add3A_3129 : vector<16xf32>
    %div3A_3131 = arith.divf %exp3A_3127, %add3A_3130 : vector<16xf32>
    %mul3A_3132 = arith.mulf %div3A_3131, %div3A_3131 : vector<16xf32>
    %mul3A_3133 = arith.constant 2.000000e+00 : f32
    %mul3A_3134 = vector.broadcast %mul3A_3133 : f32 to vector<16xf32>
    %mul3A_3135 = arith.mulf %mul3A_3134, %div3A_3131 : vector<16xf32>
    %div3A_3136 = arith.constant 9.000000e+00 : f32
    %div3A_3137 = vector.broadcast %div3A_3136 : f32 to vector<16xf32>
    %div3A_3138 = arith.divf %mul3A_3132, %div3A_3137 : vector<16xf32>
    %add3A_3139 = arith.constant 0.142857149 : f32
    %add3A_3140 = vector.broadcast %add3A_3139 : f32 to vector<16xf32>
    %add3A_3141 = arith.addf %add3A_3140, %div3A_3138 : vector<16xf32>
    %mul3A_3142 = arith.mulf %mul3A_3132, %add3A_3141 : vector<16xf32>
    %add3A_3143 = arith.constant 2.000000e-01 : f32
    %add3A_3144 = vector.broadcast %add3A_3143 : f32 to vector<16xf32>
    %add3A_3145 = arith.addf %add3A_3144, %mul3A_3142 : vector<16xf32>
    %mul3A_3146 = arith.mulf %mul3A_3132, %add3A_3145 : vector<16xf32>
    %add3A_3147 = arith.constant 0.333333343 : f32
    %add3A_3148 = vector.broadcast %add3A_3147 : f32 to vector<16xf32>
    %add3A_3149 = arith.addf %add3A_3148, %mul3A_3146 : vector<16xf32>
    %mul3A_3150 = arith.mulf %mul3A_3132, %add3A_3149 : vector<16xf32>
    %add3A_3151 = arith.constant 1.000000e+00 : f32
    %add3A_3152 = vector.broadcast %add3A_3151 : f32 to vector<16xf32>
    %add3A_3153 = arith.addf %add3A_3152, %mul3A_3150 : vector<16xf32>
    %mul3A_3154 = arith.mulf %mul3A_3135, %add3A_3153 : vector<16xf32>
    %max3A_3155 = arith.constant 0.000000e+00 : f32
    %max3A_3156 = vector.broadcast %max3A_3155 : f32 to vector<16xf32>
    %max3A_3157 = arith.maximumf %get3A_3108, %max3A_3156 : vector<16xf32>
    %add3A_3158 = arith.addf %max3A_3157, %mul3A_3154 : vector<16xf32>
    %add3A_3159 = arith.constant 1.000000e+00 : f32
    %add3A_3160 = vector.broadcast %add3A_3159 : f32 to vector<16xf32>
    %add3A_3161 = arith.addf %add3A_3160, %exp3A_3127 : vector<16xf32>
    %div3A_3162 = arith.constant 1.000000e+00 : f32
    %div3A_3163 = vector.broadcast %div3A_3162 : f32 to vector<16xf32>
    %div3A_3164 = arith.divf %div3A_3163, %add3A_3161 : vector<16xf32>
    %ge3A_3165 = arith.constant 0.000000e+00 : f32
    %ge3A_3166 = vector.broadcast %ge3A_3165 : f32 to vector<16xf32>
    %ge3A_3167 = arith.cmpf oge, %get3A_3108, %ge3A_3166 : vector<16xf32>
    %sub3A_3168 = arith.constant 1.000000e+00 : f32
    %sub3A_3169 = vector.broadcast %sub3A_3168 : f32 to vector<16xf32>
    %sub3A_3170 = arith.subf %sub3A_3169, %div3A_3164 : vector<16xf32>
    %select_n3A_3171 = arith.select %ge3A_3167, %div3A_3164, %sub3A_3170 : vector<16xi1>, vector<16xf32>
    %mul3A_3172 = arith.mulf %add3A_3158, %select_n3A_3171 : vector<16xf32>
    %mul3A_3173 = arith.mulf %mul3A_3172, %select_n3A_3171 : vector<16xf32>
    %sub3A_3174 = arith.subf %get3A_3105, %select_n3A_3171 : vector<16xf32>
    %abs3A_3175 = math.absf %sub3A_3174 : vector<16xf32>
    %mul3A_3176 = arith.mulf %get3A_3105, %get3A_3108 : vector<16xf32>
    %sub3A_3177 = arith.subf %add3A_3158, %mul3A_3176 : vector<16xf32>
    %mul3A_3178 = arith.mulf %sub3A_3177, %abs3A_3175 : vector<16xf32>
    %mul3A_3179 = arith.mulf %mul3A_3178, %abs3A_3175 : vector<16xf32>
    %sub3A_3180 = arith.subf %mul3A_3179, %mul3A_3173 : vector<16xf32>
    %jit3A_3181 = arith.constant 0.000000e+00 : f32
    %broadcast_in_dim3A_3182 = vector.broadcast %jit3A_3181 : f32 to vector<16xf32>
    %select_n3A_3183 = arith.select %and3A_3122, %sub3A_3180, %broadcast_in_dim3A_3182 : vector<16xi1>, vector<16xf32>
    %add3A_3184 = arith.addf %add3A_3099, %select_n3A_3183 : vector<16xf32>
    %get3A_3185 = arith.constant 432 : index
    %get3A_3186 = tpu.vector_load %arg6[%get3A_3185] {strides = array<i32>} : memref<640xi32, #tpu.memory_space<vmem>>, vector<16xi32>,
    %get3A_3187 = vector.shape_cast %get3A_3186 : vector<16xi32> to vector<16xi32>
    %get3A_3188 = arith.constant 432 : index
    %get3A_3189 = tpu.vector_load %arg7[%get3A_3188] {strides = array<i32>} : memref<640xf32, #tpu.memory_space<vmem>>, vector<16xf32>,
    %get3A_3190 = vector.shape_cast %get3A_3189 : vector<16xf32> to vector<16xf32>
    %get3A_3191 = arith.constant 432 : index
    %get3A_3192 = tpu.vector_load %arg9[%get3A_3191] {strides = array<i32>} : memref<640xf32, #tpu.memory_space<vmem>>, vector<16xf32>,
    %get3A_3193 = vector.shape_cast %get3A_3192 : vector<16xf32> to vector<16xf32>
    %add3A_3194 = arith.constant 432 : i32
    %add3A_3195 = arith.addi %min3A_3, %add3A_3194 : i32
    %add3A_3196 = vector.broadcast %add3A_3195 : i32 to vector<16xi32>
    %add3A_3197 = arith.addi %add3A_3196, %iota3A : vector<16xi32>
    %ge3A_3198 = vector.broadcast %mul3A_2 : i32 to vector<16xi32>
    %ge3A_3199 = arith.cmpi sge, %add3A_3197, %ge3A_3198 : vector<16xi32>
    %ge3A_3200 = arith.constant 0 : i32
    %ge3A_3201 = vector.broadcast %ge3A_3200 : i32 to vector<16xi32>
    %ge3A_3202 = arith.cmpi sge, %get3A_3187, %ge3A_3201 : vector<16xi32>
    %lt3A_3203 = arith.constant 80 : i32
    %lt3A_3204 = vector.broadcast %lt3A_3203 : i32 to vector<16xi32>
    %lt3A_3205 = arith.cmpi slt, %get3A_3187, %lt3A_3204 : vector<16xi32>
    %and3A_3206 = arith.andi %ge3A_3202, %lt3A_3205 : vector<16xi1>
    %and3A_3207 = arith.andi %and3A_3206, %ge3A_3199 : vector<16xi1>
    %abs3A_3208 = math.absf %get3A_3193 : vector<16xf32>
    %neg3A_3209 = arith.constant 0.000000e+00 : f32
    %neg3A_3210 = vector.broadcast %neg3A_3209 : f32 to vector<16xf32>
    %neg3A_3211 = arith.subf %neg3A_3210, %abs3A_3208 : vector<16xf32>
    %exp3A_3212 = math.exp %neg3A_3211 : vector<16xf32>
    %add3A_3213 = arith.constant 2.000000e+00 : f32
    %add3A_3214 = vector.broadcast %add3A_3213 : f32 to vector<16xf32>
    %add3A_3215 = arith.addf %exp3A_3212, %add3A_3214 : vector<16xf32>
    %div3A_3216 = arith.divf %exp3A_3212, %add3A_3215 : vector<16xf32>
    %mul3A_3217 = arith.mulf %div3A_3216, %div3A_3216 : vector<16xf32>
    %mul3A_3218 = arith.constant 2.000000e+00 : f32
    %mul3A_3219 = vector.broadcast %mul3A_3218 : f32 to vector<16xf32>
    %mul3A_3220 = arith.mulf %mul3A_3219, %div3A_3216 : vector<16xf32>
    %div3A_3221 = arith.constant 9.000000e+00 : f32
    %div3A_3222 = vector.broadcast %div3A_3221 : f32 to vector<16xf32>
    %div3A_3223 = arith.divf %mul3A_3217, %div3A_3222 : vector<16xf32>
    %add3A_3224 = arith.constant 0.142857149 : f32
    %add3A_3225 = vector.broadcast %add3A_3224 : f32 to vector<16xf32>
    %add3A_3226 = arith.addf %add3A_3225, %div3A_3223 : vector<16xf32>
    %mul3A_3227 = arith.mulf %mul3A_3217, %add3A_3226 : vector<16xf32>
    %add3A_3228 = arith.constant 2.000000e-01 : f32
    %add3A_3229 = vector.broadcast %add3A_3228 : f32 to vector<16xf32>
    %add3A_3230 = arith.addf %add3A_3229, %mul3A_3227 : vector<16xf32>
    %mul3A_3231 = arith.mulf %mul3A_3217, %add3A_3230 : vector<16xf32>
    %add3A_3232 = arith.constant 0.333333343 : f32
    %add3A_3233 = vector.broadcast %add3A_3232 : f32 to vector<16xf32>
    %add3A_3234 = arith.addf %add3A_3233, %mul3A_3231 : vector<16xf32>
    %mul3A_3235 = arith.mulf %mul3A_3217, %add3A_3234 : vector<16xf32>
    %add3A_3236 = arith.constant 1.000000e+00 : f32
    %add3A_3237 = vector.broadcast %add3A_3236 : f32 to vector<16xf32>
    %add3A_3238 = arith.addf %add3A_3237, %mul3A_3235 : vector<16xf32>
    %mul3A_3239 = arith.mulf %mul3A_3220, %add3A_3238 : vector<16xf32>
    %max3A_3240 = arith.constant 0.000000e+00 : f32
    %max3A_3241 = vector.broadcast %max3A_3240 : f32 to vector<16xf32>
    %max3A_3242 = arith.maximumf %get3A_3193, %max3A_3241 : vector<16xf32>
    %add3A_3243 = arith.addf %max3A_3242, %mul3A_3239 : vector<16xf32>
    %add3A_3244 = arith.constant 1.000000e+00 : f32
    %add3A_3245 = vector.broadcast %add3A_3244 : f32 to vector<16xf32>
    %add3A_3246 = arith.addf %add3A_3245, %exp3A_3212 : vector<16xf32>
    %div3A_3247 = arith.constant 1.000000e+00 : f32
    %div3A_3248 = vector.broadcast %div3A_3247 : f32 to vector<16xf32>
    %div3A_3249 = arith.divf %div3A_3248, %add3A_3246 : vector<16xf32>
    %ge3A_3250 = arith.constant 0.000000e+00 : f32
    %ge3A_3251 = vector.broadcast %ge3A_3250 : f32 to vector<16xf32>
    %ge3A_3252 = arith.cmpf oge, %get3A_3193, %ge3A_3251 : vector<16xf32>
    %sub3A_3253 = arith.constant 1.000000e+00 : f32
    %sub3A_3254 = vector.broadcast %sub3A_3253 : f32 to vector<16xf32>
    %sub3A_3255 = arith.subf %sub3A_3254, %div3A_3249 : vector<16xf32>
    %select_n3A_3256 = arith.select %ge3A_3252, %div3A_3249, %sub3A_3255 : vector<16xi1>, vector<16xf32>
    %mul3A_3257 = arith.mulf %add3A_3243, %select_n3A_3256 : vector<16xf32>
    %mul3A_3258 = arith.mulf %mul3A_3257, %select_n3A_3256 : vector<16xf32>
    %sub3A_3259 = arith.subf %get3A_3190, %select_n3A_3256 : vector<16xf32>
    %abs3A_3260 = math.absf %sub3A_3259 : vector<16xf32>
    %mul3A_3261 = arith.mulf %get3A_3190, %get3A_3193 : vector<16xf32>
    %sub3A_3262 = arith.subf %add3A_3243, %mul3A_3261 : vector<16xf32>
    %mul3A_3263 = arith.mulf %sub3A_3262, %abs3A_3260 : vector<16xf32>
    %mul3A_3264 = arith.mulf %mul3A_3263, %abs3A_3260 : vector<16xf32>
    %sub3A_3265 = arith.subf %mul3A_3264, %mul3A_3258 : vector<16xf32>
    %jit3A_3266 = arith.constant 0.000000e+00 : f32
    %broadcast_in_dim3A_3267 = vector.broadcast %jit3A_3266 : f32 to vector<16xf32>
    %select_n3A_3268 = arith.select %and3A_3207, %sub3A_3265, %broadcast_in_dim3A_3267 : vector<16xi1>, vector<16xf32>
    %add3A_3269 = arith.addf %add3A_3184, %select_n3A_3268 : vector<16xf32>
    %get3A_3270 = arith.constant 448 : index
    %get3A_3271 = tpu.vector_load %arg6[%get3A_3270] {strides = array<i32>} : memref<640xi32, #tpu.memory_space<vmem>>, vector<16xi32>,
    %get3A_3272 = vector.shape_cast %get3A_3271 : vector<16xi32> to vector<16xi32>
    %get3A_3273 = arith.constant 448 : index
    %get3A_3274 = tpu.vector_load %arg7[%get3A_3273] {strides = array<i32>} : memref<640xf32, #tpu.memory_space<vmem>>, vector<16xf32>,
    %get3A_3275 = vector.shape_cast %get3A_3274 : vector<16xf32> to vector<16xf32>
    %get3A_3276 = arith.constant 448 : index
    %get3A_3277 = tpu.vector_load %arg9[%get3A_3276] {strides = array<i32>} : memref<640xf32, #tpu.memory_space<vmem>>, vector<16xf32>,
    %get3A_3278 = vector.shape_cast %get3A_3277 : vector<16xf32> to vector<16xf32>
    %add3A_3279 = arith.constant 448 : i32
    %add3A_3280 = arith.addi %min3A_3, %add3A_3279 : i32
    %add3A_3281 = vector.broadcast %add3A_3280 : i32 to vector<16xi32>
    %add3A_3282 = arith.addi %add3A_3281, %iota3A : vector<16xi32>
    %ge3A_3283 = vector.broadcast %mul3A_2 : i32 to vector<16xi32>
    %ge3A_3284 = arith.cmpi sge, %add3A_3282, %ge3A_3283 : vector<16xi32>
    %ge3A_3285 = arith.constant 0 : i32
    %ge3A_3286 = vector.broadcast %ge3A_3285 : i32 to vector<16xi32>
    %ge3A_3287 = arith.cmpi sge, %get3A_3272, %ge3A_3286 : vector<16xi32>
    %lt3A_3288 = arith.constant 80 : i32
    %lt3A_3289 = vector.broadcast %lt3A_3288 : i32 to vector<16xi32>
    %lt3A_3290 = arith.cmpi slt, %get3A_3272, %lt3A_3289 : vector<16xi32>
    %and3A_3291 = arith.andi %ge3A_3287, %lt3A_3290 : vector<16xi1>
    %and3A_3292 = arith.andi %and3A_3291, %ge3A_3284 : vector<16xi1>
    %abs3A_3293 = math.absf %get3A_3278 : vector<16xf32>
    %neg3A_3294 = arith.constant 0.000000e+00 : f32
    %neg3A_3295 = vector.broadcast %neg3A_3294 : f32 to vector<16xf32>
    %neg3A_3296 = arith.subf %neg3A_3295, %abs3A_3293 : vector<16xf32>
    %exp3A_3297 = math.exp %neg3A_3296 : vector<16xf32>
    %add3A_3298 = arith.constant 2.000000e+00 : f32
    %add3A_3299 = vector.broadcast %add3A_3298 : f32 to vector<16xf32>
    %add3A_3300 = arith.addf %exp3A_3297, %add3A_3299 : vector<16xf32>
    %div3A_3301 = arith.divf %exp3A_3297, %add3A_3300 : vector<16xf32>
    %mul3A_3302 = arith.mulf %div3A_3301, %div3A_3301 : vector<16xf32>
    %mul3A_3303 = arith.constant 2.000000e+00 : f32
    %mul3A_3304 = vector.broadcast %mul3A_3303 : f32 to vector<16xf32>
    %mul3A_3305 = arith.mulf %mul3A_3304, %div3A_3301 : vector<16xf32>
    %div3A_3306 = arith.constant 9.000000e+00 : f32
    %div3A_3307 = vector.broadcast %div3A_3306 : f32 to vector<16xf32>
    %div3A_3308 = arith.divf %mul3A_3302, %div3A_3307 : vector<16xf32>
    %add3A_3309 = arith.constant 0.142857149 : f32
    %add3A_3310 = vector.broadcast %add3A_3309 : f32 to vector<16xf32>
    %add3A_3311 = arith.addf %add3A_3310, %div3A_3308 : vector<16xf32>
    %mul3A_3312 = arith.mulf %mul3A_3302, %add3A_3311 : vector<16xf32>
    %add3A_3313 = arith.constant 2.000000e-01 : f32
    %add3A_3314 = vector.broadcast %add3A_3313 : f32 to vector<16xf32>
    %add3A_3315 = arith.addf %add3A_3314, %mul3A_3312 : vector<16xf32>
    %mul3A_3316 = arith.mulf %mul3A_3302, %add3A_3315 : vector<16xf32>
    %add3A_3317 = arith.constant 0.333333343 : f32
    %add3A_3318 = vector.broadcast %add3A_3317 : f32 to vector<16xf32>
    %add3A_3319 = arith.addf %add3A_3318, %mul3A_3316 : vector<16xf32>
    %mul3A_3320 = arith.mulf %mul3A_3302, %add3A_3319 : vector<16xf32>
    %add3A_3321 = arith.constant 1.000000e+00 : f32
    %add3A_3322 = vector.broadcast %add3A_3321 : f32 to vector<16xf32>
    %add3A_3323 = arith.addf %add3A_3322, %mul3A_3320 : vector<16xf32>
    %mul3A_3324 = arith.mulf %mul3A_3305, %add3A_3323 : vector<16xf32>
    %max3A_3325 = arith.constant 0.000000e+00 : f32
    %max3A_3326 = vector.broadcast %max3A_3325 : f32 to vector<16xf32>
    %max3A_3327 = arith.maximumf %get3A_3278, %max3A_3326 : vector<16xf32>
    %add3A_3328 = arith.addf %max3A_3327, %mul3A_3324 : vector<16xf32>
    %add3A_3329 = arith.constant 1.000000e+00 : f32
    %add3A_3330 = vector.broadcast %add3A_3329 : f32 to vector<16xf32>
    %add3A_3331 = arith.addf %add3A_3330, %exp3A_3297 : vector<16xf32>
    %div3A_3332 = arith.constant 1.000000e+00 : f32
    %div3A_3333 = vector.broadcast %div3A_3332 : f32 to vector<16xf32>
    %div3A_3334 = arith.divf %div3A_3333, %add3A_3331 : vector<16xf32>
    %ge3A_3335 = arith.constant 0.000000e+00 : f32
    %ge3A_3336 = vector.broadcast %ge3A_3335 : f32 to vector<16xf32>
    %ge3A_3337 = arith.cmpf oge, %get3A_3278, %ge3A_3336 : vector<16xf32>
    %sub3A_3338 = arith.constant 1.000000e+00 : f32
    %sub3A_3339 = vector.broadcast %sub3A_3338 : f32 to vector<16xf32>
    %sub3A_3340 = arith.subf %sub3A_3339, %div3A_3334 : vector<16xf32>
    %select_n3A_3341 = arith.select %ge3A_3337, %div3A_3334, %sub3A_3340 : vector<16xi1>, vector<16xf32>
    %mul3A_3342 = arith.mulf %add3A_3328, %select_n3A_3341 : vector<16xf32>
    %mul3A_3343 = arith.mulf %mul3A_3342, %select_n3A_3341 : vector<16xf32>
    %sub3A_3344 = arith.subf %get3A_3275, %select_n3A_3341 : vector<16xf32>
    %abs3A_3345 = math.absf %sub3A_3344 : vector<16xf32>
    %mul3A_3346 = arith.mulf %get3A_3275, %get3A_3278 : vector<16xf32>
    %sub3A_3347 = arith.subf %add3A_3328, %mul3A_3346 : vector<16xf32>
    %mul3A_3348 = arith.mulf %sub3A_3347, %abs3A_3345 : vector<16xf32>
    %mul3A_3349 = arith.mulf %mul3A_3348, %abs3A_3345 : vector<16xf32>
    %sub3A_3350 = arith.subf %mul3A_3349, %mul3A_3343 : vector<16xf32>
    %jit3A_3351 = arith.constant 0.000000e+00 : f32
    %broadcast_in_dim3A_3352 = vector.broadcast %jit3A_3351 : f32 to vector<16xf32>
    %select_n3A_3353 = arith.select %and3A_3292, %sub3A_3350, %broadcast_in_dim3A_3352 : vector<16xi1>, vector<16xf32>
    %add3A_3354 = arith.addf %add3A_3269, %select_n3A_3353 : vector<16xf32>
    %get3A_3355 = arith.constant 464 : index
    %get3A_3356 = tpu.vector_load %arg6[%get3A_3355] {strides = array<i32>} : memref<640xi32, #tpu.memory_space<vmem>>, vector<16xi32>,
    %get3A_3357 = vector.shape_cast %get3A_3356 : vector<16xi32> to vector<16xi32>
    %get3A_3358 = arith.constant 464 : index
    %get3A_3359 = tpu.vector_load %arg7[%get3A_3358] {strides = array<i32>} : memref<640xf32, #tpu.memory_space<vmem>>, vector<16xf32>,
    %get3A_3360 = vector.shape_cast %get3A_3359 : vector<16xf32> to vector<16xf32>
    %get3A_3361 = arith.constant 464 : index
    %get3A_3362 = tpu.vector_load %arg9[%get3A_3361] {strides = array<i32>} : memref<640xf32, #tpu.memory_space<vmem>>, vector<16xf32>,
    %get3A_3363 = vector.shape_cast %get3A_3362 : vector<16xf32> to vector<16xf32>
    %add3A_3364 = arith.constant 464 : i32
    %add3A_3365 = arith.addi %min3A_3, %add3A_3364 : i32
    %add3A_3366 = vector.broadcast %add3A_3365 : i32 to vector<16xi32>
    %add3A_3367 = arith.addi %add3A_3366, %iota3A : vector<16xi32>
    %ge3A_3368 = vector.broadcast %mul3A_2 : i32 to vector<16xi32>
    %ge3A_3369 = arith.cmpi sge, %add3A_3367, %ge3A_3368 : vector<16xi32>
    %ge3A_3370 = arith.constant 0 : i32
    %ge3A_3371 = vector.broadcast %ge3A_3370 : i32 to vector<16xi32>
    %ge3A_3372 = arith.cmpi sge, %get3A_3357, %ge3A_3371 : vector<16xi32>
    %lt3A_3373 = arith.constant 80 : i32
    %lt3A_3374 = vector.broadcast %lt3A_3373 : i32 to vector<16xi32>
    %lt3A_3375 = arith.cmpi slt, %get3A_3357, %lt3A_3374 : vector<16xi32>
    %and3A_3376 = arith.andi %ge3A_3372, %lt3A_3375 : vector<16xi1>
    %and3A_3377 = arith.andi %and3A_3376, %ge3A_3369 : vector<16xi1>
    %abs3A_3378 = math.absf %get3A_3363 : vector<16xf32>
    %neg3A_3379 = arith.constant 0.000000e+00 : f32
    %neg3A_3380 = vector.broadcast %neg3A_3379 : f32 to vector<16xf32>
    %neg3A_3381 = arith.subf %neg3A_3380, %abs3A_3378 : vector<16xf32>
    %exp3A_3382 = math.exp %neg3A_3381 : vector<16xf32>
    %add3A_3383 = arith.constant 2.000000e+00 : f32
    %add3A_3384 = vector.broadcast %add3A_3383 : f32 to vector<16xf32>
    %add3A_3385 = arith.addf %exp3A_3382, %add3A_3384 : vector<16xf32>
    %div3A_3386 = arith.divf %exp3A_3382, %add3A_3385 : vector<16xf32>
    %mul3A_3387 = arith.mulf %div3A_3386, %div3A_3386 : vector<16xf32>
    %mul3A_3388 = arith.constant 2.000000e+00 : f32
    %mul3A_3389 = vector.broadcast %mul3A_3388 : f32 to vector<16xf32>
    %mul3A_3390 = arith.mulf %mul3A_3389, %div3A_3386 : vector<16xf32>
    %div3A_3391 = arith.constant 9.000000e+00 : f32
    %div3A_3392 = vector.broadcast %div3A_3391 : f32 to vector<16xf32>
    %div3A_3393 = arith.divf %mul3A_3387, %div3A_3392 : vector<16xf32>
    %add3A_3394 = arith.constant 0.142857149 : f32
    %add3A_3395 = vector.broadcast %add3A_3394 : f32 to vector<16xf32>
    %add3A_3396 = arith.addf %add3A_3395, %div3A_3393 : vector<16xf32>
    %mul3A_3397 = arith.mulf %mul3A_3387, %add3A_3396 : vector<16xf32>
    %add3A_3398 = arith.constant 2.000000e-01 : f32
    %add3A_3399 = vector.broadcast %add3A_3398 : f32 to vector<16xf32>
    %add3A_3400 = arith.addf %add3A_3399, %mul3A_3397 : vector<16xf32>
    %mul3A_3401 = arith.mulf %mul3A_3387, %add3A_3400 : vector<16xf32>
    %add3A_3402 = arith.constant 0.333333343 : f32
    %add3A_3403 = vector.broadcast %add3A_3402 : f32 to vector<16xf32>
    %add3A_3404 = arith.addf %add3A_3403, %mul3A_3401 : vector<16xf32>
    %mul3A_3405 = arith.mulf %mul3A_3387, %add3A_3404 : vector<16xf32>
    %add3A_3406 = arith.constant 1.000000e+00 : f32
    %add3A_3407 = vector.broadcast %add3A_3406 : f32 to vector<16xf32>
    %add3A_3408 = arith.addf %add3A_3407, %mul3A_3405 : vector<16xf32>
    %mul3A_3409 = arith.mulf %mul3A_3390, %add3A_3408 : vector<16xf32>
    %max3A_3410 = arith.constant 0.000000e+00 : f32
    %max3A_3411 = vector.broadcast %max3A_3410 : f32 to vector<16xf32>
    %max3A_3412 = arith.maximumf %get3A_3363, %max3A_3411 : vector<16xf32>
    %add3A_3413 = arith.addf %max3A_3412, %mul3A_3409 : vector<16xf32>
    %add3A_3414 = arith.constant 1.000000e+00 : f32
    %add3A_3415 = vector.broadcast %add3A_3414 : f32 to vector<16xf32>
    %add3A_3416 = arith.addf %add3A_3415, %exp3A_3382 : vector<16xf32>
    %div3A_3417 = arith.constant 1.000000e+00 : f32
    %div3A_3418 = vector.broadcast %div3A_3417 : f32 to vector<16xf32>
    %div3A_3419 = arith.divf %div3A_3418, %add3A_3416 : vector<16xf32>
    %ge3A_3420 = arith.constant 0.000000e+00 : f32
    %ge3A_3421 = vector.broadcast %ge3A_3420 : f32 to vector<16xf32>
    %ge3A_3422 = arith.cmpf oge, %get3A_3363, %ge3A_3421 : vector<16xf32>
    %sub3A_3423 = arith.constant 1.000000e+00 : f32
    %sub3A_3424 = vector.broadcast %sub3A_3423 : f32 to vector<16xf32>
    %sub3A_3425 = arith.subf %sub3A_3424, %div3A_3419 : vector<16xf32>
    %select_n3A_3426 = arith.select %ge3A_3422, %div3A_3419, %sub3A_3425 : vector<16xi1>, vector<16xf32>
    %mul3A_3427 = arith.mulf %add3A_3413, %select_n3A_3426 : vector<16xf32>
    %mul3A_3428 = arith.mulf %mul3A_3427, %select_n3A_3426 : vector<16xf32>
    %sub3A_3429 = arith.subf %get3A_3360, %select_n3A_3426 : vector<16xf32>
    %abs3A_3430 = math.absf %sub3A_3429 : vector<16xf32>
    %mul3A_3431 = arith.mulf %get3A_3360, %get3A_3363 : vector<16xf32>
    %sub3A_3432 = arith.subf %add3A_3413, %mul3A_3431 : vector<16xf32>
    %mul3A_3433 = arith.mulf %sub3A_3432, %abs3A_3430 : vector<16xf32>
    %mul3A_3434 = arith.mulf %mul3A_3433, %abs3A_3430 : vector<16xf32>
    %sub3A_3435 = arith.subf %mul3A_3434, %mul3A_3428 : vector<16xf32>
    %jit3A_3436 = arith.constant 0.000000e+00 : f32
    %broadcast_in_dim3A_3437 = vector.broadcast %jit3A_3436 : f32 to vector<16xf32>
    %select_n3A_3438 = arith.select %and3A_3377, %sub3A_3435, %broadcast_in_dim3A_3437 : vector<16xi1>, vector<16xf32>
    %add3A_3439 = arith.addf %add3A_3354, %select_n3A_3438 : vector<16xf32>
    %get3A_3440 = arith.constant 480 : index
    %get3A_3441 = tpu.vector_load %arg6[%get3A_3440] {strides = array<i32>} : memref<640xi32, #tpu.memory_space<vmem>>, vector<16xi32>,
    %get3A_3442 = vector.shape_cast %get3A_3441 : vector<16xi32> to vector<16xi32>
    %get3A_3443 = arith.constant 480 : index
    %get3A_3444 = tpu.vector_load %arg7[%get3A_3443] {strides = array<i32>} : memref<640xf32, #tpu.memory_space<vmem>>, vector<16xf32>,
    %get3A_3445 = vector.shape_cast %get3A_3444 : vector<16xf32> to vector<16xf32>
    %get3A_3446 = arith.constant 480 : index
    %get3A_3447 = tpu.vector_load %arg9[%get3A_3446] {strides = array<i32>} : memref<640xf32, #tpu.memory_space<vmem>>, vector<16xf32>,
    %get3A_3448 = vector.shape_cast %get3A_3447 : vector<16xf32> to vector<16xf32>
    %add3A_3449 = arith.constant 480 : i32
    %add3A_3450 = arith.addi %min3A_3, %add3A_3449 : i32
    %add3A_3451 = vector.broadcast %add3A_3450 : i32 to vector<16xi32>
    %add3A_3452 = arith.addi %add3A_3451, %iota3A : vector<16xi32>
    %ge3A_3453 = vector.broadcast %mul3A_2 : i32 to vector<16xi32>
    %ge3A_3454 = arith.cmpi sge, %add3A_3452, %ge3A_3453 : vector<16xi32>
    %ge3A_3455 = arith.constant 0 : i32
    %ge3A_3456 = vector.broadcast %ge3A_3455 : i32 to vector<16xi32>
    %ge3A_3457 = arith.cmpi sge, %get3A_3442, %ge3A_3456 : vector<16xi32>
    %lt3A_3458 = arith.constant 80 : i32
    %lt3A_3459 = vector.broadcast %lt3A_3458 : i32 to vector<16xi32>
    %lt3A_3460 = arith.cmpi slt, %get3A_3442, %lt3A_3459 : vector<16xi32>
    %and3A_3461 = arith.andi %ge3A_3457, %lt3A_3460 : vector<16xi1>
    %and3A_3462 = arith.andi %and3A_3461, %ge3A_3454 : vector<16xi1>
    %abs3A_3463 = math.absf %get3A_3448 : vector<16xf32>
    %neg3A_3464 = arith.constant 0.000000e+00 : f32
    %neg3A_3465 = vector.broadcast %neg3A_3464 : f32 to vector<16xf32>
    %neg3A_3466 = arith.subf %neg3A_3465, %abs3A_3463 : vector<16xf32>
    %exp3A_3467 = math.exp %neg3A_3466 : vector<16xf32>
    %add3A_3468 = arith.constant 2.000000e+00 : f32
    %add3A_3469 = vector.broadcast %add3A_3468 : f32 to vector<16xf32>
    %add3A_3470 = arith.addf %exp3A_3467, %add3A_3469 : vector<16xf32>
    %div3A_3471 = arith.divf %exp3A_3467, %add3A_3470 : vector<16xf32>
    %mul3A_3472 = arith.mulf %div3A_3471, %div3A_3471 : vector<16xf32>
    %mul3A_3473 = arith.constant 2.000000e+00 : f32
    %mul3A_3474 = vector.broadcast %mul3A_3473 : f32 to vector<16xf32>
    %mul3A_3475 = arith.mulf %mul3A_3474, %div3A_3471 : vector<16xf32>
    %div3A_3476 = arith.constant 9.000000e+00 : f32
    %div3A_3477 = vector.broadcast %div3A_3476 : f32 to vector<16xf32>
    %div3A_3478 = arith.divf %mul3A_3472, %div3A_3477 : vector<16xf32>
    %add3A_3479 = arith.constant 0.142857149 : f32
    %add3A_3480 = vector.broadcast %add3A_3479 : f32 to vector<16xf32>
    %add3A_3481 = arith.addf %add3A_3480, %div3A_3478 : vector<16xf32>
    %mul3A_3482 = arith.mulf %mul3A_3472, %add3A_3481 : vector<16xf32>
    %add3A_3483 = arith.constant 2.000000e-01 : f32
    %add3A_3484 = vector.broadcast %add3A_3483 : f32 to vector<16xf32>
    %add3A_3485 = arith.addf %add3A_3484, %mul3A_3482 : vector<16xf32>
    %mul3A_3486 = arith.mulf %mul3A_3472, %add3A_3485 : vector<16xf32>
    %add3A_3487 = arith.constant 0.333333343 : f32
    %add3A_3488 = vector.broadcast %add3A_3487 : f32 to vector<16xf32>
    %add3A_3489 = arith.addf %add3A_3488, %mul3A_3486 : vector<16xf32>
    %mul3A_3490 = arith.mulf %mul3A_3472, %add3A_3489 : vector<16xf32>
    %add3A_3491 = arith.constant 1.000000e+00 : f32
    %add3A_3492 = vector.broadcast %add3A_3491 : f32 to vector<16xf32>
    %add3A_3493 = arith.addf %add3A_3492, %mul3A_3490 : vector<16xf32>
    %mul3A_3494 = arith.mulf %mul3A_3475, %add3A_3493 : vector<16xf32>
    %max3A_3495 = arith.constant 0.000000e+00 : f32
    %max3A_3496 = vector.broadcast %max3A_3495 : f32 to vector<16xf32>
    %max3A_3497 = arith.maximumf %get3A_3448, %max3A_3496 : vector<16xf32>
    %add3A_3498 = arith.addf %max3A_3497, %mul3A_3494 : vector<16xf32>
    %add3A_3499 = arith.constant 1.000000e+00 : f32
    %add3A_3500 = vector.broadcast %add3A_3499 : f32 to vector<16xf32>
    %add3A_3501 = arith.addf %add3A_3500, %exp3A_3467 : vector<16xf32>
    %div3A_3502 = arith.constant 1.000000e+00 : f32
    %div3A_3503 = vector.broadcast %div3A_3502 : f32 to vector<16xf32>
    %div3A_3504 = arith.divf %div3A_3503, %add3A_3501 : vector<16xf32>
    %ge3A_3505 = arith.constant 0.000000e+00 : f32
    %ge3A_3506 = vector.broadcast %ge3A_3505 : f32 to vector<16xf32>
    %ge3A_3507 = arith.cmpf oge, %get3A_3448, %ge3A_3506 : vector<16xf32>
    %sub3A_3508 = arith.constant 1.000000e+00 : f32
    %sub3A_3509 = vector.broadcast %sub3A_3508 : f32 to vector<16xf32>
    %sub3A_3510 = arith.subf %sub3A_3509, %div3A_3504 : vector<16xf32>
    %select_n3A_3511 = arith.select %ge3A_3507, %div3A_3504, %sub3A_3510 : vector<16xi1>, vector<16xf32>
    %mul3A_3512 = arith.mulf %add3A_3498, %select_n3A_3511 : vector<16xf32>
    %mul3A_3513 = arith.mulf %mul3A_3512, %select_n3A_3511 : vector<16xf32>
    %sub3A_3514 = arith.subf %get3A_3445, %select_n3A_3511 : vector<16xf32>
    %abs3A_3515 = math.absf %sub3A_3514 : vector<16xf32>
    %mul3A_3516 = arith.mulf %get3A_3445, %get3A_3448 : vector<16xf32>
    %sub3A_3517 = arith.subf %add3A_3498, %mul3A_3516 : vector<16xf32>
    %mul3A_3518 = arith.mulf %sub3A_3517, %abs3A_3515 : vector<16xf32>
    %mul3A_3519 = arith.mulf %mul3A_3518, %abs3A_3515 : vector<16xf32>
    %sub3A_3520 = arith.subf %mul3A_3519, %mul3A_3513 : vector<16xf32>
    %jit3A_3521 = arith.constant 0.000000e+00 : f32
    %broadcast_in_dim3A_3522 = vector.broadcast %jit3A_3521 : f32 to vector<16xf32>
    %select_n3A_3523 = arith.select %and3A_3462, %sub3A_3520, %broadcast_in_dim3A_3522 : vector<16xi1>, vector<16xf32>
    %add3A_3524 = arith.addf %add3A_3439, %select_n3A_3523 : vector<16xf32>
    %get3A_3525 = arith.constant 496 : index
    %get3A_3526 = tpu.vector_load %arg6[%get3A_3525] {strides = array<i32>} : memref<640xi32, #tpu.memory_space<vmem>>, vector<16xi32>,
    %get3A_3527 = vector.shape_cast %get3A_3526 : vector<16xi32> to vector<16xi32>
    %get3A_3528 = arith.constant 496 : index
    %get3A_3529 = tpu.vector_load %arg7[%get3A_3528] {strides = array<i32>} : memref<640xf32, #tpu.memory_space<vmem>>, vector<16xf32>,
    %get3A_3530 = vector.shape_cast %get3A_3529 : vector<16xf32> to vector<16xf32>
    %get3A_3531 = arith.constant 496 : index
    %get3A_3532 = tpu.vector_load %arg9[%get3A_3531] {strides = array<i32>} : memref<640xf32, #tpu.memory_space<vmem>>, vector<16xf32>,
    %get3A_3533 = vector.shape_cast %get3A_3532 : vector<16xf32> to vector<16xf32>
    %add3A_3534 = arith.constant 496 : i32
    %add3A_3535 = arith.addi %min3A_3, %add3A_3534 : i32
    %add3A_3536 = vector.broadcast %add3A_3535 : i32 to vector<16xi32>
    %add3A_3537 = arith.addi %add3A_3536, %iota3A : vector<16xi32>
    %ge3A_3538 = vector.broadcast %mul3A_2 : i32 to vector<16xi32>
    %ge3A_3539 = arith.cmpi sge, %add3A_3537, %ge3A_3538 : vector<16xi32>
    %ge3A_3540 = arith.constant 0 : i32
    %ge3A_3541 = vector.broadcast %ge3A_3540 : i32 to vector<16xi32>
    %ge3A_3542 = arith.cmpi sge, %get3A_3527, %ge3A_3541 : vector<16xi32>
    %lt3A_3543 = arith.constant 80 : i32
    %lt3A_3544 = vector.broadcast %lt3A_3543 : i32 to vector<16xi32>
    %lt3A_3545 = arith.cmpi slt, %get3A_3527, %lt3A_3544 : vector<16xi32>
    %and3A_3546 = arith.andi %ge3A_3542, %lt3A_3545 : vector<16xi1>
    %and3A_3547 = arith.andi %and3A_3546, %ge3A_3539 : vector<16xi1>
    %abs3A_3548 = math.absf %get3A_3533 : vector<16xf32>
    %neg3A_3549 = arith.constant 0.000000e+00 : f32
    %neg3A_3550 = vector.broadcast %neg3A_3549 : f32 to vector<16xf32>
    %neg3A_3551 = arith.subf %neg3A_3550, %abs3A_3548 : vector<16xf32>
    %exp3A_3552 = math.exp %neg3A_3551 : vector<16xf32>
    %add3A_3553 = arith.constant 2.000000e+00 : f32
    %add3A_3554 = vector.broadcast %add3A_3553 : f32 to vector<16xf32>
    %add3A_3555 = arith.addf %exp3A_3552, %add3A_3554 : vector<16xf32>
    %div3A_3556 = arith.divf %exp3A_3552, %add3A_3555 : vector<16xf32>
    %mul3A_3557 = arith.mulf %div3A_3556, %div3A_3556 : vector<16xf32>
    %mul3A_3558 = arith.constant 2.000000e+00 : f32
    %mul3A_3559 = vector.broadcast %mul3A_3558 : f32 to vector<16xf32>
    %mul3A_3560 = arith.mulf %mul3A_3559, %div3A_3556 : vector<16xf32>
    %div3A_3561 = arith.constant 9.000000e+00 : f32
    %div3A_3562 = vector.broadcast %div3A_3561 : f32 to vector<16xf32>
    %div3A_3563 = arith.divf %mul3A_3557, %div3A_3562 : vector<16xf32>
    %add3A_3564 = arith.constant 0.142857149 : f32
    %add3A_3565 = vector.broadcast %add3A_3564 : f32 to vector<16xf32>
    %add3A_3566 = arith.addf %add3A_3565, %div3A_3563 : vector<16xf32>
    %mul3A_3567 = arith.mulf %mul3A_3557, %add3A_3566 : vector<16xf32>
    %add3A_3568 = arith.constant 2.000000e-01 : f32
    %add3A_3569 = vector.broadcast %add3A_3568 : f32 to vector<16xf32>
    %add3A_3570 = arith.addf %add3A_3569, %mul3A_3567 : vector<16xf32>
    %mul3A_3571 = arith.mulf %mul3A_3557, %add3A_3570 : vector<16xf32>
    %add3A_3572 = arith.constant 0.333333343 : f32
    %add3A_3573 = vector.broadcast %add3A_3572 : f32 to vector<16xf32>
    %add3A_3574 = arith.addf %add3A_3573, %mul3A_3571 : vector<16xf32>
    %mul3A_3575 = arith.mulf %mul3A_3557, %add3A_3574 : vector<16xf32>
    %add3A_3576 = arith.constant 1.000000e+00 : f32
    %add3A_3577 = vector.broadcast %add3A_3576 : f32 to vector<16xf32>
    %add3A_3578 = arith.addf %add3A_3577, %mul3A_3575 : vector<16xf32>
    %mul3A_3579 = arith.mulf %mul3A_3560, %add3A_3578 : vector<16xf32>
    %max3A_3580 = arith.constant 0.000000e+00 : f32
    %max3A_3581 = vector.broadcast %max3A_3580 : f32 to vector<16xf32>
    %max3A_3582 = arith.maximumf %get3A_3533, %max3A_3581 : vector<16xf32>
    %add3A_3583 = arith.addf %max3A_3582, %mul3A_3579 : vector<16xf32>
    %add3A_3584 = arith.constant 1.000000e+00 : f32
    %add3A_3585 = vector.broadcast %add3A_3584 : f32 to vector<16xf32>
    %add3A_3586 = arith.addf %add3A_3585, %exp3A_3552 : vector<16xf32>
    %div3A_3587 = arith.constant 1.000000e+00 : f32
    %div3A_3588 = vector.broadcast %div3A_3587 : f32 to vector<16xf32>
    %div3A_3589 = arith.divf %div3A_3588, %add3A_3586 : vector<16xf32>
    %ge3A_3590 = arith.constant 0.000000e+00 : f32
    %ge3A_3591 = vector.broadcast %ge3A_3590 : f32 to vector<16xf32>
    %ge3A_3592 = arith.cmpf oge, %get3A_3533, %ge3A_3591 : vector<16xf32>
    %sub3A_3593 = arith.constant 1.000000e+00 : f32
    %sub3A_3594 = vector.broadcast %sub3A_3593 : f32 to vector<16xf32>
    %sub3A_3595 = arith.subf %sub3A_3594, %div3A_3589 : vector<16xf32>
    %select_n3A_3596 = arith.select %ge3A_3592, %div3A_3589, %sub3A_3595 : vector<16xi1>, vector<16xf32>
    %mul3A_3597 = arith.mulf %add3A_3583, %select_n3A_3596 : vector<16xf32>
    %mul3A_3598 = arith.mulf %mul3A_3597, %select_n3A_3596 : vector<16xf32>
    %sub3A_3599 = arith.subf %get3A_3530, %select_n3A_3596 : vector<16xf32>
    %abs3A_3600 = math.absf %sub3A_3599 : vector<16xf32>
    %mul3A_3601 = arith.mulf %get3A_3530, %get3A_3533 : vector<16xf32>
    %sub3A_3602 = arith.subf %add3A_3583, %mul3A_3601 : vector<16xf32>
    %mul3A_3603 = arith.mulf %sub3A_3602, %abs3A_3600 : vector<16xf32>
    %mul3A_3604 = arith.mulf %mul3A_3603, %abs3A_3600 : vector<16xf32>
    %sub3A_3605 = arith.subf %mul3A_3604, %mul3A_3598 : vector<16xf32>
    %jit3A_3606 = arith.constant 0.000000e+00 : f32
    %broadcast_in_dim3A_3607 = vector.broadcast %jit3A_3606 : f32 to vector<16xf32>
    %select_n3A_3608 = arith.select %and3A_3547, %sub3A_3605, %broadcast_in_dim3A_3607 : vector<16xi1>, vector<16xf32>
    %add3A_3609 = arith.addf %add3A_3524, %select_n3A_3608 : vector<16xf32>
    %get3A_3610 = arith.constant 512 : index
    %get3A_3611 = tpu.vector_load %arg6[%get3A_3610] {strides = array<i32>} : memref<640xi32, #tpu.memory_space<vmem>>, vector<16xi32>,
    %get3A_3612 = vector.shape_cast %get3A_3611 : vector<16xi32> to vector<16xi32>
    %get3A_3613 = arith.constant 512 : index
    %get3A_3614 = tpu.vector_load %arg7[%get3A_3613] {strides = array<i32>} : memref<640xf32, #tpu.memory_space<vmem>>, vector<16xf32>,
    %get3A_3615 = vector.shape_cast %get3A_3614 : vector<16xf32> to vector<16xf32>
    %get3A_3616 = arith.constant 512 : index
    %get3A_3617 = tpu.vector_load %arg9[%get3A_3616] {strides = array<i32>} : memref<640xf32, #tpu.memory_space<vmem>>, vector<16xf32>,
    %get3A_3618 = vector.shape_cast %get3A_3617 : vector<16xf32> to vector<16xf32>
    %add3A_3619 = arith.constant 512 : i32
    %add3A_3620 = arith.addi %min3A_3, %add3A_3619 : i32
    %add3A_3621 = vector.broadcast %add3A_3620 : i32 to vector<16xi32>
    %add3A_3622 = arith.addi %add3A_3621, %iota3A : vector<16xi32>
    %ge3A_3623 = vector.broadcast %mul3A_2 : i32 to vector<16xi32>
    %ge3A_3624 = arith.cmpi sge, %add3A_3622, %ge3A_3623 : vector<16xi32>
    %ge3A_3625 = arith.constant 0 : i32
    %ge3A_3626 = vector.broadcast %ge3A_3625 : i32 to vector<16xi32>
    %ge3A_3627 = arith.cmpi sge, %get3A_3612, %ge3A_3626 : vector<16xi32>
    %lt3A_3628 = arith.constant 80 : i32
    %lt3A_3629 = vector.broadcast %lt3A_3628 : i32 to vector<16xi32>
    %lt3A_3630 = arith.cmpi slt, %get3A_3612, %lt3A_3629 : vector<16xi32>
    %and3A_3631 = arith.andi %ge3A_3627, %lt3A_3630 : vector<16xi1>
    %and3A_3632 = arith.andi %and3A_3631, %ge3A_3624 : vector<16xi1>
    %abs3A_3633 = math.absf %get3A_3618 : vector<16xf32>
    %neg3A_3634 = arith.constant 0.000000e+00 : f32
    %neg3A_3635 = vector.broadcast %neg3A_3634 : f32 to vector<16xf32>
    %neg3A_3636 = arith.subf %neg3A_3635, %abs3A_3633 : vector<16xf32>
    %exp3A_3637 = math.exp %neg3A_3636 : vector<16xf32>
    %add3A_3638 = arith.constant 2.000000e+00 : f32
    %add3A_3639 = vector.broadcast %add3A_3638 : f32 to vector<16xf32>
    %add3A_3640 = arith.addf %exp3A_3637, %add3A_3639 : vector<16xf32>
    %div3A_3641 = arith.divf %exp3A_3637, %add3A_3640 : vector<16xf32>
    %mul3A_3642 = arith.mulf %div3A_3641, %div3A_3641 : vector<16xf32>
    %mul3A_3643 = arith.constant 2.000000e+00 : f32
    %mul3A_3644 = vector.broadcast %mul3A_3643 : f32 to vector<16xf32>
    %mul3A_3645 = arith.mulf %mul3A_3644, %div3A_3641 : vector<16xf32>
    %div3A_3646 = arith.constant 9.000000e+00 : f32
    %div3A_3647 = vector.broadcast %div3A_3646 : f32 to vector<16xf32>
    %div3A_3648 = arith.divf %mul3A_3642, %div3A_3647 : vector<16xf32>
    %add3A_3649 = arith.constant 0.142857149 : f32
    %add3A_3650 = vector.broadcast %add3A_3649 : f32 to vector<16xf32>
    %add3A_3651 = arith.addf %add3A_3650, %div3A_3648 : vector<16xf32>
    %mul3A_3652 = arith.mulf %mul3A_3642, %add3A_3651 : vector<16xf32>
    %add3A_3653 = arith.constant 2.000000e-01 : f32
    %add3A_3654 = vector.broadcast %add3A_3653 : f32 to vector<16xf32>
    %add3A_3655 = arith.addf %add3A_3654, %mul3A_3652 : vector<16xf32>
    %mul3A_3656 = arith.mulf %mul3A_3642, %add3A_3655 : vector<16xf32>
    %add3A_3657 = arith.constant 0.333333343 : f32
    %add3A_3658 = vector.broadcast %add3A_3657 : f32 to vector<16xf32>
    %add3A_3659 = arith.addf %add3A_3658, %mul3A_3656 : vector<16xf32>
    %mul3A_3660 = arith.mulf %mul3A_3642, %add3A_3659 : vector<16xf32>
    %add3A_3661 = arith.constant 1.000000e+00 : f32
    %add3A_3662 = vector.broadcast %add3A_3661 : f32 to vector<16xf32>
    %add3A_3663 = arith.addf %add3A_3662, %mul3A_3660 : vector<16xf32>
    %mul3A_3664 = arith.mulf %mul3A_3645, %add3A_3663 : vector<16xf32>
    %max3A_3665 = arith.constant 0.000000e+00 : f32
    %max3A_3666 = vector.broadcast %max3A_3665 : f32 to vector<16xf32>
    %max3A_3667 = arith.maximumf %get3A_3618, %max3A_3666 : vector<16xf32>
    %add3A_3668 = arith.addf %max3A_3667, %mul3A_3664 : vector<16xf32>
    %add3A_3669 = arith.constant 1.000000e+00 : f32
    %add3A_3670 = vector.broadcast %add3A_3669 : f32 to vector<16xf32>
    %add3A_3671 = arith.addf %add3A_3670, %exp3A_3637 : vector<16xf32>
    %div3A_3672 = arith.constant 1.000000e+00 : f32
    %div3A_3673 = vector.broadcast %div3A_3672 : f32 to vector<16xf32>
    %div3A_3674 = arith.divf %div3A_3673, %add3A_3671 : vector<16xf32>
    %ge3A_3675 = arith.constant 0.000000e+00 : f32
    %ge3A_3676 = vector.broadcast %ge3A_3675 : f32 to vector<16xf32>
    %ge3A_3677 = arith.cmpf oge, %get3A_3618, %ge3A_3676 : vector<16xf32>
    %sub3A_3678 = arith.constant 1.000000e+00 : f32
    %sub3A_3679 = vector.broadcast %sub3A_3678 : f32 to vector<16xf32>
    %sub3A_3680 = arith.subf %sub3A_3679, %div3A_3674 : vector<16xf32>
    %select_n3A_3681 = arith.select %ge3A_3677, %div3A_3674, %sub3A_3680 : vector<16xi1>, vector<16xf32>
    %mul3A_3682 = arith.mulf %add3A_3668, %select_n3A_3681 : vector<16xf32>
    %mul3A_3683 = arith.mulf %mul3A_3682, %select_n3A_3681 : vector<16xf32>
    %sub3A_3684 = arith.subf %get3A_3615, %select_n3A_3681 : vector<16xf32>
    %abs3A_3685 = math.absf %sub3A_3684 : vector<16xf32>
    %mul3A_3686 = arith.mulf %get3A_3615, %get3A_3618 : vector<16xf32>
    %sub3A_3687 = arith.subf %add3A_3668, %mul3A_3686 : vector<16xf32>
    %mul3A_3688 = arith.mulf %sub3A_3687, %abs3A_3685 : vector<16xf32>
    %mul3A_3689 = arith.mulf %mul3A_3688, %abs3A_3685 : vector<16xf32>
    %sub3A_3690 = arith.subf %mul3A_3689, %mul3A_3683 : vector<16xf32>
    %jit3A_3691 = arith.constant 0.000000e+00 : f32
    %broadcast_in_dim3A_3692 = vector.broadcast %jit3A_3691 : f32 to vector<16xf32>
    %select_n3A_3693 = arith.select %and3A_3632, %sub3A_3690, %broadcast_in_dim3A_3692 : vector<16xi1>, vector<16xf32>
    %add3A_3694 = arith.addf %add3A_3609, %select_n3A_3693 : vector<16xf32>
    %get3A_3695 = arith.constant 528 : index
    %get3A_3696 = tpu.vector_load %arg6[%get3A_3695] {strides = array<i32>} : memref<640xi32, #tpu.memory_space<vmem>>, vector<16xi32>,
    %get3A_3697 = vector.shape_cast %get3A_3696 : vector<16xi32> to vector<16xi32>
    %get3A_3698 = arith.constant 528 : index
    %get3A_3699 = tpu.vector_load %arg7[%get3A_3698] {strides = array<i32>} : memref<640xf32, #tpu.memory_space<vmem>>, vector<16xf32>,
    %get3A_3700 = vector.shape_cast %get3A_3699 : vector<16xf32> to vector<16xf32>
    %get3A_3701 = arith.constant 528 : index
    %get3A_3702 = tpu.vector_load %arg9[%get3A_3701] {strides = array<i32>} : memref<640xf32, #tpu.memory_space<vmem>>, vector<16xf32>,
    %get3A_3703 = vector.shape_cast %get3A_3702 : vector<16xf32> to vector<16xf32>
    %add3A_3704 = arith.constant 528 : i32
    %add3A_3705 = arith.addi %min3A_3, %add3A_3704 : i32
    %add3A_3706 = vector.broadcast %add3A_3705 : i32 to vector<16xi32>
    %add3A_3707 = arith.addi %add3A_3706, %iota3A : vector<16xi32>
    %ge3A_3708 = vector.broadcast %mul3A_2 : i32 to vector<16xi32>
    %ge3A_3709 = arith.cmpi sge, %add3A_3707, %ge3A_3708 : vector<16xi32>
    %ge3A_3710 = arith.constant 0 : i32
    %ge3A_3711 = vector.broadcast %ge3A_3710 : i32 to vector<16xi32>
    %ge3A_3712 = arith.cmpi sge, %get3A_3697, %ge3A_3711 : vector<16xi32>
    %lt3A_3713 = arith.constant 80 : i32
    %lt3A_3714 = vector.broadcast %lt3A_3713 : i32 to vector<16xi32>
    %lt3A_3715 = arith.cmpi slt, %get3A_3697, %lt3A_3714 : vector<16xi32>
    %and3A_3716 = arith.andi %ge3A_3712, %lt3A_3715 : vector<16xi1>
    %and3A_3717 = arith.andi %and3A_3716, %ge3A_3709 : vector<16xi1>
    %abs3A_3718 = math.absf %get3A_3703 : vector<16xf32>
    %neg3A_3719 = arith.constant 0.000000e+00 : f32
    %neg3A_3720 = vector.broadcast %neg3A_3719 : f32 to vector<16xf32>
    %neg3A_3721 = arith.subf %neg3A_3720, %abs3A_3718 : vector<16xf32>
    %exp3A_3722 = math.exp %neg3A_3721 : vector<16xf32>
    %add3A_3723 = arith.constant 2.000000e+00 : f32
    %add3A_3724 = vector.broadcast %add3A_3723 : f32 to vector<16xf32>
    %add3A_3725 = arith.addf %exp3A_3722, %add3A_3724 : vector<16xf32>
    %div3A_3726 = arith.divf %exp3A_3722, %add3A_3725 : vector<16xf32>
    %mul3A_3727 = arith.mulf %div3A_3726, %div3A_3726 : vector<16xf32>
    %mul3A_3728 = arith.constant 2.000000e+00 : f32
    %mul3A_3729 = vector.broadcast %mul3A_3728 : f32 to vector<16xf32>
    %mul3A_3730 = arith.mulf %mul3A_3729, %div3A_3726 : vector<16xf32>
    %div3A_3731 = arith.constant 9.000000e+00 : f32
    %div3A_3732 = vector.broadcast %div3A_3731 : f32 to vector<16xf32>
    %div3A_3733 = arith.divf %mul3A_3727, %div3A_3732 : vector<16xf32>
    %add3A_3734 = arith.constant 0.142857149 : f32
    %add3A_3735 = vector.broadcast %add3A_3734 : f32 to vector<16xf32>
    %add3A_3736 = arith.addf %add3A_3735, %div3A_3733 : vector<16xf32>
    %mul3A_3737 = arith.mulf %mul3A_3727, %add3A_3736 : vector<16xf32>
    %add3A_3738 = arith.constant 2.000000e-01 : f32
    %add3A_3739 = vector.broadcast %add3A_3738 : f32 to vector<16xf32>
    %add3A_3740 = arith.addf %add3A_3739, %mul3A_3737 : vector<16xf32>
    %mul3A_3741 = arith.mulf %mul3A_3727, %add3A_3740 : vector<16xf32>
    %add3A_3742 = arith.constant 0.333333343 : f32
    %add3A_3743 = vector.broadcast %add3A_3742 : f32 to vector<16xf32>
    %add3A_3744 = arith.addf %add3A_3743, %mul3A_3741 : vector<16xf32>
    %mul3A_3745 = arith.mulf %mul3A_3727, %add3A_3744 : vector<16xf32>
    %add3A_3746 = arith.constant 1.000000e+00 : f32
    %add3A_3747 = vector.broadcast %add3A_3746 : f32 to vector<16xf32>
    %add3A_3748 = arith.addf %add3A_3747, %mul3A_3745 : vector<16xf32>
    %mul3A_3749 = arith.mulf %mul3A_3730, %add3A_3748 : vector<16xf32>
    %max3A_3750 = arith.constant 0.000000e+00 : f32
    %max3A_3751 = vector.broadcast %max3A_3750 : f32 to vector<16xf32>
    %max3A_3752 = arith.maximumf %get3A_3703, %max3A_3751 : vector<16xf32>
    %add3A_3753 = arith.addf %max3A_3752, %mul3A_3749 : vector<16xf32>
    %add3A_3754 = arith.constant 1.000000e+00 : f32
    %add3A_3755 = vector.broadcast %add3A_3754 : f32 to vector<16xf32>
    %add3A_3756 = arith.addf %add3A_3755, %exp3A_3722 : vector<16xf32>
    %div3A_3757 = arith.constant 1.000000e+00 : f32
    %div3A_3758 = vector.broadcast %div3A_3757 : f32 to vector<16xf32>
    %div3A_3759 = arith.divf %div3A_3758, %add3A_3756 : vector<16xf32>
    %ge3A_3760 = arith.constant 0.000000e+00 : f32
    %ge3A_3761 = vector.broadcast %ge3A_3760 : f32 to vector<16xf32>
    %ge3A_3762 = arith.cmpf oge, %get3A_3703, %ge3A_3761 : vector<16xf32>
    %sub3A_3763 = arith.constant 1.000000e+00 : f32
    %sub3A_3764 = vector.broadcast %sub3A_3763 : f32 to vector<16xf32>
    %sub3A_3765 = arith.subf %sub3A_3764, %div3A_3759 : vector<16xf32>
    %select_n3A_3766 = arith.select %ge3A_3762, %div3A_3759, %sub3A_3765 : vector<16xi1>, vector<16xf32>
    %mul3A_3767 = arith.mulf %add3A_3753, %select_n3A_3766 : vector<16xf32>
    %mul3A_3768 = arith.mulf %mul3A_3767, %select_n3A_3766 : vector<16xf32>
    %sub3A_3769 = arith.subf %get3A_3700, %select_n3A_3766 : vector<16xf32>
    %abs3A_3770 = math.absf %sub3A_3769 : vector<16xf32>
    %mul3A_3771 = arith.mulf %get3A_3700, %get3A_3703 : vector<16xf32>
    %sub3A_3772 = arith.subf %add3A_3753, %mul3A_3771 : vector<16xf32>
    %mul3A_3773 = arith.mulf %sub3A_3772, %abs3A_3770 : vector<16xf32>
    %mul3A_3774 = arith.mulf %mul3A_3773, %abs3A_3770 : vector<16xf32>
    %sub3A_3775 = arith.subf %mul3A_3774, %mul3A_3768 : vector<16xf32>
    %jit3A_3776 = arith.constant 0.000000e+00 : f32
    %broadcast_in_dim3A_3777 = vector.broadcast %jit3A_3776 : f32 to vector<16xf32>
    %select_n3A_3778 = arith.select %and3A_3717, %sub3A_3775, %broadcast_in_dim3A_3777 : vector<16xi1>, vector<16xf32>
    %add3A_3779 = arith.addf %add3A_3694, %select_n3A_3778 : vector<16xf32>
    %get3A_3780 = arith.constant 544 : index
    %get3A_3781 = tpu.vector_load %arg6[%get3A_3780] {strides = array<i32>} : memref<640xi32, #tpu.memory_space<vmem>>, vector<16xi32>,
    %get3A_3782 = vector.shape_cast %get3A_3781 : vector<16xi32> to vector<16xi32>
    %get3A_3783 = arith.constant 544 : index
    %get3A_3784 = tpu.vector_load %arg7[%get3A_3783] {strides = array<i32>} : memref<640xf32, #tpu.memory_space<vmem>>, vector<16xf32>,
    %get3A_3785 = vector.shape_cast %get3A_3784 : vector<16xf32> to vector<16xf32>
    %get3A_3786 = arith.constant 544 : index
    %get3A_3787 = tpu.vector_load %arg9[%get3A_3786] {strides = array<i32>} : memref<640xf32, #tpu.memory_space<vmem>>, vector<16xf32>,
    %get3A_3788 = vector.shape_cast %get3A_3787 : vector<16xf32> to vector<16xf32>
    %add3A_3789 = arith.constant 544 : i32
    %add3A_3790 = arith.addi %min3A_3, %add3A_3789 : i32
    %add3A_3791 = vector.broadcast %add3A_3790 : i32 to vector<16xi32>
    %add3A_3792 = arith.addi %add3A_3791, %iota3A : vector<16xi32>
    %ge3A_3793 = vector.broadcast %mul3A_2 : i32 to vector<16xi32>
    %ge3A_3794 = arith.cmpi sge, %add3A_3792, %ge3A_3793 : vector<16xi32>
    %ge3A_3795 = arith.constant 0 : i32
    %ge3A_3796 = vector.broadcast %ge3A_3795 : i32 to vector<16xi32>
    %ge3A_3797 = arith.cmpi sge, %get3A_3782, %ge3A_3796 : vector<16xi32>
    %lt3A_3798 = arith.constant 80 : i32
    %lt3A_3799 = vector.broadcast %lt3A_3798 : i32 to vector<16xi32>
    %lt3A_3800 = arith.cmpi slt, %get3A_3782, %lt3A_3799 : vector<16xi32>
    %and3A_3801 = arith.andi %ge3A_3797, %lt3A_3800 : vector<16xi1>
    %and3A_3802 = arith.andi %and3A_3801, %ge3A_3794 : vector<16xi1>
    %abs3A_3803 = math.absf %get3A_3788 : vector<16xf32>
    %neg3A_3804 = arith.constant 0.000000e+00 : f32
    %neg3A_3805 = vector.broadcast %neg3A_3804 : f32 to vector<16xf32>
    %neg3A_3806 = arith.subf %neg3A_3805, %abs3A_3803 : vector<16xf32>
    %exp3A_3807 = math.exp %neg3A_3806 : vector<16xf32>
    %add3A_3808 = arith.constant 2.000000e+00 : f32
    %add3A_3809 = vector.broadcast %add3A_3808 : f32 to vector<16xf32>
    %add3A_3810 = arith.addf %exp3A_3807, %add3A_3809 : vector<16xf32>
    %div3A_3811 = arith.divf %exp3A_3807, %add3A_3810 : vector<16xf32>
    %mul3A_3812 = arith.mulf %div3A_3811, %div3A_3811 : vector<16xf32>
    %mul3A_3813 = arith.constant 2.000000e+00 : f32
    %mul3A_3814 = vector.broadcast %mul3A_3813 : f32 to vector<16xf32>
    %mul3A_3815 = arith.mulf %mul3A_3814, %div3A_3811 : vector<16xf32>
    %div3A_3816 = arith.constant 9.000000e+00 : f32
    %div3A_3817 = vector.broadcast %div3A_3816 : f32 to vector<16xf32>
    %div3A_3818 = arith.divf %mul3A_3812, %div3A_3817 : vector<16xf32>
    %add3A_3819 = arith.constant 0.142857149 : f32
    %add3A_3820 = vector.broadcast %add3A_3819 : f32 to vector<16xf32>
    %add3A_3821 = arith.addf %add3A_3820, %div3A_3818 : vector<16xf32>
    %mul3A_3822 = arith.mulf %mul3A_3812, %add3A_3821 : vector<16xf32>
    %add3A_3823 = arith.constant 2.000000e-01 : f32
    %add3A_3824 = vector.broadcast %add3A_3823 : f32 to vector<16xf32>
    %add3A_3825 = arith.addf %add3A_3824, %mul3A_3822 : vector<16xf32>
    %mul3A_3826 = arith.mulf %mul3A_3812, %add3A_3825 : vector<16xf32>
    %add3A_3827 = arith.constant 0.333333343 : f32
    %add3A_3828 = vector.broadcast %add3A_3827 : f32 to vector<16xf32>
    %add3A_3829 = arith.addf %add3A_3828, %mul3A_3826 : vector<16xf32>
    %mul3A_3830 = arith.mulf %mul3A_3812, %add3A_3829 : vector<16xf32>
    %add3A_3831 = arith.constant 1.000000e+00 : f32
    %add3A_3832 = vector.broadcast %add3A_3831 : f32 to vector<16xf32>
    %add3A_3833 = arith.addf %add3A_3832, %mul3A_3830 : vector<16xf32>
    %mul3A_3834 = arith.mulf %mul3A_3815, %add3A_3833 : vector<16xf32>
    %max3A_3835 = arith.constant 0.000000e+00 : f32
    %max3A_3836 = vector.broadcast %max3A_3835 : f32 to vector<16xf32>
    %max3A_3837 = arith.maximumf %get3A_3788, %max3A_3836 : vector<16xf32>
    %add3A_3838 = arith.addf %max3A_3837, %mul3A_3834 : vector<16xf32>
    %add3A_3839 = arith.constant 1.000000e+00 : f32
    %add3A_3840 = vector.broadcast %add3A_3839 : f32 to vector<16xf32>
    %add3A_3841 = arith.addf %add3A_3840, %exp3A_3807 : vector<16xf32>
    %div3A_3842 = arith.constant 1.000000e+00 : f32
    %div3A_3843 = vector.broadcast %div3A_3842 : f32 to vector<16xf32>
    %div3A_3844 = arith.divf %div3A_3843, %add3A_3841 : vector<16xf32>
    %ge3A_3845 = arith.constant 0.000000e+00 : f32
    %ge3A_3846 = vector.broadcast %ge3A_3845 : f32 to vector<16xf32>
    %ge3A_3847 = arith.cmpf oge, %get3A_3788, %ge3A_3846 : vector<16xf32>
    %sub3A_3848 = arith.constant 1.000000e+00 : f32
    %sub3A_3849 = vector.broadcast %sub3A_3848 : f32 to vector<16xf32>
    %sub3A_3850 = arith.subf %sub3A_3849, %div3A_3844 : vector<16xf32>
    %select_n3A_3851 = arith.select %ge3A_3847, %div3A_3844, %sub3A_3850 : vector<16xi1>, vector<16xf32>
    %mul3A_3852 = arith.mulf %add3A_3838, %select_n3A_3851 : vector<16xf32>
    %mul3A_3853 = arith.mulf %mul3A_3852, %select_n3A_3851 : vector<16xf32>
    %sub3A_3854 = arith.subf %get3A_3785, %select_n3A_3851 : vector<16xf32>
    %abs3A_3855 = math.absf %sub3A_3854 : vector<16xf32>
    %mul3A_3856 = arith.mulf %get3A_3785, %get3A_3788 : vector<16xf32>
    %sub3A_3857 = arith.subf %add3A_3838, %mul3A_3856 : vector<16xf32>
    %mul3A_3858 = arith.mulf %sub3A_3857, %abs3A_3855 : vector<16xf32>
    %mul3A_3859 = arith.mulf %mul3A_3858, %abs3A_3855 : vector<16xf32>
    %sub3A_3860 = arith.subf %mul3A_3859, %mul3A_3853 : vector<16xf32>
    %jit3A_3861 = arith.constant 0.000000e+00 : f32
    %broadcast_in_dim3A_3862 = vector.broadcast %jit3A_3861 : f32 to vector<16xf32>
    %select_n3A_3863 = arith.select %and3A_3802, %sub3A_3860, %broadcast_in_dim3A_3862 : vector<16xi1>, vector<16xf32>
    %add3A_3864 = arith.addf %add3A_3779, %select_n3A_3863 : vector<16xf32>
    %get3A_3865 = arith.constant 560 : index
    %get3A_3866 = tpu.vector_load %arg6[%get3A_3865] {strides = array<i32>} : memref<640xi32, #tpu.memory_space<vmem>>, vector<16xi32>,
    %get3A_3867 = vector.shape_cast %get3A_3866 : vector<16xi32> to vector<16xi32>
    %get3A_3868 = arith.constant 560 : index
    %get3A_3869 = tpu.vector_load %arg7[%get3A_3868] {strides = array<i32>} : memref<640xf32, #tpu.memory_space<vmem>>, vector<16xf32>,
    %get3A_3870 = vector.shape_cast %get3A_3869 : vector<16xf32> to vector<16xf32>
    %get3A_3871 = arith.constant 560 : index
    %get3A_3872 = tpu.vector_load %arg9[%get3A_3871] {strides = array<i32>} : memref<640xf32, #tpu.memory_space<vmem>>, vector<16xf32>,
    %get3A_3873 = vector.shape_cast %get3A_3872 : vector<16xf32> to vector<16xf32>
    %add3A_3874 = arith.constant 560 : i32
    %add3A_3875 = arith.addi %min3A_3, %add3A_3874 : i32
    %add3A_3876 = vector.broadcast %add3A_3875 : i32 to vector<16xi32>
    %add3A_3877 = arith.addi %add3A_3876, %iota3A : vector<16xi32>
    %ge3A_3878 = vector.broadcast %mul3A_2 : i32 to vector<16xi32>
    %ge3A_3879 = arith.cmpi sge, %add3A_3877, %ge3A_3878 : vector<16xi32>
    %ge3A_3880 = arith.constant 0 : i32
    %ge3A_3881 = vector.broadcast %ge3A_3880 : i32 to vector<16xi32>
    %ge3A_3882 = arith.cmpi sge, %get3A_3867, %ge3A_3881 : vector<16xi32>
    %lt3A_3883 = arith.constant 80 : i32
    %lt3A_3884 = vector.broadcast %lt3A_3883 : i32 to vector<16xi32>
    %lt3A_3885 = arith.cmpi slt, %get3A_3867, %lt3A_3884 : vector<16xi32>
    %and3A_3886 = arith.andi %ge3A_3882, %lt3A_3885 : vector<16xi1>
    %and3A_3887 = arith.andi %and3A_3886, %ge3A_3879 : vector<16xi1>
    %abs3A_3888 = math.absf %get3A_3873 : vector<16xf32>
    %neg3A_3889 = arith.constant 0.000000e+00 : f32
    %neg3A_3890 = vector.broadcast %neg3A_3889 : f32 to vector<16xf32>
    %neg3A_3891 = arith.subf %neg3A_3890, %abs3A_3888 : vector<16xf32>
    %exp3A_3892 = math.exp %neg3A_3891 : vector<16xf32>
    %add3A_3893 = arith.constant 2.000000e+00 : f32
    %add3A_3894 = vector.broadcast %add3A_3893 : f32 to vector<16xf32>
    %add3A_3895 = arith.addf %exp3A_3892, %add3A_3894 : vector<16xf32>
    %div3A_3896 = arith.divf %exp3A_3892, %add3A_3895 : vector<16xf32>
    %mul3A_3897 = arith.mulf %div3A_3896, %div3A_3896 : vector<16xf32>
    %mul3A_3898 = arith.constant 2.000000e+00 : f32
    %mul3A_3899 = vector.broadcast %mul3A_3898 : f32 to vector<16xf32>
    %mul3A_3900 = arith.mulf %mul3A_3899, %div3A_3896 : vector<16xf32>
    %div3A_3901 = arith.constant 9.000000e+00 : f32
    %div3A_3902 = vector.broadcast %div3A_3901 : f32 to vector<16xf32>
    %div3A_3903 = arith.divf %mul3A_3897, %div3A_3902 : vector<16xf32>
    %add3A_3904 = arith.constant 0.142857149 : f32
    %add3A_3905 = vector.broadcast %add3A_3904 : f32 to vector<16xf32>
    %add3A_3906 = arith.addf %add3A_3905, %div3A_3903 : vector<16xf32>
    %mul3A_3907 = arith.mulf %mul3A_3897, %add3A_3906 : vector<16xf32>
    %add3A_3908 = arith.constant 2.000000e-01 : f32
    %add3A_3909 = vector.broadcast %add3A_3908 : f32 to vector<16xf32>
    %add3A_3910 = arith.addf %add3A_3909, %mul3A_3907 : vector<16xf32>
    %mul3A_3911 = arith.mulf %mul3A_3897, %add3A_3910 : vector<16xf32>
    %add3A_3912 = arith.constant 0.333333343 : f32
    %add3A_3913 = vector.broadcast %add3A_3912 : f32 to vector<16xf32>
    %add3A_3914 = arith.addf %add3A_3913, %mul3A_3911 : vector<16xf32>
    %mul3A_3915 = arith.mulf %mul3A_3897, %add3A_3914 : vector<16xf32>
    %add3A_3916 = arith.constant 1.000000e+00 : f32
    %add3A_3917 = vector.broadcast %add3A_3916 : f32 to vector<16xf32>
    %add3A_3918 = arith.addf %add3A_3917, %mul3A_3915 : vector<16xf32>
    %mul3A_3919 = arith.mulf %mul3A_3900, %add3A_3918 : vector<16xf32>
    %max3A_3920 = arith.constant 0.000000e+00 : f32
    %max3A_3921 = vector.broadcast %max3A_3920 : f32 to vector<16xf32>
    %max3A_3922 = arith.maximumf %get3A_3873, %max3A_3921 : vector<16xf32>
    %add3A_3923 = arith.addf %max3A_3922, %mul3A_3919 : vector<16xf32>
    %add3A_3924 = arith.constant 1.000000e+00 : f32
    %add3A_3925 = vector.broadcast %add3A_3924 : f32 to vector<16xf32>
    %add3A_3926 = arith.addf %add3A_3925, %exp3A_3892 : vector<16xf32>
    %div3A_3927 = arith.constant 1.000000e+00 : f32
    %div3A_3928 = vector.broadcast %div3A_3927 : f32 to vector<16xf32>
    %div3A_3929 = arith.divf %div3A_3928, %add3A_3926 : vector<16xf32>
    %ge3A_3930 = arith.constant 0.000000e+00 : f32
    %ge3A_3931 = vector.broadcast %ge3A_3930 : f32 to vector<16xf32>
    %ge3A_3932 = arith.cmpf oge, %get3A_3873, %ge3A_3931 : vector<16xf32>
    %sub3A_3933 = arith.constant 1.000000e+00 : f32
    %sub3A_3934 = vector.broadcast %sub3A_3933 : f32 to vector<16xf32>
    %sub3A_3935 = arith.subf %sub3A_3934, %div3A_3929 : vector<16xf32>
    %select_n3A_3936 = arith.select %ge3A_3932, %div3A_3929, %sub3A_3935 : vector<16xi1>, vector<16xf32>
    %mul3A_3937 = arith.mulf %add3A_3923, %select_n3A_3936 : vector<16xf32>
    %mul3A_3938 = arith.mulf %mul3A_3937, %select_n3A_3936 : vector<16xf32>
    %sub3A_3939 = arith.subf %get3A_3870, %select_n3A_3936 : vector<16xf32>
    %abs3A_3940 = math.absf %sub3A_3939 : vector<16xf32>
    %mul3A_3941 = arith.mulf %get3A_3870, %get3A_3873 : vector<16xf32>
    %sub3A_3942 = arith.subf %add3A_3923, %mul3A_3941 : vector<16xf32>
    %mul3A_3943 = arith.mulf %sub3A_3942, %abs3A_3940 : vector<16xf32>
    %mul3A_3944 = arith.mulf %mul3A_3943, %abs3A_3940 : vector<16xf32>
    %sub3A_3945 = arith.subf %mul3A_3944, %mul3A_3938 : vector<16xf32>
    %jit3A_3946 = arith.constant 0.000000e+00 : f32
    %broadcast_in_dim3A_3947 = vector.broadcast %jit3A_3946 : f32 to vector<16xf32>
    %select_n3A_3948 = arith.select %and3A_3887, %sub3A_3945, %broadcast_in_dim3A_3947 : vector<16xi1>, vector<16xf32>
    %add3A_3949 = arith.addf %add3A_3864, %select_n3A_3948 : vector<16xf32>
    %get3A_3950 = arith.constant 576 : index
    %get3A_3951 = tpu.vector_load %arg6[%get3A_3950] {strides = array<i32>} : memref<640xi32, #tpu.memory_space<vmem>>, vector<16xi32>,
    %get3A_3952 = vector.shape_cast %get3A_3951 : vector<16xi32> to vector<16xi32>
    %get3A_3953 = arith.constant 576 : index
    %get3A_3954 = tpu.vector_load %arg7[%get3A_3953] {strides = array<i32>} : memref<640xf32, #tpu.memory_space<vmem>>, vector<16xf32>,
    %get3A_3955 = vector.shape_cast %get3A_3954 : vector<16xf32> to vector<16xf32>
    %get3A_3956 = arith.constant 576 : index
    %get3A_3957 = tpu.vector_load %arg9[%get3A_3956] {strides = array<i32>} : memref<640xf32, #tpu.memory_space<vmem>>, vector<16xf32>,
    %get3A_3958 = vector.shape_cast %get3A_3957 : vector<16xf32> to vector<16xf32>
    %add3A_3959 = arith.constant 576 : i32
    %add3A_3960 = arith.addi %min3A_3, %add3A_3959 : i32
    %add3A_3961 = vector.broadcast %add3A_3960 : i32 to vector<16xi32>
    %add3A_3962 = arith.addi %add3A_3961, %iota3A : vector<16xi32>
    %ge3A_3963 = vector.broadcast %mul3A_2 : i32 to vector<16xi32>
    %ge3A_3964 = arith.cmpi sge, %add3A_3962, %ge3A_3963 : vector<16xi32>
    %ge3A_3965 = arith.constant 0 : i32
    %ge3A_3966 = vector.broadcast %ge3A_3965 : i32 to vector<16xi32>
    %ge3A_3967 = arith.cmpi sge, %get3A_3952, %ge3A_3966 : vector<16xi32>
    %lt3A_3968 = arith.constant 80 : i32
    %lt3A_3969 = vector.broadcast %lt3A_3968 : i32 to vector<16xi32>
    %lt3A_3970 = arith.cmpi slt, %get3A_3952, %lt3A_3969 : vector<16xi32>
    %and3A_3971 = arith.andi %ge3A_3967, %lt3A_3970 : vector<16xi1>
    %and3A_3972 = arith.andi %and3A_3971, %ge3A_3964 : vector<16xi1>
    %abs3A_3973 = math.absf %get3A_3958 : vector<16xf32>
    %neg3A_3974 = arith.constant 0.000000e+00 : f32
    %neg3A_3975 = vector.broadcast %neg3A_3974 : f32 to vector<16xf32>
    %neg3A_3976 = arith.subf %neg3A_3975, %abs3A_3973 : vector<16xf32>
    %exp3A_3977 = math.exp %neg3A_3976 : vector<16xf32>
    %add3A_3978 = arith.constant 2.000000e+00 : f32
    %add3A_3979 = vector.broadcast %add3A_3978 : f32 to vector<16xf32>
    %add3A_3980 = arith.addf %exp3A_3977, %add3A_3979 : vector<16xf32>
    %div3A_3981 = arith.divf %exp3A_3977, %add3A_3980 : vector<16xf32>
    %mul3A_3982 = arith.mulf %div3A_3981, %div3A_3981 : vector<16xf32>
    %mul3A_3983 = arith.constant 2.000000e+00 : f32
    %mul3A_3984 = vector.broadcast %mul3A_3983 : f32 to vector<16xf32>
    %mul3A_3985 = arith.mulf %mul3A_3984, %div3A_3981 : vector<16xf32>
    %div3A_3986 = arith.constant 9.000000e+00 : f32
    %div3A_3987 = vector.broadcast %div3A_3986 : f32 to vector<16xf32>
    %div3A_3988 = arith.divf %mul3A_3982, %div3A_3987 : vector<16xf32>
    %add3A_3989 = arith.constant 0.142857149 : f32
    %add3A_3990 = vector.broadcast %add3A_3989 : f32 to vector<16xf32>
    %add3A_3991 = arith.addf %add3A_3990, %div3A_3988 : vector<16xf32>
    %mul3A_3992 = arith.mulf %mul3A_3982, %add3A_3991 : vector<16xf32>
    %add3A_3993 = arith.constant 2.000000e-01 : f32
    %add3A_3994 = vector.broadcast %add3A_3993 : f32 to vector<16xf32>
    %add3A_3995 = arith.addf %add3A_3994, %mul3A_3992 : vector<16xf32>
    %mul3A_3996 = arith.mulf %mul3A_3982, %add3A_3995 : vector<16xf32>
    %add3A_3997 = arith.constant 0.333333343 : f32
    %add3A_3998 = vector.broadcast %add3A_3997 : f32 to vector<16xf32>
    %add3A_3999 = arith.addf %add3A_3998, %mul3A_3996 : vector<16xf32>
    %mul3A_4000 = arith.mulf %mul3A_3982, %add3A_3999 : vector<16xf32>
    %add3A_4001 = arith.constant 1.000000e+00 : f32
    %add3A_4002 = vector.broadcast %add3A_4001 : f32 to vector<16xf32>
    %add3A_4003 = arith.addf %add3A_4002, %mul3A_4000 : vector<16xf32>
    %mul3A_4004 = arith.mulf %mul3A_3985, %add3A_4003 : vector<16xf32>
    %max3A_4005 = arith.constant 0.000000e+00 : f32
    %max3A_4006 = vector.broadcast %max3A_4005 : f32 to vector<16xf32>
    %max3A_4007 = arith.maximumf %get3A_3958, %max3A_4006 : vector<16xf32>
    %add3A_4008 = arith.addf %max3A_4007, %mul3A_4004 : vector<16xf32>
    %add3A_4009 = arith.constant 1.000000e+00 : f32
    %add3A_4010 = vector.broadcast %add3A_4009 : f32 to vector<16xf32>
    %add3A_4011 = arith.addf %add3A_4010, %exp3A_3977 : vector<16xf32>
    %div3A_4012 = arith.constant 1.000000e+00 : f32
    %div3A_4013 = vector.broadcast %div3A_4012 : f32 to vector<16xf32>
    %div3A_4014 = arith.divf %div3A_4013, %add3A_4011 : vector<16xf32>
    %ge3A_4015 = arith.constant 0.000000e+00 : f32
    %ge3A_4016 = vector.broadcast %ge3A_4015 : f32 to vector<16xf32>
    %ge3A_4017 = arith.cmpf oge, %get3A_3958, %ge3A_4016 : vector<16xf32>
    %sub3A_4018 = arith.constant 1.000000e+00 : f32
    %sub3A_4019 = vector.broadcast %sub3A_4018 : f32 to vector<16xf32>
    %sub3A_4020 = arith.subf %sub3A_4019, %div3A_4014 : vector<16xf32>
    %select_n3A_4021 = arith.select %ge3A_4017, %div3A_4014, %sub3A_4020 : vector<16xi1>, vector<16xf32>
    %mul3A_4022 = arith.mulf %add3A_4008, %select_n3A_4021 : vector<16xf32>
    %mul3A_4023 = arith.mulf %mul3A_4022, %select_n3A_4021 : vector<16xf32>
    %sub3A_4024 = arith.subf %get3A_3955, %select_n3A_4021 : vector<16xf32>
    %abs3A_4025 = math.absf %sub3A_4024 : vector<16xf32>
    %mul3A_4026 = arith.mulf %get3A_3955, %get3A_3958 : vector<16xf32>
    %sub3A_4027 = arith.subf %add3A_4008, %mul3A_4026 : vector<16xf32>
    %mul3A_4028 = arith.mulf %sub3A_4027, %abs3A_4025 : vector<16xf32>
    %mul3A_4029 = arith.mulf %mul3A_4028, %abs3A_4025 : vector<16xf32>
    %sub3A_4030 = arith.subf %mul3A_4029, %mul3A_4023 : vector<16xf32>
    %jit3A_4031 = arith.constant 0.000000e+00 : f32
    %broadcast_in_dim3A_4032 = vector.broadcast %jit3A_4031 : f32 to vector<16xf32>
    %select_n3A_4033 = arith.select %and3A_3972, %sub3A_4030, %broadcast_in_dim3A_4032 : vector<16xi1>, vector<16xf32>
    %add3A_4034 = arith.addf %add3A_3949, %select_n3A_4033 : vector<16xf32>
    %get3A_4035 = arith.constant 592 : index
    %get3A_4036 = tpu.vector_load %arg6[%get3A_4035] {strides = array<i32>} : memref<640xi32, #tpu.memory_space<vmem>>, vector<16xi32>,
    %get3A_4037 = vector.shape_cast %get3A_4036 : vector<16xi32> to vector<16xi32>
    %get3A_4038 = arith.constant 592 : index
    %get3A_4039 = tpu.vector_load %arg7[%get3A_4038] {strides = array<i32>} : memref<640xf32, #tpu.memory_space<vmem>>, vector<16xf32>,
    %get3A_4040 = vector.shape_cast %get3A_4039 : vector<16xf32> to vector<16xf32>
    %get3A_4041 = arith.constant 592 : index
    %get3A_4042 = tpu.vector_load %arg9[%get3A_4041] {strides = array<i32>} : memref<640xf32, #tpu.memory_space<vmem>>, vector<16xf32>,
    %get3A_4043 = vector.shape_cast %get3A_4042 : vector<16xf32> to vector<16xf32>
    %add3A_4044 = arith.constant 592 : i32
    %add3A_4045 = arith.addi %min3A_3, %add3A_4044 : i32
    %add3A_4046 = vector.broadcast %add3A_4045 : i32 to vector<16xi32>
    %add3A_4047 = arith.addi %add3A_4046, %iota3A : vector<16xi32>
    %ge3A_4048 = vector.broadcast %mul3A_2 : i32 to vector<16xi32>
    %ge3A_4049 = arith.cmpi sge, %add3A_4047, %ge3A_4048 : vector<16xi32>
    %ge3A_4050 = arith.constant 0 : i32
    %ge3A_4051 = vector.broadcast %ge3A_4050 : i32 to vector<16xi32>
    %ge3A_4052 = arith.cmpi sge, %get3A_4037, %ge3A_4051 : vector<16xi32>
    %lt3A_4053 = arith.constant 80 : i32
    %lt3A_4054 = vector.broadcast %lt3A_4053 : i32 to vector<16xi32>
    %lt3A_4055 = arith.cmpi slt, %get3A_4037, %lt3A_4054 : vector<16xi32>
    %and3A_4056 = arith.andi %ge3A_4052, %lt3A_4055 : vector<16xi1>
    %and3A_4057 = arith.andi %and3A_4056, %ge3A_4049 : vector<16xi1>
    %abs3A_4058 = math.absf %get3A_4043 : vector<16xf32>
    %neg3A_4059 = arith.constant 0.000000e+00 : f32
    %neg3A_4060 = vector.broadcast %neg3A_4059 : f32 to vector<16xf32>
    %neg3A_4061 = arith.subf %neg3A_4060, %abs3A_4058 : vector<16xf32>
    %exp3A_4062 = math.exp %neg3A_4061 : vector<16xf32>
    %add3A_4063 = arith.constant 2.000000e+00 : f32
    %add3A_4064 = vector.broadcast %add3A_4063 : f32 to vector<16xf32>
    %add3A_4065 = arith.addf %exp3A_4062, %add3A_4064 : vector<16xf32>
    %div3A_4066 = arith.divf %exp3A_4062, %add3A_4065 : vector<16xf32>
    %mul3A_4067 = arith.mulf %div3A_4066, %div3A_4066 : vector<16xf32>
    %mul3A_4068 = arith.constant 2.000000e+00 : f32
    %mul3A_4069 = vector.broadcast %mul3A_4068 : f32 to vector<16xf32>
    %mul3A_4070 = arith.mulf %mul3A_4069, %div3A_4066 : vector<16xf32>
    %div3A_4071 = arith.constant 9.000000e+00 : f32
    %div3A_4072 = vector.broadcast %div3A_4071 : f32 to vector<16xf32>
    %div3A_4073 = arith.divf %mul3A_4067, %div3A_4072 : vector<16xf32>
    %add3A_4074 = arith.constant 0.142857149 : f32
    %add3A_4075 = vector.broadcast %add3A_4074 : f32 to vector<16xf32>
    %add3A_4076 = arith.addf %add3A_4075, %div3A_4073 : vector<16xf32>
    %mul3A_4077 = arith.mulf %mul3A_4067, %add3A_4076 : vector<16xf32>
    %add3A_4078 = arith.constant 2.000000e-01 : f32
    %add3A_4079 = vector.broadcast %add3A_4078 : f32 to vector<16xf32>
    %add3A_4080 = arith.addf %add3A_4079, %mul3A_4077 : vector<16xf32>
    %mul3A_4081 = arith.mulf %mul3A_4067, %add3A_4080 : vector<16xf32>
    %add3A_4082 = arith.constant 0.333333343 : f32
    %add3A_4083 = vector.broadcast %add3A_4082 : f32 to vector<16xf32>
    %add3A_4084 = arith.addf %add3A_4083, %mul3A_4081 : vector<16xf32>
    %mul3A_4085 = arith.mulf %mul3A_4067, %add3A_4084 : vector<16xf32>
    %add3A_4086 = arith.constant 1.000000e+00 : f32
    %add3A_4087 = vector.broadcast %add3A_4086 : f32 to vector<16xf32>
    %add3A_4088 = arith.addf %add3A_4087, %mul3A_4085 : vector<16xf32>
    %mul3A_4089 = arith.mulf %mul3A_4070, %add3A_4088 : vector<16xf32>
    %max3A_4090 = arith.constant 0.000000e+00 : f32
    %max3A_4091 = vector.broadcast %max3A_4090 : f32 to vector<16xf32>
    %max3A_4092 = arith.maximumf %get3A_4043, %max3A_4091 : vector<16xf32>
    %add3A_4093 = arith.addf %max3A_4092, %mul3A_4089 : vector<16xf32>
    %add3A_4094 = arith.constant 1.000000e+00 : f32
    %add3A_4095 = vector.broadcast %add3A_4094 : f32 to vector<16xf32>
    %add3A_4096 = arith.addf %add3A_4095, %exp3A_4062 : vector<16xf32>
    %div3A_4097 = arith.constant 1.000000e+00 : f32
    %div3A_4098 = vector.broadcast %div3A_4097 : f32 to vector<16xf32>
    %div3A_4099 = arith.divf %div3A_4098, %add3A_4096 : vector<16xf32>
    %ge3A_4100 = arith.constant 0.000000e+00 : f32
    %ge3A_4101 = vector.broadcast %ge3A_4100 : f32 to vector<16xf32>
    %ge3A_4102 = arith.cmpf oge, %get3A_4043, %ge3A_4101 : vector<16xf32>
    %sub3A_4103 = arith.constant 1.000000e+00 : f32
    %sub3A_4104 = vector.broadcast %sub3A_4103 : f32 to vector<16xf32>
    %sub3A_4105 = arith.subf %sub3A_4104, %div3A_4099 : vector<16xf32>
    %select_n3A_4106 = arith.select %ge3A_4102, %div3A_4099, %sub3A_4105 : vector<16xi1>, vector<16xf32>
    %mul3A_4107 = arith.mulf %add3A_4093, %select_n3A_4106 : vector<16xf32>
    %mul3A_4108 = arith.mulf %mul3A_4107, %select_n3A_4106 : vector<16xf32>
    %sub3A_4109 = arith.subf %get3A_4040, %select_n3A_4106 : vector<16xf32>
    %abs3A_4110 = math.absf %sub3A_4109 : vector<16xf32>
    %mul3A_4111 = arith.mulf %get3A_4040, %get3A_4043 : vector<16xf32>
    %sub3A_4112 = arith.subf %add3A_4093, %mul3A_4111 : vector<16xf32>
    %mul3A_4113 = arith.mulf %sub3A_4112, %abs3A_4110 : vector<16xf32>
    %mul3A_4114 = arith.mulf %mul3A_4113, %abs3A_4110 : vector<16xf32>
    %sub3A_4115 = arith.subf %mul3A_4114, %mul3A_4108 : vector<16xf32>
    %jit3A_4116 = arith.constant 0.000000e+00 : f32
    %broadcast_in_dim3A_4117 = vector.broadcast %jit3A_4116 : f32 to vector<16xf32>
    %select_n3A_4118 = arith.select %and3A_4057, %sub3A_4115, %broadcast_in_dim3A_4117 : vector<16xi1>, vector<16xf32>
    %add3A_4119 = arith.addf %add3A_4034, %select_n3A_4118 : vector<16xf32>
    %get3A_4120 = arith.constant 608 : index
    %get3A_4121 = tpu.vector_load %arg6[%get3A_4120] {strides = array<i32>} : memref<640xi32, #tpu.memory_space<vmem>>, vector<16xi32>,
    %get3A_4122 = vector.shape_cast %get3A_4121 : vector<16xi32> to vector<16xi32>
    %get3A_4123 = arith.constant 608 : index
    %get3A_4124 = tpu.vector_load %arg7[%get3A_4123] {strides = array<i32>} : memref<640xf32, #tpu.memory_space<vmem>>, vector<16xf32>,
    %get3A_4125 = vector.shape_cast %get3A_4124 : vector<16xf32> to vector<16xf32>
    %get3A_4126 = arith.constant 608 : index
    %get3A_4127 = tpu.vector_load %arg9[%get3A_4126] {strides = array<i32>} : memref<640xf32, #tpu.memory_space<vmem>>, vector<16xf32>,
    %get3A_4128 = vector.shape_cast %get3A_4127 : vector<16xf32> to vector<16xf32>
    %add3A_4129 = arith.constant 608 : i32
    %add3A_4130 = arith.addi %min3A_3, %add3A_4129 : i32
    %add3A_4131 = vector.broadcast %add3A_4130 : i32 to vector<16xi32>
    %add3A_4132 = arith.addi %add3A_4131, %iota3A : vector<16xi32>
    %ge3A_4133 = vector.broadcast %mul3A_2 : i32 to vector<16xi32>
    %ge3A_4134 = arith.cmpi sge, %add3A_4132, %ge3A_4133 : vector<16xi32>
    %ge3A_4135 = arith.constant 0 : i32
    %ge3A_4136 = vector.broadcast %ge3A_4135 : i32 to vector<16xi32>
    %ge3A_4137 = arith.cmpi sge, %get3A_4122, %ge3A_4136 : vector<16xi32>
    %lt3A_4138 = arith.constant 80 : i32
    %lt3A_4139 = vector.broadcast %lt3A_4138 : i32 to vector<16xi32>
    %lt3A_4140 = arith.cmpi slt, %get3A_4122, %lt3A_4139 : vector<16xi32>
    %and3A_4141 = arith.andi %ge3A_4137, %lt3A_4140 : vector<16xi1>
    %and3A_4142 = arith.andi %and3A_4141, %ge3A_4134 : vector<16xi1>
    %abs3A_4143 = math.absf %get3A_4128 : vector<16xf32>
    %neg3A_4144 = arith.constant 0.000000e+00 : f32
    %neg3A_4145 = vector.broadcast %neg3A_4144 : f32 to vector<16xf32>
    %neg3A_4146 = arith.subf %neg3A_4145, %abs3A_4143 : vector<16xf32>
    %exp3A_4147 = math.exp %neg3A_4146 : vector<16xf32>
    %add3A_4148 = arith.constant 2.000000e+00 : f32
    %add3A_4149 = vector.broadcast %add3A_4148 : f32 to vector<16xf32>
    %add3A_4150 = arith.addf %exp3A_4147, %add3A_4149 : vector<16xf32>
    %div3A_4151 = arith.divf %exp3A_4147, %add3A_4150 : vector<16xf32>
    %mul3A_4152 = arith.mulf %div3A_4151, %div3A_4151 : vector<16xf32>
    %mul3A_4153 = arith.constant 2.000000e+00 : f32
    %mul3A_4154 = vector.broadcast %mul3A_4153 : f32 to vector<16xf32>
    %mul3A_4155 = arith.mulf %mul3A_4154, %div3A_4151 : vector<16xf32>
    %div3A_4156 = arith.constant 9.000000e+00 : f32
    %div3A_4157 = vector.broadcast %div3A_4156 : f32 to vector<16xf32>
    %div3A_4158 = arith.divf %mul3A_4152, %div3A_4157 : vector<16xf32>
    %add3A_4159 = arith.constant 0.142857149 : f32
    %add3A_4160 = vector.broadcast %add3A_4159 : f32 to vector<16xf32>
    %add3A_4161 = arith.addf %add3A_4160, %div3A_4158 : vector<16xf32>
    %mul3A_4162 = arith.mulf %mul3A_4152, %add3A_4161 : vector<16xf32>
    %add3A_4163 = arith.constant 2.000000e-01 : f32
    %add3A_4164 = vector.broadcast %add3A_4163 : f32 to vector<16xf32>
    %add3A_4165 = arith.addf %add3A_4164, %mul3A_4162 : vector<16xf32>
    %mul3A_4166 = arith.mulf %mul3A_4152, %add3A_4165 : vector<16xf32>
    %add3A_4167 = arith.constant 0.333333343 : f32
    %add3A_4168 = vector.broadcast %add3A_4167 : f32 to vector<16xf32>
    %add3A_4169 = arith.addf %add3A_4168, %mul3A_4166 : vector<16xf32>
    %mul3A_4170 = arith.mulf %mul3A_4152, %add3A_4169 : vector<16xf32>
    %add3A_4171 = arith.constant 1.000000e+00 : f32
    %add3A_4172 = vector.broadcast %add3A_4171 : f32 to vector<16xf32>
    %add3A_4173 = arith.addf %add3A_4172, %mul3A_4170 : vector<16xf32>
    %mul3A_4174 = arith.mulf %mul3A_4155, %add3A_4173 : vector<16xf32>
    %max3A_4175 = arith.constant 0.000000e+00 : f32
    %max3A_4176 = vector.broadcast %max3A_4175 : f32 to vector<16xf32>
    %max3A_4177 = arith.maximumf %get3A_4128, %max3A_4176 : vector<16xf32>
    %add3A_4178 = arith.addf %max3A_4177, %mul3A_4174 : vector<16xf32>
    %add3A_4179 = arith.constant 1.000000e+00 : f32
    %add3A_4180 = vector.broadcast %add3A_4179 : f32 to vector<16xf32>
    %add3A_4181 = arith.addf %add3A_4180, %exp3A_4147 : vector<16xf32>
    %div3A_4182 = arith.constant 1.000000e+00 : f32
    %div3A_4183 = vector.broadcast %div3A_4182 : f32 to vector<16xf32>
    %div3A_4184 = arith.divf %div3A_4183, %add3A_4181 : vector<16xf32>
    %ge3A_4185 = arith.constant 0.000000e+00 : f32
    %ge3A_4186 = vector.broadcast %ge3A_4185 : f32 to vector<16xf32>
    %ge3A_4187 = arith.cmpf oge, %get3A_4128, %ge3A_4186 : vector<16xf32>
    %sub3A_4188 = arith.constant 1.000000e+00 : f32
    %sub3A_4189 = vector.broadcast %sub3A_4188 : f32 to vector<16xf32>
    %sub3A_4190 = arith.subf %sub3A_4189, %div3A_4184 : vector<16xf32>
    %select_n3A_4191 = arith.select %ge3A_4187, %div3A_4184, %sub3A_4190 : vector<16xi1>, vector<16xf32>
    %mul3A_4192 = arith.mulf %add3A_4178, %select_n3A_4191 : vector<16xf32>
    %mul3A_4193 = arith.mulf %mul3A_4192, %select_n3A_4191 : vector<16xf32>
    %sub3A_4194 = arith.subf %get3A_4125, %select_n3A_4191 : vector<16xf32>
    %abs3A_4195 = math.absf %sub3A_4194 : vector<16xf32>
    %mul3A_4196 = arith.mulf %get3A_4125, %get3A_4128 : vector<16xf32>
    %sub3A_4197 = arith.subf %add3A_4178, %mul3A_4196 : vector<16xf32>
    %mul3A_4198 = arith.mulf %sub3A_4197, %abs3A_4195 : vector<16xf32>
    %mul3A_4199 = arith.mulf %mul3A_4198, %abs3A_4195 : vector<16xf32>
    %sub3A_4200 = arith.subf %mul3A_4199, %mul3A_4193 : vector<16xf32>
    %jit3A_4201 = arith.constant 0.000000e+00 : f32
    %broadcast_in_dim3A_4202 = vector.broadcast %jit3A_4201 : f32 to vector<16xf32>
    %select_n3A_4203 = arith.select %and3A_4142, %sub3A_4200, %broadcast_in_dim3A_4202 : vector<16xi1>, vector<16xf32>
    %add3A_4204 = arith.addf %add3A_4119, %select_n3A_4203 : vector<16xf32>
    %get3A_4205 = arith.constant 624 : index
    %get3A_4206 = tpu.vector_load %arg6[%get3A_4205] {strides = array<i32>} : memref<640xi32, #tpu.memory_space<vmem>>, vector<16xi32>,
    %get3A_4207 = vector.shape_cast %get3A_4206 : vector<16xi32> to vector<16xi32>
    %get3A_4208 = arith.constant 624 : index
    %get3A_4209 = tpu.vector_load %arg7[%get3A_4208] {strides = array<i32>} : memref<640xf32, #tpu.memory_space<vmem>>, vector<16xf32>,
    %get3A_4210 = vector.shape_cast %get3A_4209 : vector<16xf32> to vector<16xf32>
    %get3A_4211 = arith.constant 624 : index
    %get3A_4212 = tpu.vector_load %arg9[%get3A_4211] {strides = array<i32>} : memref<640xf32, #tpu.memory_space<vmem>>, vector<16xf32>,
    %get3A_4213 = vector.shape_cast %get3A_4212 : vector<16xf32> to vector<16xf32>
    %add3A_4214 = arith.constant 624 : i32
    %add3A_4215 = arith.addi %min3A_3, %add3A_4214 : i32
    %add3A_4216 = vector.broadcast %add3A_4215 : i32 to vector<16xi32>
    %add3A_4217 = arith.addi %add3A_4216, %iota3A : vector<16xi32>
    %ge3A_4218 = vector.broadcast %mul3A_2 : i32 to vector<16xi32>
    %ge3A_4219 = arith.cmpi sge, %add3A_4217, %ge3A_4218 : vector<16xi32>
    %ge3A_4220 = arith.constant 0 : i32
    %ge3A_4221 = vector.broadcast %ge3A_4220 : i32 to vector<16xi32>
    %ge3A_4222 = arith.cmpi sge, %get3A_4207, %ge3A_4221 : vector<16xi32>
    %lt3A_4223 = arith.constant 80 : i32
    %lt3A_4224 = vector.broadcast %lt3A_4223 : i32 to vector<16xi32>
    %lt3A_4225 = arith.cmpi slt, %get3A_4207, %lt3A_4224 : vector<16xi32>
    %and3A_4226 = arith.andi %ge3A_4222, %lt3A_4225 : vector<16xi1>
    %and3A_4227 = arith.andi %and3A_4226, %ge3A_4219 : vector<16xi1>
    %abs3A_4228 = math.absf %get3A_4213 : vector<16xf32>
    %neg3A_4229 = arith.constant 0.000000e+00 : f32
    %neg3A_4230 = vector.broadcast %neg3A_4229 : f32 to vector<16xf32>
    %neg3A_4231 = arith.subf %neg3A_4230, %abs3A_4228 : vector<16xf32>
    %exp3A_4232 = math.exp %neg3A_4231 : vector<16xf32>
    %add3A_4233 = arith.constant 2.000000e+00 : f32
    %add3A_4234 = vector.broadcast %add3A_4233 : f32 to vector<16xf32>
    %add3A_4235 = arith.addf %exp3A_4232, %add3A_4234 : vector<16xf32>
    %div3A_4236 = arith.divf %exp3A_4232, %add3A_4235 : vector<16xf32>
    %mul3A_4237 = arith.mulf %div3A_4236, %div3A_4236 : vector<16xf32>
    %mul3A_4238 = arith.constant 2.000000e+00 : f32
    %mul3A_4239 = vector.broadcast %mul3A_4238 : f32 to vector<16xf32>
    %mul3A_4240 = arith.mulf %mul3A_4239, %div3A_4236 : vector<16xf32>
    %div3A_4241 = arith.constant 9.000000e+00 : f32
    %div3A_4242 = vector.broadcast %div3A_4241 : f32 to vector<16xf32>
    %div3A_4243 = arith.divf %mul3A_4237, %div3A_4242 : vector<16xf32>
    %add3A_4244 = arith.constant 0.142857149 : f32
    %add3A_4245 = vector.broadcast %add3A_4244 : f32 to vector<16xf32>
    %add3A_4246 = arith.addf %add3A_4245, %div3A_4243 : vector<16xf32>
    %mul3A_4247 = arith.mulf %mul3A_4237, %add3A_4246 : vector<16xf32>
    %add3A_4248 = arith.constant 2.000000e-01 : f32
    %add3A_4249 = vector.broadcast %add3A_4248 : f32 to vector<16xf32>
    %add3A_4250 = arith.addf %add3A_4249, %mul3A_4247 : vector<16xf32>
    %mul3A_4251 = arith.mulf %mul3A_4237, %add3A_4250 : vector<16xf32>
    %add3A_4252 = arith.constant 0.333333343 : f32
    %add3A_4253 = vector.broadcast %add3A_4252 : f32 to vector<16xf32>
    %add3A_4254 = arith.addf %add3A_4253, %mul3A_4251 : vector<16xf32>
    %mul3A_4255 = arith.mulf %mul3A_4237, %add3A_4254 : vector<16xf32>
    %add3A_4256 = arith.constant 1.000000e+00 : f32
    %add3A_4257 = vector.broadcast %add3A_4256 : f32 to vector<16xf32>
    %add3A_4258 = arith.addf %add3A_4257, %mul3A_4255 : vector<16xf32>
    %mul3A_4259 = arith.mulf %mul3A_4240, %add3A_4258 : vector<16xf32>
    %max3A_4260 = arith.constant 0.000000e+00 : f32
    %max3A_4261 = vector.broadcast %max3A_4260 : f32 to vector<16xf32>
    %max3A_4262 = arith.maximumf %get3A_4213, %max3A_4261 : vector<16xf32>
    %add3A_4263 = arith.addf %max3A_4262, %mul3A_4259 : vector<16xf32>
    %add3A_4264 = arith.constant 1.000000e+00 : f32
    %add3A_4265 = vector.broadcast %add3A_4264 : f32 to vector<16xf32>
    %add3A_4266 = arith.addf %add3A_4265, %exp3A_4232 : vector<16xf32>
    %div3A_4267 = arith.constant 1.000000e+00 : f32
    %div3A_4268 = vector.broadcast %div3A_4267 : f32 to vector<16xf32>
    %div3A_4269 = arith.divf %div3A_4268, %add3A_4266 : vector<16xf32>
    %ge3A_4270 = arith.constant 0.000000e+00 : f32
    %ge3A_4271 = vector.broadcast %ge3A_4270 : f32 to vector<16xf32>
    %ge3A_4272 = arith.cmpf oge, %get3A_4213, %ge3A_4271 : vector<16xf32>
    %sub3A_4273 = arith.constant 1.000000e+00 : f32
    %sub3A_4274 = vector.broadcast %sub3A_4273 : f32 to vector<16xf32>
    %sub3A_4275 = arith.subf %sub3A_4274, %div3A_4269 : vector<16xf32>
    %select_n3A_4276 = arith.select %ge3A_4272, %div3A_4269, %sub3A_4275 : vector<16xi1>, vector<16xf32>
    %mul3A_4277 = arith.mulf %add3A_4263, %select_n3A_4276 : vector<16xf32>
    %mul3A_4278 = arith.mulf %mul3A_4277, %select_n3A_4276 : vector<16xf32>
    %sub3A_4279 = arith.subf %get3A_4210, %select_n3A_4276 : vector<16xf32>
    %abs3A_4280 = math.absf %sub3A_4279 : vector<16xf32>
    %mul3A_4281 = arith.mulf %get3A_4210, %get3A_4213 : vector<16xf32>
    %sub3A_4282 = arith.subf %add3A_4263, %mul3A_4281 : vector<16xf32>
    %mul3A_4283 = arith.mulf %sub3A_4282, %abs3A_4280 : vector<16xf32>
    %mul3A_4284 = arith.mulf %mul3A_4283, %abs3A_4280 : vector<16xf32>
    %sub3A_4285 = arith.subf %mul3A_4284, %mul3A_4278 : vector<16xf32>
    %jit3A_4286 = arith.constant 0.000000e+00 : f32
    %broadcast_in_dim3A_4287 = vector.broadcast %jit3A_4286 : f32 to vector<16xf32>
    %select_n3A_4288 = arith.select %and3A_4227, %sub3A_4285, %broadcast_in_dim3A_4287 : vector<16xi1>, vector<16xf32>
    %add3A_4289 = arith.addf %add3A_4204, %select_n3A_4288 : vector<16xf32>
    %swap3A_4290 = arith.constant 0 : index
    %swap3A_4291 = tpu.vector_load %arg10[%swap3A_4290] {strides = array<i32>} : memref<16xf32, #tpu.memory_space<vmem>>, vector<16xf32>,
    %swap3A_4292 = vector.shape_cast %swap3A_4291 : vector<16xf32> to vector<16xf32>
    %swap3A_4293 = vector.shape_cast %add3A_4289 : vector<16xf32> to vector<16xf32>
    tpu.vector_store %arg10[%swap3A_4290], %swap3A_4293 {strides = array<i32>} : memref<16xf32, #tpu.memory_space<vmem>>, vector<16xf32>,
    "tpu.region"() ({
      %run_scoped3A = tpu.sem_alloc : memref<!tpu.dma_semaphore, #tpu.memory_space<semaphore_mem>>
      %dma_start3A_4294 = arith.constant 0 : i32
      %dma_start3A_4295 = tpu.memref_slice %arg5[%add3A, %dma_start3A_4294] : memref<32x16xf32, #tpu.memory_space<hbm>> -> memref<1x16xf32, #tpu.memory_space<hbm>>
      %dma_start3A_4296 = tpu.memref_squeeze %dma_start3A_4295 : memref<1x16xf32, #tpu.memory_space<hbm>> -> memref<16xf32, #tpu.memory_space<hbm>>
      %dma_start3A_4297 = arith.constant 0 : i32
      %dma_start3A_4298 = tpu.memref_slice %arg5[%add3A, %dma_start3A_4297] : memref<32x16xf32, #tpu.memory_space<hbm>> -> memref<1x16xf32, #tpu.memory_space<hbm>>
      %dma_start3A_4299 = tpu.memref_squeeze %dma_start3A_4298 : memref<1x16xf32, #tpu.memory_space<hbm>> -> memref<16xf32, #tpu.memory_space<hbm>>
      tpu.enqueue_dma source(%arg10 : memref<16xf32, #tpu.memory_space<vmem>>) target(%dma_start3A_4299 : memref<16xf32, #tpu.memory_space<hbm>>) target_semaphore(%run_scoped3A : memref<!tpu.dma_semaphore, #tpu.memory_space<semaphore_mem>>)
      %dma_wait3A_4300 = arith.constant 0 : i32
      %dma_wait3A_4301 = tpu.memref_slice %arg5[%add3A, %dma_wait3A_4300] : memref<32x16xf32, #tpu.memory_space<hbm>> -> memref<1x16xf32, #tpu.memory_space<hbm>>
      %dma_wait3A_4302 = tpu.memref_squeeze %dma_wait3A_4301 : memref<1x16xf32, #tpu.memory_space<hbm>> -> memref<16xf32, #tpu.memory_space<hbm>>
      %dma_wait3A_4303 = arith.constant 0 : i32
      %dma_wait3A_4304 = tpu.memref_slice %arg5[%add3A, %dma_wait3A_4303] : memref<32x16xf32, #tpu.memory_space<hbm>> -> memref<1x16xf32, #tpu.memory_space<hbm>>
      %dma_wait3A_4305 = tpu.memref_squeeze %dma_wait3A_4304 : memref<1x16xf32, #tpu.memory_space<hbm>> -> memref<16xf32, #tpu.memory_space<hbm>>
      tpu.wait_dma2 semaphore(%run_scoped3A : memref<!tpu.dma_semaphore, #tpu.memory_space<semaphore_mem>>) src(%arg10 : memref<16xf32, #tpu.memory_space<vmem>>) dst(%dma_wait3A_4305 : memref<16xf32, #tpu.memory_space<hbm>>)
      tpu.yield
    }) : () -> ()
    return
  }
}

module attributes {stable_mosaic.version = 14 : i64} {
  func.func @_tc_body(%arg0: i32, %arg1: memref<5000x80xf32, #tpu.memory_space<vmem>>, %arg2: memref<1x1xf32, #tpu.memory_space<vmem>>, %arg3: memref<5000x128xf32, #tpu.memory_space<vmem>>) attributes {dimension_semantics = [#tpu.dimension_semantics<arbitrary>], iteration_bounds = array<i64: 4>, scalar_prefetch = 0 : i64, scratch_operands = 0 : i64, tpu.core_type = #tpu.core_type<tc>, window_params = [{transform_indices = @transform_0, window_bounds = array<i64: 5000, 80>}, {pipeline_mode = #tpu.pipeline_mode<synchronous>, transform_indices = @transform_1, window_bounds = array<i64: 1, 1>}, {transform_indices = @transform_2, window_bounds = array<i64: 5000, 128>}]} {
    %get3A = arith.constant 0 : index
    %get3A_0 = arith.constant 0 : index
    %get3A_1 = vector.load %arg1[%get3A, %get3A_0] : memref<5000x80xf32, #tpu.memory_space<vmem>>, vector<5000x80xf32>
    %swap3A = arith.constant 0 : index
    %swap3A_2 = arith.constant 0 : index
    %swap3A_3 = vector.load %arg3[%swap3A, %swap3A_2] : memref<5000x128xf32, #tpu.memory_space<vmem>>, vector<5000x80xf32>
    tpu.vector_store %arg3[%swap3A, %swap3A_2], %get3A_1 {strides = array<i32>} : memref<5000x128xf32, #tpu.memory_space<vmem>>, vector<5000x80xf32>,
    %convert_element_type3A = arith.truncf %get3A_1 : vector<5000x80xf32> to vector<5000x80xbf16>
    %abs3A = math.absf %convert_element_type3A : vector<5000x80xbf16>
    %neg3A = arith.constant 0.000000e+00 : bf16
    %neg3A_4 = vector.broadcast %neg3A : bf16 to vector<5000x80xbf16>
    %neg3A_5 = arith.subf %neg3A_4, %abs3A : vector<5000x80xbf16>
    %exp3A = math.exp %neg3A_5 : vector<5000x80xbf16>
    %add3A = arith.constant 1.000000e+00 : bf16
    %add3A_6 = vector.broadcast %add3A : bf16 to vector<5000x80xbf16>
    %add3A_7 = arith.addf %add3A_6, %exp3A : vector<5000x80xbf16>
    %div3A = arith.constant 1.000000e+00 : bf16
    %div3A_8 = vector.broadcast %div3A : bf16 to vector<5000x80xbf16>
    %div3A_9 = arith.divf %div3A_8, %add3A_7 : vector<5000x80xbf16>
    %ge3A = arith.constant 0.000000e+00 : bf16
    %ge3A_10 = vector.broadcast %ge3A : bf16 to vector<5000x80xbf16>
    %ge3A_11 = arith.cmpf oge, %convert_element_type3A, %ge3A_10 : vector<5000x80xbf16>
    %sub3A = arith.constant 1.000000e+00 : bf16
    %sub3A_12 = vector.broadcast %sub3A : bf16 to vector<5000x80xbf16>
    %sub3A_13 = arith.subf %sub3A_12, %div3A_9 : vector<5000x80xbf16>
    %select_n3A = arith.select %ge3A_11, %div3A_9, %sub3A_13 : vector<5000x80xi1>, vector<5000x80xbf16>
    %max3A = arith.constant 0.000000e+00 : bf16
    %max3A_14 = vector.broadcast %max3A : bf16 to vector<5000x80xbf16>
    %max3A_15 = arith.maximumf %convert_element_type3A, %max3A_14 : vector<5000x80xbf16>
    %log1p3A = math.log1p %exp3A : vector<5000x80xbf16>
    %add3A_16 = arith.addf %max3A_15, %log1p3A : vector<5000x80xbf16>
    %mul3A = arith.mulf %add3A_16, %select_n3A : vector<5000x80xbf16>
    %mul3A_17 = arith.mulf %mul3A, %select_n3A : vector<5000x80xbf16>
    %convert_element_type3A_18 = arith.extf %mul3A_17 : vector<5000x80xbf16> to vector<5000x80xf32>
    %reduce_sum3A = vector.shape_cast %convert_element_type3A_18 : vector<5000x80xf32> to vector<1x5000x80xf32>
    %reduce_sum3A_19 = arith.constant dense<0.000000e+00> : vector<1xf32>
    %reduce_sum3A_20 = vector.multi_reduction <add>, %reduce_sum3A, %reduce_sum3A_19 [1, 2] : vector<1x5000x80xf32> to vector<1xf32>
    %reduce_sum3A_21 = vector.shape_cast %reduce_sum3A_20 : vector<1xf32> to vector<1x1x1xf32>
    %reduce_sum3A_22 = vector.extract %reduce_sum3A_21[0, 0, 0] : f32 from vector<1x1x1xf32>
    %eq3A = arith.constant 0 : i32
    %eq3A_23 = arith.cmpi eq, %arg0, %eq3A : i32
    %convert_element_type3A_24 = arith.extui %eq3A_23 : i1 to i32
    %cond3A = arith.constant 0 : i32
    %cond3A_25 = arith.cmpi ne, %convert_element_type3A_24, %cond3A : i32
    scf.if %cond3A_25 {
      %broadcast_in_dim3A = arith.constant 0.000000e+00 : f32
      %broadcast_in_dim3A_33 = vector.broadcast %broadcast_in_dim3A : f32 to vector<1x1xf32>
      %swap3A_34 = arith.constant 0 : index
      %swap3A_35 = arith.constant 0 : index
      %swap3A_36 = vector.load %arg2[%swap3A_34, %swap3A_35] : memref<1x1xf32, #tpu.memory_space<vmem>>, vector<1x1xf32>
      tpu.vector_store %arg2[%swap3A_34, %swap3A_35], %broadcast_in_dim3A_33 {strides = array<i32>} : memref<1x1xf32, #tpu.memory_space<vmem>>, vector<1x1xf32>,
    } else {
    }
    %get3A_26 = arith.constant 0 : index
    %get3A_27 = arith.constant 0 : index
    %get3A_28 = vector.load %arg2[%get3A_26, %get3A_27] : memref<1x1xf32, #tpu.memory_space<vmem>>, vector<1x1xf32>
    %reshape3A = vector.broadcast %reduce_sum3A_22 : f32 to vector<1x1xf32>
    %add3A_29 = arith.addf %get3A_28, %reshape3A : vector<1x1xf32>
    %swap3A_30 = arith.constant 0 : index
    %swap3A_31 = arith.constant 0 : index
    %swap3A_32 = vector.load %arg2[%swap3A_30, %swap3A_31] : memref<1x1xf32, #tpu.memory_space<vmem>>, vector<1x1xf32>
    tpu.vector_store %arg2[%swap3A_30, %swap3A_31], %add3A_29 {strides = array<i32>} : memref<1x1xf32, #tpu.memory_space<vmem>>, vector<1x1xf32>,
    return
  }
  func.func @transform_0(%arg0: i32) -> (i32, i32) {
    %c0_i32 = arith.constant 0 : i32
    %c0_i32_0 = arith.constant 0 : i32
    return %arg0, %c0_i32 : i32, i32
  }
  func.func @transform_1(%arg0: i32) -> (i32, i32) {
    %c0_i32 = arith.constant 0 : i32
    %c0_i32_0 = arith.constant 0 : i32
    %c0_i32_1 = arith.constant 0 : i32
    return %c0_i32, %c0_i32_0 : i32, i32
  }
  func.func @transform_2(%arg0: i32) -> (i32, i32) {
    %c0_i32 = arith.constant 0 : i32
    %c0_i32_0 = arith.constant 0 : i32
    return %arg0, %c0_i32 : i32, i32
  }
}

</mosaic_0001>

<sc_bundles>
// kernel: kernel.4.cloned.1.call-start
scs
__scs_entry_jumppad:
0x0: {  	(pc) =	sbr.rel $0x88, $3  }
0x1: {  	(tag) =	ssettag $0x0;
	lr =	simm.s32 $0x1  }
0x2: {  	[smem:$0x3F9E] =	sst lr;
	_ =	strace $0xD0000000  }
0x3: {  	_ = 	snop  }
0x4: {  	_ = 	snop  }
0x5: {  	_ = 	snop  }
0x6: {  	_ = 	snop  }
0x7: {  	_ = 	snop  }
__scs_overlays_trampoline_lowered:
0x8: {  	[smem:$0x3FAD] =	sst s0  }
0x9: {  	[smem:$0x3FAE] =	sst s1  }
0xa: {  	[smem:$0x3FAF] =	sst s2  }
0xb: {  	[smem:$0x3FB0] =	sst s3  }
0xc: {  	[smem:$0x3FB1] =	sst s4  }
0xd: {  	[smem:$0x3FB2] =	sst s5  }
0xe: {  	[smem:$0x3FB3] =	sst s6  }
0xf: {  	[smem:$0x3FB4] =	sst s7  }
0x10: {  	[smem:$0x3FB5] =	sst s8  }
0x11: {  	[smem:$0x3FB6] =	sst s9;
	s0 =	simm.s32 @!p0 $0x0  }
0x12: {  	s1 =	sld [smem:$0x3F9C];
	s0 =	simm.s32 @p0 $0x1  }
0x13: {  	[smem:$0x3FB7] =	sst s0;
	s0 =	simm.s32 @!p1 $0x0  }
0x14: {  	s2 =	sld [smem:$0x3F9B];
	s0 =	simm.s32 @p1 $0x1  }
0x15: {  	[smem:$0x3FB8] =	sst s0;
	s0 =	simm.s32 @!p2 $0x0  }
0x16: {  	s3 =	sld [smem:$0x3FDB];
	s0 =	simm.s32 @p2 $0x1  }
0x17: {  	s4 =	simm.s32 $0x1BF5;
	[smem:$0x3FBA] =	sst s0  }
0x18: {  	s0 =	sld [smem:$0x3F9D];
	_ =	swait.ge [sflag:s4], $0x0  }
0x19: {  	s7 =	sld [smem:$0x3F9E]  }
0x1a: {  	s8 =	sadd.s32 $0xFFFFE003, lr  }
0x1b: {  	s9 =	sadd.s32 $0xFFFFFEF7, lr;
	s5 =	simm.s32 $0xFFFFFFFF;
	p2 =	slt.u32 s8, $0xFFFFF086  }
0x1c: {  	p1 =	slt.u32 s9, $0xF7A;
	s5 =	simm.s32 @!p2 $0x0  }
0x1d: {  	s5 =	simm.s32 @p1 $0x1;
	p0 =	seq.s32 s7, s2  }
0x1e: {  	s7 =	smul.u32 @!p0 $0xF7A, s2;
	p2 =	seq.s32 @!p0 s5, $0x0  }
0x1f: {  	s9 =	smul.u32 $0xF7A, s1;
	s8 =	simm.s32 @!p0 $0x1BF5;
	p2 =	por !p2, p0  }
0x20: {  	[sflag:s8] =	ssyncset.s32 @!p0 $0xFFFFF086;
	s6 =	sadd.s32 @!p0 s3, s7;
	s7 =	simm.s32 @!p0 $0x108  }
0x21: {  	s3 =	sadd.s32 s3, s9;
	s6 =	sadd.s32 @!p0 $0x88, s6;
	s7 =	simm.s32 @p2 $0x1082  }
0x22: {  	[simem:s7], [sflag:s8] =	dma.local @!p0 [hbm:s6], $0xF7A  }
0x23: {  	s9 =	sor.u32 $0xD0000000, s2;
	s6 =	simm.s32 $0x108;
	_ =	swait.ge @!p0 [sflag:s8], $0x0  }
0x24: {  	s3 =	sadd.s32 $0x88, s3;
	s6 =	simm.s32 @!p1 $0x1082;
	[sflag:s4] =	ssyncset.s32 $0xFFFFF086  }
0x25: {  	[simem:s6], [sflag:s4] =	dma.local [hbm:s3], $0xF7A  }
0x26: {  	[smem:$0x3F9E] =	sst s1;
	(tag) =	ssettag s2;
	_ =	strace s9  }
0x27: {  	s1 =	sld [smem:$0x3FAE]  }
0x28: {  	s2 =	sld [smem:$0x3FAF]  }
0x29: {  	s4 =	sld [smem:$0x3FB1]  }
0x2a: {  	p0 =	seq.s32 s5, $0x0;
	s5 =	sld [smem:$0x3FB2]  }
0x2b: {  	s6 =	sld [smem:$0x3FB3]  }
0x2c: {  	s7 =	sld [smem:$0x3FB4]  }
0x2d: {  	s3 =	simm.s32 $0x108;
	s8 =	sld [smem:$0x3FB5]  }
0x2e: {  	s3 =	simm.s32 @!p0 $0x1082;
	s9 =	sld [smem:$0x3FB6]  }
0x2f: {  	lr =	sadd.s32 s0, s3;
	s0 =	sld [smem:$0x3FAD]  }
0x30: {  	s3 =	sld [smem:$0x3FB0]  }
0x31: {  	[smem:$0x3FB9] =	sst s10  }
0x32: {  	s10 =	sld [smem:$0x3FB7];
	_ =	sdelay $0x3  }
0x33: {  	p0 =	seq.s32 s10, $0x1;
	s10 =	sld [smem:$0x3FB9];
	_ =	sdelay $0x3  }
0x34: {  	[smem:$0x3FB9] =	sst s10  }
0x35: {  	s10 =	sld [smem:$0x3FB8];
	_ =	sdelay $0x3  }
0x36: {  	p1 =	seq.s32 s10, $0x1;
	s10 =	sld [smem:$0x3FB9];
	_ =	sdelay $0x3  }
0x37: {  	[smem:$0x3FB9] =	sst s10  }
0x38: {  	s10 =	sld [smem:$0x3FBA]  }
0x39: {  	_ = 	snop;
	(pc) =	sbr.ind lr, $3  }
0x3a: {  	_ = 	snop  }
0x3b: {  	_ = 	snop  }
0x3c: {  	p2 =	seq.s32 s10, $0x1;
	s10 =	sld [smem:$0x3FB9]  }
0x3d: {  	_ =	shalt  }
0x3e: {  	_ =	shalt  }
0x3f: {  	_ =	shalt  }
0x40: {  	_ =	shalt  }
0x41: {  	_ =	shalt  }
0x42: {  	_ =	shalt  }
0x43: {  	_ =	shalt  }
0x44: {  	_ =	shalt  }
0x45: {  	_ =	shalt  }
0x46: {  	_ =	shalt  }
0x47: {  	_ =	shalt  }
0x48: {  	_ =	shalt  }
0x49: {  	_ =	shalt  }
0x4a: {  	_ =	shalt  }
0x4b: {  	_ =	shalt  }
0x4c: {  	_ =	shalt  }
0x4d: {  	_ =	shalt  }
0x4e: {  	_ =	shalt  }
0x4f: {  	_ =	shalt  }
0x50: {  	_ =	shalt  }
0x51: {  	_ =	shalt  }
0x52: {  	_ =	shalt  }
0x53: {  	_ =	shalt  }
0x54: {  	_ =	shalt  }
0x55: {  	_ =	shalt  }
0x56: {  	_ =	shalt  }
0x57: {  	_ =	shalt  }
0x58: {  	_ =	shalt  }
0x59: {  	_ =	shalt  }
0x5a: {  	_ =	shalt  }
0x5b: {  	_ =	shalt  }
0x5c: {  	_ =	shalt  }
0x5d: {  	_ =	shalt  }
0x5e: {  	_ =	shalt  }
0x5f: {  	_ =	shalt  }
0x60: {  	_ =	shalt  }
0x61: {  	_ =	shalt  }
0x62: {  	_ =	shalt  }
0x63: {  	_ =	shalt  }
0x64: {  	_ =	shalt  }
0x65: {  	_ =	shalt  }
0x66: {  	_ =	shalt  }
0x67: {  	_ =	shalt  }
0x68: {  	_ =	shalt  }
0x69: {  	_ =	shalt  }
0x6a: {  	_ =	shalt  }
0x6b: {  	_ =	shalt  }
0x6c: {  	_ =	shalt  }
0x6d: {  	_ =	shalt  }
0x6e: {  	_ =	shalt  }
0x6f: {  	_ =	shalt  }
0x70: {  	_ =	shalt  }
0x71: {  	_ =	shalt  }
0x72: {  	_ =	shalt  }
0x73: {  	_ =	shalt  }
0x74: {  	_ =	shalt  }
0x75: {  	_ =	shalt  }
0x76: {  	_ =	shalt  }
0x77: {  	_ =	shalt  }
0x78: {  	_ =	shalt  }
0x79: {  	_ =	shalt  }
0x7a: {  	_ =	shalt  }
0x7b: {  	_ =	shalt  }
0x7c: {  	_ =	shalt  }
0x7d: {  	_ =	shalt  }
0x7e: {  	_ =	shalt  }
0x7f: {  	_ =	shalt  }
0x80: {  	_ =	shalt  }
0x81: {  	_ =	shalt  }
0x82: {  	_ =	shalt  }
0x83: {  	_ =	shalt  }
0x84: {  	_ =	shalt  }
0x85: {  	_ =	shalt  }
0x86: {  	_ =	shalt  }
0x87: {  	_ =	shalt  }
.Lfunc_end0:
.L_simem_size_0:
called_computation_lowered:
.L_overlay_start_0:
0x88: {  	s2 =	sld [smem:$0x3FD9]  }
0x89: {  	s3 =	sld [smem:$0x3FFE];
	_ =	sdelay $0x1  }
0x8a: {  	s1 =	srdreg.scid  }
0x8b: {  	s0 =	sand.u32 $0x1, s1  }
0x8c: {  	s17 =	sshll.u32 s0, $0xA;
	s2 =	sadd.s32 s3, s2  }
0x8d: {  	s2 =	sadd.s32 s2, s17  }
0x8e: {  	[smem:$0x3FC5] =	sst s2  }
0x8f: {  	_ = 	snop  }
0x90: {  	s2 =	sld [smem:$0x3FC8]  }
0x91: {  	s18 =	sld [smem:$0x3FC7];
	(tm) =	ssettm $0x1  }
0x92: {  	s4 =	sld [smem:$0x3FFB];
	_ =	sdelay $0x3  }
0x93: {  	_ =	strace s4  }
0x94: {  	s4 =	sld [smem:$0x3FFC];
	_ =	sdelay $0x3  }
0x95: {  	_ =	strace s4  }
0x96: {  	s4 =	sld [smem:$0x3FFD];
	_ =	sdelay $0x3  }
0x97: {  	_ =	strace s4  }
0x98: {  	_ =	strace $0x8FFFFFFF  }
0x99: {  	s19 =	sld [smem:$0x3FDB];
	_ =	sdelay $0x1  }
0x9a: {  	s5 =	simm.s32 $_scs_section_size  }
0x9b: {  	s6 =	simm.s32 $_size__tile_overlayer_lowered;
	s7 =	simm.s32 $_tile_overlayer_lowered  }
0x9c: {  	s22 =	simm.s32 $0x1BFF;
	s21 =	sshll.u32 s7, $0x1;
	s4 =	sadd.s32 s5, s19  }
0x9d: {  	s8 =	simm.s32 $0x0;
	s20 =	sshll.u32 s6, $0x1;
	s6 =	sadd.s32 s21, s4  }
0x9e: {  	[timem:s8], [sflag:s22] =	dma.local [hbm:s6], s20  }
0x9f: {  	_ =	swait.ge [sflag:s22], s20  }
0xa0: {  	s5 =	ssub.s32 $0x0, s20;
	[sflag:s22] =	ssyncset.done $0x0  }
0xa1: {  	[sflag:s22] =	ssyncadd.s32 s5;
	_ =	sdelay $0x1  }
0xa2: {  	s23 =	simm.s32 $0x1B8B  }
0xa3: {  	_ =	swait.ge [sflag:s23], $0x1  }
0xa4: {  	[sflag:s23] =	ssyncset.done $0x0  }
0xa5: {  	s25 =	simm.s32 $0x1B8E;
	s24 =	sld [smem:$0x3FFE];
	[sflag:s23] =	ssyncadd.s32 $0xFFFFFFFF  }
0xa6: {  	s26 =	simm.s32 $execute0_lowered;
	[smem:$0x3FD2] =	sst s25  }
0xa7: {  	s6 =	sshll.u32 s26, $0x1;
	_ =	strace $0x80000046;
	[dreg:$0x1] =	wrdreg $0xFFFFFFFF  }
0xa8: {  	s28 =	simm.s32 $_size_execute0_lowered;
	s4 =	sadd.s32 s4, s6;
	[dreg:$0x0] =	wrdreg $0x0  }
0xa9: {  	s6 =	sshll.u32 s28, $0x1;
	[dreg:$0x2] =	wrdreg s4  }
0xaa: {  	[dreg:$0x3] =	wrdreg s6  }
0xab: {  	[dreg:$0x4] =	wrdreg $0xC0  }
0xac: {  	_ =	task [dreg:s8], $0x5FFFF  }
0xad: {  	[dreg:$0x1] =	wrdreg $0xFFFFFFFF  }
0xae: {  	[dreg:$0x0] =	wrdreg $0x60  }
0xaf: {  	[dreg:$0x2] =	wrdreg s24  }
0xb0: {  	[dreg:$0x3] =	wrdreg s2  }
0xb1: {  	[dreg:$0x4] =	wrdreg s18  }
0xb2: {  	[dreg:$0x5] =	wrdreg $0x9  }
0xb3: {  	_ =	task.clear_ibuf [dreg:s8], $0x6FFFF;
	_ =	strace $0x90000046  }
0xb4: {  	s29 =	simm.s32 $0x9;
	_ =	strace $0x80000048  }
0xb5: {  	_ =	swait.ge [sflag:s29], $0x1  }
0xb6: {  	[sflag:s29] =	ssyncadd.s32 $0xFFFFFFFF  }
0xb7: {  	_ =	strace $0x90000048  }
0xb8: {  	_ =	sfence  }
0xb9: {  	s30 =	sld [smem:$0x0];
	_ =	sdelay $0x2  }
0xba: {  	s31 =	sshll.u32 s1, $0xD;
	s1 =	sshrl.u32 s1, $0x2  }
0xbb: {  	s3 =	sand.u32 $0x4000, s31;
	s1 =	sadd.s32 s1, s30  }
0xbc: {  	s0 =	sor.u32 s3, s0;
	s1 =	sshll.u32 s1, $0x11  }
0xbd: {  	s0 =	sor.u32 s1, s0  }
0xbe: {  	s0 =	sadd.s32 $0x8F2B, s0  }
0xbf: {  	[sflag:s0] =	ssyncadd.remote.s32 $0x1  }
0xc0: {  	_ =	sfence.sel $0xFFFF  }
0xc1: {  	[dreg:$0x0] =	wrdreg $0xFFFFFFFF;
	(pc) =	sbr.abs _section_cstart, $3  }
0xc2: {  	[dreg:$0x1] =	wrdreg $0xFFFFFFFF  }
0xc3: {  	_ =	task.clear_ibuf [dreg:s8], $0x2FFFF;
	_ =	strace $0x9FFFFFFF  }
0xc4: {  	(tm) =	ssettm $0x7FFFFFFF  }
0xc5: {  	_ =	shalt  }
tec
execute0_lowered:
.L_overlay_start_1:
0x0: {  	(tag) =	ssettag $0x1  }
0x1: {  	s1 =	srdreg.scid;
	s0 =	stileid.u32  }
0x2: {  	s4 =	sand.u32 $0x1, s1;
	s16 =	sshll.u32 s0, $0x1  }
0x3: {  	s3 =	sor.u32 s4, s16  }
0x4: {  	s5 =	smul.u32 $0x280, s3;
	_ =	sdelay $0x1  }
0x5: {  	v0 =	vlaneseq.u32;
	s6 =	smin.u32 s5, $0x4BA0  }
0x6: {  	v1 =	vor.u32 s6, v0  }
0x7: {  	s2 =	sadd.s32 $0x30, s6;
	[tilespmem:$0x1FCA0] =	vst v1;
	v1 =	vshll.u32 v1, $0x7  }
0x8: {  	s17 =	sor.u32 $0x10, s6;
	v2 =	vor.u32 s2, v0;
	[tilespmem:$0x1FCB0] =	vst v1  }
0x9: {  	v1 =	vor.u32 s17, v0;
	[tilespmem:$0x1FD00] =	vst v2  }
0xa: {  	s18 =	sadd.s32 $0x20, s6;
	[tilespmem:$0x1FCC0] =	vst v1;
	v1 =	vshll.u32 v1, $0x7  }
0xb: {  	[tilespmem:$0x1FCD0] =	vst v1;
	v1 =	vor.u32 s18, v0  }
0xc: {  	[tilespmem:$0x1FCE0] =	vst v1;
	v1 =	vshll.u32 v1, $0x7  }
0xd: {  	s21 =	sadd.s32 $0x60, s6;
	[tilespmem:$0x1FCF0] =	vst v1;
	v1 =	vshll.u32 v2, $0x7  }
0xe: {  	s19 =	sor.u32 $0x40, s6;
	v2 =	vor.u32 s21, v0;
	[tilespmem:$0x1FD10] =	vst v1  }
0xf: {  	v1 =	vor.u32 s19, v0;
	[tilespmem:$0x1FD60] =	vst v2  }
0x10: {  	s20 =	sor.u32 $0x50, s6;
	[tilespmem:$0x1FD20] =	vst v1;
	v1 =	vshll.u32 v1, $0x7  }
0x11: {  	[tilespmem:$0x1FD30] =	vst v1;
	v1 =	vor.u32 s20, v0  }
0x12: {  	[tilespmem:$0x1FD40] =	vst v1;
	v1 =	vshll.u32 v1, $0x7  }
0x13: {  	s24 =	sadd.s32 $0x90, s6;
	[tilespmem:$0x1FD50] =	vst v1;
	v1 =	vshll.u32 v2, $0x7  }
0x14: {  	s22 =	sadd.s32 $0x70, s6;
	v2 =	vor.u32 s24, v0;
	[tilespmem:$0x1FD70] =	vst v1  }
0x15: {  	v1 =	vor.u32 s22, v0;
	[tilespmem:$0x1FDC0] =	vst v2  }
0x16: {  	s23 =	sadd.s32 $0x80, s6;
	[tilespmem:$0x1FD80] =	vst v1;
	v1 =	vshll.u32 v1, $0x7  }
0x17: {  	[tilespmem:$0x1FD90] =	vst v1;
	v1 =	vor.u32 s23, v0  }
0x18: {  	[tilespmem:$0x1FDA0] =	vst v1;
	v1 =	vshll.u32 v1, $0x7  }
0x19: {  	s28 =	sadd.s32 $0xC0, s6;
	[tilespmem:$0x1FDB0] =	vst v1;
	v1 =	vshll.u32 v2, $0x7  }
0x1a: {  	s25 =	sadd.s32 $0xA0, s6;
	v2 =	vor.u32 s28, v0;
	[tilespmem:$0x1FDD0] =	vst v1  }
0x1b: {  	v1 =	vor.u32 s25, v0;
	[tilespmem:$0x1FE20] =	vst v2  }
0x1c: {  	s26 =	sadd.s32 $0xB0, s6;
	[tilespmem:$0x1FDE0] =	vst v1;
	v1 =	vshll.u32 v1, $0x7  }
0x1d: {  	[tilespmem:$0x1FDF0] =	vst v1;
	v1 =	vor.u32 s26, v0  }
0x1e: {  	[tilespmem:$0x1FE00] =	vst v1;
	v1 =	vshll.u32 v1, $0x7  }
0x1f: {  	s31 =	sadd.s32 $0xF0, s6;
	[tilespmem:$0x1FE10] =	vst v1;
	v1 =	vshll.u32 v2, $0x7  }
0x20: {  	s29 =	sadd.s32 $0xD0, s6;
	v2 =	vor.u32 s31, v0;
	[tilespmem:$0x1FE30] =	vst v1  }
0x21: {  	v1 =	vor.u32 s29, v0;
	[tilespmem:$0x1FE80] =	vst v2  }
0x22: {  	s30 =	sadd.s32 $0xE0, s6;
	[tilespmem:$0x1FE40] =	vst v1;
	v1 =	vshll.u32 v1, $0x7  }
0x23: {  	[tilespmem:$0x1FE50] =	vst v1;
	v1 =	vor.u32 s30, v0  }
0x24: {  	[tilespmem:$0x1FE60] =	vst v1;
	v1 =	vshll.u32 v1, $0x7  }
0x25: {  	s9 =	sadd.s32 $0x120, s6;
	[tilespmem:$0x1FE70] =	vst v1;
	v1 =	vshll.u32 v2, $0x7  }
0x26: {  	s7 =	sadd.s32 $0x100, s6;
	v2 =	vor.u32 s9, v0;
	[tilespmem:$0x1FE90] =	vst v1  }
0x27: {  	v1 =	vor.u32 s7, v0;
	[tilespmem:$0x1FEE0] =	vst v2  }
0x28: {  	s8 =	sadd.s32 $0x110, s6;
	[tilespmem:$0x1FEA0] =	vst v1;
	v1 =	vshll.u32 v1, $0x7  }
0x29: {  	[tilespmem:$0x1FEB0] =	vst v1;
	v1 =	vor.u32 s8, v0  }
0x2a: {  	[tilespmem:$0x1FEC0] =	vst v1;
	v1 =	vshll.u32 v1, $0x7  }
0x2b: {  	s10 =	sadd.s32 $0x130, s6;
	[tilespmem:$0x1FED0] =	vst v1;
	v1 =	vshll.u32 v2, $0x7  }
0x2c: {  	[tilespmem:$0x1FEF0] =	vst v1;
	v1 =	vor.u32 s10, v0  }
0x2d: {  	s11 =	sadd.s32 $0x140, s6;
	[tilespmem:$0x1FF00] =	vst v1;
	v1 =	vshll.u32 v1, $0x7  }
0x2e: {  	s12 =	sadd.s32 $0x150, s6;
	[tilespmem:$0x1FF10] =	vst v1;
	v1 =	vor.u32 s11, v0  }
0x2f: {  	s13 =	sadd.s32 $0x160, s6;
	v2 =	vor.u32 s12, v0;
	[tilespmem:$0x1FF20] =	vst v1;
	v1 =	vshll.u32 v1, $0x7  }
0x30: {  	v44 =	vor.u32 s13, v0;
	[tilespmem:$0x1FF30] =	vst v1;
	v1 =	vshll.u32 v2, $0x7  }
0x31: {  	s17 =	sadd.s32 $0x1B0, s6;
	[tilespmem:$0x1FF50] =	vst v1;
	v1 =	vshll.u32 v44, $0x7  }
0x32: {  	s9 =	sadd.s32 $0x1C0, s6;
	[tilespmem:$0x1FF60] =	vst v1;
	v1 =	vor.u32 s17, v0  }
0x33: {  	[tilespmem:$0x1FF40] =	vst v2;
	v2 =	vor.u32 s9, v0;
	v3 =	vshll.u32 v1, $0x7  }
0x34: {  	s19 =	sadd.s32 $0x1D0, s6;
	[tilespmem:$0x1FF70] =	vst v3;
	v3 =	vshll.u32 v2, $0x7  }
0x35: {  	s1 =	rddreg [dreg:$0x3];
	s11 =	sadd.s32 $0x1E0, s6;
	[tilespmem:$0x1FF80] =	vst v3;
	v3 =	vor.u32 s19, v0  }
0x36: {  	v7 =	vimm.f32 $9.000000000e+00;
	s4 =	ssub.s32 $0x2, s4;
	s2 =	simm.s32 $0x0;
	s12 =	sadd.s32 $0x1F0, s6;
	v4 =	vor.u32 s11, v0;
	v6 =	vshll.u32 v3, $0x7  }
0x37: {  	v55 =	vmov s5;
	s14 =	sadd.s32 $0x170, s6;
	s15 =	sadd.s32 $0x180, s6;
	[smem:$0x7FF] =	sst s2;
	v5 =	vor.u32 s12, v0;
	[tilespmem:$0x1FF90] =	vst v6;
	v6 =	vshll.u32 v4, $0x7  }
0x38: {  	s16 =	sadd.s32 $0x190, s6;
	v46 =	vor.u32 s14, v0;
	v47 =	vor.u32 s15, v0;
	s18 =	sadd.s32 $0x1A0, s6;
	s7 =	rddreg [dreg:$0x0];
	[tilespmem:$0x1FFA0] =	vst v6;
	v6 =	vshll.u32 v5, $0x7  }
0x39: {  	v48 =	vor.u32 s16, v0;
	s14 =	sadd.s32 $0x270, s6;
	v49 =	vor.u32 s18, v0;
	s31 =	sadd.s32 $0x260, s6;
	s8 =	rddreg [dreg:$0x1];
	vm1 =	vge.u32 v5, v55;
	[tilespmem:$0x1FFB0] =	vst v6  }
0x3a: {  	s30 =	sadd.s32 $0x250, s6;
	s10 =	rddreg [dreg:$0x2];
	vm4 =	vge.u32 v4, v55;
	vm7 =	vge.u32 v2, v55;
	vm10 =	vge.u32 v1, v55;
	_ =	strace $0x80000047  }
0x3b: {  	s13 =	simm.s32 $0x580;
	s15 =	simm.s32 $0x600;
	s16 =	simm.s32 $0x880;
	v1 =	vor.u32 s31, v0;
	v2 =	vor.u32 s30, v0;
	(erf) = vrcp.f32 v7  }
0x3c: {  	s18 =	simm.s32 $0x900;
	s21 =	sshll.u32 s3, $0x4;
	s29 =	sadd.s32 $0x240, s6;
	vm11 =	vge.u32 v1, v55;
	v62 =	vshll.u32 v1, $0x7;
	v1 =	vshll.u32 v46, $0x7  }
0x3d: {  	s20 =	sadd.s32 $0x200, s6;
	s24 =	sshrl.u32 s4, $0x1;
	s26 =	sadd.s32 $0x230, s6;
	vm9 =	vge.u32 v2, v55;
	vm6 =	vge.u32 v3, v55;
	v3 =	vor.u32 s29, v0  }
0x3e: {  	s22 =	sadd.s32 $0x210, s6;
	s23 =	sadd.s32 $0x220, s6;
	s28 =	ssub.s32 s4, s24;
	v61 =	vshll.u32 v2, $0x7;
	v4 =	vor.u32 s26, v0;
	vm8 =	vge.u32 v3, v55  }
0x3f: {  	s25 =	sshrl.u32 s6, $0x3;
	s3 =	sadd.s32 $0x400, s7;
	s7 =	sadd.s32 s21, s7;
	v60 =	vshll.u32 v3, $0x7;
	v3 =	vshll.u32 v47, $0x7;
	v5 =	vor.u32 s23, v0  }
0x40: {  	s21 =	simm.s32 $0x1;
	s4 =	sadd.s32 s8, s25;
	s8 =	simm.s32 $0x2;
	v6 =	vor.u32 s20, v0;
	vm3 =	vge.u32 v5, v55;
	v5 =	vshll.u32 v5, $0x7  }
0x41: {  	s12 =	simm.s32 $0x780;
	s5 =	sadd.s32 s10, s25;
	s10 =	simm.s32 $0x80;
	vm5 =	vge.u32 v4, v55;
	v4 =	vshll.u32 v4, $0x7;
	vm0 =	vge.u32 v6, v55;
	[tilespmem:$0x1FFE0] =	vst v5  }
0x42: {  	s6 =	sadd.s32 $0x4E600, s7;
	s7 =	smax.u32 s28, $0x1;
	s11 =	simm.s32 $0x500;
	[tilespmem:$0x1FFF0] =	vst v4;
	v7 =	vshll.u32 v6, $0x7;
	v6 =	vor.u32 s22, v0;
	v0 =	vor.u32 s14, v0  }
0x43: {  	s9 =	simm.s32 $0x280;
	s17 =	simm.s32 $0x680;
	s19 =	simm.s32 $0x700;
	[tilespmem:$0x1FFC0] =	vst v7;
	vm2 =	vge.u32 v6, v55;
	v6 =	vshll.u32 v6, $0x7;
	vm12 =	vge.u32 v0, v55  }
0x44: {  	s20 =	simm.s32 $0x980;
	s14 =	simm.s32 $0x800;
	s22 =	simm.s32 $0xA00;
	v63 =	vshll.u32 v0, $0x7;
	v7 =	vshll.u32 v49, $0x7;
	[tilespmem:$0x1FFD0] =	vst v6;
	v6 =	vshll.u32 v48, $0x7;
	v9 =	vpop (erf)  }
.LBB2_1:
0x45: {  	[tilespmem:s2], [sflag:$0x2] =	stream.linear.gather [hbm4b:s4+s2], $0x280, $0x38;
	[tilespmem:$0xA80] =	vst v63  }
0x46: {  	_ =	swait.ge [sflag:s8], $0x280  }
0x47: {  	[sflag:s8] =	ssyncset.done $0x0  }
0x48: {  	[sflag:s8] =	ssyncadd.s32 $0xFFFFFD80  }
0x49: {  	[tilespmem:s9], [sflag:$0x2] =	stream.linear.gather [hbm4b:s5+s2], $0x280, $0x38;
	[tilespmem:$0xA80] =	vst v63  }
0x4a: {  	_ =	swait.ge [sflag:s8], $0x280  }
0x4b: {  	v11 =	vld [tilespmem:$0x1FCB0]  }
0x4c: {  	v12 =	vld [tilespmem:$0x1FCD0]  }
0x4d: {  	[sflag:s8] =	ssyncset.done $0x0;
	v13 =	vld [tilespmem:$0x1FCF0]  }
0x4e: {  	v14 =	vld [tilespmem:$0x1FD10];
	[sflag:s8] =	ssyncadd.s32 $0xFFFFFD80  }
0x4f: {  	v0 =	vld [tilespmem:$0x0]  }
0x50: {  	v2 =	vld [tilespmem:$0x10]  }
0x51: {  	v4 =	vld [tilespmem:$0x20]  }
0x52: {  	v5 =	vld [tilespmem:$0x30]  }
0x53: {  	v8 =	vld [tilespmem:$0x40]  }
0x54: {  	v10 =	vld [tilespmem:$0x50];
	vm13 =	vgt.s32 v0, $0x0  }
0x55: {  	v33 =	vld [tilespmem:$0x70];
	v0 =	vnsel vm13, $0x0, v0  }
0x56: {  	v34 =	vld [tilespmem:$0x80];
	v0 =	vmin.u32 v0, $0x4F  }
0x57: {  	v0 =	vor.u32 v11, v0;
	v11 =	vld [tilespmem:$0x60]  }
0x58: {  	v35 =	vld [tilespmem:$0x90]  }
0x59: {  	v15 =	vld [tilespmem:$0x1FD30]  }
0x5a: {  	v36 =	vld [tilespmem:$0xA0]  }
0x5b: {  	v16 =	vld [tilespmem:$0x1FD50]  }
0x5c: {  	v37 =	vld [tilespmem:$0xB0]  }
0x5d: {  	v17 =	vld [tilespmem:$0x1FD70]  }
0x5e: {  	v38 =	vld [tilespmem:$0xC0]  }
0x5f: {  	v18 =	vld [tilespmem:$0x1FD90]  }
0x60: {  	vm13 =	vgt.s32 v2, $0x0;
	v39 =	vld [tilespmem:$0xD0]  }
0x61: {  	v2 =	vnsel vm13, $0x0, v2;
	vm13 =	vgt.s32 v4, $0x0;
	v19 =	vld [tilespmem:$0x1FDB0]  }
0x62: {  	v2 =	vmin.u32 v2, $0x4F;
	v4 =	vnsel vm13, $0x0, v4;
	v40 =	vld [tilespmem:$0xE0]  }
0x63: {  	vm13 =	vgt.s32 v5, $0x0;
	v20 =	vld [tilespmem:$0x1FDD0];
	v2 =	vor.u32 v12, v2;
	v4 =	vmin.u32 v4, $0x4F  }
0x64: {  	v41 =	vld [tilespmem:$0xF0];
	v5 =	vnsel vm13, $0x0, v5;
	vm13 =	vgt.s32 v8, $0x0;
	v4 =	vor.u32 v13, v4  }
0x65: {  	v45 =	vld [tilespmem:$0x100];
	v5 =	vmin.u32 v5, $0x4F;
	v8 =	vnsel vm13, $0x0, v8;
	vm13 =	vgt.s32 v10, $0x0  }
0x66: {  	v51 =	vld [tilespmem:$0x110];
	v5 =	vor.u32 v14, v5;
	v8 =	vmin.u32 v8, $0x4F;
	v10 =	vnsel vm13, $0x0, v10  }
0x67: {  	v53 =	vld [tilespmem:$0x120];
	v10 =	vmin.u32 v10, $0x4F;
	vm13 =	vgt.s32 v11, $0x0;
	v8 =	vor.u32 v15, v8  }
0x68: {  	v57 =	vld [tilespmem:$0x130];
	v10 =	vor.u32 v16, v10;
	v11 =	vnsel vm13, $0x0, v11;
	vm13 =	vgt.s32 v33, $0x0  }
0x69: {  	v58 =	vld [tilespmem:$0x140];
	v11 =	vmin.u32 v11, $0x4F;
	v12 =	vnsel vm13, $0x0, v33;
	vm13 =	vgt.s32 v34, $0x0  }
0x6a: {  	[tilespmem:$0x500] =	vst v0;
	v0 =	vld [tilespmem:$0x1FDF0];
	v11 =	vor.u32 v17, v11;
	v13 =	vnsel vm13, $0x0, v34;
	vm13 =	vgt.s32 v35, $0x0  }
0x6b: {  	[tilespmem:$0x520] =	vst v4;
	v4 =	vld [tilespmem:$0x1FE30];
	v13 =	vmin.u32 v13, $0x4F;
	v14 =	vnsel vm13, $0x0, v35;
	vm13 =	vgt.s32 v36, $0x0  }
0x6c: {  	v59 =	vld [tilespmem:$0x150];
	v13 =	vor.u32 v19, v13;
	v15 =	vnsel vm13, $0x0, v36;
	vm13 =	vgt.s32 v37, $0x0  }
0x6d: {  	[tilespmem:$0x540] =	vst v8;
	v8 =	vld [tilespmem:$0x1FE50];
	v14 =	vmin.u32 v14, $0x4F;
	v16 =	vnsel vm13, $0x0, v37;
	vm13 =	vgt.s32 v38, $0x0  }
0x6e: {  	[tilespmem:$0x550] =	vst v10;
	v10 =	vld [tilespmem:$0x1FE70];
	v14 =	vor.u32 v20, v14;
	v15 =	vmin.u32 v15, $0x4F;
	v43 =	vnsel vm13, $0x0, v38  }
0x6f: {  	[tilespmem:$0x560] =	vst v11;
	v11 =	vld [tilespmem:$0x1FE90];
	v0 =	vor.u32 v0, v15;
	vm13 =	vgt.s32 v39, $0x0;
	v50 =	vmin.u32 v43, $0x4F  }
0x70: {  	v21 =	vld [tilespmem:$0x1FEB0];
	[tilespmem:$0x510] =	vst v2;
	v52 =	vnsel vm13, $0x0, v39;
	vm13 =	vgt.s32 v40, $0x0;
	v4 =	vor.u32 v4, v50  }
0x71: {  	v2 =	vld [tilespmem:$0x1FE10];
	[tilespmem:$0x530] =	vst v5;
	v5 =	vmin.u32 v52, $0x4F;
	v54 =	vnsel vm13, $0x0, v40;
	vm13 =	vgt.s32 v41, $0x0  }
0x72: {  	v23 =	vld [tilespmem:$0x160];
	v5 =	vor.u32 v8, v5;
	v8 =	vmin.u32 v54, $0x4F;
	v56 =	vnsel vm13, $0x0, v41  }
0x73: {  	[tilespmem:$0x5A0] =	vst v0;
	v0 =	vld [tilespmem:$0x1FEF0];
	vm13 =	vgt.s32 v45, $0x0;
	v8 =	vor.u32 v10, v8;
	v10 =	vmin.u32 v56, $0x4F  }
0x74: {  	v25 =	vld [tilespmem:$0x170];
	[tilespmem:$0x580] =	vst v13;
	v10 =	vor.u32 v11, v10;
	v11 =	vnsel vm13, $0x0, v45;
	vm13 =	vgt.s32 v51, $0x0  }
0x75: {  	v42 =	vmin.u32 v16, $0x4F;
	[tilespmem:$0x5C0] =	vst v4;
	v4 =	vld [tilespmem:$0x1FF10];
	v20 =	vnsel vm13, $0x0, v51;
	vm13 =	vgt.s32 v53, $0x0  }
0x76: {  	v2 =	vor.u32 v2, v42;
	[tilespmem:$0x5D0] =	vst v5;
	v5 =	vld [tilespmem:$0x1FF30];
	v11 =	vmin.u32 v11, $0x4F;
	v22 =	vnsel vm13, $0x0, v53  }
0x77: {  	[tilespmem:$0x5E0] =	vst v8;
	v8 =	vld [tilespmem:$0x1FF50];
	v11 =	vor.u32 v21, v11;
	vm13 =	vgt.s32 v57, $0x0;
	v13 =	vmin.u32 v22, $0x4F  }
0x78: {  	v27 =	vld [tilespmem:$0x180];
	[tilespmem:$0x5B0] =	vst v2;
	v26 =	vnsel vm13, $0x0, v57;
	vm13 =	vgt.s32 v58, $0x0;
	v0 =	vor.u32 v0, v13  }
0x79: {  	[tilespmem:$0x600] =	vst v11;
	v11 =	vld [tilespmem:$0x1FF60];
	v2 =	vmin.u32 v26, $0x4F;
	v28 =	vnsel vm13, $0x0, v58;
	vm13 =	vgt.s32 v59, $0x0  }
0x7a: {  	v30 =	vld [tilespmem:$0x190];
	v2 =	vor.u32 v4, v2;
	v4 =	vmin.u32 v28, $0x4F;
	v29 =	vnsel vm13, $0x0, v59  }
0x7b: {  	v31 =	vld [tilespmem:$0x1A0];
	vm13 =	vgt.s32 v23, $0x0;
	v4 =	vor.u32 v5, v4;
	v5 =	vmin.u32 v29, $0x4F  }
0x7c: {  	v24 =	vld [tilespmem:$0x1FED0];
	[tilespmem:$0x5F0] =	vst v10;
	v5 =	vor.u32 v8, v5;
	v8 =	vnsel vm13, $0x0, v23;
	vm13 =	vgt.s32 v25, $0x0  }
0x7d: {  	v32 =	vld [tilespmem:$0x1B0];
	[tilespmem:$0x620] =	vst v0;
	v8 =	vmin.u32 v8, $0x4F;
	v10 =	vnsel vm13, $0x0, v25;
	vm13 =	vgt.s32 v27, $0x0  }
0x7e: {  	v33 =	vld [tilespmem:$0x1C0];
	[tilespmem:$0x630] =	vst v2;
	v8 =	vor.u32 v11, v8;
	v11 =	vnsel vm13, $0x0, v27  }
0x7f: {  	v34 =	vld [tilespmem:$0x1D0];
	[tilespmem:$0x640] =	vst v4;
	vm13 =	vgt.s32 v30, $0x0;
	v11 =	vmin.u32 v11, $0x4F  }
0x80: {  	[tilespmem:$0x660] =	vst v8;
	v8 =	vld [tilespmem:$0x1FF70];
	v0 =	vor.u32 v3, v11;
	v11 =	vnsel vm13, $0x0, v30;
	vm13 =	vgt.s32 v31, $0x0  }
0x81: {  	v35 =	vld [tilespmem:$0x1E0];
	[tilespmem:$0x650] =	vst v5;
	v2 =	vmin.u32 v11, $0x4F;
	v11 =	vnsel vm13, $0x0, v31  }
0x82: {  	vm13 =	vgt.s32 v32, $0x0;
	[tilespmem:$0x680] =	vst v0;
	v0 =	vld [tilespmem:$0x1FF80];
	v2 =	vor.u32 v6, v2;
	v4 =	vmin.u32 v11, $0x4F  }
0x83: {  	v10 =	vmin.u32 v10, $0x4F;
	v11 =	vnsel vm13, $0x0, v32;
	v4 =	vor.u32 v7, v4;
	[tilespmem:$0x690] =	vst v2;
	v2 =	vld [tilespmem:$0x1FF90]  }
0x84: {  	v10 =	vor.u32 v1, v10;
	vm13 =	vgt.s32 v33, $0x0;
	v5 =	vmin.u32 v11, $0x4F;
	[tilespmem:$0x6A0] =	vst v4;
	v4 =	vld [tilespmem:$0x1FFA0]  }
0x85: {  	v36 =	vld [tilespmem:$0x1F0];
	v5 =	vor.u32 v8, v5;
	v8 =	vnsel vm13, $0x0, v33;
	vm13 =	vgt.s32 v34, $0x0  }
0x86: {  	[tilespmem:$0x670] =	vst v10;
	v11 =	vld [tilespmem:$0x200];
	v8 =	vmin.u32 v8, $0x4F;
	v10 =	vnsel vm13, $0x0, v34;
	vm13 =	vgt.s32 v35, $0x0  }
0x87: {  	v37 =	vld [tilespmem:$0x210];
	v0 =	vor.u32 v0, v8;
	v8 =	vmin.u32 v10, $0x4F;
	v10 =	vnsel vm13, $0x0, v35  }
0x88: {  	[tilespmem:$0x6C0] =	vst v0;
	v0 =	vld [tilespmem:$0x1FFB0];
	v2 =	vor.u32 v2, v8;
	v8 =	vmin.u32 v10, $0x4F  }
0x89: {  	v4 =	vor.u32 v4, v8;
	[tilespmem:$0x6D0] =	vst v2;
	v2 =	vld [tilespmem:$0x1FFC0]  }
0x8a: {  	vm13 =	vgt.s32 v36, $0x0;
	[tilespmem:$0x6E0] =	vst v4;
	v4 =	vld [tilespmem:$0x1FFD0]  }
0x8b: {  	v38 =	vld [tilespmem:$0x220];
	v8 =	vnsel vm13, $0x0, v36;
	vm13 =	vgt.s32 v11, $0x0  }
0x8c: {  	v39 =	vld [tilespmem:$0x240];
	[tilespmem:$0x6B0] =	vst v5;
	v5 =	vmin.u32 v8, $0x4F;
	v8 =	vnsel vm13, $0x0, v11;
	vm13 =	vgt.s32 v37, $0x0  }
0x8d: {  	v10 =	vld [tilespmem:$0x230];
	v0 =	vor.u32 v0, v5;
	v5 =	vmin.u32 v8, $0x4F;
	v8 =	vnsel vm13, $0x0, v37  }
0x8e: {  	v11 =	vld [tilespmem:$0x250];
	v2 =	vor.u32 v2, v5;
	v5 =	vmin.u32 v8, $0x4F  }
0x8f: {  	v12 =	vmin.u32 v12, $0x4F;
	v4 =	vor.u32 v4, v5;
	[tilespmem:$0x700] =	vst v2;
	v2 =	vld [tilespmem:$0x1FFE0]  }
0x90: {  	v12 =	vor.u32 v18, v12;
	[tilespmem:$0x710] =	vst v4;
	v4 =	vld [tilespmem:$0x1FFF0]  }
0x91: {  	[tilespmem:$0x570] =	vst v12;
	v12 =	vmin.u32 v20, $0x4F;
	vm13 =	vgt.s32 v38, $0x0;
	v8 =	vld [tilespmem:$0x260]  }
0x92: {  	v40 =	vld [tilespmem:$0x270];
	v12 =	vor.u32 v24, v12;
	v5 =	vnsel vm13, $0x0, v38;
	vm13 =	vgt.s32 v10, $0x0  }
0x93: {  	[tilespmem:$0x6F0] =	vst v0;
	v0 =	vmin.u32 v5, $0x4F;
	v5 =	vnsel vm13, $0x0, v10;
	vm13 =	vgt.s32 v39, $0x0  }
0x94: {  	[tilespmem:$0x590] =	vst v14;
	v0 =	vor.u32 v2, v0;
	v2 =	vmin.u32 v5, $0x4F;
	v5 =	vnsel vm13, $0x0, v39  }
0x95: {  	[tilespmem:$0x610] =	vst v12;
	vm13 =	vgt.s32 v11, $0x0;
	v2 =	vor.u32 v4, v2;
	v4 =	vmin.u32 v5, $0x4F  }
0x96: {  	[tilespmem:$0x720] =	vst v0;
	v0 =	vor.u32 v60, v4;
	v4 =	vnsel vm13, $0x0, v11;
	vm13 =	vgt.s32 v8, $0x0  }
0x97: {  	[tilespmem:$0x730] =	vst v2;
	v2 =	vmin.u32 v4, $0x4F;
	v4 =	vnsel vm13, $0x0, v8;
	vm13 =	vgt.s32 v40, $0x0  }
0x98: {  	[tilespmem:$0x740] =	vst v0;
	v0 =	vor.u32 v61, v2;
	v2 =	vmin.u32 v4, $0x4F;
	v4 =	vnsel vm13, $0x0, v40  }
0x99: {  	[tilespmem:$0x750] =	vst v0;
	v0 =	vor.u32 v62, v2;
	v2 =	vmin.u32 v4, $0x4F  }
0x9a: {  	[tilespmem:$0x760] =	vst v0;
	v0 =	vor.u32 v63, v2  }
0x9b: {  	[tilespmem:$0x770] =	vst v0  }
0x9c: {  	[tilespmem:s12], [sflag:$0x1] =	stream.indirect.gather [hbm4b:s3+s10], $0x1, s11, s10, $0xb8;
	[tilespmem:$0xA80] =	vst v63  }
0x9d: {  	_ = 	snop  }
0x9e: {  	[tilespmem:s14], [sflag:$0x1] =	stream.indirect.gather [hbm4b:s3+s10], $0x1, s13, s10, $0xb8;
	[tilespmem:$0xA80] =	vst v63  }
0x9f: {  	_ = 	snop  }
0xa0: {  	[tilespmem:s16], [sflag:$0x1] =	stream.indirect.gather [hbm4b:s3+s10], $0x1, s15, s10, $0xb8;
	[tilespmem:$0xA80] =	vst v63  }
0xa1: {  	_ = 	snop  }
0xa2: {  	[tilespmem:s18], [sflag:$0x1] =	stream.indirect.gather [hbm4b:s3+s10], $0x1, s17, s10, $0xb8;
	[tilespmem:$0xA80] =	vst v63  }
0xa3: {  	_ = 	snop  }
0xa4: {  	[tilespmem:s20], [sflag:$0x1] =	stream.indirect.gather [hbm4b:s3+s10], $0x1, s19, s10, $0xb8;
	[tilespmem:$0xA80] =	vst v63  }
0xa5: {  	_ =	swait.ge [sflag:s21], $0x80  }
0xa6: {  	[sflag:s21] =	ssyncset.done $0x0  }
0xa7: {  	[sflag:s21] =	ssyncadd.s32 $0xFFFFFF80  }
0xa8: {  	_ =	swait.ge [sflag:s21], $0x80  }
0xa9: {  	[sflag:s21] =	ssyncset.done $0x0  }
0xaa: {  	[sflag:s21] =	ssyncadd.s32 $0xFFFFFF80  }
0xab: {  	_ =	swait.ge [sflag:s21], $0x80  }
0xac: {  	[sflag:s21] =	ssyncset.done $0x0  }
0xad: {  	[sflag:s21] =	ssyncadd.s32 $0xFFFFFF80  }
0xae: {  	_ =	swait.ge [sflag:s21], $0x80  }
0xaf: {  	[sflag:s21] =	ssyncset.done $0x0  }
0xb0: {  	[sflag:s21] =	ssyncadd.s32 $0xFFFFFF80  }
0xb1: {  	_ =	swait.ge [sflag:s21], $0x80  }
0xb2: {  	[sflag:s21] =	ssyncset.done $0x0  }
0xb3: {  	[sflag:s21] =	ssyncadd.s32 $0xFFFFFF80  }
0xb4: {  	v0 =	vld [tilespmem:$0x780];
	_ =	sdelay $0x4  }
0xb5: {  	v2 =	vand.u32 $0x7FFFFFFF, v0  }
0xb6: {  	v2 =	vsub.f32 $0.0e+00, v2;
	_ =	sdelay $0x1  }
0xb7: {  	v2 =	vmul.f32 $1.442695020e+00, v2;
	_ =	sdelay $0x1  }
0xb8: {  	(erf) = vpow2.f32 v2;
	_ =	sdelay $0x3  }
0xb9: {  	v8 =	vld [tilespmem:$0x790];
	_ =	sdelay $0x4  }
0xba: {  	v2 =	vand.u32 $0x7FFFFFFF, v8;
	v4 =	vpop (erf)  }
0xbb: {  	v2 =	vsub.f32 $0.0e+00, v2;
	v5 =	vadd.f32 $2.000000000e+00, v4  }
0xbc: {  	v10 =	vadd.f32 $1.000000000e+00, v4  }
0xbd: {  	v2 =	vmul.f32 $1.442695020e+00, v2;
	(erf) = vrcp.f32 v5  }
0xbe: {  	(erf) = vrcp.f32 v10  }
0xbf: {  	(erf) = vpow2.f32 v2;
	_ =	sdelay $0x3  }
0xc0: {  	v10 =	vld [tilespmem:$0x7A0];
	_ =	sdelay $0x2  }
0xc1: {  	v5 =	vpop (erf)  }
0xc2: {  	v15 =	vpop (erf)  }
0xc3: {  	v2 =	vand.u32 $0x7FFFFFFF, v10;
	v23 =	vpop (erf)  }
0xc4: {  	v2 =	vsub.f32 $0.0e+00, v2;
	v11 =	vadd.f32 $2.000000000e+00, v23  }
0xc5: {  	v41 =	vadd.f32 $1.000000000e+00, v23  }
0xc6: {  	v2 =	vmul.f32 $1.442695020e+00, v2;
	(erf) = vrcp.f32 v11  }
0xc7: {  	(erf) = vrcp.f32 v41  }
0xc8: {  	(erf) = vpow2.f32 v2;
	_ =	sdelay $0x3  }
0xc9: {  	v17 =	vld [tilespmem:$0x7B0];
	_ =	sdelay $0x2  }
0xca: {  	v45 =	vpop (erf)  }
0xcb: {  	v14 =	vpop (erf)  }
0xcc: {  	v2 =	vand.u32 $0x7FFFFFFF, v17;
	v51 =	vpop (erf)  }
0xcd: {  	v2 =	vsub.f32 $0.0e+00, v2;
	v11 =	vadd.f32 $2.000000000e+00, v51  }
0xce: {  	v42 =	vadd.f32 $1.000000000e+00, v51  }
0xcf: {  	v2 =	vmul.f32 $1.442695020e+00, v2;
	(erf) = vrcp.f32 v11  }
0xd0: {  	(erf) = vrcp.f32 v42  }
0xd1: {  	(erf) = vpow2.f32 v2;
	_ =	sdelay $0x3  }
0xd2: {  	v19 =	vld [tilespmem:$0x7C0];
	_ =	sdelay $0x2  }
0xd3: {  	v56 =	vpop (erf)  }
0xd4: {  	v12 =	vpop (erf)  }
0xd5: {  	v2 =	vand.u32 $0x7FFFFFFF, v19;
	v18 =	vpop (erf)  }
0xd6: {  	v2 =	vsub.f32 $0.0e+00, v2;
	v11 =	vadd.f32 $2.000000000e+00, v18  }
0xd7: {  	v43 =	vadd.f32 $1.000000000e+00, v18  }
0xd8: {  	v2 =	vmul.f32 $1.442695020e+00, v2;
	(erf) = vrcp.f32 v11  }
0xd9: {  	(erf) = vrcp.f32 v43  }
0xda: {  	(erf) = vpow2.f32 v2;
	_ =	sdelay $0x3  }
0xdb: {  	v25 =	vld [tilespmem:$0x7D0];
	_ =	sdelay $0x2  }
0xdc: {  	v36 =	vpop (erf)  }
0xdd: {  	v20 =	vpop (erf)  }
0xde: {  	v2 =	vand.u32 $0x7FFFFFFF, v25;
	v43 =	vpop (erf)  }
0xdf: {  	v2 =	vsub.f32 $0.0e+00, v2;
	v11 =	vadd.f32 $2.000000000e+00, v43  }
0xe0: {  	v50 =	vadd.f32 $1.000000000e+00, v43  }
0xe1: {  	v2 =	vmul.f32 $1.442695020e+00, v2;
	(erf) = vrcp.f32 v11  }
0xe2: {  	(erf) = vrcp.f32 v50  }
0xe3: {  	(erf) = vpow2.f32 v2;
	_ =	sdelay $0x3  }
0xe4: {  	v24 =	vld [tilespmem:$0x7E0];
	_ =	sdelay $0x2  }
0xe5: {  	v53 =	vpop (erf)  }
0xe6: {  	v2 =	vpop (erf)  }
0xe7: {  	v11 =	vand.u32 $0x7FFFFFFF, v24;
	v21 =	vpop (erf)  }
0xe8: {  	v11 =	vsub.f32 $0.0e+00, v11;
	v52 =	vadd.f32 $2.000000000e+00, v21  }
0xe9: {  	v54 =	vadd.f32 $1.000000000e+00, v21  }
0xea: {  	v11 =	vmul.f32 $1.442695020e+00, v11;
	(erf) = vrcp.f32 v52  }
0xeb: {  	(erf) = vrcp.f32 v54  }
0xec: {  	(erf) = vpow2.f32 v11;
	_ =	sdelay $0x3  }
0xed: {  	v31 =	vld [tilespmem:$0x7F0];
	_ =	sdelay $0x2  }
0xee: {  	v37 =	vpop (erf)  }
0xef: {  	v42 =	vpop (erf)  }
0xf0: {  	v11 =	vand.u32 $0x7FFFFFFF, v31;
	v16 =	vpop (erf)  }
0xf1: {  	v11 =	vsub.f32 $0.0e+00, v11;
	v57 =	vadd.f32 $2.000000000e+00, v16  }
0xf2: {  	v22 =	vadd.f32 $1.000000000e+00, v16  }
0xf3: {  	v11 =	vmul.f32 $1.442695020e+00, v11;
	(erf) = vrcp.f32 v57  }
0xf4: {  	(erf) = vrcp.f32 v22  }
0xf5: {  	(erf) = vpow2.f32 v11;
	_ =	sdelay $0x3  }
0xf6: {  	v30 =	vld [tilespmem:$0x800];
	_ =	sdelay $0x2  }
0xf7: {  	v22 =	vpop (erf)  }
0xf8: {  	v11 =	vpop (erf)  }
0xf9: {  	v58 =	vand.u32 $0x7FFFFFFF, v30;
	v52 =	vpop (erf)  }
0xfa: {  	v13 =	vsub.f32 $0.0e+00, v58;
	v27 =	vadd.f32 $2.000000000e+00, v52  }
0xfb: {  	v33 =	vadd.f32 $1.000000000e+00, v52  }
0xfc: {  	v13 =	vmul.f32 $1.442695020e+00, v13;
	(erf) = vrcp.f32 v27  }
0xfd: {  	v4 =	vmul.f32 v5, v4;
	(erf) = vrcp.f32 v33  }
0xfe: {  	(erf) = vpow2.f32 v13  }
0xff: {  	v59 =	vmul.f32 v4, v4;
	_ =	sdelay $0x1  }
0x100: {  	v5 =	vmul.f32 v59, v9  }
0x101: {  	v27 =	vld [tilespmem:$0x810]  }
0x102: {  	v35 =	vadd.f32 $1.428571490e-01, v5;
	_ =	sdelay $0x1  }
0x103: {  	v13 =	vmul.f32 v35, v59;
	v54 =	vpop (erf)  }
0x104: {  	v39 =	vpop (erf)  }
0x105: {  	v13 =	vadd.f32 $2.000000030e-01, v13;
	v50 =	vand.u32 $0x7FFFFFFF, v27;
	v5 =	vpop (erf)  }
0x106: {  	v50 =	vsub.f32 $0.0e+00, v50;
	v26 =	vadd.f32 $2.000000000e+00, v5  }
0x107: {  	v13 =	vmul.f32 v13, v59;
	v28 =	vadd.f32 $1.000000000e+00, v5  }
0x108: {  	v38 =	vmul.f32 $1.442695020e+00, v50;
	(erf) = vrcp.f32 v26  }
0x109: {  	(erf) = vrcp.f32 v28  }
0x10a: {  	v40 =	vadd.f32 $3.333333430e-01, v13;
	(erf) = vpow2.f32 v38;
	_ =	sdelay $0x1  }
0x10b: {  	v26 =	vmul.f32 v40, v59;
	_ =	sdelay $0x1  }
0x10c: {  	v4 =	vadd.f32 v4, v4;
	v13 =	vld [tilespmem:$0x820];
	v26 =	vadd.f32 $1.000000000e+00, v26;
	_ =	sdelay $0x1  }
0x10d: {  	v23 =	vmul.f32 v45, v23;
	v26 =	vmul.f32 v26, v4  }
0x10e: {  	v29 =	vmax.f32 v0, $0.0e+00;
	v41 =	vld [tilespmem:$0x280];
	v50 =	vpop (erf)  }
0x10f: {  	v26 =	vadd.f32 v26, v29;
	v29 =	vmul.f32 v23, v23;
	v33 =	vpop (erf)  }
0x110: {  	v57 =	vand.u32 $0x7FFFFFFF, v13;
	v4 =	vpop (erf)  }
0x111: {  	v45 =	vsub.f32 $0.0e+00, v57;
	v59 =	vmul.f32 v29, v9;
	v32 =	vadd.f32 $2.000000000e+00, v4  }
0x112: {  	vm13 =	vge.f32 v0, $0.0e+00;
	v57 =	vsub.f32 $1.000000000e+00, v15;
	v34 =	vadd.f32 $1.000000000e+00, v4  }
0x113: {  	v0 =	vmul.f32 v0, v41;
	v38 =	vadd.f32 $1.428571490e-01, v59;
	(erf) = vrcp.f32 v32  }
0x114: {  	v58 =	vmul.f32 $1.442695020e+00, v45;
	(erf) = vrcp.f32 v34;
	v34 =	vsel vm13, v15, v57  }
0x115: {  	v28 =	vmul.f32 v38, v29;
	v15 =	vsub.f32 v41, v34  }
0x116: {  	v0 =	vsub.f32 v26, v0;
	(erf) = vpow2.f32 v58  }
0x117: {  	v40 =	vld [tilespmem:$0x0];
	v28 =	vadd.f32 $2.000000030e-01, v28;
	v26 =	vmul.f32 v26, v34;
	v41 =	vand.u32 $0x7FFFFFFF, v15  }
0x118: {  	v56 =	vmul.f32 v56, v51;
	v59 =	vld [tilespmem:$0x1FCE0];
	v0 =	vmul.f32 v0, v41  }
0x119: {  	v35 =	vld [tilespmem:$0x1FCA0];
	v28 =	vmul.f32 v28, v29;
	v26 =	vmul.f32 v26, v34  }
0x11a: {  	v15 =	vld [tilespmem:$0x830];
	v34 =	vmul.f32 v56, v56;
	v0 =	vmul.f32 v0, v41  }
0x11b: {  	v28 =	vadd.f32 $3.333333430e-01, v28  }
0x11c: {  	vm15 =	vlt.u32 v40, $0x50;
	v38 =	vmul.f32 v34, v9  }
0x11d: {  	vm14 =	vge.u32 v59, v55;
	v59 =	vsub.f32 $1.000000000e+00, v14;
	v28 =	vmul.f32 v28, v29;
	v51 =	vpop (erf)  }
0x11e: {  	vm13 =	vge.u32 v35, v55;
	v29 =	vadd.f32 $1.428571490e-01, v38;
	v38 =	vld [tilespmem:$0x1FCC0];
	v26 =	vsub.f32 v0, v26;
	v0 =	vpop (erf)  }
0x11f: {  	v58 =	vadd.f32 v23, v23;
	v28 =	vadd.f32 $1.000000000e+00, v28;
	v40 =	vand.u32 $0x7FFFFFFF, v15;
	v45 =	vpop (erf)  }
0x120: {  	vm13 =	vmand vm13, vm15;
	v57 =	vsub.f32 $0.0e+00, v40;
	v41 =	vadd.f32 $2.000000000e+00, v45  }
0x121: {  	v29 =	vmul.f32 v29, v34;
	v28 =	vmul.f32 v28, v58;
	v40 =	vadd.f32 $1.000000000e+00, v45  }
0x122: {  	v26 =	vadd.f32 $0.0e+00, v26;
	(erf) = vrcp.f32 v41;
	v41 =	vmul.f32 $1.442695020e+00, v57;
	v57 =	vld [tilespmem:$0x290]  }
0x123: {  	v29 =	vadd.f32 $2.000000030e-01, v29;
	vm15 =	vge.u32 v38, v55;
	v38 =	vld [tilespmem:$0x10];
	(erf) = vrcp.f32 v40  }
0x124: {  	v23 =	vnsel vm13, $0x0, v26;
	vm13 =	vge.f32 v8, $0.0e+00;
	(erf) = vpow2.f32 v41  }
0x125: {  	v40 =	vmax.f32 v8, $0.0e+00;
	v41 =	vmul.f32 v29, v34;
	v29 =	vmul.f32 v36, v18  }
0x126: {  	v43 =	vmul.f32 v53, v43;
	v26 =	vsel vm13, v14, v59;
	v28 =	vadd.f32 v28, v40  }
0x127: {  	v18 =	vld [tilespmem:$0x840];
	v14 =	vadd.f32 $3.333333430e-01, v41;
	v35 =	vmul.f32 v29, v29;
	v8 =	vmul.f32 v8, v57  }
0x128: {  	v56 =	vadd.f32 v56, v56;
	vm13 =	vlt.u32 v38, $0x50;
	v58 =	vsub.f32 v57, v26  }
0x129: {  	v32 =	vmul.f32 v14, v34;
	v40 =	vmul.f32 v35, v9;
	v8 =	vsub.f32 v28, v8  }
0x12a: {  	vm13 =	vmand vm15, vm13;
	v59 =	vmul.f32 v28, v26;
	vm15 =	vge.f32 v10, $0.0e+00  }
0x12b: {  	v28 =	vand.u32 $0x7FFFFFFF, v58;
	v32 =	vadd.f32 $1.000000000e+00, v32;
	v34 =	vadd.f32 $1.428571490e-01, v40;
	v14 =	vpop (erf)  }
0x12c: {  	v26 =	vmul.f32 v59, v26;
	v40 =	vand.u32 $0x7FFFFFFF, v18;
	v41 =	vmul.f32 v8, v28;
	v36 =	vpop (erf)  }
0x12d: {  	v57 =	vsub.f32 $0.0e+00, v40;
	v32 =	vmul.f32 v32, v56;
	v34 =	vmul.f32 v34, v35;
	v8 =	vpop (erf)  }
0x12e: {  	v40 =	vld [tilespmem:$0x2A0];
	v28 =	vmul.f32 v41, v28;
	v41 =	vsub.f32 $1.000000000e+00, v12;
	v58 =	vadd.f32 $2.000000000e+00, v8  }
0x12f: {  	v38 =	vld [tilespmem:$0x20];
	v59 =	vmax.f32 v10, $0.0e+00;
	v56 =	vadd.f32 $1.000000000e+00, v8;
	v34 =	vadd.f32 $2.000000030e-01, v34  }
0x130: {  	v57 =	vmul.f32 $1.442695020e+00, v57;
	v32 =	vadd.f32 v32, v59;
	(erf) = vrcp.f32 v58  }
0x131: {  	v12 =	vsel vm15, v12, v41;
	v34 =	vmul.f32 v34, v35;
	(erf) = vrcp.f32 v56  }
0x132: {  	v53 =	vmul.f32 v32, v12;
	(erf) = vpow2.f32 v57  }
0x133: {  	v10 =	vmul.f32 v10, v40;
	v56 =	vmul.f32 v43, v43  }
0x134: {  	vm15 =	vlt.u32 v38, $0x50;
	v40 =	vsub.f32 v40, v12;
	v34 =	vadd.f32 $3.333333430e-01, v34  }
0x135: {  	v38 =	vmul.f32 v53, v12;
	v10 =	vsub.f32 v32, v10;
	v53 =	vmul.f32 v56, v9  }
0x136: {  	v32 =	vand.u32 $0x7FFFFFFF, v40;
	v34 =	vmul.f32 v34, v35  }
0x137: {  	v29 =	vadd.f32 v29, v29;
	v12 =	vld [tilespmem:$0x850];
	v10 =	vmul.f32 v10, v32  }
0x138: {  	v41 =	vsub.f32 $1.000000000e+00, v20;
	v40 =	vld [tilespmem:$0x2B0];
	v34 =	vadd.f32 $1.000000000e+00, v34  }
0x139: {  	vm14 =	vmand vm14, vm15;
	v57 =	vmul.f32 v37, v21;
	v35 =	vadd.f32 $1.428571490e-01, v53;
	v53 =	vpop (erf)  }
0x13a: {  	vm15 =	vge.f32 v17, $0.0e+00;
	v32 =	vmul.f32 v10, v32;
	v21 =	vmul.f32 v34, v29;
	v37 =	vpop (erf)  }
0x13b: {  	v20 =	vsel vm15, v20, v41;
	v34 =	vmul.f32 v35, v56;
	v35 =	vmul.f32 v57, v57;
	v10 =	vpop (erf)  }
0x13c: {  	v41 =	vand.u32 $0x7FFFFFFF, v12;
	v29 =	vmax.f32 v17, $0.0e+00;
	v58 =	vadd.f32 $2.000000000e+00, v10  }
0x13d: {  	v17 =	vmul.f32 v17, v40;
	v59 =	vsub.f32 $0.0e+00, v41;
	v41 =	vmul.f32 v35, v9  }
0x13e: {  	v34 =	vadd.f32 $2.000000030e-01, v34;
	(erf) = vrcp.f32 v58;
	v58 =	vadd.f32 $1.000000000e+00, v10  }
0x13f: {  	v21 =	vadd.f32 v21, v29;
	v59 =	vmul.f32 $1.442695020e+00, v59;
	v41 =	vadd.f32 $1.428571490e-01, v41  }
0x140: {  	v40 =	vsub.f32 v40, v20;
	v29 =	vmul.f32 v34, v56;
	(erf) = vrcp.f32 v58  }
0x141: {  	v17 =	vsub.f32 v21, v17;
	v41 =	vmul.f32 v41, v35;
	(erf) = vpow2.f32 v59  }
0x142: {  	v40 =	vand.u32 $0x7FFFFFFF, v40;
	v21 =	vmul.f32 v21, v20;
	v29 =	vadd.f32 $3.333333430e-01, v29  }
0x143: {  	v17 =	vmul.f32 v17, v40;
	v59 =	vsub.f32 v32, v38;
	v38 =	vadd.f32 $2.000000030e-01, v41  }
0x144: {  	v26 =	vsub.f32 v28, v26;
	v20 =	vmul.f32 v21, v20;
	v58 =	vmul.f32 v29, v56  }
0x145: {  	v34 =	vld [tilespmem:$0x30];
	v17 =	vmul.f32 v17, v40;
	v41 =	vadd.f32 v43, v43;
	v43 =	vmul.f32 v38, v35  }
0x146: {  	v22 =	vmul.f32 v22, v16;
	v4 =	vmul.f32 v51, v4;
	v26 =	vnsel vm13, $0x0, v26  }
0x147: {  	v21 =	vld [tilespmem:$0x860];
	v56 =	vmax.f32 v19, $0.0e+00;
	v28 =	vadd.f32 $1.000000000e+00, v58;
	v17 =	vsub.f32 v17, v20  }
0x148: {  	v40 =	vld [tilespmem:$0x2C0];
	v58 =	vsub.f32 $1.000000000e+00, v2;
	v29 =	vnsel vm14, $0x0, v59;
	vm14 =	vge.f32 v19, $0.0e+00;
	v20 =	vpop (erf)  }
0x149: {  	v59 =	vsub.f32 $1.000000000e+00, v42;
	v28 =	vmul.f32 v28, v41;
	v38 =	vadd.f32 $3.333333430e-01, v43;
	v43 =	vpop (erf)  }
0x14a: {  	vm13 =	vlt.u32 v34, $0x50;
	v34 =	vsel vm14, v2, v58;
	vm14 =	vge.f32 v25, $0.0e+00;
	v2 =	vpop (erf)  }
0x14b: {  	v32 =	vsel vm14, v42, v59;
	v59 =	vld [tilespmem:$0x1FD00];
	v28 =	vadd.f32 v28, v56;
	v56 =	vadd.f32 $2.000000000e+00, v2  }
0x14c: {  	v23 =	vadd.f32 v26, v23;
	v8 =	vmul.f32 v53, v8;
	v58 =	vand.u32 $0x7FFFFFFF, v21  }
0x14d: {  	v41 =	vsub.f32 $0.0e+00, v58;
	v19 =	vmul.f32 v19, v40;
	(erf) = vrcp.f32 v56;
	v56 =	vld [tilespmem:$0x1FD20]  }
0x14e: {  	v23 =	vadd.f32 v29, v23;
	v35 =	vmul.f32 v38, v35;
	v38 =	vadd.f32 $1.000000000e+00, v2  }
0x14f: {  	v16 =	vld [tilespmem:$0x40];
	v58 =	vsub.f32 v40, v34;
	v41 =	vmul.f32 $1.442695020e+00, v41;
	v19 =	vsub.f32 v28, v19  }
0x150: {  	vm14 =	vge.u32 v59, v55;
	(erf) = vrcp.f32 v38;
	v38 =	vmul.f32 v22, v22  }
0x151: {  	v20 =	vmul.f32 v20, v10;
	v35 =	vadd.f32 $1.000000000e+00, v35;
	vm13 =	vmand vm14, vm13  }
0x152: {  	v42 =	vld [tilespmem:$0x1FD40];
	(erf) = vpow2.f32 v41;
	v59 =	vmul.f32 v38, v9;
	vm14 =	vge.u32 v56, v55  }
0x153: {  	v56 =	vnsel vm13, $0x0, v17;
	v17 =	vadd.f32 v57, v57;
	v57 =	vmul.f32 v28, v34;
	v28 =	vld [tilespmem:$0x2D0]  }
0x154: {  	vm13 =	vlt.u32 v16, $0x50;
	v16 =	vand.u32 $0x7FFFFFFF, v58;
	v40 =	vadd.f32 $1.428571490e-01, v59  }
0x155: {  	v22 =	vadd.f32 v22, v22;
	v59 =	vmul.f32 v19, v16;
	v19 =	vld [tilespmem:$0x870];
	v17 =	vmul.f32 v35, v17  }
0x156: {  	v58 =	vmax.f32 v25, $0.0e+00;
	vm13 =	vmand vm14, vm13;
	v40 =	vmul.f32 v40, v38  }
0x157: {  	v34 =	vmul.f32 v57, v34;
	v16 =	vmul.f32 v59, v16;
	v35 =	vadd.f32 v17, v58  }
0x158: {  	vm14 =	vge.u32 v42, v55;
	v58 =	vadd.f32 $2.000000030e-01, v40;
	v25 =	vmul.f32 v25, v28  }
0x159: {  	v57 =	vsub.f32 v28, v32;
	v59 =	vsub.f32 v16, v34;
	v34 =	vld [tilespmem:$0x50];
	v26 =	vmul.f32 v35, v32  }
0x15a: {  	v17 =	vpop (erf);
	v28 =	vmul.f32 v58, v38;
	v58 =	vand.u32 $0x7FFFFFFF, v19;
	v25 =	vsub.f32 v35, v25  }
0x15b: {  	v42 =	vpop (erf);
	v35 =	vmul.f32 v54, v52;
	v29 =	vnsel vm13, $0x0, v59;
	v41 =	vsub.f32 $0.0e+00, v58  }
0x15c: {  	v54 =	vsub.f32 $1.000000000e+00, v11;
	v26 =	vmul.f32 v26, v32;
	v32 =	vand.u32 $0x7FFFFFFF, v57;
	v16 =	vpop (erf)  }
0x15d: {  	v28 =	vadd.f32 $3.333333430e-01, v28;
	v57 =	vadd.f32 $2.000000000e+00, v16;
	v25 =	vmul.f32 v25, v32  }
0x15e: {  	v41 =	vmul.f32 $1.442695020e+00, v41;
	vm13 =	vlt.u32 v34, $0x50;
	v34 =	vmul.f32 v35, v35  }
0x15f: {  	v52 =	vld [tilespmem:$0x2E0];
	v59 =	vadd.f32 $1.000000000e+00, v16;
	v28 =	vmul.f32 v28, v38;
	(erf) = vrcp.f32 v57  }
0x160: {  	vm14 =	vmand vm14, vm13;
	vm13 =	vge.f32 v24, $0.0e+00;
	v25 =	vmul.f32 v25, v32  }
0x161: {  	(erf) = vrcp.f32 v59;
	v57 =	vmul.f32 v34, v9;
	v28 =	vadd.f32 $1.000000000e+00, v28;
	v59 =	vld [tilespmem:$0x1FD60]  }
0x162: {  	v23 =	vadd.f32 v56, v23;
	v11 =	vsel vm13, v11, v54;
	(erf) = vpow2.f32 v41;
	v41 =	vld [tilespmem:$0x60]  }
0x163: {  	v26 =	vsub.f32 v25, v26;
	v25 =	vld [tilespmem:$0x880];
	v58 =	vadd.f32 $1.428571490e-01, v57;
	v22 =	vmul.f32 v28, v22  }
0x164: {  	v56 =	vmax.f32 v24, $0.0e+00;
	v23 =	vadd.f32 v29, v23;
	v57 =	vsub.f32 v52, v11  }
0x165: {  	v26 =	vnsel vm14, $0x0, v26;
	v32 =	vmul.f32 v58, v34;
	v22 =	vadd.f32 v22, v56  }
0x166: {  	v24 =	vmul.f32 v24, v52;
	v23 =	vadd.f32 v26, v23;
	vm13 =	vge.u32 v59, v55  }
0x167: {  	v59 =	vand.u32 $0x7FFFFFFF, v57;
	v32 =	vadd.f32 $2.000000030e-01, v32;
	v58 =	vmul.f32 v22, v11  }
0x168: {  	v22 =	vsub.f32 v22, v24;
	vm14 =	vlt.u32 v41, $0x50;
	v41 =	vand.u32 $0x7FFFFFFF, v25  }
0x169: {  	vm14 =	vmand vm13, vm14;
	v38 =	vmul.f32 v32, v34;
	v32 =	vmul.f32 v50, v5  }
0x16a: {  	v52 =	vpop (erf);
	v26 =	vmul.f32 v58, v11;
	v22 =	vmul.f32 v22, v59;
	v58 =	vadd.f32 v35, v35  }
0x16b: {  	v5 =	vpop (erf);
	v16 =	vmul.f32 v52, v16;
	v40 =	vadd.f32 $3.333333430e-01, v38;
	v29 =	vmul.f32 v32, v32  }
0x16c: {  	v11 =	vpop (erf);
	v22 =	vmul.f32 v22, v59;
	v38 =	vsub.f32 $0.0e+00, v41;
	v32 =	vadd.f32 v32, v32  }
0x16d: {  	v41 =	vld [tilespmem:$0x1FD80];
	v50 =	vadd.f32 $2.000000000e+00, v11;
	v56 =	vadd.f32 $1.000000000e+00, v11;
	v28 =	vmul.f32 v40, v34  }
0x16e: {  	v54 =	vmul.f32 v29, v9;
	v57 =	vmul.f32 $1.442695020e+00, v38;
	v22 =	vsub.f32 v22, v26  }
0x16f: {  	v59 =	vld [tilespmem:$0x2F0];
	v38 =	vmul.f32 v4, v4;
	v40 =	vsub.f32 $1.000000000e+00, v0;
	(erf) = vrcp.f32 v50  }
0x170: {  	v4 =	vadd.f32 v4, v4;
	v50 =	vld [tilespmem:$0x70];
	(erf) = vrcp.f32 v56;
	v28 =	vadd.f32 $1.000000000e+00, v28  }
0x171: {  	v24 =	vld [tilespmem:$0x890];
	v34 =	vadd.f32 $1.428571490e-01, v54;
	v22 =	vnsel vm14, $0x0, v22;
	vm14 =	vge.f32 v31, $0.0e+00  }
0x172: {  	(erf) = vpow2.f32 v57;
	vm13 =	vge.u32 v41, v55;
	v54 =	vmul.f32 v28, v58  }
0x173: {  	v57 =	vmax.f32 v31, $0.0e+00;
	v56 =	vmul.f32 v34, v29;
	v58 =	vsub.f32 $1.000000000e+00, v39  }
0x174: {  	v22 =	vadd.f32 v22, v23;
	v31 =	vmul.f32 v31, v59;
	v28 =	vadd.f32 v54, v57  }
0x175: {  	v26 =	vadd.f32 $2.000000030e-01, v56;
	v34 =	vsel vm14, v39, v58;
	vm14 =	vlt.u32 v50, $0x50  }
0x176: {  	v54 =	vmul.f32 v38, v9;
	v57 =	vand.u32 $0x7FFFFFFF, v24;
	v35 =	vsub.f32 v59, v34  }
0x177: {  	vm13 =	vmand vm13, vm14;
	v39 =	vmul.f32 v28, v34;
	v26 =	vmul.f32 v26, v29  }
0x178: {  	v41 =	vld [tilespmem:$0x300];
	v59 =	vsub.f32 v28, v31;
	v28 =	vadd.f32 $1.428571490e-01, v54;
	v56 =	vand.u32 $0x7FFFFFFF, v35  }
0x179: {  	v35 =	vsub.f32 $0.0e+00, v57;
	v31 =	vmul.f32 v39, v34;
	v26 =	vadd.f32 $3.333333430e-01, v26  }
0x17a: {  	vm14 =	vge.f32 v30, $0.0e+00;
	v23 =	vmul.f32 v59, v56;
	v28 =	vmul.f32 v28, v38  }
0x17b: {  	v57 =	vsub.f32 $1.000000000e+00, v33;
	v51 =	vpop (erf);
	v54 =	vmul.f32 $1.442695020e+00, v35;
	v26 =	vmul.f32 v26, v29  }
0x17c: {  	v11 =	vmul.f32 v51, v11;
	v39 =	vpop (erf);
	v23 =	vmul.f32 v23, v56;
	v28 =	vadd.f32 $2.000000030e-01, v28  }
0x17d: {  	v56 =	vmax.f32 v30, $0.0e+00;
	v30 =	vmul.f32 v30, v41;
	v50 =	vpop (erf);
	v26 =	vadd.f32 $1.000000000e+00, v26  }
0x17e: {  	v58 =	vadd.f32 $2.000000000e+00, v50;
	v59 =	vadd.f32 $1.000000000e+00, v50;
	v28 =	vmul.f32 v28, v38  }
0x17f: {  	v23 =	vsub.f32 v23, v31;
	v26 =	vmul.f32 v26, v32;
	v32 =	vmul.f32 v14, v45  }
0x180: {  	v31 =	vsel vm14, v33, v57;
	(erf) = vrcp.f32 v58;
	v28 =	vadd.f32 $3.333333430e-01, v28  }
0x181: {  	(erf) = vrcp.f32 v59;
	v26 =	vadd.f32 v26, v56;
	v35 =	vmul.f32 v32, v32  }
0x182: {  	v33 =	vsub.f32 v41, v31;
	(erf) = vpow2.f32 v54;
	v28 =	vmul.f32 v28, v38  }
0x183: {  	v59 =	vmul.f32 v26, v31;
	v26 =	vsub.f32 v26, v30;
	v30 =	vld [tilespmem:$0x8A0];
	v41 =	vmul.f32 v35, v9  }
0x184: {  	v51 =	vsub.f32 $1.000000000e+00, v5;
	v33 =	vand.u32 $0x7FFFFFFF, v33;
	v28 =	vadd.f32 $1.000000000e+00, v28  }
0x185: {  	vm14 =	vge.f32 v27, $0.0e+00;
	v26 =	vmul.f32 v26, v33;
	v45 =	vadd.f32 $1.428571490e-01, v41  }
0x186: {  	v23 =	vnsel vm13, $0x0, v23;
	v29 =	vmul.f32 v59, v31;
	v31 =	vld [tilespmem:$0x310];
	v4 =	vmul.f32 v28, v4  }
0x187: {  	v58 =	vld [tilespmem:$0x80];
	v56 =	vmax.f32 v27, $0.0e+00;
	v26 =	vmul.f32 v26, v33;
	v33 =	vmul.f32 v45, v35  }
0x188: {  	v22 =	vadd.f32 v23, v22;
	v4 =	vadd.f32 v4, v56;
	v59 =	vand.u32 $0x7FFFFFFF, v30  }
0x189: {  	v34 =	vsel vm14, v0, v40;
	v54 =	vpop (erf);
	v41 =	vsub.f32 $0.0e+00, v59;
	v33 =	vadd.f32 $2.000000030e-01, v33  }
0x18a: {  	v45 =	vld [tilespmem:$0x1FDA0];
	v0 =	vpop (erf);
	v26 =	vsub.f32 v26, v29;
	v29 =	vmul.f32 v8, v8;
	v59 =	vadd.f32 v32, v32  }
0x18b: {  	v8 =	vadd.f32 v8, v8;
	v14 =	vpop (erf);
	v27 =	vmul.f32 v27, v31;
	v31 =	vsub.f32 v31, v34  }
0x18c: {  	vm14 =	vlt.u32 v58, $0x50;
	v57 =	vadd.f32 $2.000000000e+00, v14;
	v58 =	vadd.f32 $1.000000000e+00, v14  }
0x18d: {  	v56 =	vld [tilespmem:$0x1FDC0];
	v28 =	vmul.f32 $1.442695020e+00, v41;
	v33 =	vmul.f32 v33, v35;
	v27 =	vsub.f32 v4, v27  }
0x18e: {  	v53 =	vld [tilespmem:$0x90];
	v4 =	vmul.f32 v4, v34;
	v31 =	vand.u32 $0x7FFFFFFF, v31;
	(erf) = vrcp.f32 v57  }
0x18f: {  	vm13 =	vge.u32 v45, v55;
	(erf) = vrcp.f32 v58;
	v27 =	vmul.f32 v27, v31  }
0x190: {  	v33 =	vadd.f32 $3.333333430e-01, v33;
	v4 =	vmul.f32 v4, v34;
	(erf) = vpow2.f32 v28  }
0x191: {  	vm13 =	vmand vm13, vm14;
	v58 =	vmul.f32 v29, v9;
	v57 =	vmul.f32 v27, v31  }
0x192: {  	vm14 =	vge.u32 v56, v55;
	v26 =	vnsel vm13, $0x0, v26;
	v33 =	vmul.f32 v33, v35  }
0x193: {  	vm13 =	vlt.u32 v53, $0x50;
	v40 =	vadd.f32 $1.428571490e-01, v58;
	v27 =	vld [tilespmem:$0x8B0];
	v4 =	vsub.f32 v57, v4  }
0x194: {  	v45 =	vmax.f32 v13, $0.0e+00;
	vm13 =	vmand vm14, vm13;
	v38 =	vadd.f32 $1.000000000e+00, v33  }
0x195: {  	v56 =	vsub.f32 $1.000000000e+00, v36;
	v53 =	vld [tilespmem:$0x320];
	v23 =	vmul.f32 v40, v29;
	v4 =	vnsel vm13, $0x0, v4  }
0x196: {  	v26 =	vadd.f32 v26, v22;
	v35 =	vmul.f32 v20, v20;
	v58 =	vld [tilespmem:$0xA0];
	v41 =	vmul.f32 v38, v59  }
0x197: {  	v20 =	vadd.f32 v20, v20;
	vm13 =	vge.f32 v13, $0.0e+00;
	v23 =	vadd.f32 $2.000000030e-01, v23;
	v22 =	vpop (erf)  }
0x198: {  	v59 =	vld [tilespmem:$0x1FDE0];
	v26 =	vadd.f32 v4, v26;
	v28 =	vadd.f32 v41, v45;
	v57 =	vand.u32 $0x7FFFFFFF, v27;
	v4 =	vpop (erf)  }
0x199: {  	v31 =	vsel vm13, v36, v56;
	v56 =	vsub.f32 $1.000000000e+00, v37;
	v23 =	vmul.f32 v23, v29;
	v45 =	vpop (erf)  }
0x19a: {  	v13 =	vmul.f32 v13, v53;
	v33 =	vsub.f32 $0.0e+00, v57;
	v10 =	vadd.f32 $2.000000000e+00, v45  }
0x19b: {  	vm14 =	vlt.u32 v58, $0x50;
	v32 =	vsub.f32 v53, v31;
	v23 =	vadd.f32 $3.333333430e-01, v23  }
0x19c: {  	v40 =	vmul.f32 v28, v31;
	(erf) = vrcp.f32 v10;
	v10 =	vadd.f32 $1.000000000e+00, v45  }
0x19d: {  	v13 =	vsub.f32 v28, v13;
	vm13 =	vge.u32 v59, v55;
	v23 =	vmul.f32 v23, v29  }
0x19e: {  	v41 =	vld [tilespmem:$0x330];
	v32 =	vand.u32 $0x7FFFFFFF, v32;
	(erf) = vrcp.f32 v10;
	v10 =	vmul.f32 v35, v9  }
0x19f: {  	v33 =	vmul.f32 $1.442695020e+00, v33;
	vm14 =	vmand vm13, vm14;
	v13 =	vmul.f32 v13, v32  }
0x1a0: {  	v29 =	vmul.f32 v40, v31;
	v23 =	vadd.f32 $1.000000000e+00, v23;
	v10 =	vadd.f32 $1.428571490e-01, v10  }
0x1a1: {  	vm13 =	vge.f32 v15, $0.0e+00;
	v31 =	vld [tilespmem:$0x8C0];
	v13 =	vmul.f32 v13, v32;
	(erf) = vpow2.f32 v33  }
0x1a2: {  	v57 =	vsel vm13, v37, v56;
	v8 =	vmul.f32 v23, v8;
	v10 =	vmul.f32 v10, v35  }
0x1a3: {  	v53 =	vmax.f32 v15, $0.0e+00;
	v28 =	vsub.f32 v41, v57;
	v13 =	vsub.f32 v13, v29  }
0x1a4: {  	v22 =	vmul.f32 v22, v14;
	v23 =	vadd.f32 v8, v53;
	v8 =	vld [tilespmem:$0x1FE00];
	v10 =	vadd.f32 $2.000000030e-01, v10  }
0x1a5: {  	v15 =	vmul.f32 v15, v41;
	v56 =	vsub.f32 $1.000000000e+00, v43;
	v28 =	vand.u32 $0x7FFFFFFF, v28  }
0x1a6: {  	v37 =	vand.u32 $0x7FFFFFFF, v31;
	v13 =	vnsel vm14, $0x0, v13;
	v58 =	vmul.f32 v10, v35  }
0x1a7: {  	vm14 =	vge.f32 v18, $0.0e+00;
	v33 =	vsub.f32 $0.0e+00, v37;
	v53 =	vld [tilespmem:$0x340];
	v15 =	vsub.f32 v23, v15  }
0x1a8: {  	v41 =	vld [tilespmem:$0xB0];
	v26 =	vadd.f32 v13, v26;
	v23 =	vmul.f32 v23, v57;
	v10 =	vpop (erf);
	v59 =	vadd.f32 $3.333333430e-01, v58  }
0x1a9: {  	v33 =	vmul.f32 $1.442695020e+00, v33;
	v15 =	vmul.f32 v15, v28;
	vm13 =	vge.u32 v8, v55;
	v8 =	vpop (erf)  }
0x1aa: {  	v23 =	vmul.f32 v23, v57;
	v36 =	vpop (erf);
	v29 =	vmul.f32 v59, v35;
	v59 =	vsel vm14, v43, v56  }
0x1ab: {  	v35 =	vmul.f32 v16, v16;
	v38 =	vadd.f32 $2.000000000e+00, v36;
	v40 =	vadd.f32 $1.000000000e+00, v36  }
0x1ac: {  	v58 =	vmax.f32 v18, $0.0e+00;
	v34 =	vsub.f32 v53, v59;
	v29 =	vadd.f32 $1.000000000e+00, v29  }
0x1ad: {  	v13 =	vld [tilespmem:$0x8D0];
	vm14 =	vlt.u32 v41, $0x50;
	v41 =	vmul.f32 v35, v9;
	(erf) = vrcp.f32 v38  }
0x1ae: {  	v37 =	vld [tilespmem:$0xC0];
	(erf) = vrcp.f32 v40;
	v57 =	vmul.f32 v29, v20;
	v40 =	vand.u32 $0x7FFFFFFF, v34  }
0x1af: {  	v34 =	vadd.f32 $1.428571490e-01, v41;
	(erf) = vpow2.f32 v33;
	v33 =	vmul.f32 v17, v2  }
0x1b0: {  	v16 =	vadd.f32 v16, v16;
	vm13 =	vmand vm13, vm14;
	v2 =	vmul.f32 v15, v28  }
0x1b1: {  	v15 =	vadd.f32 v57, v58;
	v34 =	vmul.f32 v34, v35;
	v28 =	vmul.f32 v33, v33  }
0x1b2: {  	v58 =	vld [tilespmem:$0x1FE20];
	v23 =	vsub.f32 v2, v23;
	v2 =	vmul.f32 v18, v53;
	v53 =	vand.u32 $0x7FFFFFFF, v13  }
0x1b3: {  	vm14 =	vlt.u32 v37, $0x50;
	v32 =	vmul.f32 v15, v59;
	v56 =	vsub.f32 $0.0e+00, v53  }
0x1b4: {  	v34 =	vadd.f32 $2.000000030e-01, v34;
	v38 =	vmul.f32 v28, v9;
	v15 =	vsub.f32 v15, v2  }
0x1b5: {  	v53 =	vsub.f32 $1.000000000e+00, v42;
	v23 =	vnsel vm13, $0x0, v23;
	v20 =	vmul.f32 v32, v59  }
0x1b6: {  	v37 =	vmul.f32 v34, v35;
	v17 =	vadd.f32 $1.428571490e-01, v38;
	v15 =	vmul.f32 v15, v40  }
0x1b7: {  	v32 =	vmul.f32 $1.442695020e+00, v56;
	v23 =	vadd.f32 v23, v26;
	vm13 =	vge.u32 v58, v55  }
0x1b8: {  	v38 =	vld [tilespmem:$0x350];
	v18 =	vpop (erf);
	v26 =	vadd.f32 $3.333333430e-01, v37;
	v43 =	vmul.f32 v17, v28;
	v15 =	vmul.f32 v15, v40  }
0x1b9: {  	v56 =	vmax.f32 v12, $0.0e+00;
	vm13 =	vmand vm13, vm14;
	vm14 =	vge.f32 v12, $0.0e+00;
	v2 =	vpop (erf)  }
0x1ba: {  	v26 =	vmul.f32 v26, v35;
	v17 =	vpop (erf);
	v29 =	vadd.f32 $2.000000030e-01, v43;
	v15 =	vsub.f32 v15, v20  }
0x1bb: {  	v20 =	vsel vm14, v42, v53;
	vm14 =	vge.f32 v21, $0.0e+00;
	v52 =	vadd.f32 $2.000000000e+00, v17  }
0x1bc: {  	v41 =	vld [tilespmem:$0x360];
	v57 =	vadd.f32 $1.000000000e+00, v17;
	v26 =	vadd.f32 $1.000000000e+00, v26;
	v29 =	vmul.f32 v29, v28  }
0x1bd: {  	v59 =	vld [tilespmem:$0xD0];
	v12 =	vmul.f32 v12, v38;
	v5 =	vsel vm14, v5, v51;
	(erf) = vrcp.f32 v52  }
0x1be: {  	v52 =	vadd.f32 v33, v33;
	v33 =	vld [tilespmem:$0x8E0];
	(erf) = vrcp.f32 v57;
	v29 =	vadd.f32 $3.333333430e-01, v29  }
0x1bf: {  	v15 =	vnsel vm13, $0x0, v15;
	v58 =	vmul.f32 v26, v16;
	(erf) = vpow2.f32 v32  }
0x1c0: {  	v57 =	vsub.f32 v38, v20;
	v38 =	vmax.f32 v21, $0.0e+00;
	v28 =	vmul.f32 v29, v28  }
0x1c1: {  	v15 =	vadd.f32 v15, v23;
	v21 =	vmul.f32 v21, v41;
	v23 =	vadd.f32 v58, v38;
	v58 =	vld [tilespmem:$0x1FE40]  }
0x1c2: {  	vm13 =	vlt.u32 v59, $0x50;
	v32 =	vmul.f32 v11, v11;
	v28 =	vadd.f32 $1.000000000e+00, v28  }
0x1c3: {  	v38 =	vld [tilespmem:$0xE0];
	v21 =	vsub.f32 v23, v21;
	v23 =	vmul.f32 v23, v5;
	v59 =	vand.u32 $0x7FFFFFFF, v33  }
0x1c4: {  	v11 =	vadd.f32 v11, v11;
	v26 =	vsub.f32 $0.0e+00, v59;
	v28 =	vmul.f32 v28, v52  }
0x1c5: {  	v59 =	vsub.f32 v41, v5;
	v23 =	vmul.f32 v23, v5;
	v52 =	vmul.f32 v32, v9  }
0x1c6: {  	vm14 =	vge.u32 v58, v55;
	v26 =	vmul.f32 $1.442695020e+00, v26;
	v42 =	vpop (erf);
	v28 =	vadd.f32 v28, v56  }
0x1c7: {  	vm13 =	vmand vm14, vm13;
	v56 =	vand.u32 $0x7FFFFFFF, v57;
	v57 =	vadd.f32 $1.428571490e-01, v52;
	v37 =	vpop (erf)  }
0x1c8: {  	vm14 =	vlt.u32 v38, $0x50;
	v17 =	vmul.f32 v42, v17;
	v16 =	vpop (erf);
	v12 =	vsub.f32 v28, v12  }
0x1c9: {  	v53 =	vmul.f32 v28, v20;
	v29 =	vmul.f32 v57, v32;
	v40 =	vadd.f32 $2.000000000e+00, v16  }
0x1ca: {  	v28 =	vmul.f32 v54, v50;
	v43 =	vadd.f32 $1.000000000e+00, v16;
	v12 =	vmul.f32 v12, v56  }
0x1cb: {  	v38 =	vsub.f32 $1.000000000e+00, v39;
	v20 =	vmul.f32 v53, v20;
	(erf) = vrcp.f32 v40  }
0x1cc: {  	v52 =	vld [tilespmem:$0x1FE60];
	v29 =	vadd.f32 $2.000000030e-01, v29;
	(erf) = vrcp.f32 v43;
	v12 =	vmul.f32 v12, v56  }
0x1cd: {  	v50 =	vmul.f32 v28, v28;
	(erf) = vpow2.f32 v26;
	v26 =	vand.u32 $0x7FFFFFFF, v59  }
0x1ce: {  	v57 =	vld [tilespmem:$0x370];
	v5 =	vmul.f32 v29, v32;
	v20 =	vsub.f32 v12, v20;
	v21 =	vmul.f32 v21, v26  }
0x1cf: {  	v28 =	vadd.f32 v28, v28;
	v51 =	vmul.f32 v50, v9;
	v59 =	vmax.f32 v19, $0.0e+00  }
0x1d0: {  	v12 =	vld [tilespmem:$0x8F0];
	v53 =	vadd.f32 $3.333333430e-01, v5;
	v20 =	vnsel vm13, $0x0, v20;
	v21 =	vmul.f32 v21, v26  }
0x1d1: {  	vm13 =	vge.u32 v52, v55;
	v26 =	vadd.f32 $1.428571490e-01, v51;
	v15 =	vadd.f32 v20, v15  }
0x1d2: {  	v20 =	vmul.f32 v53, v32;
	vm13 =	vmand vm13, vm14;
	vm14 =	vge.f32 v19, $0.0e+00  }
0x1d3: {  	v19 =	vmul.f32 v19, v57;
	v53 =	vsub.f32 $1.000000000e+00, v0;
	v23 =	vsub.f32 v21, v23  }
0x1d4: {  	v26 =	vmul.f32 v26, v50;
	v41 =	vsel vm14, v39, v38;
	vm14 =	vge.f32 v25, $0.0e+00;
	v43 =	vpop (erf)  }
0x1d5: {  	v40 =	vld [tilespmem:$0xF0];
	v56 =	vand.u32 $0x7FFFFFFF, v12;
	v20 =	vadd.f32 $1.000000000e+00, v20;
	v29 =	vsub.f32 v57, v41;
	v5 =	vpop (erf)  }
0x1d6: {  	v39 =	vmul.f32 v10, v45;
	v32 =	vsub.f32 $0.0e+00, v56;
	v26 =	vadd.f32 $2.000000030e-01, v26;
	v21 =	vpop (erf)  }
0x1d7: {  	v23 =	vnsel vm13, $0x0, v23;
	v11 =	vmul.f32 v20, v11;
	v54 =	vadd.f32 $2.000000000e+00, v21  }
0x1d8: {  	v23 =	vadd.f32 v23, v15;
	v15 =	vld [tilespmem:$0x900];
	v32 =	vmul.f32 $1.442695020e+00, v32;
	v58 =	vadd.f32 $1.000000000e+00, v21  }
0x1d9: {  	v0 =	vsel vm14, v0, v53;
	v26 =	vmul.f32 v26, v50;
	(erf) = vrcp.f32 v54  }
0x1da: {  	vm13 =	vlt.u32 v40, $0x50;
	v11 =	vadd.f32 v11, v59;
	(erf) = vrcp.f32 v58  }
0x1db: {  	v40 =	vmax.f32 v25, $0.0e+00;
	v26 =	vadd.f32 $3.333333430e-01, v26;
	(erf) = vpow2.f32 v32  }
0x1dc: {  	v29 =	vand.u32 $0x7FFFFFFF, v29;
	v19 =	vsub.f32 v11, v19;
	v58 =	vld [tilespmem:$0x1FE80];
	v32 =	vmul.f32 v22, v22  }
0x1dd: {  	v11 =	vmul.f32 v11, v41;
	v54 =	vld [tilespmem:$0x380];
	v26 =	vmul.f32 v26, v50;
	v56 =	vand.u32 $0x7FFFFFFF, v15  }
0x1de: {  	v19 =	vmul.f32 v19, v29;
	v38 =	vsub.f32 $0.0e+00, v56;
	v50 =	vmul.f32 v32, v9  }
0x1df: {  	v51 =	vmul.f32 v11, v41;
	v22 =	vadd.f32 v22, v22;
	v26 =	vadd.f32 $1.000000000e+00, v26  }
0x1e0: {  	v19 =	vmul.f32 v19, v29;
	v59 =	vmul.f32 $1.442695020e+00, v38;
	v52 =	vadd.f32 $1.428571490e-01, v50  }
0x1e1: {  	v29 =	vmul.f32 v39, v39;
	v38 =	vmax.f32 v24, $0.0e+00;
	vm14 =	vge.u32 v58, v55;
	v58 =	vld [tilespmem:$0x1FEA0]  }
0x1e2: {  	v26 =	vmul.f32 v26, v28;
	v41 =	vsub.f32 v54, v0;
	v34 =	vmul.f32 v52, v32;
	v14 =	vpop (erf)  }
0x1e3: {  	v25 =	vmul.f32 v25, v54;
	v50 =	vsub.f32 v19, v51;
	v56 =	vmul.f32 v29, v9;
	v52 =	vld [tilespmem:$0x100];
	v11 =	vpop (erf)  }
0x1e4: {  	v19 =	vld [tilespmem:$0x910];
	v53 =	vand.u32 $0x7FFFFFFF, v41;
	v41 =	vsub.f32 $1.000000000e+00, v4;
	v34 =	vadd.f32 $2.000000030e-01, v34;
	v20 =	vpop (erf)  }
0x1e5: {  	vm13 =	vmand vm14, vm13;
	v28 =	vadd.f32 $1.428571490e-01, v56;
	v57 =	vadd.f32 $2.000000000e+00, v20  }
0x1e6: {  	v35 =	vmul.f32 v14, v21;
	vm14 =	vge.u32 v58, v55;
	v34 =	vmul.f32 v34, v32  }
0x1e7: {  	v58 =	vadd.f32 v39, v39;
	v10 =	vadd.f32 $1.000000000e+00, v20;
	(erf) = vrcp.f32 v57  }
0x1e8: {  	v45 =	vadd.f32 $3.333333430e-01, v34;
	v34 =	vnsel vm13, $0x0, v50;
	vm13 =	vlt.u32 v52, $0x50  }
0x1e9: {  	v50 =	vand.u32 $0x7FFFFFFF, v19;
	(erf) = vrcp.f32 v10;
	v10 =	vadd.f32 v26, v40  }
0x1ea: {  	v23 =	vadd.f32 v34, v23;
	vm13 =	vmand vm14, vm13;
	v40 =	vld [tilespmem:$0x390];
	v54 =	vmul.f32 v45, v32  }
0x1eb: {  	vm14 =	vge.f32 v24, $0.0e+00;
	(erf) = vpow2.f32 v59;
	v59 =	vmul.f32 v28, v29  }
0x1ec: {  	v4 =	vsel vm14, v4, v41;
	v51 =	vsub.f32 v10, v25;
	v26 =	vadd.f32 $1.000000000e+00, v54  }
0x1ed: {  	v41 =	vmax.f32 v30, $0.0e+00;
	vm14 =	vge.f32 v30, $0.0e+00;
	v10 =	vmul.f32 v10, v0  }
0x1ee: {  	v57 =	vmul.f32 v51, v53;
	v22 =	vmul.f32 v26, v22;
	v26 =	vadd.f32 $2.000000030e-01, v59  }
0x1ef: {  	v56 =	vld [tilespmem:$0x1FEC0];
	v24 =	vmul.f32 v24, v40;
	v54 =	vsub.f32 v40, v4;
	v40 =	vsub.f32 $1.000000000e+00, v8  }
0x1f0: {  	v0 =	vmul.f32 v10, v0;
	v59 =	vld [tilespmem:$0x110];
	v10 =	vmul.f32 v57, v53;
	v28 =	vadd.f32 v22, v38  }
0x1f1: {  	v26 =	vmul.f32 v26, v29;
	v38 =	vsub.f32 $0.0e+00, v50;
	v8 =	vsel vm14, v8, v40  }
0x1f2: {  	v40 =	vmul.f32 v17, v17;
	v17 =	vadd.f32 v17, v17;
	v0 =	vsub.f32 v10, v0  }
0x1f3: {  	v57 =	vld [tilespmem:$0x3A0];
	v25 =	vpop (erf);
	v52 =	vmul.f32 v28, v4;
	v26 =	vadd.f32 $3.333333430e-01, v26;
	v38 =	vmul.f32 $1.442695020e+00, v38  }
0x1f4: {  	v24 =	vsub.f32 v28, v24;
	v28 =	vmul.f32 v18, v36;
	v25 =	vmul.f32 v25, v20  }
0x1f5: {  	v10 =	vpop (erf);
	v0 =	vnsel vm13, $0x0, v0;
	vm13 =	vge.u32 v56, v55;
	vm14 =	vlt.u32 v59, $0x50  }
0x1f6: {  	v22 =	vpop (erf);
	v0 =	vadd.f32 v0, v23;
	v53 =	vmul.f32 v26, v29;
	v4 =	vmul.f32 v52, v4  }
0x1f7: {  	v18 =	vld [tilespmem:$0x920];
	v26 =	vand.u32 $0x7FFFFFFF, v54;
	v34 =	vmul.f32 v28, v28;
	v45 =	vadd.f32 $2.000000000e+00, v22  }
0x1f8: {  	v59 =	vld [tilespmem:$0x1FEE0];
	v50 =	vsub.f32 v57, v8;
	v29 =	vmul.f32 v30, v57;
	v24 =	vmul.f32 v24, v26  }
0x1f9: {  	v51 =	vadd.f32 $1.000000000e+00, v22;
	v23 =	vadd.f32 $1.000000000e+00, v53;
	(erf) = vrcp.f32 v45  }
0x1fa: {  	vm13 =	vmand vm13, vm14;
	v45 =	vmul.f32 v34, v9;
	v24 =	vmul.f32 v24, v26  }
0x1fb: {  	v26 =	vand.u32 $0x7FFFFFFF, v50;
	(erf) = vrcp.f32 v51;
	v23 =	vmul.f32 v23, v58  }
0x1fc: {  	v57 =	vld [tilespmem:$0x120];
	v56 =	vand.u32 $0x7FFFFFFF, v18;
	(erf) = vpow2.f32 v38;
	v51 =	vadd.f32 $1.428571490e-01, v45  }
0x1fd: {  	vm14 =	vge.u32 v59, v55;
	v24 =	vsub.f32 v24, v4;
	v23 =	vadd.f32 v23, v41  }
0x1fe: {  	v38 =	vsub.f32 $0.0e+00, v56;
	v45 =	vmul.f32 v40, v9;
	v53 =	vmul.f32 v51, v34  }
0x1ff: {  	v56 =	vsub.f32 $1.000000000e+00, v37;
	v52 =	vmul.f32 v23, v8;
	v23 =	vsub.f32 v23, v29  }
0x200: {  	v38 =	vmul.f32 $1.442695020e+00, v38;
	v24 =	vnsel vm13, $0x0, v24;
	v29 =	vadd.f32 $2.000000030e-01, v53  }
0x201: {  	v50 =	vadd.f32 $1.428571490e-01, v45;
	vm13 =	vlt.u32 v57, $0x50;
	v23 =	vmul.f32 v23, v26  }
0x202: {  	v57 =	vmax.f32 v27, $0.0e+00;
	v8 =	vmul.f32 v52, v8;
	v29 =	vmul.f32 v29, v34  }
0x203: {  	v0 =	vadd.f32 v24, v0;
	v36 =	vpop (erf);
	v23 =	vmul.f32 v23, v26;
	v26 =	vmul.f32 v50, v40  }
0x204: {  	vm14 =	vmand vm14, vm13;
	vm13 =	vge.f32 v27, $0.0e+00;
	v4 =	vpop (erf);
	v29 =	vadd.f32 $3.333333430e-01, v29  }
0x205: {  	v22 =	vmul.f32 v36, v22;
	v30 =	vpop (erf);
	v23 =	vsub.f32 v23, v8;
	v26 =	vadd.f32 $2.000000030e-01, v26  }
0x206: {  	v52 =	vld [tilespmem:$0x3B0];
	v8 =	vadd.f32 v28, v28;
	v54 =	vadd.f32 $2.000000000e+00, v30;
	v51 =	vmul.f32 v29, v34  }
0x207: {  	v24 =	vld [tilespmem:$0x930];
	v58 =	vadd.f32 $1.000000000e+00, v30;
	v26 =	vmul.f32 v26, v40;
	v23 =	vnsel vm14, $0x0, v23  }
0x208: {  	(erf) = vrcp.f32 v54;
	v53 =	vadd.f32 $1.000000000e+00, v51;
	v54 =	vsub.f32 $1.000000000e+00, v2  }
0x209: {  	v23 =	vadd.f32 v23, v0;
	(erf) = vrcp.f32 v58;
	v26 =	vadd.f32 $3.333333430e-01, v26  }
0x20a: {  	v51 =	vld [tilespmem:$0x3C0];
	(erf) = vpow2.f32 v38;
	v28 =	vsel vm13, v2, v54;
	vm13 =	vge.f32 v31, $0.0e+00  }
0x20b: {  	v8 =	vmul.f32 v53, v8;
	v34 =	vsel vm13, v37, v56;
	v59 =	vsub.f32 v52, v28  }
0x20c: {  	v58 =	vld [tilespmem:$0x1FF00];
	v37 =	vmul.f32 v43, v16;
	v43 =	vand.u32 $0x7FFFFFFF, v24;
	v26 =	vmul.f32 v26, v40  }
0x20d: {  	v27 =	vmul.f32 v27, v52;
	v32 =	vadd.f32 v8, v57;
	v38 =	vsub.f32 $0.0e+00, v43  }
0x20e: {  	v39 =	vmul.f32 v37, v37;
	v26 =	vadd.f32 $1.000000000e+00, v26;
	v56 =	vand.u32 $0x7FFFFFFF, v59  }
0x20f: {  	v42 =	vmul.f32 v31, v51;
	v43 =	vsub.f32 v51, v34;
	v37 =	vadd.f32 v37, v37  }
0x210: {  	v59 =	vld [tilespmem:$0x130];
	v52 =	vmul.f32 $1.442695020e+00, v38;
	v54 =	vmul.f32 v32, v28;
	v27 =	vsub.f32 v32, v27  }
0x211: {  	v21 =	vld [tilespmem:$0x940];
	vm13 =	vge.u32 v58, v55;
	v32 =	vmul.f32 v35, v35;
	v53 =	vmul.f32 v39, v9;
	v2 =	vpop (erf)  }
0x212: {  	v58 =	vmax.f32 v31, $0.0e+00;
	v17 =	vmul.f32 v26, v17;
	v27 =	vmul.f32 v27, v56;
	v8 =	vpop (erf)  }
0x213: {  	v28 =	vmul.f32 v54, v28;
	v51 =	vmul.f32 v32, v9;
	v57 =	vadd.f32 $1.428571490e-01, v53;
	v16 =	vpop (erf)  }
0x214: {  	v17 =	vadd.f32 v17, v58;
	v27 =	vmul.f32 v27, v56;
	v45 =	vadd.f32 $2.000000000e+00, v16  }
0x215: {  	vm14 =	vlt.u32 v59, $0x50;
	v26 =	vmul.f32 v57, v39;
	v50 =	vadd.f32 $1.000000000e+00, v16  }
0x216: {  	v40 =	vadd.f32 $1.428571490e-01, v51;
	v56 =	vand.u32 $0x7FFFFFFF, v21;
	(erf) = vrcp.f32 v45  }
0x217: {  	v59 =	vld [tilespmem:$0x1FF20];
	v51 =	vmax.f32 v13, $0.0e+00;
	v26 =	vadd.f32 $2.000000030e-01, v26;
	(erf) = vrcp.f32 v50  }
0x218: {  	vm13 =	vmand vm13, vm14;
	v53 =	vmul.f32 v40, v32;
	(erf) = vpow2.f32 v52  }
0x219: {  	v45 =	vsub.f32 v17, v42;
	v17 =	vmul.f32 v17, v34;
	v26 =	vmul.f32 v26, v39  }
0x21a: {  	v57 =	vsub.f32 $0.0e+00, v56;
	v28 =	vsub.f32 v27, v28;
	v50 =	vand.u32 $0x7FFFFFFF, v43;
	v52 =	vld [tilespmem:$0x140]  }
0x21b: {  	v17 =	vmul.f32 v17, v34;
	v34 =	vadd.f32 $2.000000030e-01, v53;
	v26 =	vadd.f32 $3.333333430e-01, v26  }
0x21c: {  	v28 =	vnsel vm13, $0x0, v28;
	vm14 =	vge.u32 v59, v55;
	v43 =	vld [tilespmem:$0x1FF40];
	v29 =	vmul.f32 v45, v50  }
0x21d: {  	v23 =	vadd.f32 v28, v23;
	v34 =	vmul.f32 v34, v32;
	v26 =	vmul.f32 v26, v39  }
0x21e: {  	v45 =	vld [tilespmem:$0x3D0];
	v53 =	vadd.f32 v35, v35;
	v29 =	vmul.f32 v29, v50;
	v39 =	vmul.f32 $1.442695020e+00, v57  }
0x21f: {  	v42 =	vld [tilespmem:$0x150];
	v34 =	vadd.f32 $3.333333430e-01, v34;
	vm13 =	vlt.u32 v52, $0x50;
	v26 =	vadd.f32 $1.000000000e+00, v26;
	v31 =	vpop (erf)  }
0x220: {  	v0 =	vsub.f32 v29, v17;
	v52 =	vsub.f32 $1.000000000e+00, v5;
	vm13 =	vmand vm14, vm13;
	v14 =	vpop (erf)  }
0x221: {  	vm14 =	vge.u32 v43, v55;
	v32 =	vmul.f32 v34, v32;
	v50 =	vmul.f32 v26, v37;
	v27 =	vpop (erf)  }
0x222: {  	v34 =	vnsel vm13, $0x0, v0;
	vm13 =	vge.f32 v13, $0.0e+00;
	v54 =	vadd.f32 $2.000000000e+00, v27  }
0x223: {  	v13 =	vmul.f32 v13, v45;
	v5 =	vsel vm13, v5, v52;
	v58 =	vadd.f32 $1.000000000e+00, v27  }
0x224: {  	vm13 =	vlt.u32 v42, $0x50;
	v52 =	vsub.f32 $1.000000000e+00, v11;
	(erf) = vrcp.f32 v54  }
0x225: {  	v43 =	vadd.f32 v34, v23;
	v34 =	vmul.f32 v2, v30;
	(erf) = vrcp.f32 v58  }
0x226: {  	v16 =	vmul.f32 v31, v16;
	v17 =	vadd.f32 v50, v51;
	(erf) = vpow2.f32 v39  }
0x227: {  	v0 =	vld [tilespmem:$0x950];
	v57 =	vsub.f32 v45, v5;
	vm13 =	vmand vm14, vm13;
	vm14 =	vge.f32 v33, $0.0e+00  }
0x228: {  	v45 =	vmax.f32 v33, $0.0e+00;
	v11 =	vsel vm14, v11, v52;
	v13 =	vsub.f32 v17, v13  }
0x229: {  	v36 =	vmul.f32 v16, v16;
	v59 =	vand.u32 $0x7FFFFFFF, v57;
	v54 =	vadd.f32 $1.000000000e+00, v32;
	v58 =	vld [tilespmem:$0x3E0]  }
0x22a: {  	vm14 =	vge.u32 v44, v55;
	v56 =	vmul.f32 v17, v5;
	v13 =	vmul.f32 v13, v59  }
0x22b: {  	v16 =	vadd.f32 v16, v16;
	v26 =	vmul.f32 v54, v53;
	v53 =	vmul.f32 v25, v25  }
0x22c: {  	v51 =	vand.u32 $0x7FFFFFFF, v0;
	v29 =	vmul.f32 v56, v5;
	v13 =	vmul.f32 v13, v59  }
0x22d: {  	v35 =	vsub.f32 $0.0e+00, v51;
	v25 =	vadd.f32 v25, v25;
	v59 =	vld [tilespmem:$0x160];
	v56 =	vmul.f32 v53, v9;
	v37 =	vpop (erf)  }
0x22e: {  	v26 =	vadd.f32 v26, v45;
	v41 =	vsub.f32 v13, v29;
	v33 =	vmul.f32 v33, v58;
	v5 =	vpop (erf)  }
0x22f: {  	v35 =	vmul.f32 $1.442695020e+00, v35;
	v38 =	vsub.f32 v58, v11;
	v58 =	vadd.f32 $1.428571490e-01, v56;
	v17 =	vpop (erf)  }
0x230: {  	v28 =	vnsel vm13, $0x0, v41;
	v57 =	vsub.f32 v26, v33;
	v50 =	vadd.f32 $2.000000000e+00, v17  }
0x231: {  	v13 =	vld [tilespmem:$0x960];
	v26 =	vmul.f32 v26, v11;
	v39 =	vand.u32 $0x7FFFFFFF, v38;
	v54 =	vadd.f32 $1.000000000e+00, v17  }
0x232: {  	v33 =	vmul.f32 v58, v53;
	vm13 =	vlt.u32 v59, $0x50;
	(erf) = vrcp.f32 v50  }
0x233: {  	v28 =	vadd.f32 v28, v43;
	vm14 =	vmand vm14, vm13;
	(erf) = vrcp.f32 v54  }
0x234: {  	vm13 =	vge.u32 v46, v55;
	v20 =	vmul.f32 v57, v39;
	(erf) = vpow2.f32 v35  }
0x235: {  	v11 =	vmul.f32 v26, v11;
	v42 =	vadd.f32 $2.000000030e-01, v33;
	v33 =	vmul.f32 v22, v22  }
0x236: {  	v2 =	vand.u32 $0x7FFFFFFF, v13;
	v37 =	vmul.f32 v37, v27;
	v20 =	vmul.f32 v20, v39  }
0x237: {  	v58 =	vld [tilespmem:$0x3F0];
	v2 =	vsub.f32 $0.0e+00, v2;
	v40 =	vsub.f32 $1.000000000e+00, v5;
	v45 =	vmul.f32 v42, v53  }
0x238: {  	v42 =	vsub.f32 $1.000000000e+00, v10;
	v11 =	vsub.f32 v20, v11;
	v50 =	vmul.f32 v33, v9  }
0x239: {  	v31 =	vmul.f32 v37, v37;
	v2 =	vmul.f32 $1.442695020e+00, v2;
	v52 =	vadd.f32 $3.333333430e-01, v45  }
0x23a: {  	v57 =	vld [tilespmem:$0x170];
	v45 =	vmax.f32 v12, $0.0e+00;
	v51 =	vnsel vm14, $0x0, v11;
	v26 =	vadd.f32 $1.428571490e-01, v50  }
0x23b: {  	v53 =	vmul.f32 v52, v53;
	v35 =	vmul.f32 v34, v34;
	vm14 =	vge.f32 v12, $0.0e+00;
	v23 =	vpop (erf)  }
0x23c: {  	v12 =	vmul.f32 v12, v58;
	v34 =	vadd.f32 v34, v34;
	v26 =	vmul.f32 v26, v33;
	v11 =	vpop (erf)  }
0x23d: {  	v28 =	vadd.f32 v51, v28;
	v30 =	vadd.f32 $1.000000000e+00, v53;
	v59 =	vmul.f32 v35, v9;
	v20 =	vpop (erf)  }
0x23e: {  	v10 =	vsel vm14, v10, v42;
	v26 =	vadd.f32 $2.000000030e-01, v26;
	v54 =	vadd.f32 $2.000000000e+00, v20  }
0x23f: {  	vm14 =	vlt.u32 v57, $0x50;
	v43 =	vadd.f32 $1.428571490e-01, v59;
	v56 =	vadd.f32 $1.000000000e+00, v20  }
0x240: {  	v32 =	vsub.f32 v58, v10;
	v26 =	vmul.f32 v26, v33;
	(erf) = vrcp.f32 v54  }
0x241: {  	vm13 =	vmand vm13, vm14;
	v50 =	vmul.f32 v43, v35;
	(erf) = vrcp.f32 v56  }
0x242: {  	v26 =	vadd.f32 $3.333333430e-01, v26;
	(erf) = vpow2.f32 v2;
	v2 =	vmul.f32 v30, v25  }
0x243: {  	v52 =	vld [tilespmem:$0x400];
	v53 =	vadd.f32 v22, v22;
	vm14 =	vge.f32 v15, $0.0e+00;
	v25 =	vadd.f32 $2.000000030e-01, v50  }
0x244: {  	v32 =	vand.u32 $0x7FFFFFFF, v32;
	v26 =	vmul.f32 v26, v33;
	v30 =	vadd.f32 v2, v45  }
0x245: {  	v59 =	vmax.f32 v15, $0.0e+00;
	v54 =	vsub.f32 $1.000000000e+00, v4;
	v2 =	vld [tilespmem:$0x970];
	v25 =	vmul.f32 v25, v35  }
0x246: {  	v17 =	vmul.f32 v23, v17;
	v26 =	vadd.f32 $1.000000000e+00, v26;
	v51 =	vmul.f32 v30, v10  }
0x247: {  	v38 =	vsel vm14, v4, v54;
	v12 =	vsub.f32 v30, v12;
	v25 =	vadd.f32 $3.333333430e-01, v25  }
0x248: {  	v26 =	vmul.f32 v26, v53;
	v42 =	vsub.f32 v52, v38;
	v29 =	vmul.f32 v51, v10  }
0x249: {  	vm14 =	vge.f32 v19, $0.0e+00;
	v12 =	vmul.f32 v12, v32;
	v25 =	vmul.f32 v25, v35;
	v10 =	vpop (erf)  }
0x24a: {  	v26 =	vadd.f32 v26, v59;
	v45 =	vand.u32 $0x7FFFFFFF, v42;
	v56 =	vand.u32 $0x7FFFFFFF, v2;
	v22 =	vpop (erf)  }
0x24b: {  	v39 =	vsub.f32 $0.0e+00, v56;
	v25 =	vadd.f32 $1.000000000e+00, v25;
	v12 =	vmul.f32 v12, v32;
	v30 =	vpop (erf)  }
0x24c: {  	v53 =	vmul.f32 v26, v38;
	v57 =	vadd.f32 $2.000000000e+00, v30;
	v58 =	vadd.f32 $1.000000000e+00, v30  }
0x24d: {  	v43 =	vld [tilespmem:$0x180];
	v4 =	vmul.f32 $1.442695020e+00, v39;
	v25 =	vmul.f32 v25, v34;
	v12 =	vsub.f32 v12, v29  }
0x24e: {  	v51 =	vld [tilespmem:$0x410];
	v34 =	vsub.f32 $1.000000000e+00, v14;
	(erf) = vrcp.f32 v57;
	v57 =	vmul.f32 v36, v9  }
0x24f: {  	v12 =	vnsel vm13, $0x0, v12;
	vm13 =	vge.u32 v47, v55;
	(erf) = vrcp.f32 v58  }
0x250: {  	(erf) = vpow2.f32 v4;
	v4 =	vmul.f32 v15, v52;
	v52 =	vsub.f32 $1.000000000e+00, v8  }
0x251: {  	v58 =	vmul.f32 v53, v38;
	v12 =	vadd.f32 v12, v28;
	v28 =	vmul.f32 v10, v20  }
0x252: {  	v50 =	vsub.f32 v26, v4;
	v4 =	vmax.f32 v19, $0.0e+00;
	v8 =	vsel vm14, v8, v52  }
0x253: {  	vm14 =	vlt.u32 v43, $0x50;
	v43 =	vadd.f32 $1.428571490e-01, v57;
	v19 =	vmul.f32 v19, v51  }
0x254: {  	v35 =	vadd.f32 v25, v4;
	v4 =	vld [tilespmem:$0x980];
	vm13 =	vmand vm13, vm14;
	v54 =	vmul.f32 v50, v45  }
0x255: {  	vm14 =	vge.u32 v48, v55;
	v29 =	vmul.f32 v43, v36;
	v43 =	vmul.f32 v17, v17  }
0x256: {  	v17 =	vadd.f32 v17, v17;
	v56 =	vmul.f32 v35, v8;
	v19 =	vsub.f32 v35, v19  }
0x257: {  	v35 =	vmax.f32 v18, $0.0e+00;
	v26 =	vmul.f32 v54, v45;
	v29 =	vadd.f32 $2.000000030e-01, v29  }
0x258: {  	v53 =	vld [tilespmem:$0x190];
	v38 =	vpop (erf);
	v59 =	vmul.f32 v56, v8;
	v8 =	vsub.f32 v51, v8;
	v51 =	vmul.f32 v31, v9  }
0x259: {  	v15 =	vpop (erf);
	v45 =	vand.u32 $0x7FFFFFFF, v4;
	v29 =	vmul.f32 v29, v36;
	v26 =	vsub.f32 v26, v58  }
0x25a: {  	v30 =	vmul.f32 v38, v30;
	v25 =	vpop (erf);
	v32 =	vsub.f32 $0.0e+00, v45;
	v33 =	vadd.f32 $1.428571490e-01, v51  }
0x25b: {  	v8 =	vand.u32 $0x7FFFFFFF, v8;
	v50 =	vadd.f32 $2.000000000e+00, v25;
	v52 =	vadd.f32 $1.000000000e+00, v25  }
0x25c: {  	v19 =	vmul.f32 v19, v8;
	v29 =	vadd.f32 $3.333333430e-01, v29;
	v26 =	vnsel vm13, $0x0, v26  }
0x25d: {  	vm13 =	vlt.u32 v53, $0x50;
	v32 =	vmul.f32 $1.442695020e+00, v32;
	v33 =	vmul.f32 v33, v31  }
0x25e: {  	v45 =	vld [tilespmem:$0x430];
	v26 =	vadd.f32 v26, v12;
	(erf) = vrcp.f32 v50;
	v8 =	vmul.f32 v19, v8  }
0x25f: {  	v56 =	vmul.f32 v29, v36;
	v36 =	vadd.f32 v37, v37;
	v37 =	vld [tilespmem:$0x420];
	v54 =	vadd.f32 $2.000000030e-01, v33  }
0x260: {  	vm13 =	vmand vm14, vm13;
	v50 =	vld [tilespmem:$0x1A0];
	(erf) = vrcp.f32 v52;
	v27 =	vsub.f32 v8, v59  }
0x261: {  	v52 =	vmax.f32 v24, $0.0e+00;
	v57 =	vadd.f32 $1.000000000e+00, v56;
	v8 =	vmul.f32 v54, v31  }
0x262: {  	(erf) = vpow2.f32 v32;
	v59 =	vnsel vm13, $0x0, v27;
	vm13 =	vge.f32 v18, $0.0e+00  }
0x263: {  	v16 =	vmul.f32 v57, v16;
	v58 =	vadd.f32 $3.333333430e-01, v8;
	v14 =	vsel vm13, v14, v34  }
0x264: {  	vm13 =	vge.f32 v24, $0.0e+00;
	v18 =	vmul.f32 v18, v37;
	v24 =	vmul.f32 v24, v45  }
0x265: {  	vm14 =	vlt.u32 v50, $0x50;
	v26 =	vadd.f32 v59, v26;
	v34 =	vmul.f32 v30, v30  }
0x266: {  	v8 =	vld [tilespmem:$0x990];
	v50 =	vmax.f32 v21, $0.0e+00;
	v30 =	vadd.f32 v30, v30;
	v16 =	vadd.f32 v16, v35  }
0x267: {  	v33 =	vsel vm13, v5, v40;
	v5 =	vmul.f32 v43, v9;
	vm13 =	vge.u32 v49, v55  }
0x268: {  	v32 =	vsub.f32 v37, v14;
	v31 =	vmul.f32 v58, v31;
	v53 =	vsub.f32 v45, v33  }
0x269: {  	v51 =	vmul.f32 v16, v14;
	v5 =	vadd.f32 $1.428571490e-01, v5;
	v16 =	vsub.f32 v16, v18;
	v27 =	vpop (erf)  }
0x26a: {  	vm13 =	vmand vm13, vm14;
	v32 =	vand.u32 $0x7FFFFFFF, v32;
	v31 =	vadd.f32 $1.000000000e+00, v31;
	v12 =	vpop (erf)  }
0x26b: {  	v42 =	vand.u32 $0x7FFFFFFF, v8;
	v5 =	vmul.f32 v5, v43;
	v16 =	vmul.f32 v16, v32;
	v19 =	vpop (erf)  }
0x26c: {  	v14 =	vmul.f32 v51, v14;
	v35 =	vsub.f32 $0.0e+00, v42;
	v39 =	vadd.f32 $2.000000000e+00, v19  }
0x26d: {  	v25 =	vmul.f32 v27, v25;
	v29 =	vmul.f32 v31, v36;
	v41 =	vadd.f32 $1.000000000e+00, v19  }
0x26e: {  	v51 =	vsub.f32 $1.000000000e+00, v11;
	v35 =	vmul.f32 $1.442695020e+00, v35;
	(erf) = vrcp.f32 v39  }
0x26f: {  	v54 =	vadd.f32 $2.000000030e-01, v5;
	v16 =	vmul.f32 v16, v32;
	(erf) = vrcp.f32 v41  }
0x270: {  	v42 =	vld [tilespmem:$0x440];
	v27 =	vmul.f32 v25, v25;
	v25 =	vadd.f32 v25, v25;
	(erf) = vpow2.f32 v35  }
0x271: {  	v5 =	vld [tilespmem:$0x9A0];
	v18 =	vadd.f32 v29, v52;
	v29 =	vand.u32 $0x7FFFFFFF, v53;
	v31 =	vmul.f32 v54, v43  }
0x272: {  	v52 =	vsub.f32 $1.000000000e+00, v22;
	v14 =	vsub.f32 v16, v14;
	v39 =	vmul.f32 v34, v9  }
0x273: {  	v24 =	vsub.f32 v18, v24;
	v18 =	vmul.f32 v18, v33;
	v57 =	vadd.f32 $3.333333430e-01, v31  }
0x274: {  	v45 =	vld [tilespmem:$0x1B0];
	v14 =	vnsel vm13, $0x0, v14;
	v40 =	vadd.f32 $1.428571490e-01, v39;
	vm13 =	vge.f32 v21, $0.0e+00  }
0x275: {  	v21 =	vmul.f32 v21, v42;
	v39 =	vmax.f32 v0, $0.0e+00;
	v24 =	vmul.f32 v24, v29  }
0x276: {  	v10 =	vmul.f32 v18, v33;
	v58 =	vand.u32 $0x7FFFFFFF, v5;
	v14 =	vadd.f32 v14, v26  }
0x277: {  	v11 =	vsel vm13, v11, v51;
	v51 =	vmul.f32 v27, v9;
	v23 =	vmul.f32 v57, v43;
	v32 =	vpop (erf)  }
0x278: {  	vm13 =	vge.f32 v0, $0.0e+00;
	v56 =	vmul.f32 v24, v29;
	v29 =	vmul.f32 v28, v28;
	v16 =	vpop (erf)  }
0x279: {  	v31 =	vsub.f32 $0.0e+00, v58;
	v22 =	vsel vm13, v22, v52;
	vm13 =	vlt.u32 v45, $0x50;
	v18 =	vpop (erf)  }
0x27a: {  	v54 =	vsub.f32 v42, v11;
	v36 =	vmul.f32 v29, v9;
	v59 =	vadd.f32 $2.000000000e+00, v18  }
0x27b: {  	v42 =	vmax.f32 v13, $0.0e+00;
	v24 =	vmul.f32 v40, v34;
	v37 =	vadd.f32 $1.000000000e+00, v18  }
0x27c: {  	v57 =	vld [tilespmem:$0x450];
	v38 =	vmul.f32 $1.442695020e+00, v31;
	v33 =	vadd.f32 $1.428571490e-01, v36;
	(erf) = vrcp.f32 v59  }
0x27d: {  	vm13 =	vmand vm10, vm13;
	v23 =	vadd.f32 $1.000000000e+00, v23;
	(erf) = vrcp.f32 v37  }
0x27e: {  	v45 =	vld [tilespmem:$0x460];
	v24 =	vadd.f32 $2.000000030e-01, v24;
	v43 =	vmul.f32 v33, v29;
	(erf) = vpow2.f32 v38  }
0x27f: {  	v28 =	vadd.f32 v28, v28;
	v41 =	vsub.f32 v56, v10;
	v10 =	vmul.f32 v23, v17  }
0x280: {  	v23 =	vand.u32 $0x7FFFFFFF, v54;
	v24 =	vmul.f32 v24, v34;
	v17 =	vadd.f32 $2.000000030e-01, v43  }
0x281: {  	v26 =	vnsel vm13, $0x0, v41;
	v0 =	vmul.f32 v0, v57;
	v31 =	vadd.f32 v10, v50;
	v10 =	vld [tilespmem:$0x9B0]  }
0x282: {  	vm13 =	vge.f32 v13, $0.0e+00;
	v24 =	vadd.f32 $3.333333430e-01, v24;
	v17 =	vmul.f32 v17, v29  }
0x283: {  	v13 =	vmul.f32 v13, v45;
	v26 =	vadd.f32 v26, v14;
	v21 =	vsub.f32 v31, v21  }
0x284: {  	v19 =	vmul.f32 v32, v19;
	v24 =	vmul.f32 v24, v34;
	v56 =	vadd.f32 $3.333333430e-01, v17  }
0x285: {  	v53 =	vmul.f32 v31, v11;
	v43 =	vsub.f32 $1.000000000e+00, v15;
	v21 =	vmul.f32 v21, v23;
	v33 =	vpop (erf)  }
0x286: {  	v41 =	vld [tilespmem:$0x1C0];
	v59 =	vand.u32 $0x7FFFFFFF, v10;
	v24 =	vadd.f32 $1.000000000e+00, v24;
	v29 =	vmul.f32 v56, v29;
	v17 =	vpop (erf)  }
0x287: {  	v11 =	vmul.f32 v53, v11;
	v36 =	vsub.f32 $0.0e+00, v59;
	v38 =	vsub.f32 v57, v22;
	v20 =	vpop (erf)  }
0x288: {  	v21 =	vmul.f32 v21, v23;
	v29 =	vadd.f32 $1.000000000e+00, v29;
	v58 =	vadd.f32 $2.000000000e+00, v20  }
0x289: {  	v24 =	vmul.f32 v24, v30;
	v34 =	vmul.f32 $1.442695020e+00, v36;
	v37 =	vadd.f32 $1.000000000e+00, v20  }
0x28a: {  	v30 =	vsel vm13, v15, v43;
	v28 =	vmul.f32 v29, v28;
	(erf) = vrcp.f32 v58  }
0x28b: {  	vm13 =	vlt.u32 v41, $0x50;
	v11 =	vsub.f32 v21, v11;
	(erf) = vrcp.f32 v37  }
0x28c: {  	v24 =	vadd.f32 v24, v42;
	v40 =	vadd.f32 v28, v39;
	(erf) = vpow2.f32 v34  }
0x28d: {  	v57 =	vsub.f32 v45, v30;
	vm13 =	vmand vm7, vm13;
	v56 =	vadd.f32 $1.428571490e-01, v51  }
0x28e: {  	v42 =	vmul.f32 v19, v19;
	v13 =	vsub.f32 v24, v13;
	v0 =	vsub.f32 v40, v0  }
0x28f: {  	v41 =	vand.u32 $0x7FFFFFFF, v57;
	v15 =	vmul.f32 v24, v30;
	v29 =	vand.u32 $0x7FFFFFFF, v38;
	v38 =	vld [tilespmem:$0x1D0]  }
0x290: {  	v19 =	vadd.f32 v19, v19;
	v13 =	vmul.f32 v13, v41;
	v50 =	vmul.f32 v0, v29;
	v0 =	vld [tilespmem:$0x9C0]  }
0x291: {  	v11 =	vnsel vm13, $0x0, v11;
	v54 =	vmul.f32 v15, v30;
	v18 =	vmul.f32 v33, v18  }
0x292: {  	v11 =	vadd.f32 v11, v26;
	v28 =	vmul.f32 v56, v27;
	v13 =	vmul.f32 v13, v41  }
0x293: {  	v56 =	vsub.f32 $1.000000000e+00, v12;
	v41 =	vsub.f32 $1.000000000e+00, v16;
	v23 =	vmul.f32 v40, v22;
	v36 =	vpop (erf)  }
0x294: {  	v40 =	vadd.f32 $2.000000030e-01, v28;
	v13 =	vsub.f32 v13, v54;
	v54 =	vmax.f32 v2, $0.0e+00;
	v14 =	vpop (erf)  }
0x295: {  	vm13 =	vlt.u32 v38, $0x50;
	v52 =	vmul.f32 v23, v22;
	v37 =	vand.u32 $0x7FFFFFFF, v0;
	v15 =	vpop (erf)  }
0x296: {  	v45 =	vld [tilespmem:$0x1E0];
	v24 =	vmul.f32 v40, v27;
	v39 =	vsub.f32 $0.0e+00, v37;
	v58 =	vadd.f32 $2.000000000e+00, v15  }
0x297: {  	v53 =	vmul.f32 v50, v29;
	v50 =	vmul.f32 v42, v9;
	v59 =	vadd.f32 $1.000000000e+00, v15  }
0x298: {  	v24 =	vadd.f32 $3.333333430e-01, v24;
	v43 =	vmul.f32 $1.442695020e+00, v39;
	(erf) = vrcp.f32 v58  }
0x299: {  	v21 =	vsub.f32 v53, v52;
	v51 =	vadd.f32 $1.428571490e-01, v50;
	v52 =	vld [tilespmem:$0x470];
	(erf) = vrcp.f32 v59  }
0x29a: {  	vm13 =	vmand vm6, vm13;
	v24 =	vmul.f32 v24, v27;
	(erf) = vpow2.f32 v43  }
0x29b: {  	v21 =	vnsel vm13, $0x0, v21;
	vm13 =	vlt.u32 v45, $0x50;
	v53 =	vmul.f32 v51, v42  }
0x29c: {  	v38 =	vld [tilespmem:$0x1F0];
	v24 =	vadd.f32 $1.000000000e+00, v24;
	vm13 =	vmand vm4, vm13;
	v21 =	vadd.f32 v21, v11  }
0x29d: {  	v13 =	vnsel vm13, $0x0, v13;
	v23 =	vadd.f32 $2.000000030e-01, v53;
	vm13 =	vge.f32 v2, $0.0e+00  }
0x29e: {  	v11 =	vld [tilespmem:$0x9D0];
	v24 =	vmul.f32 v24, v25;
	v57 =	vsel vm13, v12, v56;
	v2 =	vmul.f32 v2, v52  }
0x29f: {  	v13 =	vadd.f32 v13, v21;
	vm13 =	vge.f32 v4, $0.0e+00;
	v20 =	vmul.f32 v36, v20  }
0x2a0: {  	v23 =	vmul.f32 v23, v42;
	v24 =	vadd.f32 v24, v54;
	v22 =	vsub.f32 v52, v57  }
0x2a1: {  	v16 =	vsel vm13, v16, v41;
	vm13 =	vlt.u32 v38, $0x50;
	v38 =	vsub.f32 $1.000000000e+00, v17;
	v27 =	vpop (erf)  }
0x2a2: {  	v32 =	vsub.f32 $1.000000000e+00, v14;
	vm13 =	vmand vm1, vm13;
	v23 =	vadd.f32 $3.333333430e-01, v23;
	v12 =	vpop (erf)  }
0x2a3: {  	v2 =	vsub.f32 v24, v2;
	v35 =	vand.u32 $0x7FFFFFFF, v11;
	v58 =	vmul.f32 v18, v18;
	v28 =	vpop (erf)  }
0x2a4: {  	v40 =	vld [tilespmem:$0x480];
	v24 =	vmul.f32 v24, v57;
	v31 =	vsub.f32 $0.0e+00, v35;
	v59 =	vadd.f32 $2.000000000e+00, v28  }
0x2a5: {  	v23 =	vmul.f32 v23, v42;
	v37 =	vmul.f32 v58, v9;
	v39 =	vadd.f32 $1.000000000e+00, v28  }
0x2a6: {  	v22 =	vand.u32 $0x7FFFFFFF, v22;
	v31 =	vmul.f32 $1.442695020e+00, v31;
	(erf) = vrcp.f32 v59  }
0x2a7: {  	v2 =	vmul.f32 v2, v22;
	v29 =	vadd.f32 $1.428571490e-01, v37;
	(erf) = vrcp.f32 v39  }
0x2a8: {  	v24 =	vmul.f32 v24, v57;
	v23 =	vadd.f32 $1.000000000e+00, v23;
	(erf) = vpow2.f32 v31  }
0x2a9: {  	v21 =	vsub.f32 v40, v16;
	v2 =	vmul.f32 v2, v22;
	v29 =	vmul.f32 v29, v58  }
0x2aa: {  	v56 =	vmul.f32 v20, v20;
	v20 =	vadd.f32 v20, v20;
	v19 =	vmul.f32 v23, v19  }
0x2ab: {  	v43 =	vmax.f32 v4, $0.0e+00;
	v24 =	vsub.f32 v2, v24;
	v2 =	vld [tilespmem:$0x9E0];
	v42 =	vadd.f32 $2.000000030e-01, v29  }
0x2ac: {  	v53 =	vand.u32 $0x7FFFFFFF, v21;
	v4 =	vmul.f32 v4, v40;
	v19 =	vadd.f32 v19, v43  }
0x2ad: {  	v18 =	vadd.f32 v18, v18;
	v40 =	vmax.f32 v8, $0.0e+00;
	v45 =	vmul.f32 v42, v58  }
0x2ae: {  	v51 =	vnsel vm13, $0x0, v24;
	vm13 =	vge.f32 v8, $0.0e+00;
	v4 =	vsub.f32 v19, v4  }
0x2af: {  	v23 =	vadd.f32 v51, v13;
	v52 =	vmul.f32 v19, v16;
	v50 =	vadd.f32 $3.333333430e-01, v45;
	v57 =	vpop (erf)  }
0x2b0: {  	v35 =	vld [tilespmem:$0x490];
	v34 =	vand.u32 $0x7FFFFFFF, v2;
	v15 =	vmul.f32 v27, v15;
	v4 =	vmul.f32 v4, v53;
	v13 =	vpop (erf)  }
0x2b1: {  	v16 =	vmul.f32 v52, v16;
	v37 =	vsub.f32 $0.0e+00, v34;
	v54 =	vmul.f32 v50, v58;
	v29 =	vpop (erf)  }
0x2b2: {  	v43 =	vmul.f32 v15, v15;
	v4 =	vmul.f32 v4, v53;
	v33 =	vadd.f32 $2.000000000e+00, v29  }
0x2b3: {  	v26 =	vmul.f32 $1.442695020e+00, v37;
	v21 =	vadd.f32 $1.000000000e+00, v54;
	v39 =	vadd.f32 $1.000000000e+00, v29  }
0x2b4: {  	v17 =	vsel vm13, v17, v38;
	v59 =	vmul.f32 v56, v9;
	(erf) = vrcp.f32 v33  }
0x2b5: {  	v42 =	vsub.f32 v35, v17;
	v18 =	vmul.f32 v21, v18;
	(erf) = vrcp.f32 v39  }
0x2b6: {  	v58 =	vld [tilespmem:$0x200];
	v45 =	vmul.f32 v43, v9;
	v36 =	vadd.f32 $1.428571490e-01, v59;
	(erf) = vpow2.f32 v26  }
0x2b7: {  	v8 =	vmul.f32 v8, v35;
	v16 =	vsub.f32 v4, v16;
	v4 =	vld [tilespmem:$0x9F0];
	v18 =	vadd.f32 v18, v40  }
0x2b8: {  	v24 =	vand.u32 $0x7FFFFFFF, v42;
	v51 =	vadd.f32 $1.428571490e-01, v45;
	v21 =	vmul.f32 v36, v56  }
0x2b9: {  	v41 =	vld [tilespmem:$0x210];
	v15 =	vadd.f32 v15, v15;
	v31 =	vmax.f32 v5, $0.0e+00;
	v8 =	vsub.f32 v18, v8  }
0x2ba: {  	v53 =	vmul.f32 v51, v43;
	v36 =	vsub.f32 $1.000000000e+00, v12;
	v21 =	vadd.f32 $2.000000030e-01, v21  }
0x2bb: {  	vm13 =	vlt.u32 v58, $0x50;
	v18 =	vmul.f32 v18, v17;
	v8 =	vmul.f32 v8, v24  }
0x2bc: {  	vm13 =	vmand vm0, vm13;
	v54 =	vand.u32 $0x7FFFFFFF, v4;
	v21 =	vmul.f32 v21, v56  }
0x2bd: {  	v16 =	vnsel vm13, $0x0, v16;
	v17 =	vmul.f32 v18, v17;
	v8 =	vmul.f32 v8, v24;
	v52 =	vpop (erf)  }
0x2be: {  	vm13 =	vlt.u32 v41, $0x50;
	v16 =	vadd.f32 v16, v23;
	v21 =	vadd.f32 $3.333333430e-01, v21;
	v22 =	vpop (erf)  }
0x2bf: {  	vm13 =	vmand vm2, vm13;
	v23 =	vsub.f32 $0.0e+00, v54;
	v8 =	vsub.f32 v8, v17;
	v18 =	vpop (erf)  }
0x2c0: {  	v50 =	vmul.f32 v21, v56;
	v17 =	vadd.f32 $2.000000030e-01, v53;
	v56 =	vadd.f32 $2.000000000e+00, v18  }
0x2c1: {  	v57 =	vmul.f32 v57, v28;
	v30 =	vmul.f32 $1.442695020e+00, v23;
	v58 =	vadd.f32 $1.000000000e+00, v18  }
0x2c2: {  	v59 =	vld [tilespmem:$0x4A0];
	v24 =	vsub.f32 $1.000000000e+00, v13;
	v17 =	vmul.f32 v17, v43;
	(erf) = vrcp.f32 v56  }
0x2c3: {  	v35 =	vld [tilespmem:$0x4B0];
	v19 =	vadd.f32 $1.000000000e+00, v50;
	v33 =	vmul.f32 v57, v57;
	(erf) = vrcp.f32 v58  }
0x2c4: {  	v53 =	vadd.f32 v57, v57;
	v17 =	vadd.f32 $3.333333430e-01, v17;
	(erf) = vpow2.f32 v30  }
0x2c5: {  	v38 =	vld [tilespmem:$0x220];
	v39 =	vmax.f32 v10, $0.0e+00;
	v19 =	vmul.f32 v19, v20;
	v8 =	vnsel vm13, $0x0, v8  }
0x2c6: {  	vm13 =	vge.f32 v5, $0.0e+00;
	v34 =	vmul.f32 v33, v9;
	v17 =	vmul.f32 v17, v43  }
0x2c7: {  	v5 =	vmul.f32 v5, v59;
	v8 =	vadd.f32 v8, v16;
	v14 =	vsel vm13, v14, v32  }
0x2c8: {  	vm13 =	vge.f32 v10, $0.0e+00;
	v10 =	vmul.f32 v10, v35;
	v17 =	vadd.f32 $1.000000000e+00, v17  }
0x2c9: {  	v19 =	vadd.f32 v19, v31;
	v16 =	vadd.f32 $1.428571490e-01, v34;
	v12 =	vsel vm13, v12, v36  }
0x2ca: {  	v25 =	vsub.f32 v59, v14;
	vm13 =	vlt.u32 v38, $0x50;
	v40 =	vsub.f32 v35, v12  }
0x2cb: {  	v23 =	vmul.f32 v19, v14;
	v5 =	vsub.f32 v19, v5;
	v16 =	vmul.f32 v16, v33;
	v37 =	vpop (erf)  }
0x2cc: {  	v54 =	vld [tilespmem:$0x4C0];
	vm13 =	vmand vm3, vm13;
	v25 =	vand.u32 $0x7FFFFFFF, v25;
	v15 =	vmul.f32 v17, v15;
	v17 =	vpop (erf)  }
0x2cd: {  	v14 =	vmul.f32 v23, v14;
	v5 =	vmul.f32 v5, v25;
	v16 =	vadd.f32 $2.000000030e-01, v16;
	v41 =	vpop (erf)  }
0x2ce: {  	v21 =	vmul.f32 v52, v29;
	v15 =	vadd.f32 v15, v39;
	v42 =	vadd.f32 $2.000000000e+00, v41  }
0x2cf: {  	v43 =	vand.u32 $0x7FFFFFFF, v40;
	v16 =	vmul.f32 v16, v33;
	v5 =	vmul.f32 v5, v25  }
0x2d0: {  	v45 =	vld [tilespmem:$0x230];
	v50 =	vmul.f32 v21, v21;
	v10 =	vsub.f32 v15, v10;
	(erf) = vrcp.f32 v42  }
0x2d1: {  	v25 =	vmul.f32 v0, v54;
	v16 =	vadd.f32 $3.333333430e-01, v16;
	v15 =	vmul.f32 v15, v12  }
0x2d2: {  	v36 =	vsub.f32 $1.000000000e+00, v22;
	v52 =	vmul.f32 v50, v9;
	v10 =	vmul.f32 v10, v43  }
0x2d3: {  	v5 =	vsub.f32 v5, v14;
	v21 =	vadd.f32 v21, v21;
	v51 =	vmul.f32 v16, v33  }
0x2d4: {  	v12 =	vmul.f32 v15, v12;
	v16 =	vadd.f32 $1.428571490e-01, v52;
	v10 =	vmul.f32 v10, v43  }
0x2d5: {  	v5 =	vnsel vm13, $0x0, v5;
	vm13 =	vlt.u32 v45, $0x50;
	v14 =	vadd.f32 $1.000000000e+00, v51  }
0x2d6: {  	vm13 =	vmand vm5, vm13;
	v57 =	vmul.f32 v16, v50;
	v10 =	vsub.f32 v10, v12  }
0x2d7: {  	v5 =	vadd.f32 v5, v8;
	v56 =	vmul.f32 v14, v53;
	v59 =	vmul.f32 v37, v18  }
0x2d8: {  	v58 =	vadd.f32 $2.000000030e-01, v57;
	v57 =	vmax.f32 v4, $0.0e+00;
	v8 =	vnsel vm13, $0x0, v10  }
0x2d9: {  	v10 =	vmax.f32 v0, $0.0e+00;
	vm13 =	vge.f32 v0, $0.0e+00;
	v29 =	vmul.f32 v59, v59;
	v30 =	vpop (erf)  }
0x2da: {  	v10 =	vadd.f32 v56, v10;
	v13 =	vsel vm13, v13, v24;
	v31 =	vmul.f32 v30, v41  }
0x2db: {  	v0 =	vmul.f32 v58, v50;
	v32 =	vsub.f32 v54, v13;
	v33 =	vmul.f32 v29, v9  }
0x2dc: {  	v39 =	vld [tilespmem:$0x4D0];
	v34 =	vmul.f32 v10, v13;
	v10 =	vsub.f32 v10, v25;
	v35 =	vmul.f32 v31, v31  }
0x2dd: {  	v0 =	vadd.f32 $3.333333430e-01, v0;
	v18 =	vand.u32 $0x7FFFFFFF, v32;
	v19 =	vadd.f32 $1.428571490e-01, v33  }
0x2de: {  	v5 =	vadd.f32 v8, v5;
	v8 =	vmul.f32 v10, v18;
	v10 =	vmul.f32 v35, v9  }
0x2df: {  	v38 =	vsub.f32 $1.000000000e+00, v17;
	v0 =	vmul.f32 v0, v50;
	v19 =	vmul.f32 v19, v29  }
0x2e0: {  	vm13 =	vge.f32 v11, $0.0e+00;
	v27 =	vadd.f32 $1.000000000e+00, v41;
	v10 =	vadd.f32 $1.428571490e-01, v10  }
0x2e1: {  	v13 =	vmul.f32 v34, v13;
	v0 =	vadd.f32 $1.000000000e+00, v0;
	v19 =	vadd.f32 $2.000000030e-01, v19  }
0x2e2: {  	v42 =	vmax.f32 v11, $0.0e+00;
	v11 =	vmul.f32 v11, v39;
	v10 =	vmul.f32 v10, v35  }
0x2e3: {  	v14 =	vadd.f32 v59, v59;
	v19 =	vmul.f32 v19, v29;
	(erf) = vrcp.f32 v27  }
0x2e4: {  	v52 =	vld [tilespmem:$0x4F0];
	v8 =	vmul.f32 v8, v18;
	v0 =	vmul.f32 v0, v21;
	v10 =	vadd.f32 $2.000000030e-01, v10  }
0x2e5: {  	v18 =	vsel vm13, v22, v36;
	vm13 =	vge.f32 v2, $0.0e+00;
	v19 =	vadd.f32 $3.333333430e-01, v19  }
0x2e6: {  	v17 =	vsel vm13, v17, v38;
	v0 =	vadd.f32 v0, v42;
	v10 =	vmul.f32 v10, v35  }
0x2e7: {  	vm13 =	vge.f32 v4, $0.0e+00;
	v45 =	vsub.f32 v39, v18;
	v12 =	vmul.f32 v19, v29  }
0x2e8: {  	v50 =	vld [tilespmem:$0x4E0];
	v43 =	vmul.f32 v0, v18;
	v0 =	vsub.f32 v0, v11;
	v10 =	vadd.f32 $3.333333430e-01, v10  }
0x2e9: {  	v4 =	vmul.f32 v4, v52;
	v51 =	vand.u32 $0x7FFFFFFF, v45;
	v12 =	vadd.f32 $1.000000000e+00, v12  }
0x2ea: {  	v53 =	vmax.f32 v2, $0.0e+00;
	v0 =	vmul.f32 v0, v51;
	v10 =	vmul.f32 v10, v35  }
0x2eb: {  	v37 =	vld [tilespmem:$0x240];
	v8 =	vsub.f32 v8, v13;
	v13 =	vmul.f32 v43, v18;
	v11 =	vmul.f32 v12, v14  }
0x2ec: {  	v0 =	vmul.f32 v0, v51;
	v15 =	vadd.f32 v31, v31;
	v40 =	vpop (erf);
	v10 =	vadd.f32 $1.000000000e+00, v10  }
0x2ed: {  	v2 =	vmul.f32 v2, v50;
	v11 =	vadd.f32 v11, v53;
	v41 =	vsub.f32 $1.000000000e+00, v40  }
0x2ee: {  	v54 =	vld [tilespmem:$0x250];
	v56 =	vsub.f32 v50, v17;
	v0 =	vsub.f32 v0, v13;
	v10 =	vmul.f32 v10, v15  }
0x2ef: {  	v2 =	vsub.f32 v11, v2;
	v11 =	vmul.f32 v11, v17;
	v21 =	vsel vm13, v40, v41  }
0x2f0: {  	v58 =	vld [tilespmem:$0x260];
	vm13 =	vlt.u32 v37, $0x50;
	v15 =	vand.u32 $0x7FFFFFFF, v56;
	v10 =	vadd.f32 v10, v57  }
0x2f1: {  	vm13 =	vmand vm8, vm13;
	v12 =	vsub.f32 v52, v21;
	v2 =	vmul.f32 v2, v15  }
0x2f2: {  	v11 =	vmul.f32 v11, v17;
	v8 =	vnsel vm13, $0x0, v8;
	v4 =	vsub.f32 v10, v4  }
0x2f3: {  	v59 =	vld [tilespmem:$0x270];
	vm13 =	vlt.u32 v54, $0x50;
	v12 =	vand.u32 $0x7FFFFFFF, v12;
	v2 =	vmul.f32 v2, v15  }
0x2f4: {  	vm13 =	vmand vm9, vm13;
	v10 =	vmul.f32 v10, v21;
	v4 =	vmul.f32 v4, v12  }
0x2f5: {  	v5 =	vadd.f32 v8, v5;
	v0 =	vnsel vm13, $0x0, v0;
	vm13 =	vlt.u32 v58, $0x50  }
0x2f6: {  	v2 =	vsub.f32 v2, v11;
	v8 =	vmul.f32 v10, v21;
	v4 =	vmul.f32 v4, v12  }
0x2f7: {  	v0 =	vadd.f32 v0, v5;
	vm13 =	vmand vm11, vm13  }
0x2f8: {  	v2 =	vnsel vm13, $0x0, v2;
	vm13 =	vlt.u32 v59, $0x50;
	v4 =	vsub.f32 v4, v8  }
0x2f9: {  	v0 =	vadd.f32 v2, v0;
	vm13 =	vmand vm12, vm13  }
0x2fa: {  	v2 =	vnsel vm13, $0x0, v4  }
0x2fb: {  	v0 =	vadd.f32 v2, v0  }
0x2fc: {  	p0 =	sne.s32 s7, $0x1  }
.Ltmp0:
0x2fd: {  	[tilespmem:$0xA00] =	vst v0;
	(pc) =	sbr.rel @p0 .LBB2_1-.Ltmp0, $4  }
0x2fe: {  	[hbm4b:s6+s2] =	stream.linear.scatter [tilespmem:s22], [sflag:$0x2], $0x80, $0x38;
	[tilespmem:$0xA80] =	vst v63  }
0x2ff: {  	_ =	swait.ge [sflag:s8], $0x80  }
0x300: {  	[sflag:s8] =	ssyncset.done $0x0  }
0x301: {  	s7 =	sadd.s32 $0xFFFFFFFF, s7;
	[sflag:s8] =	ssyncadd.s32 $0xFFFFFF80  }
0x302: {  	_ =	sfence.sel $0x180000  }
0x303: {  	[bflag:$0x0] =	sbarrier.arrive $0xFFFF  }
0x304: {  	p0 =	sne.s32 s0, $0x0;
	_ =	strace $0x90000047  }
0x305: {  	s0 =	sadd.s32 @!p0 $0x100000, s1;
	[bflag:$0x2] =	sbarrier.arrive $0xFFFF  }
0x306: {  	[sflag:s0] =	ssyncadd.tile.s32 @!p0 $0x1;
	_ =	shalt  }
.Lfunc_end2:
_tile_overlayer_lowered:
.L_overlay_start_2:
0x307: {  	(tag) =	ssettag $0x2  }
0x308: {  	s0 =	rddreg [dreg:$0x0];
	s2 =	stileid.u32  }
0x309: {  	s1 =	rddreg [dreg:$0x1];
	p0 =	sne.s32 s2, $0x0  }
0x30a: {  	s3 =	rddreg [dreg:$0x2];
	[bflag:$0x3] =	sbarrier.arrive $0xFFFF;
	s2 =	simm.s32 @!p0 $0x1C02  }
0x30b: {  	[timem:s3], [sflag:s2] =	dma.local @!p0 [hbm:s0], s1  }
0x30c: {  	s0 =	simm.s32 @!p0 $0x2  }
0x30d: {  	_ =	swait.ge @!p0 [sflag:s0], s1  }
0x30e: {  	s1 =	ssub.s32 @!p0 $0x0, s1;
	[sflag:s0] =	ssyncset.done @!p0 $0x0  }
0x30f: {  	[sflag:s0] =	ssyncadd.s32 @!p0 s1  }
0x310: {  	[bflag:$0x3] =	sbarrier.arrive $0xFFFF  }
0x311: {  	_ =	shalt  }

</sc_bundles>
